<compile_context>
chip_gen: v7x
topology: tpu7x:2x2x1
jax: 0.10.2.dev20260603
libtpu: 0.0.44.dev20260713+nightly
codegen_flags: <defaults>
</compile_context>

<pallas_src>
import jax
import jax.numpy as jnp
from jax import lax
from jax.experimental import pallas as pl
from jax.experimental.pallas import tpu as pltpu
from jax.experimental.pallas import tpu_sc as plsc

_N = 10000
_E = 320000
_D = 128
_T = 10

_NC = 2
_NS = 16
_NW = _NC * _NS
_CH = 128
_CPP = 40
_NCH0 = 80
_TOTCH = _NW * _NCH0
_EPAD = _TOTCH * _CH
_NP = 10240
_RPT = _NP // _NS
_ZCH = _RPT // _CH

_BN = 1024
_GRID = _NP // _BN


_NB = 2
_K = 1


def _sc_agg_body(h_hbm, src_hbm, dst_hbm, zeros_hbm, out_hbm,
                 src_v, dst_v, rows_v, gsem, ssem, agg_sh):
    c = lax.axis_index("c")
    s = lax.axis_index("s")

    def _gather_start(j, b):
        pltpu.async_copy(h_hbm.at[src_v.at[j]], rows_v.at[b], gsem.at[b])

    def _gather_wait(j, b):
        pltpu.make_async_copy(
            h_hbm.at[src_v.at[j]], rows_v.at[b], gsem.at[b]).wait()

    def _scatter_start(j, b):
        pltpu.async_copy(rows_v.at[b], agg_sh.at[dst_v.at[j]], ssem.at[b],
                         add=True)

    def _scatter_wait(j, b):
        pltpu.make_async_copy(
            rows_v.at[b], agg_sh.at[dst_v.at[j]], ssem.at[b]).wait()

    _STEADY = ((_CPP - _NB) // _NB) * _NB

    def _run_phase(base):
        pltpu.sync_copy(src_hbm.at[pl.ds(base, _CPP)], src_v)
        pltpu.sync_copy(dst_hbm.at[pl.ds(base, _CPP)], dst_v)

        for t in range(_NB):
            _gather_start(t, t % _NB)
            i = t - _K
            if i >= 0:
                _gather_wait(i, i % _NB)
                _scatter_start(i, i % _NB)

        def outer(gi, carry):
            for v in range(_NB):
                t = _NB + gi * _NB + v
                _scatter_wait(t - _NB, v)
                _gather_start(t, v)
                i = t - _K
                bi = (v - _K) % _NB
                _gather_wait(i, bi)
                _scatter_start(i, bi)
            return carry

        lax.fori_loop(0, _STEADY // _NB, outer, 0)

        for t in range(_NB + _STEADY, _CPP + _NB):
            if 0 <= t - _NB < _CPP:
                _scatter_wait(t - _NB, t % _NB)
            if t < _CPP:
                _gather_start(t, t % _NB)
            i = t - _K
            if 0 <= i < _CPP:
                _gather_wait(i, i % _NB)
                _scatter_start(i, i % _NB)

    pltpu.sync_copy(zeros_hbm, rows_v.at[0])
    for k in range(_ZCH):
        pltpu.sync_copy(rows_v.at[0],
                        agg_sh.at[pl.ds(s * _RPT + k * _CH, _CH)])
    plsc.subcore_barrier()

    for p in range(_NCH0 // _CPP):
        _run_phase((c * _NS + s) * _NCH0 + p * _CPP)

    plsc.subcore_barrier()

    pltpu.sync_copy(agg_sh.at[pl.ds(s * _RPT, _RPT)],
                    out_hbm.at[c].at[pl.ds(s * _RPT, _RPT)])


def _sc_aggregate(h_p, src2d, dst2d, zeros_blk):
    return pl.kernel(
        _sc_agg_body,
        out_type=jax.ShapeDtypeStruct((_NC, _NP, _D), jnp.float32),
        mesh=plsc.VectorSubcoreMesh(core_axis_name="c", subcore_axis_name="s"),
        scratch_types=[
            pltpu.VMEM((_CPP, _CH), jnp.int32),
            pltpu.VMEM((_CPP, _CH), jnp.int32),
            pltpu.VMEM((_NB, _CH, _D), jnp.float32),
            pltpu.SemaphoreType.DMA((_NB,)),
            pltpu.SemaphoreType.DMA((_NB,)),
            pltpu.VMEM_SHARED((_NP, _D), jnp.float32),
        ],
    )(h_p, src2d, dst2d, zeros_blk)


def _mlp2_body(x_ref, w1_ref, b1_ref, w2_ref, b2_ref, o_ref):
    h = jnp.dot(x_ref[...], w1_ref[...], preferred_element_type=jnp.float32)
    h = jnp.maximum(h + b1_ref[...], 0.0)
    h = jnp.dot(h, w2_ref[...], preferred_element_type=jnp.float32)
    o_ref[...] = jnp.maximum(h + b2_ref[...], 0.0)


def _gin_body(agg_ref, h_ref, hc_ref, w_ref, b_ref, hn_ref, hcn_ref):
    a = agg_ref[0] + agg_ref[1] + h_ref[...]
    hn = jnp.dot(a, w_ref[...], preferred_element_type=jnp.float32)
    hn = jnp.maximum(hn + b_ref[...], 0.0)
    hn_ref[...] = hn
    hcn_ref[...] = hc_ref[...] + hn


def _gin_final_body(agg_ref, h_ref, hc_ref, w_ref, b_ref, wo_ref, bo_ref,
                    out_ref):
    a = agg_ref[0] + agg_ref[1] + h_ref[...]
    hn = jnp.dot(a, w_ref[...], preferred_element_type=jnp.float32)
    hn = jnp.maximum(hn + b_ref[...], 0.0)
    hc = hc_ref[...] + hn
    out_ref[...] = jnp.dot(hc, wo_ref[...], preferred_element_type=jnp.float32) + bo_ref[...]


_row_spec = pl.BlockSpec((_BN, _D), lambda i: (i, 0))
_w_spec = pl.BlockSpec((_D, _D), lambda i: (0, 0))
_b_spec = pl.BlockSpec((1, _D), lambda i: (0, 0))
_agg_spec = pl.BlockSpec((_NC, _BN, _D), lambda i: (0, i, 0))
_row_shape = jax.ShapeDtypeStruct((_NP, _D), jnp.float32)


def _mlp2(x_p, W1, b1, W2, b2):
    return pl.pallas_call(
        _mlp2_body,
        grid=(_GRID,),
        in_specs=[_row_spec, _w_spec, _b_spec, _w_spec, _b_spec],
        out_specs=_row_spec,
        out_shape=_row_shape,
    )(x_p, W1, b1, W2, b2)


def _gin_layer(agg, h_p, hc_p, Wl, bl):
    return pl.pallas_call(
        _gin_body,
        grid=(_GRID,),
        in_specs=[_agg_spec, _row_spec, _row_spec, _w_spec, _b_spec],
        out_specs=[_row_spec, _row_spec],
        out_shape=[_row_shape, _row_shape],
    )(agg, h_p, hc_p, Wl, bl)


def _gin_final(agg, h_p, hc_p, Wl, bl, Wo_p, bo_p):
    return pl.pallas_call(
        _gin_final_body,
        grid=(_GRID,),
        in_specs=[_agg_spec, _row_spec, _row_spec, _w_spec, _b_spec,
                  _w_spec, _b_spec],
        out_specs=_row_spec,
        out_shape=_row_shape,
    )(agg, h_p, hc_p, Wl, bl, Wo_p, bo_p)


def kernel(x, edge_index, W1, b1, W2, b2, Wl0, bl0, Wl1, bl1, Wl2, bl2,
           Wout, bout):
    x_p = jnp.pad(x, ((0, _NP - _N), (0, 0)))
    pad_e = _EPAD - _E
    src2d = jnp.concatenate(
        [edge_index[0], jnp.full((pad_e,), _N, jnp.int32)]).reshape(
            _TOTCH, _CH)
    dst2d = jnp.concatenate(
        [edge_index[1], jnp.full((pad_e,), _N, jnp.int32)]).reshape(
            _TOTCH, _CH)
    zeros_blk = jnp.zeros((_CH, _D), jnp.float32)
    b1r = b1.reshape(1, _D)
    b2r = b2.reshape(1, _D)
    blr = [bl0.reshape(1, _D), bl1.reshape(1, _D), bl2.reshape(1, _D)]
    Wls = [Wl0, Wl1, Wl2]
    Wo_p = jnp.pad(Wout, ((0, 0), (0, _D - _T)))
    bo_p = jnp.pad(bout, (0, _D - _T)).reshape(1, _D)

    h = _mlp2(x_p, W1, b1r, W2, b2r)
    hc = h
    for layer in range(2):
        agg = _sc_aggregate(h, src2d, dst2d, zeros_blk)
        h, hc = _gin_layer(agg, h, hc, Wls[layer], blr[layer])
    agg = _sc_aggregate(h, src2d, dst2d, zeros_blk)
    out_p = _gin_final(agg, h, hc, Wls[2], blr[2], Wo_p, bo_p)
    return out_p[:_N, :_T]

# --- scband reference (transcript-rebuilt; emitter-appended) ---
"""Pipeline reference for scband-gin-46033459478959 (READ-ONLY COPY).

The authoritative reference and input builder live on the scoring server;
editing this copy changes nothing except your own understanding.
"""

import jax, jax.numpy as jnp
import numpy as np

N = 10000
E = 320000
D = 128
T = 10


def setup_inputs(seed: int = 0) -> dict:
    key = jax.random.key(seed)
    ks = jax.random.split(key, 16)
    s = 0.05
    inp = {}
    inp["x"] = jax.random.normal(ks[0], (N, D), dtype=jnp.float32)
    inp["edge_index"] = jax.random.randint(ks[1], (2, E), 0, N, dtype=jnp.int32)
    # node_features_transformation: Linear(D,D) -> ReLU -> Linear(D,D) -> ReLU
    inp["W1"] = jax.random.normal(ks[2], (D, D), dtype=jnp.float32) * s
    inp["b1"] = jnp.zeros((D,), dtype=jnp.float32)
    inp["W2"] = jax.random.normal(ks[3], (D, D), dtype=jnp.float32) * s
    inp["b2"] = jnp.zeros((D,), dtype=jnp.float32)
    # 3 GINConv layers, each with mlp Linear(D,D)+ReLU, eps=0 (train_eps=False)
    inp["Wl0"] = jax.random.normal(ks[4], (D, D), dtype=jnp.float32) * s
    inp["bl0"] = jnp.zeros((D,), dtype=jnp.float32)
    inp["Wl1"] = jax.random.normal(ks[5], (D, D), dtype=jnp.float32) * s
    inp["bl1"] = jnp.zeros((D,), dtype=jnp.float32)
    inp["Wl2"] = jax.random.normal(ks[6], (D, D), dtype=jnp.float32) * s
    inp["bl2"] = jnp.zeros((D,), dtype=jnp.float32)
    # last_layer Linear(D, T)
    inp["Wout"] = jax.random.normal(ks[7], (D, T), dtype=jnp.float32) * s
    inp["bout"] = jnp.zeros((T,), dtype=jnp.float32)
    return inp


def reference(x, edge_index, W1, b1, W2, b2, Wl0, bl0, Wl1, bl1, Wl2, bl2, Wout, bout):
    src = edge_index[0]
    dst = edge_index[1]
    # node features transformation
    h = jax.nn.relu(x @ W1 + b1)
    h = jax.nn.relu(h @ W2 + b2)
    xs = [h]
    eps = 0.0
    for Wl, bl in ((Wl0, bl0), (Wl1, bl1), (Wl2, bl2)):
        # GINConv: mlp((1+eps)*x + sum_{j in N(i)} x_j), aggregation at dst
        msg = h[src]
        agg = jax.ops.segment_sum(msg, dst, num_segments=N)
        h = jax.nn.relu((agg + (1.0 + eps) * h) @ Wl + bl)
        xs.append(h)
    # combine_multi_height with combine_function='sum'
    hc = jnp.sum(jnp.stack(xs), axis=0)
    # dropout p=0.0 -> identity
    out = hc @ Wout + bout
    return out

if __name__ == "__main__":
    import jax
    _d = setup_inputs()
    print(jax.jit(kernel)(*tuple(_d.values())))

</pallas_src>

<mosaic_0001>
#map = affine_map<(d0, d1) -> (0, 0)>
#map1 = affine_map<(d0, d1) -> (0, 0, 0)>
module attributes {stable_mosaic.version = 14 : i64} {
  func.func @_sc_agg_body(%arg0: i32, %arg1: i32, %arg2: memref<10240x128xf32, #tpu.memory_space<hbm>>, %arg3: memref<2560x128xi32, #tpu.memory_space<hbm>>, %arg4: memref<2560x128xi32, #tpu.memory_space<hbm>>, %arg5: memref<128x128xf32, #tpu.memory_space<hbm>>, %arg6: memref<2x10240x128xf32, #tpu.memory_space<hbm>>, %arg7: memref<40x128xi32, #tpu.memory_space<vmem>>, %arg8: memref<40x128xi32, #tpu.memory_space<vmem>>, %arg9: memref<2x128x128xf32, #tpu.memory_space<vmem>>, %arg10: memref<2x!tpu.dma_semaphore, #tpu.memory_space<semaphore_mem>>, %arg11: memref<2x!tpu.dma_semaphore, #tpu.memory_space<semaphore_mem>>, %arg12: memref<10240x128xf32, #tpu.memory_space<vmem_shared>>) attributes {dimension_semantics = [#tpu.dimension_semantics<core_parallel>, #tpu.dimension_semantics<subcore_parallel>], iteration_bounds = array<i64: 2, 16>, scalar_prefetch = 0 : i64, scratch_operands = 6 : i64, tpu.core_type = #tpu.core_type<sc_vector_subcore>, window_params = [{transform_indices = #map}, {transform_indices = #map}, {transform_indices = #map}, {transform_indices = #map}, {transform_indices = #map1}]} {
    %run_scoped3A = arith.constant 0 : i32
    "tpu.region"() ({
      %run_scoped3A_291 = tpu.sem_alloc : memref<!tpu.dma_semaphore, #tpu.memory_space<semaphore_mem>>
      %dma_start3A_292 = arith.constant 0 : i32
      %dma_start3A_293 = arith.constant 0 : i32
      %dma_start3A_294 = tpu.memref_slice %arg9[%run_scoped3A, %dma_start3A_292, %dma_start3A_293] : memref<2x128x128xf32, #tpu.memory_space<vmem>> -> memref<1x128x128xf32, #tpu.memory_space<vmem>>
      %dma_start3A_295 = tpu.memref_squeeze %dma_start3A_294 : memref<1x128x128xf32, #tpu.memory_space<vmem>> -> memref<128x128xf32, #tpu.memory_space<vmem>>
      %dma_start3A_296 = arith.constant 0 : i32
      %dma_start3A_297 = arith.constant 0 : i32
      %dma_start3A_298 = tpu.memref_slice %arg9[%run_scoped3A, %dma_start3A_296, %dma_start3A_297] : memref<2x128x128xf32, #tpu.memory_space<vmem>> -> memref<1x128x128xf32, #tpu.memory_space<vmem>>
      %dma_start3A_299 = tpu.memref_squeeze %dma_start3A_298 : memref<1x128x128xf32, #tpu.memory_space<vmem>> -> memref<128x128xf32, #tpu.memory_space<vmem>>
      tpu.enqueue_dma source(%arg5 : memref<128x128xf32, #tpu.memory_space<hbm>>) target(%dma_start3A_299 : memref<128x128xf32, #tpu.memory_space<vmem>>) target_semaphore(%run_scoped3A_291 : memref<!tpu.dma_semaphore, #tpu.memory_space<semaphore_mem>>)
      %dma_wait3A_300 = arith.constant 0 : i32
      %dma_wait3A_301 = arith.constant 0 : i32
      %dma_wait3A_302 = tpu.memref_slice %arg9[%run_scoped3A, %dma_wait3A_300, %dma_wait3A_301] : memref<2x128x128xf32, #tpu.memory_space<vmem>> -> memref<1x128x128xf32, #tpu.memory_space<vmem>>
      %dma_wait3A_303 = tpu.memref_squeeze %dma_wait3A_302 : memref<1x128x128xf32, #tpu.memory_space<vmem>> -> memref<128x128xf32, #tpu.memory_space<vmem>>
      %dma_wait3A_304 = arith.constant 0 : i32
      %dma_wait3A_305 = arith.constant 0 : i32
      %dma_wait3A_306 = tpu.memref_slice %arg9[%run_scoped3A, %dma_wait3A_304, %dma_wait3A_305] : memref<2x128x128xf32, #tpu.memory_space<vmem>> -> memref<1x128x128xf32, #tpu.memory_space<vmem>>
      %dma_wait3A_307 = tpu.memref_squeeze %dma_wait3A_306 : memref<1x128x128xf32, #tpu.memory_space<vmem>> -> memref<128x128xf32, #tpu.memory_space<vmem>>
      tpu.wait_dma2 semaphore(%run_scoped3A_291 : memref<!tpu.dma_semaphore, #tpu.memory_space<semaphore_mem>>) src(%arg5 : memref<128x128xf32, #tpu.memory_space<hbm>>) dst(%dma_wait3A_307 : memref<128x128xf32, #tpu.memory_space<vmem>>)
      tpu.yield
    }) : () -> ()
    %mul3A = arith.constant 640 : i32
    %mul3A_0 = arith.muli %arg1, %mul3A : i32
    %add3A = arith.constant 0 : i32
    %add3A_1 = arith.addi %mul3A_0, %add3A : i32
    %run_scoped3A_2 = arith.constant 0 : i32
    "tpu.region"() ({
      %run_scoped3A_291 = tpu.sem_alloc : memref<!tpu.dma_semaphore, #tpu.memory_space<semaphore_mem>>
      %dma_start3A_292 = arith.constant 0 : i32
      %dma_start3A_293 = arith.constant 0 : i32
      %dma_start3A_294 = tpu.memref_slice %arg9[%run_scoped3A_2, %dma_start3A_292, %dma_start3A_293] : memref<2x128x128xf32, #tpu.memory_space<vmem>> -> memref<1x128x128xf32, #tpu.memory_space<vmem>>
      %dma_start3A_295 = tpu.memref_squeeze %dma_start3A_294 : memref<1x128x128xf32, #tpu.memory_space<vmem>> -> memref<128x128xf32, #tpu.memory_space<vmem>>
      %dma_start3A_296 = arith.constant 0 : i32
      %dma_start3A_297 = tpu.memref_slice %arg12[%add3A_1, %dma_start3A_296] : memref<10240x128xf32, #tpu.memory_space<vmem_shared>> -> memref<128x128xf32, #tpu.memory_space<vmem_shared>>
      %dma_start3A_298 = arith.constant 0 : i32
      %dma_start3A_299 = tpu.memref_slice %arg12[%add3A_1, %dma_start3A_298] : memref<10240x128xf32, #tpu.memory_space<vmem_shared>> -> memref<128x128xf32, #tpu.memory_space<vmem_shared>>
      %dma_start3A_300 = arith.constant 0 : i32
      %dma_start3A_301 = arith.constant 0 : i32
      %dma_start3A_302 = tpu.memref_slice %arg9[%run_scoped3A_2, %dma_start3A_300, %dma_start3A_301] : memref<2x128x128xf32, #tpu.memory_space<vmem>> -> memref<1x128x128xf32, #tpu.memory_space<vmem>>
      %dma_start3A_303 = tpu.memref_squeeze %dma_start3A_302 : memref<1x128x128xf32, #tpu.memory_space<vmem>> -> memref<128x128xf32, #tpu.memory_space<vmem>>
      tpu.enqueue_dma source(%dma_start3A_303 : memref<128x128xf32, #tpu.memory_space<vmem>>) target(%dma_start3A_299 : memref<128x128xf32, #tpu.memory_space<vmem_shared>>) target_semaphore(%run_scoped3A_291 : memref<!tpu.dma_semaphore, #tpu.memory_space<semaphore_mem>>)
      %dma_wait3A_304 = arith.constant 0 : i32
      %dma_wait3A_305 = arith.constant 0 : i32
      %dma_wait3A_306 = tpu.memref_slice %arg9[%run_scoped3A_2, %dma_wait3A_304, %dma_wait3A_305] : memref<2x128x128xf32, #tpu.memory_space<vmem>> -> memref<1x128x128xf32, #tpu.memory_space<vmem>>
      %dma_wait3A_307 = tpu.memref_squeeze %dma_wait3A_306 : memref<1x128x128xf32, #tpu.memory_space<vmem>> -> memref<128x128xf32, #tpu.memory_space<vmem>>
      %dma_wait3A_308 = arith.constant 0 : i32
      %dma_wait3A_309 = tpu.memref_slice %arg12[%add3A_1, %dma_wait3A_308] : memref<10240x128xf32, #tpu.memory_space<vmem_shared>> -> memref<128x128xf32, #tpu.memory_space<vmem_shared>>
      %dma_wait3A_310 = arith.constant 0 : i32
      %dma_wait3A_311 = tpu.memref_slice %arg12[%add3A_1, %dma_wait3A_310] : memref<10240x128xf32, #tpu.memory_space<vmem_shared>> -> memref<128x128xf32, #tpu.memory_space<vmem_shared>>
      %dma_wait3A_312 = arith.constant 0 : i32
      %dma_wait3A_313 = arith.constant 0 : i32
      %dma_wait3A_314 = tpu.memref_slice %arg9[%run_scoped3A_2, %dma_wait3A_312, %dma_wait3A_313] : memref<2x128x128xf32, #tpu.memory_space<vmem>> -> memref<1x128x128xf32, #tpu.memory_space<vmem>>
      %dma_wait3A_315 = tpu.memref_squeeze %dma_wait3A_314 : memref<1x128x128xf32, #tpu.memory_space<vmem>> -> memref<128x128xf32, #tpu.memory_space<vmem>>
      tpu.wait_dma2 semaphore(%run_scoped3A_291 : memref<!tpu.dma_semaphore, #tpu.memory_space<semaphore_mem>>) src(%dma_wait3A_315 : memref<128x128xf32, #tpu.memory_space<vmem>>) dst(%dma_wait3A_311 : memref<128x128xf32, #tpu.memory_space<vmem_shared>>)
      tpu.yield
    }) : () -> ()
    %mul3A_3 = arith.constant 640 : i32
    %mul3A_4 = arith.muli %arg1, %mul3A_3 : i32
    %add3A_5 = arith.constant 128 : i32
    %add3A_6 = arith.addi %mul3A_4, %add3A_5 : i32
    %run_scoped3A_7 = arith.constant 0 : i32
    "tpu.region"() ({
      %run_scoped3A_291 = tpu.sem_alloc : memref<!tpu.dma_semaphore, #tpu.memory_space<semaphore_mem>>
      %dma_start3A_292 = arith.constant 0 : i32
      %dma_start3A_293 = arith.constant 0 : i32
      %dma_start3A_294 = tpu.memref_slice %arg9[%run_scoped3A_7, %dma_start3A_292, %dma_start3A_293] : memref<2x128x128xf32, #tpu.memory_space<vmem>> -> memref<1x128x128xf32, #tpu.memory_space<vmem>>
      %dma_start3A_295 = tpu.memref_squeeze %dma_start3A_294 : memref<1x128x128xf32, #tpu.memory_space<vmem>> -> memref<128x128xf32, #tpu.memory_space<vmem>>
      %dma_start3A_296 = arith.constant 0 : i32
      %dma_start3A_297 = tpu.memref_slice %arg12[%add3A_6, %dma_start3A_296] : memref<10240x128xf32, #tpu.memory_space<vmem_shared>> -> memref<128x128xf32, #tpu.memory_space<vmem_shared>>
      %dma_start3A_298 = arith.constant 0 : i32
      %dma_start3A_299 = tpu.memref_slice %arg12[%add3A_6, %dma_start3A_298] : memref<10240x128xf32, #tpu.memory_space<vmem_shared>> -> memref<128x128xf32, #tpu.memory_space<vmem_shared>>
      %dma_start3A_300 = arith.constant 0 : i32
      %dma_start3A_301 = arith.constant 0 : i32
      %dma_start3A_302 = tpu.memref_slice %arg9[%run_scoped3A_7, %dma_start3A_300, %dma_start3A_301] : memref<2x128x128xf32, #tpu.memory_space<vmem>> -> memref<1x128x128xf32, #tpu.memory_space<vmem>>
      %dma_start3A_303 = tpu.memref_squeeze %dma_start3A_302 : memref<1x128x128xf32, #tpu.memory_space<vmem>> -> memref<128x128xf32, #tpu.memory_space<vmem>>
      tpu.enqueue_dma source(%dma_start3A_303 : memref<128x128xf32, #tpu.memory_space<vmem>>) target(%dma_start3A_299 : memref<128x128xf32, #tpu.memory_space<vmem_shared>>) target_semaphore(%run_scoped3A_291 : memref<!tpu.dma_semaphore, #tpu.memory_space<semaphore_mem>>)
      %dma_wait3A_304 = arith.constant 0 : i32
      %dma_wait3A_305 = arith.constant 0 : i32
      %dma_wait3A_306 = tpu.memref_slice %arg9[%run_scoped3A_7, %dma_wait3A_304, %dma_wait3A_305] : memref<2x128x128xf32, #tpu.memory_space<vmem>> -> memref<1x128x128xf32, #tpu.memory_space<vmem>>
      %dma_wait3A_307 = tpu.memref_squeeze %dma_wait3A_306 : memref<1x128x128xf32, #tpu.memory_space<vmem>> -> memref<128x128xf32, #tpu.memory_space<vmem>>
      %dma_wait3A_308 = arith.constant 0 : i32
      %dma_wait3A_309 = tpu.memref_slice %arg12[%add3A_6, %dma_wait3A_308] : memref<10240x128xf32, #tpu.memory_space<vmem_shared>> -> memref<128x128xf32, #tpu.memory_space<vmem_shared>>
      %dma_wait3A_310 = arith.constant 0 : i32
      %dma_wait3A_311 = tpu.memref_slice %arg12[%add3A_6, %dma_wait3A_310] : memref<10240x128xf32, #tpu.memory_space<vmem_shared>> -> memref<128x128xf32, #tpu.memory_space<vmem_shared>>
      %dma_wait3A_312 = arith.constant 0 : i32
      %dma_wait3A_313 = arith.constant 0 : i32
      %dma_wait3A_314 = tpu.memref_slice %arg9[%run_scoped3A_7, %dma_wait3A_312, %dma_wait3A_313] : memref<2x128x128xf32, #tpu.memory_space<vmem>> -> memref<1x128x128xf32, #tpu.memory_space<vmem>>
      %dma_wait3A_315 = tpu.memref_squeeze %dma_wait3A_314 : memref<1x128x128xf32, #tpu.memory_space<vmem>> -> memref<128x128xf32, #tpu.memory_space<vmem>>
      tpu.wait_dma2 semaphore(%run_scoped3A_291 : memref<!tpu.dma_semaphore, #tpu.memory_space<semaphore_mem>>) src(%dma_wait3A_315 : memref<128x128xf32, #tpu.memory_space<vmem>>) dst(%dma_wait3A_311 : memref<128x128xf32, #tpu.memory_space<vmem_shared>>)
      tpu.yield
    }) : () -> ()
    %mul3A_8 = arith.constant 640 : i32
    %mul3A_9 = arith.muli %arg1, %mul3A_8 : i32
    %add3A_10 = arith.constant 256 : i32
    %add3A_11 = arith.addi %mul3A_9, %add3A_10 : i32
    %run_scoped3A_12 = arith.constant 0 : i32
    "tpu.region"() ({
      %run_scoped3A_291 = tpu.sem_alloc : memref<!tpu.dma_semaphore, #tpu.memory_space<semaphore_mem>>
      %dma_start3A_292 = arith.constant 0 : i32
      %dma_start3A_293 = arith.constant 0 : i32
      %dma_start3A_294 = tpu.memref_slice %arg9[%run_scoped3A_12, %dma_start3A_292, %dma_start3A_293] : memref<2x128x128xf32, #tpu.memory_space<vmem>> -> memref<1x128x128xf32, #tpu.memory_space<vmem>>
      %dma_start3A_295 = tpu.memref_squeeze %dma_start3A_294 : memref<1x128x128xf32, #tpu.memory_space<vmem>> -> memref<128x128xf32, #tpu.memory_space<vmem>>
      %dma_start3A_296 = arith.constant 0 : i32
      %dma_start3A_297 = tpu.memref_slice %arg12[%add3A_11, %dma_start3A_296] : memref<10240x128xf32, #tpu.memory_space<vmem_shared>> -> memref<128x128xf32, #tpu.memory_space<vmem_shared>>
      %dma_start3A_298 = arith.constant 0 : i32
      %dma_start3A_299 = tpu.memref_slice %arg12[%add3A_11, %dma_start3A_298] : memref<10240x128xf32, #tpu.memory_space<vmem_shared>> -> memref<128x128xf32, #tpu.memory_space<vmem_shared>>
      %dma_start3A_300 = arith.constant 0 : i32
      %dma_start3A_301 = arith.constant 0 : i32
      %dma_start3A_302 = tpu.memref_slice %arg9[%run_scoped3A_12, %dma_start3A_300, %dma_start3A_301] : memref<2x128x128xf32, #tpu.memory_space<vmem>> -> memref<1x128x128xf32, #tpu.memory_space<vmem>>
      %dma_start3A_303 = tpu.memref_squeeze %dma_start3A_302 : memref<1x128x128xf32, #tpu.memory_space<vmem>> -> memref<128x128xf32, #tpu.memory_space<vmem>>
      tpu.enqueue_dma source(%dma_start3A_303 : memref<128x128xf32, #tpu.memory_space<vmem>>) target(%dma_start3A_299 : memref<128x128xf32, #tpu.memory_space<vmem_shared>>) target_semaphore(%run_scoped3A_291 : memref<!tpu.dma_semaphore, #tpu.memory_space<semaphore_mem>>)
      %dma_wait3A_304 = arith.constant 0 : i32
      %dma_wait3A_305 = arith.constant 0 : i32
      %dma_wait3A_306 = tpu.memref_slice %arg9[%run_scoped3A_12, %dma_wait3A_304, %dma_wait3A_305] : memref<2x128x128xf32, #tpu.memory_space<vmem>> -> memref<1x128x128xf32, #tpu.memory_space<vmem>>
      %dma_wait3A_307 = tpu.memref_squeeze %dma_wait3A_306 : memref<1x128x128xf32, #tpu.memory_space<vmem>> -> memref<128x128xf32, #tpu.memory_space<vmem>>
      %dma_wait3A_308 = arith.constant 0 : i32
      %dma_wait3A_309 = tpu.memref_slice %arg12[%add3A_11, %dma_wait3A_308] : memref<10240x128xf32, #tpu.memory_space<vmem_shared>> -> memref<128x128xf32, #tpu.memory_space<vmem_shared>>
      %dma_wait3A_310 = arith.constant 0 : i32
      %dma_wait3A_311 = tpu.memref_slice %arg12[%add3A_11, %dma_wait3A_310] : memref<10240x128xf32, #tpu.memory_space<vmem_shared>> -> memref<128x128xf32, #tpu.memory_space<vmem_shared>>
      %dma_wait3A_312 = arith.constant 0 : i32
      %dma_wait3A_313 = arith.constant 0 : i32
      %dma_wait3A_314 = tpu.memref_slice %arg9[%run_scoped3A_12, %dma_wait3A_312, %dma_wait3A_313] : memref<2x128x128xf32, #tpu.memory_space<vmem>> -> memref<1x128x128xf32, #tpu.memory_space<vmem>>
      %dma_wait3A_315 = tpu.memref_squeeze %dma_wait3A_314 : memref<1x128x128xf32, #tpu.memory_space<vmem>> -> memref<128x128xf32, #tpu.memory_space<vmem>>
      tpu.wait_dma2 semaphore(%run_scoped3A_291 : memref<!tpu.dma_semaphore, #tpu.memory_space<semaphore_mem>>) src(%dma_wait3A_315 : memref<128x128xf32, #tpu.memory_space<vmem>>) dst(%dma_wait3A_311 : memref<128x128xf32, #tpu.memory_space<vmem_shared>>)
      tpu.yield
    }) : () -> ()
    %mul3A_13 = arith.constant 640 : i32
    %mul3A_14 = arith.muli %arg1, %mul3A_13 : i32
    %add3A_15 = arith.constant 384 : i32
    %add3A_16 = arith.addi %mul3A_14, %add3A_15 : i32
    %run_scoped3A_17 = arith.constant 0 : i32
    "tpu.region"() ({
      %run_scoped3A_291 = tpu.sem_alloc : memref<!tpu.dma_semaphore, #tpu.memory_space<semaphore_mem>>
      %dma_start3A_292 = arith.constant 0 : i32
      %dma_start3A_293 = arith.constant 0 : i32
      %dma_start3A_294 = tpu.memref_slice %arg9[%run_scoped3A_17, %dma_start3A_292, %dma_start3A_293] : memref<2x128x128xf32, #tpu.memory_space<vmem>> -> memref<1x128x128xf32, #tpu.memory_space<vmem>>
      %dma_start3A_295 = tpu.memref_squeeze %dma_start3A_294 : memref<1x128x128xf32, #tpu.memory_space<vmem>> -> memref<128x128xf32, #tpu.memory_space<vmem>>
      %dma_start3A_296 = arith.constant 0 : i32
      %dma_start3A_297 = tpu.memref_slice %arg12[%add3A_16, %dma_start3A_296] : memref<10240x128xf32, #tpu.memory_space<vmem_shared>> -> memref<128x128xf32, #tpu.memory_space<vmem_shared>>
      %dma_start3A_298 = arith.constant 0 : i32
      %dma_start3A_299 = tpu.memref_slice %arg12[%add3A_16, %dma_start3A_298] : memref<10240x128xf32, #tpu.memory_space<vmem_shared>> -> memref<128x128xf32, #tpu.memory_space<vmem_shared>>
      %dma_start3A_300 = arith.constant 0 : i32
      %dma_start3A_301 = arith.constant 0 : i32
      %dma_start3A_302 = tpu.memref_slice %arg9[%run_scoped3A_17, %dma_start3A_300, %dma_start3A_301] : memref<2x128x128xf32, #tpu.memory_space<vmem>> -> memref<1x128x128xf32, #tpu.memory_space<vmem>>
      %dma_start3A_303 = tpu.memref_squeeze %dma_start3A_302 : memref<1x128x128xf32, #tpu.memory_space<vmem>> -> memref<128x128xf32, #tpu.memory_space<vmem>>
      tpu.enqueue_dma source(%dma_start3A_303 : memref<128x128xf32, #tpu.memory_space<vmem>>) target(%dma_start3A_299 : memref<128x128xf32, #tpu.memory_space<vmem_shared>>) target_semaphore(%run_scoped3A_291 : memref<!tpu.dma_semaphore, #tpu.memory_space<semaphore_mem>>)
      %dma_wait3A_304 = arith.constant 0 : i32
      %dma_wait3A_305 = arith.constant 0 : i32
      %dma_wait3A_306 = tpu.memref_slice %arg9[%run_scoped3A_17, %dma_wait3A_304, %dma_wait3A_305] : memref<2x128x128xf32, #tpu.memory_space<vmem>> -> memref<1x128x128xf32, #tpu.memory_space<vmem>>
      %dma_wait3A_307 = tpu.memref_squeeze %dma_wait3A_306 : memref<1x128x128xf32, #tpu.memory_space<vmem>> -> memref<128x128xf32, #tpu.memory_space<vmem>>
      %dma_wait3A_308 = arith.constant 0 : i32
      %dma_wait3A_309 = tpu.memref_slice %arg12[%add3A_16, %dma_wait3A_308] : memref<10240x128xf32, #tpu.memory_space<vmem_shared>> -> memref<128x128xf32, #tpu.memory_space<vmem_shared>>
      %dma_wait3A_310 = arith.constant 0 : i32
      %dma_wait3A_311 = tpu.memref_slice %arg12[%add3A_16, %dma_wait3A_310] : memref<10240x128xf32, #tpu.memory_space<vmem_shared>> -> memref<128x128xf32, #tpu.memory_space<vmem_shared>>
      %dma_wait3A_312 = arith.constant 0 : i32
      %dma_wait3A_313 = arith.constant 0 : i32
      %dma_wait3A_314 = tpu.memref_slice %arg9[%run_scoped3A_17, %dma_wait3A_312, %dma_wait3A_313] : memref<2x128x128xf32, #tpu.memory_space<vmem>> -> memref<1x128x128xf32, #tpu.memory_space<vmem>>
      %dma_wait3A_315 = tpu.memref_squeeze %dma_wait3A_314 : memref<1x128x128xf32, #tpu.memory_space<vmem>> -> memref<128x128xf32, #tpu.memory_space<vmem>>
      tpu.wait_dma2 semaphore(%run_scoped3A_291 : memref<!tpu.dma_semaphore, #tpu.memory_space<semaphore_mem>>) src(%dma_wait3A_315 : memref<128x128xf32, #tpu.memory_space<vmem>>) dst(%dma_wait3A_311 : memref<128x128xf32, #tpu.memory_space<vmem_shared>>)
      tpu.yield
    }) : () -> ()
    %mul3A_18 = arith.constant 640 : i32
    %mul3A_19 = arith.muli %arg1, %mul3A_18 : i32
    %add3A_20 = arith.constant 512 : i32
    %add3A_21 = arith.addi %mul3A_19, %add3A_20 : i32
    %run_scoped3A_22 = arith.constant 0 : i32
    "tpu.region"() ({
      %run_scoped3A_291 = tpu.sem_alloc : memref<!tpu.dma_semaphore, #tpu.memory_space<semaphore_mem>>
      %dma_start3A_292 = arith.constant 0 : i32
      %dma_start3A_293 = arith.constant 0 : i32
      %dma_start3A_294 = tpu.memref_slice %arg9[%run_scoped3A_22, %dma_start3A_292, %dma_start3A_293] : memref<2x128x128xf32, #tpu.memory_space<vmem>> -> memref<1x128x128xf32, #tpu.memory_space<vmem>>
      %dma_start3A_295 = tpu.memref_squeeze %dma_start3A_294 : memref<1x128x128xf32, #tpu.memory_space<vmem>> -> memref<128x128xf32, #tpu.memory_space<vmem>>
      %dma_start3A_296 = arith.constant 0 : i32
      %dma_start3A_297 = tpu.memref_slice %arg12[%add3A_21, %dma_start3A_296] : memref<10240x128xf32, #tpu.memory_space<vmem_shared>> -> memref<128x128xf32, #tpu.memory_space<vmem_shared>>
      %dma_start3A_298 = arith.constant 0 : i32
      %dma_start3A_299 = tpu.memref_slice %arg12[%add3A_21, %dma_start3A_298] : memref<10240x128xf32, #tpu.memory_space<vmem_shared>> -> memref<128x128xf32, #tpu.memory_space<vmem_shared>>
      %dma_start3A_300 = arith.constant 0 : i32
      %dma_start3A_301 = arith.constant 0 : i32
      %dma_start3A_302 = tpu.memref_slice %arg9[%run_scoped3A_22, %dma_start3A_300, %dma_start3A_301] : memref<2x128x128xf32, #tpu.memory_space<vmem>> -> memref<1x128x128xf32, #tpu.memory_space<vmem>>
      %dma_start3A_303 = tpu.memref_squeeze %dma_start3A_302 : memref<1x128x128xf32, #tpu.memory_space<vmem>> -> memref<128x128xf32, #tpu.memory_space<vmem>>
      tpu.enqueue_dma source(%dma_start3A_303 : memref<128x128xf32, #tpu.memory_space<vmem>>) target(%dma_start3A_299 : memref<128x128xf32, #tpu.memory_space<vmem_shared>>) target_semaphore(%run_scoped3A_291 : memref<!tpu.dma_semaphore, #tpu.memory_space<semaphore_mem>>)
      %dma_wait3A_304 = arith.constant 0 : i32
      %dma_wait3A_305 = arith.constant 0 : i32
      %dma_wait3A_306 = tpu.memref_slice %arg9[%run_scoped3A_22, %dma_wait3A_304, %dma_wait3A_305] : memref<2x128x128xf32, #tpu.memory_space<vmem>> -> memref<1x128x128xf32, #tpu.memory_space<vmem>>
      %dma_wait3A_307 = tpu.memref_squeeze %dma_wait3A_306 : memref<1x128x128xf32, #tpu.memory_space<vmem>> -> memref<128x128xf32, #tpu.memory_space<vmem>>
      %dma_wait3A_308 = arith.constant 0 : i32
      %dma_wait3A_309 = tpu.memref_slice %arg12[%add3A_21, %dma_wait3A_308] : memref<10240x128xf32, #tpu.memory_space<vmem_shared>> -> memref<128x128xf32, #tpu.memory_space<vmem_shared>>
      %dma_wait3A_310 = arith.constant 0 : i32
      %dma_wait3A_311 = tpu.memref_slice %arg12[%add3A_21, %dma_wait3A_310] : memref<10240x128xf32, #tpu.memory_space<vmem_shared>> -> memref<128x128xf32, #tpu.memory_space<vmem_shared>>
      %dma_wait3A_312 = arith.constant 0 : i32
      %dma_wait3A_313 = arith.constant 0 : i32
      %dma_wait3A_314 = tpu.memref_slice %arg9[%run_scoped3A_22, %dma_wait3A_312, %dma_wait3A_313] : memref<2x128x128xf32, #tpu.memory_space<vmem>> -> memref<1x128x128xf32, #tpu.memory_space<vmem>>
      %dma_wait3A_315 = tpu.memref_squeeze %dma_wait3A_314 : memref<1x128x128xf32, #tpu.memory_space<vmem>> -> memref<128x128xf32, #tpu.memory_space<vmem>>
      tpu.wait_dma2 semaphore(%run_scoped3A_291 : memref<!tpu.dma_semaphore, #tpu.memory_space<semaphore_mem>>) src(%dma_wait3A_315 : memref<128x128xf32, #tpu.memory_space<vmem>>) dst(%dma_wait3A_311 : memref<128x128xf32, #tpu.memory_space<vmem_shared>>)
      tpu.yield
    }) : () -> ()
    %barrier3A = arith.constant 0 : index
    tpu.barrier barrier_id(%barrier3A)
    %mul3A_23 = arith.constant 16 : i32
    %mul3A_24 = arith.muli %arg0, %mul3A_23 : i32
    %add3A_25 = arith.addi %mul3A_24, %arg1 : i32
    %mul3A_26 = arith.constant 80 : i32
    %mul3A_27 = arith.muli %add3A_25, %mul3A_26 : i32
    %add3A_28 = arith.constant 0 : i32
    %add3A_29 = arith.addi %mul3A_27, %add3A_28 : i32
    "tpu.region"() ({
      %run_scoped3A_291 = tpu.sem_alloc : memref<!tpu.dma_semaphore, #tpu.memory_space<semaphore_mem>>
      %dma_start3A_292 = arith.constant 0 : i32
      %dma_start3A_293 = tpu.memref_slice %arg3[%add3A_29, %dma_start3A_292] : memref<2560x128xi32, #tpu.memory_space<hbm>> -> memref<40x128xi32, #tpu.memory_space<hbm>>
      %dma_start3A_294 = arith.constant 0 : i32
      %dma_start3A_295 = tpu.memref_slice %arg3[%add3A_29, %dma_start3A_294] : memref<2560x128xi32, #tpu.memory_space<hbm>> -> memref<40x128xi32, #tpu.memory_space<hbm>>
      tpu.enqueue_dma source(%dma_start3A_295 : memref<40x128xi32, #tpu.memory_space<hbm>>) target(%arg7 : memref<40x128xi32, #tpu.memory_space<vmem>>) target_semaphore(%run_scoped3A_291 : memref<!tpu.dma_semaphore, #tpu.memory_space<semaphore_mem>>)
      %dma_wait3A_296 = arith.constant 0 : i32
      %dma_wait3A_297 = tpu.memref_slice %arg3[%add3A_29, %dma_wait3A_296] : memref<2560x128xi32, #tpu.memory_space<hbm>> -> memref<40x128xi32, #tpu.memory_space<hbm>>
      %dma_wait3A_298 = arith.constant 0 : i32
      %dma_wait3A_299 = tpu.memref_slice %arg3[%add3A_29, %dma_wait3A_298] : memref<2560x128xi32, #tpu.memory_space<hbm>> -> memref<40x128xi32, #tpu.memory_space<hbm>>
      tpu.wait_dma2 semaphore(%run_scoped3A_291 : memref<!tpu.dma_semaphore, #tpu.memory_space<semaphore_mem>>) src(%dma_wait3A_299 : memref<40x128xi32, #tpu.memory_space<hbm>>) dst(%arg7 : memref<40x128xi32, #tpu.memory_space<vmem>>)
      tpu.yield
    }) : () -> ()
    "tpu.region"() ({
      %run_scoped3A_291 = tpu.sem_alloc : memref<!tpu.dma_semaphore, #tpu.memory_space<semaphore_mem>>
      %dma_start3A_292 = arith.constant 0 : i32
      %dma_start3A_293 = tpu.memref_slice %arg4[%add3A_29, %dma_start3A_292] : memref<2560x128xi32, #tpu.memory_space<hbm>> -> memref<40x128xi32, #tpu.memory_space<hbm>>
      %dma_start3A_294 = arith.constant 0 : i32
      %dma_start3A_295 = tpu.memref_slice %arg4[%add3A_29, %dma_start3A_294] : memref<2560x128xi32, #tpu.memory_space<hbm>> -> memref<40x128xi32, #tpu.memory_space<hbm>>
      tpu.enqueue_dma source(%dma_start3A_295 : memref<40x128xi32, #tpu.memory_space<hbm>>) target(%arg8 : memref<40x128xi32, #tpu.memory_space<vmem>>) target_semaphore(%run_scoped3A_291 : memref<!tpu.dma_semaphore, #tpu.memory_space<semaphore_mem>>)
      %dma_wait3A_296 = arith.constant 0 : i32
      %dma_wait3A_297 = tpu.memref_slice %arg4[%add3A_29, %dma_wait3A_296] : memref<2560x128xi32, #tpu.memory_space<hbm>> -> memref<40x128xi32, #tpu.memory_space<hbm>>
      %dma_wait3A_298 = arith.constant 0 : i32
      %dma_wait3A_299 = tpu.memref_slice %arg4[%add3A_29, %dma_wait3A_298] : memref<2560x128xi32, #tpu.memory_space<hbm>> -> memref<40x128xi32, #tpu.memory_space<hbm>>
      tpu.wait_dma2 semaphore(%run_scoped3A_291 : memref<!tpu.dma_semaphore, #tpu.memory_space<semaphore_mem>>) src(%dma_wait3A_299 : memref<40x128xi32, #tpu.memory_space<hbm>>) dst(%arg8 : memref<40x128xi32, #tpu.memory_space<vmem>>)
      tpu.yield
    }) : () -> ()
    %dma_start3A = arith.constant 0 : i32
    %dma_start3A_30 = arith.constant 0 : i32
    %dma_start3A_31 = arith.constant 0 : i32
    %dma_start3A_32 = arith.constant 0 : i32
    %dma_start3A_33 = arith.constant 0 : i32
    %dma_start3A_34 = tpu.memref_slice %arg9[%dma_start3A_30, %dma_start3A_32, %dma_start3A_33] : memref<2x128x128xf32, #tpu.memory_space<vmem>> -> memref<1x128x128xf32, #tpu.memory_space<vmem>>
    %dma_start3A_35 = tpu.memref_squeeze %dma_start3A_34 : memref<1x128x128xf32, #tpu.memory_space<vmem>> -> memref<128x128xf32, #tpu.memory_space<vmem>>
    %dma_start3A_36 = arith.constant 0 : i32
    %dma_start3A_37 = tpu.memref_slice %arg7[%dma_start3A, %dma_start3A_36] : memref<40x128xi32, #tpu.memory_space<vmem>> -> memref<1x128xi32, #tpu.memory_space<vmem>>
    %dma_start3A_38 = tpu.memref_squeeze %dma_start3A_37 : memref<1x128xi32, #tpu.memory_space<vmem>> -> memref<128xi32, #tpu.memory_space<vmem>>
    %dma_start3A_39 = arith.constant 0 : i32
    %dma_start3A_40 = arith.constant 0 : i32
    %dma_start3A_41 = tpu.memref_slice %arg2[%dma_start3A_39, %dma_start3A_40] : memref<10240x128xf32, #tpu.memory_space<hbm>> -> memref<10240x128xf32, #tpu.memory_space<hbm>>
    %dma_start3A_42 = tpu.memref_slice %arg10[%dma_start3A_31] : memref<2x!tpu.dma_semaphore, #tpu.memory_space<semaphore_mem>> -> memref<1x!tpu.dma_semaphore, #tpu.memory_space<semaphore_mem>>
    %dma_start3A_43 = tpu.memref_squeeze %dma_start3A_42 : memref<1x!tpu.dma_semaphore, #tpu.memory_space<semaphore_mem>> -> memref<!tpu.dma_semaphore, #tpu.memory_space<semaphore_mem>>
    tpu.enqueue_indirect_dma source(%dma_start3A_41 : memref<10240x128xf32, #tpu.memory_space<hbm>>) target(%dma_start3A_35 : memref<128x128xf32, #tpu.memory_space<vmem>>) offsets(%dma_start3A_38 : memref<128xi32, #tpu.memory_space<vmem>>) semaphore(%dma_start3A_43 : memref<!tpu.dma_semaphore, #tpu.memory_space<semaphore_mem>>)
    %dma_start3A_44 = arith.constant 1 : i32
    %dma_start3A_45 = arith.constant 1 : i32
    %dma_start3A_46 = arith.constant 1 : i32
    %dma_start3A_47 = arith.constant 0 : i32
    %dma_start3A_48 = arith.constant 0 : i32
    %dma_start3A_49 = tpu.memref_slice %arg9[%dma_start3A_45, %dma_start3A_47, %dma_start3A_48] : memref<2x128x128xf32, #tpu.memory_space<vmem>> -> memref<1x128x128xf32, #tpu.memory_space<vmem>>
    %dma_start3A_50 = tpu.memref_squeeze %dma_start3A_49 : memref<1x128x128xf32, #tpu.memory_space<vmem>> -> memref<128x128xf32, #tpu.memory_space<vmem>>
    %dma_start3A_51 = arith.constant 0 : i32
    %dma_start3A_52 = tpu.memref_slice %arg7[%dma_start3A_44, %dma_start3A_51] : memref<40x128xi32, #tpu.memory_space<vmem>> -> memref<1x128xi32, #tpu.memory_space<vmem>>
    %dma_start3A_53 = tpu.memref_squeeze %dma_start3A_52 : memref<1x128xi32, #tpu.memory_space<vmem>> -> memref<128xi32, #tpu.memory_space<vmem>>
    %dma_start3A_54 = arith.constant 0 : i32
    %dma_start3A_55 = arith.constant 0 : i32
    %dma_start3A_56 = tpu.memref_slice %arg2[%dma_start3A_54, %dma_start3A_55] : memref<10240x128xf32, #tpu.memory_space<hbm>> -> memref<10240x128xf32, #tpu.memory_space<hbm>>
    %dma_start3A_57 = tpu.memref_slice %arg10[%dma_start3A_46] : memref<2x!tpu.dma_semaphore, #tpu.memory_space<semaphore_mem>> -> memref<1x!tpu.dma_semaphore, #tpu.memory_space<semaphore_mem>>
    %dma_start3A_58 = tpu.memref_squeeze %dma_start3A_57 : memref<1x!tpu.dma_semaphore, #tpu.memory_space<semaphore_mem>> -> memref<!tpu.dma_semaphore, #tpu.memory_space<semaphore_mem>>
    tpu.enqueue_indirect_dma source(%dma_start3A_56 : memref<10240x128xf32, #tpu.memory_space<hbm>>) target(%dma_start3A_50 : memref<128x128xf32, #tpu.memory_space<vmem>>) offsets(%dma_start3A_53 : memref<128xi32, #tpu.memory_space<vmem>>) semaphore(%dma_start3A_58 : memref<!tpu.dma_semaphore, #tpu.memory_space<semaphore_mem>>)
    %dma_wait3A = arith.constant 0 : i32
    %dma_wait3A_59 = arith.constant 0 : i32
    %dma_wait3A_60 = arith.constant 0 : i32
    %dma_wait3A_61 = arith.constant 0 : i32
    %dma_wait3A_62 = arith.constant 0 : i32
    %dma_wait3A_63 = tpu.memref_slice %arg9[%dma_wait3A_59, %dma_wait3A_61, %dma_wait3A_62] : memref<2x128x128xf32, #tpu.memory_space<vmem>> -> memref<1x128x128xf32, #tpu.memory_space<vmem>>
    %dma_wait3A_64 = tpu.memref_squeeze %dma_wait3A_63 : memref<1x128x128xf32, #tpu.memory_space<vmem>> -> memref<128x128xf32, #tpu.memory_space<vmem>>
    %dma_wait3A_65 = arith.constant 0 : i32
    %dma_wait3A_66 = tpu.memref_slice %arg7[%dma_wait3A, %dma_wait3A_65] : memref<40x128xi32, #tpu.memory_space<vmem>> -> memref<1x128xi32, #tpu.memory_space<vmem>>
    %dma_wait3A_67 = tpu.memref_squeeze %dma_wait3A_66 : memref<1x128xi32, #tpu.memory_space<vmem>> -> memref<128xi32, #tpu.memory_space<vmem>>
    %dma_wait3A_68 = arith.constant 0 : i32
    %dma_wait3A_69 = arith.constant 0 : i32
    %dma_wait3A_70 = tpu.memref_slice %arg2[%dma_wait3A_68, %dma_wait3A_69] : memref<10240x128xf32, #tpu.memory_space<hbm>> -> memref<10240x128xf32, #tpu.memory_space<hbm>>
    %dma_wait3A_71 = tpu.memref_slice %arg10[%dma_wait3A_60] : memref<2x!tpu.dma_semaphore, #tpu.memory_space<semaphore_mem>> -> memref<1x!tpu.dma_semaphore, #tpu.memory_space<semaphore_mem>>
    %dma_wait3A_72 = tpu.memref_squeeze %dma_wait3A_71 : memref<1x!tpu.dma_semaphore, #tpu.memory_space<semaphore_mem>> -> memref<!tpu.dma_semaphore, #tpu.memory_space<semaphore_mem>>
    tpu.wait_indirect_dma semaphore(%dma_wait3A_72 : memref<!tpu.dma_semaphore, #tpu.memory_space<semaphore_mem>>) src(%dma_wait3A_70 : memref<10240x128xf32, #tpu.memory_space<hbm>>) dst(%dma_wait3A_64 : memref<128x128xf32, #tpu.memory_space<vmem>>)
    %dma_start3A_73 = arith.constant 0 : i32
    %dma_start3A_74 = arith.constant 0 : i32
    %dma_start3A_75 = arith.constant 0 : i32
    %dma_start3A_76 = arith.constant 0 : i32
    %dma_start3A_77 = arith.constant 0 : i32
    %dma_start3A_78 = tpu.memref_slice %arg9[%dma_start3A_73, %dma_start3A_76, %dma_start3A_77] : memref<2x128x128xf32, #tpu.memory_space<vmem>> -> memref<1x128x128xf32, #tpu.memory_space<vmem>>
    %dma_start3A_79 = tpu.memref_squeeze %dma_start3A_78 : memref<1x128x128xf32, #tpu.memory_space<vmem>> -> memref<128x128xf32, #tpu.memory_space<vmem>>
    %dma_start3A_80 = arith.constant 0 : i32
    %dma_start3A_81 = tpu.memref_slice %arg8[%dma_start3A_74, %dma_start3A_80] : memref<40x128xi32, #tpu.memory_space<vmem>> -> memref<1x128xi32, #tpu.memory_space<vmem>>
    %dma_start3A_82 = tpu.memref_squeeze %dma_start3A_81 : memref<1x128xi32, #tpu.memory_space<vmem>> -> memref<128xi32, #tpu.memory_space<vmem>>
    %dma_start3A_83 = arith.constant 0 : i32
    %dma_start3A_84 = arith.constant 0 : i32
    %dma_start3A_85 = tpu.memref_slice %arg12[%dma_start3A_83, %dma_start3A_84] : memref<10240x128xf32, #tpu.memory_space<vmem_shared>> -> memref<10240x128xf32, #tpu.memory_space<vmem_shared>>
    %dma_start3A_86 = tpu.memref_slice %arg11[%dma_start3A_75] : memref<2x!tpu.dma_semaphore, #tpu.memory_space<semaphore_mem>> -> memref<1x!tpu.dma_semaphore, #tpu.memory_space<semaphore_mem>>
    %dma_start3A_87 = tpu.memref_squeeze %dma_start3A_86 : memref<1x!tpu.dma_semaphore, #tpu.memory_space<semaphore_mem>> -> memref<!tpu.dma_semaphore, #tpu.memory_space<semaphore_mem>>
    tpu.enqueue_indirect_dma source(%dma_start3A_79 : memref<128x128xf32, #tpu.memory_space<vmem>>) target(%dma_start3A_85 : memref<10240x128xf32, #tpu.memory_space<vmem_shared>>) offsets(%dma_start3A_82 : memref<128xi32, #tpu.memory_space<vmem>>) semaphore(%dma_start3A_87 : memref<!tpu.dma_semaphore, #tpu.memory_space<semaphore_mem>>) {add = true}
    %scan3A = arith.constant 0 : i32
    %scan3A_88 = arith.constant 0 : i32
    %scan3A_89 = arith.constant 19 : i32
    %scan3A_90 = arith.addi %scan3A_88, %scan3A_89 : i32
    %scan3A_91 = arith.constant 1 : i32
    scf.for %scan3A_291 = %scan3A_88 to %scan3A_90 step %scan3A_91  : i32 {
      %mul3A_292 = arith.constant 2 : i32
      %mul3A_293 = arith.muli %scan3A_291, %mul3A_292 : i32
      %add3A_294 = arith.constant 2 : i32
      %add3A_295 = arith.addi %add3A_294, %mul3A_293 : i32
      %add3A_296 = arith.constant 0 : i32
      %add3A_297 = arith.addi %add3A_295, %add3A_296 : i32
      %sub3A = arith.constant 2 : i32
      %sub3A_298 = arith.subi %add3A_297, %sub3A : i32
      %dma_wait3A_299 = arith.constant 0 : i32
      %dma_wait3A_300 = arith.constant 0 : i32
      %dma_wait3A_301 = arith.constant 0 : i32
      %dma_wait3A_302 = arith.constant 0 : i32
      %dma_wait3A_303 = tpu.memref_slice %arg9[%dma_wait3A_299, %dma_wait3A_301, %dma_wait3A_302] : memref<2x128x128xf32, #tpu.memory_space<vmem>> -> memref<1x128x128xf32, #tpu.memory_space<vmem>>
      %dma_wait3A_304 = tpu.memref_squeeze %dma_wait3A_303 : memref<1x128x128xf32, #tpu.memory_space<vmem>> -> memref<128x128xf32, #tpu.memory_space<vmem>>
      %dma_wait3A_305 = arith.constant 0 : i32
      %dma_wait3A_306 = tpu.memref_slice %arg8[%sub3A_298, %dma_wait3A_305] : memref<40x128xi32, #tpu.memory_space<vmem>> -> memref<1x128xi32, #tpu.memory_space<vmem>>
      %dma_wait3A_307 = tpu.memref_squeeze %dma_wait3A_306 : memref<1x128xi32, #tpu.memory_space<vmem>> -> memref<128xi32, #tpu.memory_space<vmem>>
      %dma_wait3A_308 = arith.constant 0 : i32
      %dma_wait3A_309 = arith.constant 0 : i32
      %dma_wait3A_310 = tpu.memref_slice %arg12[%dma_wait3A_308, %dma_wait3A_309] : memref<10240x128xf32, #tpu.memory_space<vmem_shared>> -> memref<10240x128xf32, #tpu.memory_space<vmem_shared>>
      %dma_wait3A_311 = tpu.memref_slice %arg11[%dma_wait3A_300] : memref<2x!tpu.dma_semaphore, #tpu.memory_space<semaphore_mem>> -> memref<1x!tpu.dma_semaphore, #tpu.memory_space<semaphore_mem>>
      %dma_wait3A_312 = tpu.memref_squeeze %dma_wait3A_311 : memref<1x!tpu.dma_semaphore, #tpu.memory_space<semaphore_mem>> -> memref<!tpu.dma_semaphore, #tpu.memory_space<semaphore_mem>>
      tpu.wait_indirect_dma semaphore(%dma_wait3A_312 : memref<!tpu.dma_semaphore, #tpu.memory_space<semaphore_mem>>) src(%dma_wait3A_304 : memref<128x128xf32, #tpu.memory_space<vmem>>) dst(%dma_wait3A_310 : memref<10240x128xf32, #tpu.memory_space<vmem_shared>>)
      %dma_start3A_313 = arith.constant 0 : i32
      %dma_start3A_314 = arith.constant 0 : i32
      %dma_start3A_315 = arith.constant 0 : i32
      %dma_start3A_316 = arith.constant 0 : i32
      %dma_start3A_317 = tpu.memref_slice %arg9[%dma_start3A_313, %dma_start3A_315, %dma_start3A_316] : memref<2x128x128xf32, #tpu.memory_space<vmem>> -> memref<1x128x128xf32, #tpu.memory_space<vmem>>
      %dma_start3A_318 = tpu.memref_squeeze %dma_start3A_317 : memref<1x128x128xf32, #tpu.memory_space<vmem>> -> memref<128x128xf32, #tpu.memory_space<vmem>>
      %dma_start3A_319 = arith.constant 0 : i32
      %dma_start3A_320 = tpu.memref_slice %arg7[%add3A_297, %dma_start3A_319] : memref<40x128xi32, #tpu.memory_space<vmem>> -> memref<1x128xi32, #tpu.memory_space<vmem>>
      %dma_start3A_321 = tpu.memref_squeeze %dma_start3A_320 : memref<1x128xi32, #tpu.memory_space<vmem>> -> memref<128xi32, #tpu.memory_space<vmem>>
      %dma_start3A_322 = arith.constant 0 : i32
      %dma_start3A_323 = arith.constant 0 : i32
      %dma_start3A_324 = tpu.memref_slice %arg2[%dma_start3A_322, %dma_start3A_323] : memref<10240x128xf32, #tpu.memory_space<hbm>> -> memref<10240x128xf32, #tpu.memory_space<hbm>>
      %dma_start3A_325 = tpu.memref_slice %arg10[%dma_start3A_314] : memref<2x!tpu.dma_semaphore, #tpu.memory_space<semaphore_mem>> -> memref<1x!tpu.dma_semaphore, #tpu.memory_space<semaphore_mem>>
      %dma_start3A_326 = tpu.memref_squeeze %dma_start3A_325 : memref<1x!tpu.dma_semaphore, #tpu.memory_space<semaphore_mem>> -> memref<!tpu.dma_semaphore, #tpu.memory_space<semaphore_mem>>
      tpu.enqueue_indirect_dma source(%dma_start3A_324 : memref<10240x128xf32, #tpu.memory_space<hbm>>) target(%dma_start3A_318 : memref<128x128xf32, #tpu.memory_space<vmem>>) offsets(%dma_start3A_321 : memref<128xi32, #tpu.memory_space<vmem>>) semaphore(%dma_start3A_326 : memref<!tpu.dma_semaphore, #tpu.memory_space<semaphore_mem>>)
      %sub3A_327 = arith.constant 1 : i32
      %sub3A_328 = arith.subi %add3A_297, %sub3A_327 : i32
      %dma_wait3A_329 = arith.constant 1 : i32
      %dma_wait3A_330 = arith.constant 1 : i32
      %dma_wait3A_331 = arith.constant 0 : i32
      %dma_wait3A_332 = arith.constant 0 : i32
      %dma_wait3A_333 = tpu.memref_slice %arg9[%dma_wait3A_329, %dma_wait3A_331, %dma_wait3A_332] : memref<2x128x128xf32, #tpu.memory_space<vmem>> -> memref<1x128x128xf32, #tpu.memory_space<vmem>>
      %dma_wait3A_334 = tpu.memref_squeeze %dma_wait3A_333 : memref<1x128x128xf32, #tpu.memory_space<vmem>> -> memref<128x128xf32, #tpu.memory_space<vmem>>
      %dma_wait3A_335 = arith.constant 0 : i32
      %dma_wait3A_336 = tpu.memref_slice %arg7[%sub3A_328, %dma_wait3A_335] : memref<40x128xi32, #tpu.memory_space<vmem>> -> memref<1x128xi32, #tpu.memory_space<vmem>>
      %dma_wait3A_337 = tpu.memref_squeeze %dma_wait3A_336 : memref<1x128xi32, #tpu.memory_space<vmem>> -> memref<128xi32, #tpu.memory_space<vmem>>
      %dma_wait3A_338 = arith.constant 0 : i32
      %dma_wait3A_339 = arith.constant 0 : i32
      %dma_wait3A_340 = tpu.memref_slice %arg2[%dma_wait3A_338, %dma_wait3A_339] : memref<10240x128xf32, #tpu.memory_space<hbm>> -> memref<10240x128xf32, #tpu.memory_space<hbm>>
      %dma_wait3A_341 = tpu.memref_slice %arg10[%dma_wait3A_330] : memref<2x!tpu.dma_semaphore, #tpu.memory_space<semaphore_mem>> -> memref<1x!tpu.dma_semaphore, #tpu.memory_space<semaphore_mem>>
      %dma_wait3A_342 = tpu.memref_squeeze %dma_wait3A_341 : memref<1x!tpu.dma_semaphore, #tpu.memory_space<semaphore_mem>> -> memref<!tpu.dma_semaphore, #tpu.memory_space<semaphore_mem>>
      tpu.wait_indirect_dma semaphore(%dma_wait3A_342 : memref<!tpu.dma_semaphore, #tpu.memory_space<semaphore_mem>>) src(%dma_wait3A_340 : memref<10240x128xf32, #tpu.memory_space<hbm>>) dst(%dma_wait3A_334 : memref<128x128xf32, #tpu.memory_space<vmem>>)
      %dma_start3A_343 = arith.constant 1 : i32
      %dma_start3A_344 = arith.constant 1 : i32
      %dma_start3A_345 = arith.constant 0 : i32
      %dma_start3A_346 = arith.constant 0 : i32
      %dma_start3A_347 = tpu.memref_slice %arg9[%dma_start3A_343, %dma_start3A_345, %dma_start3A_346] : memref<2x128x128xf32, #tpu.memory_space<vmem>> -> memref<1x128x128xf32, #tpu.memory_space<vmem>>
      %dma_start3A_348 = tpu.memref_squeeze %dma_start3A_347 : memref<1x128x128xf32, #tpu.memory_space<vmem>> -> memref<128x128xf32, #tpu.memory_space<vmem>>
      %dma_start3A_349 = arith.constant 0 : i32
      %dma_start3A_350 = tpu.memref_slice %arg8[%sub3A_328, %dma_start3A_349] : memref<40x128xi32, #tpu.memory_space<vmem>> -> memref<1x128xi32, #tpu.memory_space<vmem>>
      %dma_start3A_351 = tpu.memref_squeeze %dma_start3A_350 : memref<1x128xi32, #tpu.memory_space<vmem>> -> memref<128xi32, #tpu.memory_space<vmem>>
      %dma_start3A_352 = arith.constant 0 : i32
      %dma_start3A_353 = arith.constant 0 : i32
      %dma_start3A_354 = tpu.memref_slice %arg12[%dma_start3A_352, %dma_start3A_353] : memref<10240x128xf32, #tpu.memory_space<vmem_shared>> -> memref<10240x128xf32, #tpu.memory_space<vmem_shared>>
      %dma_start3A_355 = tpu.memref_slice %arg11[%dma_start3A_344] : memref<2x!tpu.dma_semaphore, #tpu.memory_space<semaphore_mem>> -> memref<1x!tpu.dma_semaphore, #tpu.memory_space<semaphore_mem>>
      %dma_start3A_356 = tpu.memref_squeeze %dma_start3A_355 : memref<1x!tpu.dma_semaphore, #tpu.memory_space<semaphore_mem>> -> memref<!tpu.dma_semaphore, #tpu.memory_space<semaphore_mem>>
      tpu.enqueue_indirect_dma source(%dma_start3A_348 : memref<128x128xf32, #tpu.memory_space<vmem>>) target(%dma_start3A_354 : memref<10240x128xf32, #tpu.memory_space<vmem_shared>>) offsets(%dma_start3A_351 : memref<128xi32, #tpu.memory_space<vmem>>) semaphore(%dma_start3A_356 : memref<!tpu.dma_semaphore, #tpu.memory_space<semaphore_mem>>) {add = true}
      %mul3A_357 = arith.constant 2 : i32
      %mul3A_358 = arith.muli %scan3A_291, %mul3A_357 : i32
      %add3A_359 = arith.constant 2 : i32
      %add3A_360 = arith.addi %add3A_359, %mul3A_358 : i32
      %add3A_361 = arith.constant 1 : i32
      %add3A_362 = arith.addi %add3A_360, %add3A_361 : i32
      %sub3A_363 = arith.constant 2 : i32
      %sub3A_364 = arith.subi %add3A_362, %sub3A_363 : i32
      %dma_wait3A_365 = arith.constant 1 : i32
      %dma_wait3A_366 = arith.constant 1 : i32
      %dma_wait3A_367 = arith.constant 0 : i32
      %dma_wait3A_368 = arith.constant 0 : i32
      %dma_wait3A_369 = tpu.memref_slice %arg9[%dma_wait3A_365, %dma_wait3A_367, %dma_wait3A_368] : memref<2x128x128xf32, #tpu.memory_space<vmem>> -> memref<1x128x128xf32, #tpu.memory_space<vmem>>
      %dma_wait3A_370 = tpu.memref_squeeze %dma_wait3A_369 : memref<1x128x128xf32, #tpu.memory_space<vmem>> -> memref<128x128xf32, #tpu.memory_space<vmem>>
      %dma_wait3A_371 = arith.constant 0 : i32
      %dma_wait3A_372 = tpu.memref_slice %arg8[%sub3A_364, %dma_wait3A_371] : memref<40x128xi32, #tpu.memory_space<vmem>> -> memref<1x128xi32, #tpu.memory_space<vmem>>
      %dma_wait3A_373 = tpu.memref_squeeze %dma_wait3A_372 : memref<1x128xi32, #tpu.memory_space<vmem>> -> memref<128xi32, #tpu.memory_space<vmem>>
      %dma_wait3A_374 = arith.constant 0 : i32
      %dma_wait3A_375 = arith.constant 0 : i32
      %dma_wait3A_376 = tpu.memref_slice %arg12[%dma_wait3A_374, %dma_wait3A_375] : memref<10240x128xf32, #tpu.memory_space<vmem_shared>> -> memref<10240x128xf32, #tpu.memory_space<vmem_shared>>
      %dma_wait3A_377 = tpu.memref_slice %arg11[%dma_wait3A_366] : memref<2x!tpu.dma_semaphore, #tpu.memory_space<semaphore_mem>> -> memref<1x!tpu.dma_semaphore, #tpu.memory_space<semaphore_mem>>
      %dma_wait3A_378 = tpu.memref_squeeze %dma_wait3A_377 : memref<1x!tpu.dma_semaphore, #tpu.memory_space<semaphore_mem>> -> memref<!tpu.dma_semaphore, #tpu.memory_space<semaphore_mem>>
      tpu.wait_indirect_dma semaphore(%dma_wait3A_378 : memref<!tpu.dma_semaphore, #tpu.memory_space<semaphore_mem>>) src(%dma_wait3A_370 : memref<128x128xf32, #tpu.memory_space<vmem>>) dst(%dma_wait3A_376 : memref<10240x128xf32, #tpu.memory_space<vmem_shared>>)
      %dma_start3A_379 = arith.constant 1 : i32
      %dma_start3A_380 = arith.constant 1 : i32
      %dma_start3A_381 = arith.constant 0 : i32
      %dma_start3A_382 = arith.constant 0 : i32
      %dma_start3A_383 = tpu.memref_slice %arg9[%dma_start3A_379, %dma_start3A_381, %dma_start3A_382] : memref<2x128x128xf32, #tpu.memory_space<vmem>> -> memref<1x128x128xf32, #tpu.memory_space<vmem>>
      %dma_start3A_384 = tpu.memref_squeeze %dma_start3A_383 : memref<1x128x128xf32, #tpu.memory_space<vmem>> -> memref<128x128xf32, #tpu.memory_space<vmem>>
      %dma_start3A_385 = arith.constant 0 : i32
      %dma_start3A_386 = tpu.memref_slice %arg7[%add3A_362, %dma_start3A_385] : memref<40x128xi32, #tpu.memory_space<vmem>> -> memref<1x128xi32, #tpu.memory_space<vmem>>
      %dma_start3A_387 = tpu.memref_squeeze %dma_start3A_386 : memref<1x128xi32, #tpu.memory_space<vmem>> -> memref<128xi32, #tpu.memory_space<vmem>>
      %dma_start3A_388 = arith.constant 0 : i32
      %dma_start3A_389 = arith.constant 0 : i32
      %dma_start3A_390 = tpu.memref_slice %arg2[%dma_start3A_388, %dma_start3A_389] : memref<10240x128xf32, #tpu.memory_space<hbm>> -> memref<10240x128xf32, #tpu.memory_space<hbm>>
      %dma_start3A_391 = tpu.memref_slice %arg10[%dma_start3A_380] : memref<2x!tpu.dma_semaphore, #tpu.memory_space<semaphore_mem>> -> memref<1x!tpu.dma_semaphore, #tpu.memory_space<semaphore_mem>>
      %dma_start3A_392 = tpu.memref_squeeze %dma_start3A_391 : memref<1x!tpu.dma_semaphore, #tpu.memory_space<semaphore_mem>> -> memref<!tpu.dma_semaphore, #tpu.memory_space<semaphore_mem>>
      tpu.enqueue_indirect_dma source(%dma_start3A_390 : memref<10240x128xf32, #tpu.memory_space<hbm>>) target(%dma_start3A_384 : memref<128x128xf32, #tpu.memory_space<vmem>>) offsets(%dma_start3A_387 : memref<128xi32, #tpu.memory_space<vmem>>) semaphore(%dma_start3A_392 : memref<!tpu.dma_semaphore, #tpu.memory_space<semaphore_mem>>)
      %sub3A_393 = arith.constant 1 : i32
      %sub3A_394 = arith.subi %add3A_362, %sub3A_393 : i32
      %dma_wait3A_395 = arith.constant 0 : i32
      %dma_wait3A_396 = arith.constant 0 : i32
      %dma_wait3A_397 = arith.constant 0 : i32
      %dma_wait3A_398 = arith.constant 0 : i32
      %dma_wait3A_399 = tpu.memref_slice %arg9[%dma_wait3A_395, %dma_wait3A_397, %dma_wait3A_398] : memref<2x128x128xf32, #tpu.memory_space<vmem>> -> memref<1x128x128xf32, #tpu.memory_space<vmem>>
      %dma_wait3A_400 = tpu.memref_squeeze %dma_wait3A_399 : memref<1x128x128xf32, #tpu.memory_space<vmem>> -> memref<128x128xf32, #tpu.memory_space<vmem>>
      %dma_wait3A_401 = arith.constant 0 : i32
      %dma_wait3A_402 = tpu.memref_slice %arg7[%sub3A_394, %dma_wait3A_401] : memref<40x128xi32, #tpu.memory_space<vmem>> -> memref<1x128xi32, #tpu.memory_space<vmem>>
      %dma_wait3A_403 = tpu.memref_squeeze %dma_wait3A_402 : memref<1x128xi32, #tpu.memory_space<vmem>> -> memref<128xi32, #tpu.memory_space<vmem>>
      %dma_wait3A_404 = arith.constant 0 : i32
      %dma_wait3A_405 = arith.constant 0 : i32
      %dma_wait3A_406 = tpu.memref_slice %arg2[%dma_wait3A_404, %dma_wait3A_405] : memref<10240x128xf32, #tpu.memory_space<hbm>> -> memref<10240x128xf32, #tpu.memory_space<hbm>>
      %dma_wait3A_407 = tpu.memref_slice %arg10[%dma_wait3A_396] : memref<2x!tpu.dma_semaphore, #tpu.memory_space<semaphore_mem>> -> memref<1x!tpu.dma_semaphore, #tpu.memory_space<semaphore_mem>>
      %dma_wait3A_408 = tpu.memref_squeeze %dma_wait3A_407 : memref<1x!tpu.dma_semaphore, #tpu.memory_space<semaphore_mem>> -> memref<!tpu.dma_semaphore, #tpu.memory_space<semaphore_mem>>
      tpu.wait_indirect_dma semaphore(%dma_wait3A_408 : memref<!tpu.dma_semaphore, #tpu.memory_space<semaphore_mem>>) src(%dma_wait3A_406 : memref<10240x128xf32, #tpu.memory_space<hbm>>) dst(%dma_wait3A_400 : memref<128x128xf32, #tpu.memory_space<vmem>>)
      %dma_start3A_409 = arith.constant 0 : i32
      %dma_start3A_410 = arith.constant 0 : i32
      %dma_start3A_411 = arith.constant 0 : i32
      %dma_start3A_412 = arith.constant 0 : i32
      %dma_start3A_413 = tpu.memref_slice %arg9[%dma_start3A_409, %dma_start3A_411, %dma_start3A_412] : memref<2x128x128xf32, #tpu.memory_space<vmem>> -> memref<1x128x128xf32, #tpu.memory_space<vmem>>
      %dma_start3A_414 = tpu.memref_squeeze %dma_start3A_413 : memref<1x128x128xf32, #tpu.memory_space<vmem>> -> memref<128x128xf32, #tpu.memory_space<vmem>>
      %dma_start3A_415 = arith.constant 0 : i32
      %dma_start3A_416 = tpu.memref_slice %arg8[%sub3A_394, %dma_start3A_415] : memref<40x128xi32, #tpu.memory_space<vmem>> -> memref<1x128xi32, #tpu.memory_space<vmem>>
      %dma_start3A_417 = tpu.memref_squeeze %dma_start3A_416 : memref<1x128xi32, #tpu.memory_space<vmem>> -> memref<128xi32, #tpu.memory_space<vmem>>
      %dma_start3A_418 = arith.constant 0 : i32
      %dma_start3A_419 = arith.constant 0 : i32
      %dma_start3A_420 = tpu.memref_slice %arg12[%dma_start3A_418, %dma_start3A_419] : memref<10240x128xf32, #tpu.memory_space<vmem_shared>> -> memref<10240x128xf32, #tpu.memory_space<vmem_shared>>
      %dma_start3A_421 = tpu.memref_slice %arg11[%dma_start3A_410] : memref<2x!tpu.dma_semaphore, #tpu.memory_space<semaphore_mem>> -> memref<1x!tpu.dma_semaphore, #tpu.memory_space<semaphore_mem>>
      %dma_start3A_422 = tpu.memref_squeeze %dma_start3A_421 : memref<1x!tpu.dma_semaphore, #tpu.memory_space<semaphore_mem>> -> memref<!tpu.dma_semaphore, #tpu.memory_space<semaphore_mem>>
      tpu.enqueue_indirect_dma source(%dma_start3A_414 : memref<128x128xf32, #tpu.memory_space<vmem>>) target(%dma_start3A_420 : memref<10240x128xf32, #tpu.memory_space<vmem_shared>>) offsets(%dma_start3A_417 : memref<128xi32, #tpu.memory_space<vmem>>) semaphore(%dma_start3A_422 : memref<!tpu.dma_semaphore, #tpu.memory_space<semaphore_mem>>) {add = true}
    }
    %scan3A_92 = arith.constant 19 : i32
    %dma_wait3A_93 = arith.constant 0 : i32
    %dma_wait3A_94 = arith.constant 38 : i32
    %dma_wait3A_95 = arith.constant 0 : i32
    %dma_wait3A_96 = arith.constant 0 : i32
    %dma_wait3A_97 = arith.constant 0 : i32
    %dma_wait3A_98 = tpu.memref_slice %arg9[%dma_wait3A_93, %dma_wait3A_96, %dma_wait3A_97] : memref<2x128x128xf32, #tpu.memory_space<vmem>> -> memref<1x128x128xf32, #tpu.memory_space<vmem>>
    %dma_wait3A_99 = tpu.memref_squeeze %dma_wait3A_98 : memref<1x128x128xf32, #tpu.memory_space<vmem>> -> memref<128x128xf32, #tpu.memory_space<vmem>>
    %dma_wait3A_100 = arith.constant 0 : i32
    %dma_wait3A_101 = tpu.memref_slice %arg8[%dma_wait3A_94, %dma_wait3A_100] : memref<40x128xi32, #tpu.memory_space<vmem>> -> memref<1x128xi32, #tpu.memory_space<vmem>>
    %dma_wait3A_102 = tpu.memref_squeeze %dma_wait3A_101 : memref<1x128xi32, #tpu.memory_space<vmem>> -> memref<128xi32, #tpu.memory_space<vmem>>
    %dma_wait3A_103 = arith.constant 0 : i32
    %dma_wait3A_104 = arith.constant 0 : i32
    %dma_wait3A_105 = tpu.memref_slice %arg12[%dma_wait3A_103, %dma_wait3A_104] : memref<10240x128xf32, #tpu.memory_space<vmem_shared>> -> memref<10240x128xf32, #tpu.memory_space<vmem_shared>>
    %dma_wait3A_106 = tpu.memref_slice %arg11[%dma_wait3A_95] : memref<2x!tpu.dma_semaphore, #tpu.memory_space<semaphore_mem>> -> memref<1x!tpu.dma_semaphore, #tpu.memory_space<semaphore_mem>>
    %dma_wait3A_107 = tpu.memref_squeeze %dma_wait3A_106 : memref<1x!tpu.dma_semaphore, #tpu.memory_space<semaphore_mem>> -> memref<!tpu.dma_semaphore, #tpu.memory_space<semaphore_mem>>
    tpu.wait_indirect_dma semaphore(%dma_wait3A_107 : memref<!tpu.dma_semaphore, #tpu.memory_space<semaphore_mem>>) src(%dma_wait3A_99 : memref<128x128xf32, #tpu.memory_space<vmem>>) dst(%dma_wait3A_105 : memref<10240x128xf32, #tpu.memory_space<vmem_shared>>)
    %dma_wait3A_108 = arith.constant 39 : i32
    %dma_wait3A_109 = arith.constant 1 : i32
    %dma_wait3A_110 = arith.constant 1 : i32
    %dma_wait3A_111 = arith.constant 0 : i32
    %dma_wait3A_112 = arith.constant 0 : i32
    %dma_wait3A_113 = tpu.memref_slice %arg9[%dma_wait3A_109, %dma_wait3A_111, %dma_wait3A_112] : memref<2x128x128xf32, #tpu.memory_space<vmem>> -> memref<1x128x128xf32, #tpu.memory_space<vmem>>
    %dma_wait3A_114 = tpu.memref_squeeze %dma_wait3A_113 : memref<1x128x128xf32, #tpu.memory_space<vmem>> -> memref<128x128xf32, #tpu.memory_space<vmem>>
    %dma_wait3A_115 = arith.constant 0 : i32
    %dma_wait3A_116 = tpu.memref_slice %arg7[%dma_wait3A_108, %dma_wait3A_115] : memref<40x128xi32, #tpu.memory_space<vmem>> -> memref<1x128xi32, #tpu.memory_space<vmem>>
    %dma_wait3A_117 = tpu.memref_squeeze %dma_wait3A_116 : memref<1x128xi32, #tpu.memory_space<vmem>> -> memref<128xi32, #tpu.memory_space<vmem>>
    %dma_wait3A_118 = arith.constant 0 : i32
    %dma_wait3A_119 = arith.constant 0 : i32
    %dma_wait3A_120 = tpu.memref_slice %arg2[%dma_wait3A_118, %dma_wait3A_119] : memref<10240x128xf32, #tpu.memory_space<hbm>> -> memref<10240x128xf32, #tpu.memory_space<hbm>>
    %dma_wait3A_121 = tpu.memref_slice %arg10[%dma_wait3A_110] : memref<2x!tpu.dma_semaphore, #tpu.memory_space<semaphore_mem>> -> memref<1x!tpu.dma_semaphore, #tpu.memory_space<semaphore_mem>>
    %dma_wait3A_122 = tpu.memref_squeeze %dma_wait3A_121 : memref<1x!tpu.dma_semaphore, #tpu.memory_space<semaphore_mem>> -> memref<!tpu.dma_semaphore, #tpu.memory_space<semaphore_mem>>
    tpu.wait_indirect_dma semaphore(%dma_wait3A_122 : memref<!tpu.dma_semaphore, #tpu.memory_space<semaphore_mem>>) src(%dma_wait3A_120 : memref<10240x128xf32, #tpu.memory_space<hbm>>) dst(%dma_wait3A_114 : memref<128x128xf32, #tpu.memory_space<vmem>>)
    %dma_start3A_123 = arith.constant 1 : i32
    %dma_start3A_124 = arith.constant 39 : i32
    %dma_start3A_125 = arith.constant 1 : i32
    %dma_start3A_126 = arith.constant 0 : i32
    %dma_start3A_127 = arith.constant 0 : i32
    %dma_start3A_128 = tpu.memref_slice %arg9[%dma_start3A_123, %dma_start3A_126, %dma_start3A_127] : memref<2x128x128xf32, #tpu.memory_space<vmem>> -> memref<1x128x128xf32, #tpu.memory_space<vmem>>
    %dma_start3A_129 = tpu.memref_squeeze %dma_start3A_128 : memref<1x128x128xf32, #tpu.memory_space<vmem>> -> memref<128x128xf32, #tpu.memory_space<vmem>>
    %dma_start3A_130 = arith.constant 0 : i32
    %dma_start3A_131 = tpu.memref_slice %arg8[%dma_start3A_124, %dma_start3A_130] : memref<40x128xi32, #tpu.memory_space<vmem>> -> memref<1x128xi32, #tpu.memory_space<vmem>>
    %dma_start3A_132 = tpu.memref_squeeze %dma_start3A_131 : memref<1x128xi32, #tpu.memory_space<vmem>> -> memref<128xi32, #tpu.memory_space<vmem>>
    %dma_start3A_133 = arith.constant 0 : i32
    %dma_start3A_134 = arith.constant 0 : i32
    %dma_start3A_135 = tpu.memref_slice %arg12[%dma_start3A_133, %dma_start3A_134] : memref<10240x128xf32, #tpu.memory_space<vmem_shared>> -> memref<10240x128xf32, #tpu.memory_space<vmem_shared>>
    %dma_start3A_136 = tpu.memref_slice %arg11[%dma_start3A_125] : memref<2x!tpu.dma_semaphore, #tpu.memory_space<semaphore_mem>> -> memref<1x!tpu.dma_semaphore, #tpu.memory_space<semaphore_mem>>
    %dma_start3A_137 = tpu.memref_squeeze %dma_start3A_136 : memref<1x!tpu.dma_semaphore, #tpu.memory_space<semaphore_mem>> -> memref<!tpu.dma_semaphore, #tpu.memory_space<semaphore_mem>>
    tpu.enqueue_indirect_dma source(%dma_start3A_129 : memref<128x128xf32, #tpu.memory_space<vmem>>) target(%dma_start3A_135 : memref<10240x128xf32, #tpu.memory_space<vmem_shared>>) offsets(%dma_start3A_132 : memref<128xi32, #tpu.memory_space<vmem>>) semaphore(%dma_start3A_137 : memref<!tpu.dma_semaphore, #tpu.memory_space<semaphore_mem>>) {add = true}
    %dma_wait3A_138 = arith.constant 1 : i32
    %dma_wait3A_139 = arith.constant 39 : i32
    %dma_wait3A_140 = arith.constant 1 : i32
    %dma_wait3A_141 = arith.constant 0 : i32
    %dma_wait3A_142 = arith.constant 0 : i32
    %dma_wait3A_143 = tpu.memref_slice %arg9[%dma_wait3A_138, %dma_wait3A_141, %dma_wait3A_142] : memref<2x128x128xf32, #tpu.memory_space<vmem>> -> memref<1x128x128xf32, #tpu.memory_space<vmem>>
    %dma_wait3A_144 = tpu.memref_squeeze %dma_wait3A_143 : memref<1x128x128xf32, #tpu.memory_space<vmem>> -> memref<128x128xf32, #tpu.memory_space<vmem>>
    %dma_wait3A_145 = arith.constant 0 : i32
    %dma_wait3A_146 = tpu.memref_slice %arg8[%dma_wait3A_139, %dma_wait3A_145] : memref<40x128xi32, #tpu.memory_space<vmem>> -> memref<1x128xi32, #tpu.memory_space<vmem>>
    %dma_wait3A_147 = tpu.memref_squeeze %dma_wait3A_146 : memref<1x128xi32, #tpu.memory_space<vmem>> -> memref<128xi32, #tpu.memory_space<vmem>>
    %dma_wait3A_148 = arith.constant 0 : i32
    %dma_wait3A_149 = arith.constant 0 : i32
    %dma_wait3A_150 = tpu.memref_slice %arg12[%dma_wait3A_148, %dma_wait3A_149] : memref<10240x128xf32, #tpu.memory_space<vmem_shared>> -> memref<10240x128xf32, #tpu.memory_space<vmem_shared>>
    %dma_wait3A_151 = tpu.memref_slice %arg11[%dma_wait3A_140] : memref<2x!tpu.dma_semaphore, #tpu.memory_space<semaphore_mem>> -> memref<1x!tpu.dma_semaphore, #tpu.memory_space<semaphore_mem>>
    %dma_wait3A_152 = tpu.memref_squeeze %dma_wait3A_151 : memref<1x!tpu.dma_semaphore, #tpu.memory_space<semaphore_mem>> -> memref<!tpu.dma_semaphore, #tpu.memory_space<semaphore_mem>>
    tpu.wait_indirect_dma semaphore(%dma_wait3A_152 : memref<!tpu.dma_semaphore, #tpu.memory_space<semaphore_mem>>) src(%dma_wait3A_144 : memref<128x128xf32, #tpu.memory_space<vmem>>) dst(%dma_wait3A_150 : memref<10240x128xf32, #tpu.memory_space<vmem_shared>>)
    %mul3A_153 = arith.constant 16 : i32
    %mul3A_154 = arith.muli %arg0, %mul3A_153 : i32
    %add3A_155 = arith.addi %mul3A_154, %arg1 : i32
    %mul3A_156 = arith.constant 80 : i32
    %mul3A_157 = arith.muli %add3A_155, %mul3A_156 : i32
    %add3A_158 = arith.constant 40 : i32
    %add3A_159 = arith.addi %mul3A_157, %add3A_158 : i32
    "tpu.region"() ({
      %run_scoped3A_291 = tpu.sem_alloc : memref<!tpu.dma_semaphore, #tpu.memory_space<semaphore_mem>>
      %dma_start3A_292 = arith.constant 0 : i32
      %dma_start3A_293 = tpu.memref_slice %arg3[%add3A_159, %dma_start3A_292] : memref<2560x128xi32, #tpu.memory_space<hbm>> -> memref<40x128xi32, #tpu.memory_space<hbm>>
      %dma_start3A_294 = arith.constant 0 : i32
      %dma_start3A_295 = tpu.memref_slice %arg3[%add3A_159, %dma_start3A_294] : memref<2560x128xi32, #tpu.memory_space<hbm>> -> memref<40x128xi32, #tpu.memory_space<hbm>>
      tpu.enqueue_dma source(%dma_start3A_295 : memref<40x128xi32, #tpu.memory_space<hbm>>) target(%arg7 : memref<40x128xi32, #tpu.memory_space<vmem>>) target_semaphore(%run_scoped3A_291 : memref<!tpu.dma_semaphore, #tpu.memory_space<semaphore_mem>>)
      %dma_wait3A_296 = arith.constant 0 : i32
      %dma_wait3A_297 = tpu.memref_slice %arg3[%add3A_159, %dma_wait3A_296] : memref<2560x128xi32, #tpu.memory_space<hbm>> -> memref<40x128xi32, #tpu.memory_space<hbm>>
      %dma_wait3A_298 = arith.constant 0 : i32
      %dma_wait3A_299 = tpu.memref_slice %arg3[%add3A_159, %dma_wait3A_298] : memref<2560x128xi32, #tpu.memory_space<hbm>> -> memref<40x128xi32, #tpu.memory_space<hbm>>
      tpu.wait_dma2 semaphore(%run_scoped3A_291 : memref<!tpu.dma_semaphore, #tpu.memory_space<semaphore_mem>>) src(%dma_wait3A_299 : memref<40x128xi32, #tpu.memory_space<hbm>>) dst(%arg7 : memref<40x128xi32, #tpu.memory_space<vmem>>)
      tpu.yield
    }) : () -> ()
    "tpu.region"() ({
      %run_scoped3A_291 = tpu.sem_alloc : memref<!tpu.dma_semaphore, #tpu.memory_space<semaphore_mem>>
      %dma_start3A_292 = arith.constant 0 : i32
      %dma_start3A_293 = tpu.memref_slice %arg4[%add3A_159, %dma_start3A_292] : memref<2560x128xi32, #tpu.memory_space<hbm>> -> memref<40x128xi32, #tpu.memory_space<hbm>>
      %dma_start3A_294 = arith.constant 0 : i32
      %dma_start3A_295 = tpu.memref_slice %arg4[%add3A_159, %dma_start3A_294] : memref<2560x128xi32, #tpu.memory_space<hbm>> -> memref<40x128xi32, #tpu.memory_space<hbm>>
      tpu.enqueue_dma source(%dma_start3A_295 : memref<40x128xi32, #tpu.memory_space<hbm>>) target(%arg8 : memref<40x128xi32, #tpu.memory_space<vmem>>) target_semaphore(%run_scoped3A_291 : memref<!tpu.dma_semaphore, #tpu.memory_space<semaphore_mem>>)
      %dma_wait3A_296 = arith.constant 0 : i32
      %dma_wait3A_297 = tpu.memref_slice %arg4[%add3A_159, %dma_wait3A_296] : memref<2560x128xi32, #tpu.memory_space<hbm>> -> memref<40x128xi32, #tpu.memory_space<hbm>>
      %dma_wait3A_298 = arith.constant 0 : i32
      %dma_wait3A_299 = tpu.memref_slice %arg4[%add3A_159, %dma_wait3A_298] : memref<2560x128xi32, #tpu.memory_space<hbm>> -> memref<40x128xi32, #tpu.memory_space<hbm>>
      tpu.wait_dma2 semaphore(%run_scoped3A_291 : memref<!tpu.dma_semaphore, #tpu.memory_space<semaphore_mem>>) src(%dma_wait3A_299 : memref<40x128xi32, #tpu.memory_space<hbm>>) dst(%arg8 : memref<40x128xi32, #tpu.memory_space<vmem>>)
      tpu.yield
    }) : () -> ()
    %dma_start3A_160 = arith.constant 0 : i32
    %dma_start3A_161 = arith.constant 0 : i32
    %dma_start3A_162 = arith.constant 0 : i32
    %dma_start3A_163 = arith.constant 0 : i32
    %dma_start3A_164 = arith.constant 0 : i32
    %dma_start3A_165 = tpu.memref_slice %arg9[%dma_start3A_161, %dma_start3A_163, %dma_start3A_164] : memref<2x128x128xf32, #tpu.memory_space<vmem>> -> memref<1x128x128xf32, #tpu.memory_space<vmem>>
    %dma_start3A_166 = tpu.memref_squeeze %dma_start3A_165 : memref<1x128x128xf32, #tpu.memory_space<vmem>> -> memref<128x128xf32, #tpu.memory_space<vmem>>
    %dma_start3A_167 = arith.constant 0 : i32
    %dma_start3A_168 = tpu.memref_slice %arg7[%dma_start3A_160, %dma_start3A_167] : memref<40x128xi32, #tpu.memory_space<vmem>> -> memref<1x128xi32, #tpu.memory_space<vmem>>
    %dma_start3A_169 = tpu.memref_squeeze %dma_start3A_168 : memref<1x128xi32, #tpu.memory_space<vmem>> -> memref<128xi32, #tpu.memory_space<vmem>>
    %dma_start3A_170 = arith.constant 0 : i32
    %dma_start3A_171 = arith.constant 0 : i32
    %dma_start3A_172 = tpu.memref_slice %arg2[%dma_start3A_170, %dma_start3A_171] : memref<10240x128xf32, #tpu.memory_space<hbm>> -> memref<10240x128xf32, #tpu.memory_space<hbm>>
    %dma_start3A_173 = tpu.memref_slice %arg10[%dma_start3A_162] : memref<2x!tpu.dma_semaphore, #tpu.memory_space<semaphore_mem>> -> memref<1x!tpu.dma_semaphore, #tpu.memory_space<semaphore_mem>>
    %dma_start3A_174 = tpu.memref_squeeze %dma_start3A_173 : memref<1x!tpu.dma_semaphore, #tpu.memory_space<semaphore_mem>> -> memref<!tpu.dma_semaphore, #tpu.memory_space<semaphore_mem>>
    tpu.enqueue_indirect_dma source(%dma_start3A_172 : memref<10240x128xf32, #tpu.memory_space<hbm>>) target(%dma_start3A_166 : memref<128x128xf32, #tpu.memory_space<vmem>>) offsets(%dma_start3A_169 : memref<128xi32, #tpu.memory_space<vmem>>) semaphore(%dma_start3A_174 : memref<!tpu.dma_semaphore, #tpu.memory_space<semaphore_mem>>)
    %dma_start3A_175 = arith.constant 1 : i32
    %dma_start3A_176 = arith.constant 1 : i32
    %dma_start3A_177 = arith.constant 1 : i32
    %dma_start3A_178 = arith.constant 0 : i32
    %dma_start3A_179 = arith.constant 0 : i32
    %dma_start3A_180 = tpu.memref_slice %arg9[%dma_start3A_176, %dma_start3A_178, %dma_start3A_179] : memref<2x128x128xf32, #tpu.memory_space<vmem>> -> memref<1x128x128xf32, #tpu.memory_space<vmem>>
    %dma_start3A_181 = tpu.memref_squeeze %dma_start3A_180 : memref<1x128x128xf32, #tpu.memory_space<vmem>> -> memref<128x128xf32, #tpu.memory_space<vmem>>
    %dma_start3A_182 = arith.constant 0 : i32
    %dma_start3A_183 = tpu.memref_slice %arg7[%dma_start3A_175, %dma_start3A_182] : memref<40x128xi32, #tpu.memory_space<vmem>> -> memref<1x128xi32, #tpu.memory_space<vmem>>
    %dma_start3A_184 = tpu.memref_squeeze %dma_start3A_183 : memref<1x128xi32, #tpu.memory_space<vmem>> -> memref<128xi32, #tpu.memory_space<vmem>>
    %dma_start3A_185 = arith.constant 0 : i32
    %dma_start3A_186 = arith.constant 0 : i32
    %dma_start3A_187 = tpu.memref_slice %arg2[%dma_start3A_185, %dma_start3A_186] : memref<10240x128xf32, #tpu.memory_space<hbm>> -> memref<10240x128xf32, #tpu.memory_space<hbm>>
    %dma_start3A_188 = tpu.memref_slice %arg10[%dma_start3A_177] : memref<2x!tpu.dma_semaphore, #tpu.memory_space<semaphore_mem>> -> memref<1x!tpu.dma_semaphore, #tpu.memory_space<semaphore_mem>>
    %dma_start3A_189 = tpu.memref_squeeze %dma_start3A_188 : memref<1x!tpu.dma_semaphore, #tpu.memory_space<semaphore_mem>> -> memref<!tpu.dma_semaphore, #tpu.memory_space<semaphore_mem>>
    tpu.enqueue_indirect_dma source(%dma_start3A_187 : memref<10240x128xf32, #tpu.memory_space<hbm>>) target(%dma_start3A_181 : memref<128x128xf32, #tpu.memory_space<vmem>>) offsets(%dma_start3A_184 : memref<128xi32, #tpu.memory_space<vmem>>) semaphore(%dma_start3A_189 : memref<!tpu.dma_semaphore, #tpu.memory_space<semaphore_mem>>)
    %dma_wait3A_190 = arith.constant 0 : i32
    %dma_wait3A_191 = arith.constant 0 : i32
    %dma_wait3A_192 = arith.constant 0 : i32
    %dma_wait3A_193 = arith.constant 0 : i32
    %dma_wait3A_194 = arith.constant 0 : i32
    %dma_wait3A_195 = tpu.memref_slice %arg9[%dma_wait3A_191, %dma_wait3A_193, %dma_wait3A_194] : memref<2x128x128xf32, #tpu.memory_space<vmem>> -> memref<1x128x128xf32, #tpu.memory_space<vmem>>
    %dma_wait3A_196 = tpu.memref_squeeze %dma_wait3A_195 : memref<1x128x128xf32, #tpu.memory_space<vmem>> -> memref<128x128xf32, #tpu.memory_space<vmem>>
    %dma_wait3A_197 = arith.constant 0 : i32
    %dma_wait3A_198 = tpu.memref_slice %arg7[%dma_wait3A_190, %dma_wait3A_197] : memref<40x128xi32, #tpu.memory_space<vmem>> -> memref<1x128xi32, #tpu.memory_space<vmem>>
    %dma_wait3A_199 = tpu.memref_squeeze %dma_wait3A_198 : memref<1x128xi32, #tpu.memory_space<vmem>> -> memref<128xi32, #tpu.memory_space<vmem>>
    %dma_wait3A_200 = arith.constant 0 : i32
    %dma_wait3A_201 = arith.constant 0 : i32
    %dma_wait3A_202 = tpu.memref_slice %arg2[%dma_wait3A_200, %dma_wait3A_201] : memref<10240x128xf32, #tpu.memory_space<hbm>> -> memref<10240x128xf32, #tpu.memory_space<hbm>>
    %dma_wait3A_203 = tpu.memref_slice %arg10[%dma_wait3A_192] : memref<2x!tpu.dma_semaphore, #tpu.memory_space<semaphore_mem>> -> memref<1x!tpu.dma_semaphore, #tpu.memory_space<semaphore_mem>>
    %dma_wait3A_204 = tpu.memref_squeeze %dma_wait3A_203 : memref<1x!tpu.dma_semaphore, #tpu.memory_space<semaphore_mem>> -> memref<!tpu.dma_semaphore, #tpu.memory_space<semaphore_mem>>
    tpu.wait_indirect_dma semaphore(%dma_wait3A_204 : memref<!tpu.dma_semaphore, #tpu.memory_space<semaphore_mem>>) src(%dma_wait3A_202 : memref<10240x128xf32, #tpu.memory_space<hbm>>) dst(%dma_wait3A_196 : memref<128x128xf32, #tpu.memory_space<vmem>>)
    %dma_start3A_205 = arith.constant 0 : i32
    %dma_start3A_206 = arith.constant 0 : i32
    %dma_start3A_207 = arith.constant 0 : i32
    %dma_start3A_208 = arith.constant 0 : i32
    %dma_start3A_209 = arith.constant 0 : i32
    %dma_start3A_210 = tpu.memref_slice %arg9[%dma_start3A_205, %dma_start3A_208, %dma_start3A_209] : memref<2x128x128xf32, #tpu.memory_space<vmem>> -> memref<1x128x128xf32, #tpu.memory_space<vmem>>
    %dma_start3A_211 = tpu.memref_squeeze %dma_start3A_210 : memref<1x128x128xf32, #tpu.memory_space<vmem>> -> memref<128x128xf32, #tpu.memory_space<vmem>>
    %dma_start3A_212 = arith.constant 0 : i32
    %dma_start3A_213 = tpu.memref_slice %arg8[%dma_start3A_206, %dma_start3A_212] : memref<40x128xi32, #tpu.memory_space<vmem>> -> memref<1x128xi32, #tpu.memory_space<vmem>>
    %dma_start3A_214 = tpu.memref_squeeze %dma_start3A_213 : memref<1x128xi32, #tpu.memory_space<vmem>> -> memref<128xi32, #tpu.memory_space<vmem>>
    %dma_start3A_215 = arith.constant 0 : i32
    %dma_start3A_216 = arith.constant 0 : i32
    %dma_start3A_217 = tpu.memref_slice %arg12[%dma_start3A_215, %dma_start3A_216] : memref<10240x128xf32, #tpu.memory_space<vmem_shared>> -> memref<10240x128xf32, #tpu.memory_space<vmem_shared>>
    %dma_start3A_218 = tpu.memref_slice %arg11[%dma_start3A_207] : memref<2x!tpu.dma_semaphore, #tpu.memory_space<semaphore_mem>> -> memref<1x!tpu.dma_semaphore, #tpu.memory_space<semaphore_mem>>
    %dma_start3A_219 = tpu.memref_squeeze %dma_start3A_218 : memref<1x!tpu.dma_semaphore, #tpu.memory_space<semaphore_mem>> -> memref<!tpu.dma_semaphore, #tpu.memory_space<semaphore_mem>>
    tpu.enqueue_indirect_dma source(%dma_start3A_211 : memref<128x128xf32, #tpu.memory_space<vmem>>) target(%dma_start3A_217 : memref<10240x128xf32, #tpu.memory_space<vmem_shared>>) offsets(%dma_start3A_214 : memref<128xi32, #tpu.memory_space<vmem>>) semaphore(%dma_start3A_219 : memref<!tpu.dma_semaphore, #tpu.memory_space<semaphore_mem>>) {add = true}
    %scan3A_220 = arith.constant 0 : i32
    %scan3A_221 = arith.constant 0 : i32
    %scan3A_222 = arith.constant 19 : i32
    %scan3A_223 = arith.addi %scan3A_221, %scan3A_222 : i32
    %scan3A_224 = arith.constant 1 : i32
    scf.for %scan3A_291 = %scan3A_221 to %scan3A_223 step %scan3A_224  : i32 {
      %mul3A_292 = arith.constant 2 : i32
      %mul3A_293 = arith.muli %scan3A_291, %mul3A_292 : i32
      %add3A_294 = arith.constant 2 : i32
      %add3A_295 = arith.addi %add3A_294, %mul3A_293 : i32
      %add3A_296 = arith.constant 0 : i32
      %add3A_297 = arith.addi %add3A_295, %add3A_296 : i32
      %sub3A = arith.constant 2 : i32
      %sub3A_298 = arith.subi %add3A_297, %sub3A : i32
      %dma_wait3A_299 = arith.constant 0 : i32
      %dma_wait3A_300 = arith.constant 0 : i32
      %dma_wait3A_301 = arith.constant 0 : i32
      %dma_wait3A_302 = arith.constant 0 : i32
      %dma_wait3A_303 = tpu.memref_slice %arg9[%dma_wait3A_299, %dma_wait3A_301, %dma_wait3A_302] : memref<2x128x128xf32, #tpu.memory_space<vmem>> -> memref<1x128x128xf32, #tpu.memory_space<vmem>>
      %dma_wait3A_304 = tpu.memref_squeeze %dma_wait3A_303 : memref<1x128x128xf32, #tpu.memory_space<vmem>> -> memref<128x128xf32, #tpu.memory_space<vmem>>
      %dma_wait3A_305 = arith.constant 0 : i32
      %dma_wait3A_306 = tpu.memref_slice %arg8[%sub3A_298, %dma_wait3A_305] : memref<40x128xi32, #tpu.memory_space<vmem>> -> memref<1x128xi32, #tpu.memory_space<vmem>>
      %dma_wait3A_307 = tpu.memref_squeeze %dma_wait3A_306 : memref<1x128xi32, #tpu.memory_space<vmem>> -> memref<128xi32, #tpu.memory_space<vmem>>
      %dma_wait3A_308 = arith.constant 0 : i32
      %dma_wait3A_309 = arith.constant 0 : i32
      %dma_wait3A_310 = tpu.memref_slice %arg12[%dma_wait3A_308, %dma_wait3A_309] : memref<10240x128xf32, #tpu.memory_space<vmem_shared>> -> memref<10240x128xf32, #tpu.memory_space<vmem_shared>>
      %dma_wait3A_311 = tpu.memref_slice %arg11[%dma_wait3A_300] : memref<2x!tpu.dma_semaphore, #tpu.memory_space<semaphore_mem>> -> memref<1x!tpu.dma_semaphore, #tpu.memory_space<semaphore_mem>>
      %dma_wait3A_312 = tpu.memref_squeeze %dma_wait3A_311 : memref<1x!tpu.dma_semaphore, #tpu.memory_space<semaphore_mem>> -> memref<!tpu.dma_semaphore, #tpu.memory_space<semaphore_mem>>
      tpu.wait_indirect_dma semaphore(%dma_wait3A_312 : memref<!tpu.dma_semaphore, #tpu.memory_space<semaphore_mem>>) src(%dma_wait3A_304 : memref<128x128xf32, #tpu.memory_space<vmem>>) dst(%dma_wait3A_310 : memref<10240x128xf32, #tpu.memory_space<vmem_shared>>)
      %dma_start3A_313 = arith.constant 0 : i32
      %dma_start3A_314 = arith.constant 0 : i32
      %dma_start3A_315 = arith.constant 0 : i32
      %dma_start3A_316 = arith.constant 0 : i32
      %dma_start3A_317 = tpu.memref_slice %arg9[%dma_start3A_313, %dma_start3A_315, %dma_start3A_316] : memref<2x128x128xf32, #tpu.memory_space<vmem>> -> memref<1x128x128xf32, #tpu.memory_space<vmem>>
      %dma_start3A_318 = tpu.memref_squeeze %dma_start3A_317 : memref<1x128x128xf32, #tpu.memory_space<vmem>> -> memref<128x128xf32, #tpu.memory_space<vmem>>
      %dma_start3A_319 = arith.constant 0 : i32
      %dma_start3A_320 = tpu.memref_slice %arg7[%add3A_297, %dma_start3A_319] : memref<40x128xi32, #tpu.memory_space<vmem>> -> memref<1x128xi32, #tpu.memory_space<vmem>>
      %dma_start3A_321 = tpu.memref_squeeze %dma_start3A_320 : memref<1x128xi32, #tpu.memory_space<vmem>> -> memref<128xi32, #tpu.memory_space<vmem>>
      %dma_start3A_322 = arith.constant 0 : i32
      %dma_start3A_323 = arith.constant 0 : i32
      %dma_start3A_324 = tpu.memref_slice %arg2[%dma_start3A_322, %dma_start3A_323] : memref<10240x128xf32, #tpu.memory_space<hbm>> -> memref<10240x128xf32, #tpu.memory_space<hbm>>
      %dma_start3A_325 = tpu.memref_slice %arg10[%dma_start3A_314] : memref<2x!tpu.dma_semaphore, #tpu.memory_space<semaphore_mem>> -> memref<1x!tpu.dma_semaphore, #tpu.memory_space<semaphore_mem>>
      %dma_start3A_326 = tpu.memref_squeeze %dma_start3A_325 : memref<1x!tpu.dma_semaphore, #tpu.memory_space<semaphore_mem>> -> memref<!tpu.dma_semaphore, #tpu.memory_space<semaphore_mem>>
      tpu.enqueue_indirect_dma source(%dma_start3A_324 : memref<10240x128xf32, #tpu.memory_space<hbm>>) target(%dma_start3A_318 : memref<128x128xf32, #tpu.memory_space<vmem>>) offsets(%dma_start3A_321 : memref<128xi32, #tpu.memory_space<vmem>>) semaphore(%dma_start3A_326 : memref<!tpu.dma_semaphore, #tpu.memory_space<semaphore_mem>>)
      %sub3A_327 = arith.constant 1 : i32
      %sub3A_328 = arith.subi %add3A_297, %sub3A_327 : i32
      %dma_wait3A_329 = arith.constant 1 : i32
      %dma_wait3A_330 = arith.constant 1 : i32
      %dma_wait3A_331 = arith.constant 0 : i32
      %dma_wait3A_332 = arith.constant 0 : i32
      %dma_wait3A_333 = tpu.memref_slice %arg9[%dma_wait3A_329, %dma_wait3A_331, %dma_wait3A_332] : memref<2x128x128xf32, #tpu.memory_space<vmem>> -> memref<1x128x128xf32, #tpu.memory_space<vmem>>
      %dma_wait3A_334 = tpu.memref_squeeze %dma_wait3A_333 : memref<1x128x128xf32, #tpu.memory_space<vmem>> -> memref<128x128xf32, #tpu.memory_space<vmem>>
      %dma_wait3A_335 = arith.constant 0 : i32
      %dma_wait3A_336 = tpu.memref_slice %arg7[%sub3A_328, %dma_wait3A_335] : memref<40x128xi32, #tpu.memory_space<vmem>> -> memref<1x128xi32, #tpu.memory_space<vmem>>
      %dma_wait3A_337 = tpu.memref_squeeze %dma_wait3A_336 : memref<1x128xi32, #tpu.memory_space<vmem>> -> memref<128xi32, #tpu.memory_space<vmem>>
      %dma_wait3A_338 = arith.constant 0 : i32
      %dma_wait3A_339 = arith.constant 0 : i32
      %dma_wait3A_340 = tpu.memref_slice %arg2[%dma_wait3A_338, %dma_wait3A_339] : memref<10240x128xf32, #tpu.memory_space<hbm>> -> memref<10240x128xf32, #tpu.memory_space<hbm>>
      %dma_wait3A_341 = tpu.memref_slice %arg10[%dma_wait3A_330] : memref<2x!tpu.dma_semaphore, #tpu.memory_space<semaphore_mem>> -> memref<1x!tpu.dma_semaphore, #tpu.memory_space<semaphore_mem>>
      %dma_wait3A_342 = tpu.memref_squeeze %dma_wait3A_341 : memref<1x!tpu.dma_semaphore, #tpu.memory_space<semaphore_mem>> -> memref<!tpu.dma_semaphore, #tpu.memory_space<semaphore_mem>>
      tpu.wait_indirect_dma semaphore(%dma_wait3A_342 : memref<!tpu.dma_semaphore, #tpu.memory_space<semaphore_mem>>) src(%dma_wait3A_340 : memref<10240x128xf32, #tpu.memory_space<hbm>>) dst(%dma_wait3A_334 : memref<128x128xf32, #tpu.memory_space<vmem>>)
      %dma_start3A_343 = arith.constant 1 : i32
      %dma_start3A_344 = arith.constant 1 : i32
      %dma_start3A_345 = arith.constant 0 : i32
      %dma_start3A_346 = arith.constant 0 : i32
      %dma_start3A_347 = tpu.memref_slice %arg9[%dma_start3A_343, %dma_start3A_345, %dma_start3A_346] : memref<2x128x128xf32, #tpu.memory_space<vmem>> -> memref<1x128x128xf32, #tpu.memory_space<vmem>>
      %dma_start3A_348 = tpu.memref_squeeze %dma_start3A_347 : memref<1x128x128xf32, #tpu.memory_space<vmem>> -> memref<128x128xf32, #tpu.memory_space<vmem>>
      %dma_start3A_349 = arith.constant 0 : i32
      %dma_start3A_350 = tpu.memref_slice %arg8[%sub3A_328, %dma_start3A_349] : memref<40x128xi32, #tpu.memory_space<vmem>> -> memref<1x128xi32, #tpu.memory_space<vmem>>
      %dma_start3A_351 = tpu.memref_squeeze %dma_start3A_350 : memref<1x128xi32, #tpu.memory_space<vmem>> -> memref<128xi32, #tpu.memory_space<vmem>>
      %dma_start3A_352 = arith.constant 0 : i32
      %dma_start3A_353 = arith.constant 0 : i32
      %dma_start3A_354 = tpu.memref_slice %arg12[%dma_start3A_352, %dma_start3A_353] : memref<10240x128xf32, #tpu.memory_space<vmem_shared>> -> memref<10240x128xf32, #tpu.memory_space<vmem_shared>>
      %dma_start3A_355 = tpu.memref_slice %arg11[%dma_start3A_344] : memref<2x!tpu.dma_semaphore, #tpu.memory_space<semaphore_mem>> -> memref<1x!tpu.dma_semaphore, #tpu.memory_space<semaphore_mem>>
      %dma_start3A_356 = tpu.memref_squeeze %dma_start3A_355 : memref<1x!tpu.dma_semaphore, #tpu.memory_space<semaphore_mem>> -> memref<!tpu.dma_semaphore, #tpu.memory_space<semaphore_mem>>
      tpu.enqueue_indirect_dma source(%dma_start3A_348 : memref<128x128xf32, #tpu.memory_space<vmem>>) target(%dma_start3A_354 : memref<10240x128xf32, #tpu.memory_space<vmem_shared>>) offsets(%dma_start3A_351 : memref<128xi32, #tpu.memory_space<vmem>>) semaphore(%dma_start3A_356 : memref<!tpu.dma_semaphore, #tpu.memory_space<semaphore_mem>>) {add = true}
      %mul3A_357 = arith.constant 2 : i32
      %mul3A_358 = arith.muli %scan3A_291, %mul3A_357 : i32
      %add3A_359 = arith.constant 2 : i32
      %add3A_360 = arith.addi %add3A_359, %mul3A_358 : i32
      %add3A_361 = arith.constant 1 : i32
      %add3A_362 = arith.addi %add3A_360, %add3A_361 : i32
      %sub3A_363 = arith.constant 2 : i32
      %sub3A_364 = arith.subi %add3A_362, %sub3A_363 : i32
      %dma_wait3A_365 = arith.constant 1 : i32
      %dma_wait3A_366 = arith.constant 1 : i32
      %dma_wait3A_367 = arith.constant 0 : i32
      %dma_wait3A_368 = arith.constant 0 : i32
      %dma_wait3A_369 = tpu.memref_slice %arg9[%dma_wait3A_365, %dma_wait3A_367, %dma_wait3A_368] : memref<2x128x128xf32, #tpu.memory_space<vmem>> -> memref<1x128x128xf32, #tpu.memory_space<vmem>>
      %dma_wait3A_370 = tpu.memref_squeeze %dma_wait3A_369 : memref<1x128x128xf32, #tpu.memory_space<vmem>> -> memref<128x128xf32, #tpu.memory_space<vmem>>
      %dma_wait3A_371 = arith.constant 0 : i32
      %dma_wait3A_372 = tpu.memref_slice %arg8[%sub3A_364, %dma_wait3A_371] : memref<40x128xi32, #tpu.memory_space<vmem>> -> memref<1x128xi32, #tpu.memory_space<vmem>>
      %dma_wait3A_373 = tpu.memref_squeeze %dma_wait3A_372 : memref<1x128xi32, #tpu.memory_space<vmem>> -> memref<128xi32, #tpu.memory_space<vmem>>
      %dma_wait3A_374 = arith.constant 0 : i32
      %dma_wait3A_375 = arith.constant 0 : i32
      %dma_wait3A_376 = tpu.memref_slice %arg12[%dma_wait3A_374, %dma_wait3A_375] : memref<10240x128xf32, #tpu.memory_space<vmem_shared>> -> memref<10240x128xf32, #tpu.memory_space<vmem_shared>>
      %dma_wait3A_377 = tpu.memref_slice %arg11[%dma_wait3A_366] : memref<2x!tpu.dma_semaphore, #tpu.memory_space<semaphore_mem>> -> memref<1x!tpu.dma_semaphore, #tpu.memory_space<semaphore_mem>>
      %dma_wait3A_378 = tpu.memref_squeeze %dma_wait3A_377 : memref<1x!tpu.dma_semaphore, #tpu.memory_space<semaphore_mem>> -> memref<!tpu.dma_semaphore, #tpu.memory_space<semaphore_mem>>
      tpu.wait_indirect_dma semaphore(%dma_wait3A_378 : memref<!tpu.dma_semaphore, #tpu.memory_space<semaphore_mem>>) src(%dma_wait3A_370 : memref<128x128xf32, #tpu.memory_space<vmem>>) dst(%dma_wait3A_376 : memref<10240x128xf32, #tpu.memory_space<vmem_shared>>)
      %dma_start3A_379 = arith.constant 1 : i32
      %dma_start3A_380 = arith.constant 1 : i32
      %dma_start3A_381 = arith.constant 0 : i32
      %dma_start3A_382 = arith.constant 0 : i32
      %dma_start3A_383 = tpu.memref_slice %arg9[%dma_start3A_379, %dma_start3A_381, %dma_start3A_382] : memref<2x128x128xf32, #tpu.memory_space<vmem>> -> memref<1x128x128xf32, #tpu.memory_space<vmem>>
      %dma_start3A_384 = tpu.memref_squeeze %dma_start3A_383 : memref<1x128x128xf32, #tpu.memory_space<vmem>> -> memref<128x128xf32, #tpu.memory_space<vmem>>
      %dma_start3A_385 = arith.constant 0 : i32
      %dma_start3A_386 = tpu.memref_slice %arg7[%add3A_362, %dma_start3A_385] : memref<40x128xi32, #tpu.memory_space<vmem>> -> memref<1x128xi32, #tpu.memory_space<vmem>>
      %dma_start3A_387 = tpu.memref_squeeze %dma_start3A_386 : memref<1x128xi32, #tpu.memory_space<vmem>> -> memref<128xi32, #tpu.memory_space<vmem>>
      %dma_start3A_388 = arith.constant 0 : i32
      %dma_start3A_389 = arith.constant 0 : i32
      %dma_start3A_390 = tpu.memref_slice %arg2[%dma_start3A_388, %dma_start3A_389] : memref<10240x128xf32, #tpu.memory_space<hbm>> -> memref<10240x128xf32, #tpu.memory_space<hbm>>
      %dma_start3A_391 = tpu.memref_slice %arg10[%dma_start3A_380] : memref<2x!tpu.dma_semaphore, #tpu.memory_space<semaphore_mem>> -> memref<1x!tpu.dma_semaphore, #tpu.memory_space<semaphore_mem>>
      %dma_start3A_392 = tpu.memref_squeeze %dma_start3A_391 : memref<1x!tpu.dma_semaphore, #tpu.memory_space<semaphore_mem>> -> memref<!tpu.dma_semaphore, #tpu.memory_space<semaphore_mem>>
      tpu.enqueue_indirect_dma source(%dma_start3A_390 : memref<10240x128xf32, #tpu.memory_space<hbm>>) target(%dma_start3A_384 : memref<128x128xf32, #tpu.memory_space<vmem>>) offsets(%dma_start3A_387 : memref<128xi32, #tpu.memory_space<vmem>>) semaphore(%dma_start3A_392 : memref<!tpu.dma_semaphore, #tpu.memory_space<semaphore_mem>>)
      %sub3A_393 = arith.constant 1 : i32
      %sub3A_394 = arith.subi %add3A_362, %sub3A_393 : i32
      %dma_wait3A_395 = arith.constant 0 : i32
      %dma_wait3A_396 = arith.constant 0 : i32
      %dma_wait3A_397 = arith.constant 0 : i32
      %dma_wait3A_398 = arith.constant 0 : i32
      %dma_wait3A_399 = tpu.memref_slice %arg9[%dma_wait3A_395, %dma_wait3A_397, %dma_wait3A_398] : memref<2x128x128xf32, #tpu.memory_space<vmem>> -> memref<1x128x128xf32, #tpu.memory_space<vmem>>
      %dma_wait3A_400 = tpu.memref_squeeze %dma_wait3A_399 : memref<1x128x128xf32, #tpu.memory_space<vmem>> -> memref<128x128xf32, #tpu.memory_space<vmem>>
      %dma_wait3A_401 = arith.constant 0 : i32
      %dma_wait3A_402 = tpu.memref_slice %arg7[%sub3A_394, %dma_wait3A_401] : memref<40x128xi32, #tpu.memory_space<vmem>> -> memref<1x128xi32, #tpu.memory_space<vmem>>
      %dma_wait3A_403 = tpu.memref_squeeze %dma_wait3A_402 : memref<1x128xi32, #tpu.memory_space<vmem>> -> memref<128xi32, #tpu.memory_space<vmem>>
      %dma_wait3A_404 = arith.constant 0 : i32
      %dma_wait3A_405 = arith.constant 0 : i32
      %dma_wait3A_406 = tpu.memref_slice %arg2[%dma_wait3A_404, %dma_wait3A_405] : memref<10240x128xf32, #tpu.memory_space<hbm>> -> memref<10240x128xf32, #tpu.memory_space<hbm>>
      %dma_wait3A_407 = tpu.memref_slice %arg10[%dma_wait3A_396] : memref<2x!tpu.dma_semaphore, #tpu.memory_space<semaphore_mem>> -> memref<1x!tpu.dma_semaphore, #tpu.memory_space<semaphore_mem>>
      %dma_wait3A_408 = tpu.memref_squeeze %dma_wait3A_407 : memref<1x!tpu.dma_semaphore, #tpu.memory_space<semaphore_mem>> -> memref<!tpu.dma_semaphore, #tpu.memory_space<semaphore_mem>>
      tpu.wait_indirect_dma semaphore(%dma_wait3A_408 : memref<!tpu.dma_semaphore, #tpu.memory_space<semaphore_mem>>) src(%dma_wait3A_406 : memref<10240x128xf32, #tpu.memory_space<hbm>>) dst(%dma_wait3A_400 : memref<128x128xf32, #tpu.memory_space<vmem>>)
      %dma_start3A_409 = arith.constant 0 : i32
      %dma_start3A_410 = arith.constant 0 : i32
      %dma_start3A_411 = arith.constant 0 : i32
      %dma_start3A_412 = arith.constant 0 : i32
      %dma_start3A_413 = tpu.memref_slice %arg9[%dma_start3A_409, %dma_start3A_411, %dma_start3A_412] : memref<2x128x128xf32, #tpu.memory_space<vmem>> -> memref<1x128x128xf32, #tpu.memory_space<vmem>>
      %dma_start3A_414 = tpu.memref_squeeze %dma_start3A_413 : memref<1x128x128xf32, #tpu.memory_space<vmem>> -> memref<128x128xf32, #tpu.memory_space<vmem>>
      %dma_start3A_415 = arith.constant 0 : i32
      %dma_start3A_416 = tpu.memref_slice %arg8[%sub3A_394, %dma_start3A_415] : memref<40x128xi32, #tpu.memory_space<vmem>> -> memref<1x128xi32, #tpu.memory_space<vmem>>
      %dma_start3A_417 = tpu.memref_squeeze %dma_start3A_416 : memref<1x128xi32, #tpu.memory_space<vmem>> -> memref<128xi32, #tpu.memory_space<vmem>>
      %dma_start3A_418 = arith.constant 0 : i32
      %dma_start3A_419 = arith.constant 0 : i32
      %dma_start3A_420 = tpu.memref_slice %arg12[%dma_start3A_418, %dma_start3A_419] : memref<10240x128xf32, #tpu.memory_space<vmem_shared>> -> memref<10240x128xf32, #tpu.memory_space<vmem_shared>>
      %dma_start3A_421 = tpu.memref_slice %arg11[%dma_start3A_410] : memref<2x!tpu.dma_semaphore, #tpu.memory_space<semaphore_mem>> -> memref<1x!tpu.dma_semaphore, #tpu.memory_space<semaphore_mem>>
      %dma_start3A_422 = tpu.memref_squeeze %dma_start3A_421 : memref<1x!tpu.dma_semaphore, #tpu.memory_space<semaphore_mem>> -> memref<!tpu.dma_semaphore, #tpu.memory_space<semaphore_mem>>
      tpu.enqueue_indirect_dma source(%dma_start3A_414 : memref<128x128xf32, #tpu.memory_space<vmem>>) target(%dma_start3A_420 : memref<10240x128xf32, #tpu.memory_space<vmem_shared>>) offsets(%dma_start3A_417 : memref<128xi32, #tpu.memory_space<vmem>>) semaphore(%dma_start3A_422 : memref<!tpu.dma_semaphore, #tpu.memory_space<semaphore_mem>>) {add = true}
    }
    %scan3A_225 = arith.constant 19 : i32
    %dma_wait3A_226 = arith.constant 0 : i32
    %dma_wait3A_227 = arith.constant 38 : i32
    %dma_wait3A_228 = arith.constant 0 : i32
    %dma_wait3A_229 = arith.constant 0 : i32
    %dma_wait3A_230 = arith.constant 0 : i32
    %dma_wait3A_231 = tpu.memref_slice %arg9[%dma_wait3A_226, %dma_wait3A_229, %dma_wait3A_230] : memref<2x128x128xf32, #tpu.memory_space<vmem>> -> memref<1x128x128xf32, #tpu.memory_space<vmem>>
    %dma_wait3A_232 = tpu.memref_squeeze %dma_wait3A_231 : memref<1x128x128xf32, #tpu.memory_space<vmem>> -> memref<128x128xf32, #tpu.memory_space<vmem>>
    %dma_wait3A_233 = arith.constant 0 : i32
    %dma_wait3A_234 = tpu.memref_slice %arg8[%dma_wait3A_227, %dma_wait3A_233] : memref<40x128xi32, #tpu.memory_space<vmem>> -> memref<1x128xi32, #tpu.memory_space<vmem>>
    %dma_wait3A_235 = tpu.memref_squeeze %dma_wait3A_234 : memref<1x128xi32, #tpu.memory_space<vmem>> -> memref<128xi32, #tpu.memory_space<vmem>>
    %dma_wait3A_236 = arith.constant 0 : i32
    %dma_wait3A_237 = arith.constant 0 : i32
    %dma_wait3A_238 = tpu.memref_slice %arg12[%dma_wait3A_236, %dma_wait3A_237] : memref<10240x128xf32, #tpu.memory_space<vmem_shared>> -> memref<10240x128xf32, #tpu.memory_space<vmem_shared>>
    %dma_wait3A_239 = tpu.memref_slice %arg11[%dma_wait3A_228] : memref<2x!tpu.dma_semaphore, #tpu.memory_space<semaphore_mem>> -> memref<1x!tpu.dma_semaphore, #tpu.memory_space<semaphore_mem>>
    %dma_wait3A_240 = tpu.memref_squeeze %dma_wait3A_239 : memref<1x!tpu.dma_semaphore, #tpu.memory_space<semaphore_mem>> -> memref<!tpu.dma_semaphore, #tpu.memory_space<semaphore_mem>>
    tpu.wait_indirect_dma semaphore(%dma_wait3A_240 : memref<!tpu.dma_semaphore, #tpu.memory_space<semaphore_mem>>) src(%dma_wait3A_232 : memref<128x128xf32, #tpu.memory_space<vmem>>) dst(%dma_wait3A_238 : memref<10240x128xf32, #tpu.memory_space<vmem_shared>>)
    %dma_wait3A_241 = arith.constant 39 : i32
    %dma_wait3A_242 = arith.constant 1 : i32
    %dma_wait3A_243 = arith.constant 1 : i32
    %dma_wait3A_244 = arith.constant 0 : i32
    %dma_wait3A_245 = arith.constant 0 : i32
    %dma_wait3A_246 = tpu.memref_slice %arg9[%dma_wait3A_242, %dma_wait3A_244, %dma_wait3A_245] : memref<2x128x128xf32, #tpu.memory_space<vmem>> -> memref<1x128x128xf32, #tpu.memory_space<vmem>>
    %dma_wait3A_247 = tpu.memref_squeeze %dma_wait3A_246 : memref<1x128x128xf32, #tpu.memory_space<vmem>> -> memref<128x128xf32, #tpu.memory_space<vmem>>
    %dma_wait3A_248 = arith.constant 0 : i32
    %dma_wait3A_249 = tpu.memref_slice %arg7[%dma_wait3A_241, %dma_wait3A_248] : memref<40x128xi32, #tpu.memory_space<vmem>> -> memref<1x128xi32, #tpu.memory_space<vmem>>
    %dma_wait3A_250 = tpu.memref_squeeze %dma_wait3A_249 : memref<1x128xi32, #tpu.memory_space<vmem>> -> memref<128xi32, #tpu.memory_space<vmem>>
    %dma_wait3A_251 = arith.constant 0 : i32
    %dma_wait3A_252 = arith.constant 0 : i32
    %dma_wait3A_253 = tpu.memref_slice %arg2[%dma_wait3A_251, %dma_wait3A_252] : memref<10240x128xf32, #tpu.memory_space<hbm>> -> memref<10240x128xf32, #tpu.memory_space<hbm>>
    %dma_wait3A_254 = tpu.memref_slice %arg10[%dma_wait3A_243] : memref<2x!tpu.dma_semaphore, #tpu.memory_space<semaphore_mem>> -> memref<1x!tpu.dma_semaphore, #tpu.memory_space<semaphore_mem>>
    %dma_wait3A_255 = tpu.memref_squeeze %dma_wait3A_254 : memref<1x!tpu.dma_semaphore, #tpu.memory_space<semaphore_mem>> -> memref<!tpu.dma_semaphore, #tpu.memory_space<semaphore_mem>>
    tpu.wait_indirect_dma semaphore(%dma_wait3A_255 : memref<!tpu.dma_semaphore, #tpu.memory_space<semaphore_mem>>) src(%dma_wait3A_253 : memref<10240x128xf32, #tpu.memory_space<hbm>>) dst(%dma_wait3A_247 : memref<128x128xf32, #tpu.memory_space<vmem>>)
    %dma_start3A_256 = arith.constant 1 : i32
    %dma_start3A_257 = arith.constant 39 : i32
    %dma_start3A_258 = arith.constant 1 : i32
    %dma_start3A_259 = arith.constant 0 : i32
    %dma_start3A_260 = arith.constant 0 : i32
    %dma_start3A_261 = tpu.memref_slice %arg9[%dma_start3A_256, %dma_start3A_259, %dma_start3A_260] : memref<2x128x128xf32, #tpu.memory_space<vmem>> -> memref<1x128x128xf32, #tpu.memory_space<vmem>>
    %dma_start3A_262 = tpu.memref_squeeze %dma_start3A_261 : memref<1x128x128xf32, #tpu.memory_space<vmem>> -> memref<128x128xf32, #tpu.memory_space<vmem>>
    %dma_start3A_263 = arith.constant 0 : i32
    %dma_start3A_264 = tpu.memref_slice %arg8[%dma_start3A_257, %dma_start3A_263] : memref<40x128xi32, #tpu.memory_space<vmem>> -> memref<1x128xi32, #tpu.memory_space<vmem>>
    %dma_start3A_265 = tpu.memref_squeeze %dma_start3A_264 : memref<1x128xi32, #tpu.memory_space<vmem>> -> memref<128xi32, #tpu.memory_space<vmem>>
    %dma_start3A_266 = arith.constant 0 : i32
    %dma_start3A_267 = arith.constant 0 : i32
    %dma_start3A_268 = tpu.memref_slice %arg12[%dma_start3A_266, %dma_start3A_267] : memref<10240x128xf32, #tpu.memory_space<vmem_shared>> -> memref<10240x128xf32, #tpu.memory_space<vmem_shared>>
    %dma_start3A_269 = tpu.memref_slice %arg11[%dma_start3A_258] : memref<2x!tpu.dma_semaphore, #tpu.memory_space<semaphore_mem>> -> memref<1x!tpu.dma_semaphore, #tpu.memory_space<semaphore_mem>>
    %dma_start3A_270 = tpu.memref_squeeze %dma_start3A_269 : memref<1x!tpu.dma_semaphore, #tpu.memory_space<semaphore_mem>> -> memref<!tpu.dma_semaphore, #tpu.memory_space<semaphore_mem>>
    tpu.enqueue_indirect_dma source(%dma_start3A_262 : memref<128x128xf32, #tpu.memory_space<vmem>>) target(%dma_start3A_268 : memref<10240x128xf32, #tpu.memory_space<vmem_shared>>) offsets(%dma_start3A_265 : memref<128xi32, #tpu.memory_space<vmem>>) semaphore(%dma_start3A_270 : memref<!tpu.dma_semaphore, #tpu.memory_space<semaphore_mem>>) {add = true}
    %dma_wait3A_271 = arith.constant 1 : i32
    %dma_wait3A_272 = arith.constant 39 : i32
    %dma_wait3A_273 = arith.constant 1 : i32
    %dma_wait3A_274 = arith.constant 0 : i32
    %dma_wait3A_275 = arith.constant 0 : i32
    %dma_wait3A_276 = tpu.memref_slice %arg9[%dma_wait3A_271, %dma_wait3A_274, %dma_wait3A_275] : memref<2x128x128xf32, #tpu.memory_space<vmem>> -> memref<1x128x128xf32, #tpu.memory_space<vmem>>
    %dma_wait3A_277 = tpu.memref_squeeze %dma_wait3A_276 : memref<1x128x128xf32, #tpu.memory_space<vmem>> -> memref<128x128xf32, #tpu.memory_space<vmem>>
    %dma_wait3A_278 = arith.constant 0 : i32
    %dma_wait3A_279 = tpu.memref_slice %arg8[%dma_wait3A_272, %dma_wait3A_278] : memref<40x128xi32, #tpu.memory_space<vmem>> -> memref<1x128xi32, #tpu.memory_space<vmem>>
    %dma_wait3A_280 = tpu.memref_squeeze %dma_wait3A_279 : memref<1x128xi32, #tpu.memory_space<vmem>> -> memref<128xi32, #tpu.memory_space<vmem>>
    %dma_wait3A_281 = arith.constant 0 : i32
    %dma_wait3A_282 = arith.constant 0 : i32
    %dma_wait3A_283 = tpu.memref_slice %arg12[%dma_wait3A_281, %dma_wait3A_282] : memref<10240x128xf32, #tpu.memory_space<vmem_shared>> -> memref<10240x128xf32, #tpu.memory_space<vmem_shared>>
    %dma_wait3A_284 = tpu.memref_slice %arg11[%dma_wait3A_273] : memref<2x!tpu.dma_semaphore, #tpu.memory_space<semaphore_mem>> -> memref<1x!tpu.dma_semaphore, #tpu.memory_space<semaphore_mem>>
    %dma_wait3A_285 = tpu.memref_squeeze %dma_wait3A_284 : memref<1x!tpu.dma_semaphore, #tpu.memory_space<semaphore_mem>> -> memref<!tpu.dma_semaphore, #tpu.memory_space<semaphore_mem>>
    tpu.wait_indirect_dma semaphore(%dma_wait3A_285 : memref<!tpu.dma_semaphore, #tpu.memory_space<semaphore_mem>>) src(%dma_wait3A_277 : memref<128x128xf32, #tpu.memory_space<vmem>>) dst(%dma_wait3A_283 : memref<10240x128xf32, #tpu.memory_space<vmem_shared>>)
    %barrier3A_286 = arith.constant 0 : index
    tpu.barrier barrier_id(%barrier3A_286)
    %mul3A_287 = arith.constant 640 : i32
    %mul3A_288 = arith.muli %arg1, %mul3A_287 : i32
    %mul3A_289 = arith.constant 640 : i32
    %mul3A_290 = arith.muli %arg1, %mul3A_289 : i32
    "tpu.region"() ({
      %run_scoped3A_291 = tpu.sem_alloc : memref<!tpu.dma_semaphore, #tpu.memory_space<semaphore_mem>>
      %dma_start3A_292 = arith.constant 0 : i32
      %dma_start3A_293 = arith.constant 0 : i32
      %dma_start3A_294 = tpu.memref_slice %arg6[%arg0, %dma_start3A_292, %dma_start3A_293] : memref<2x10240x128xf32, #tpu.memory_space<hbm>> -> memref<1x10240x128xf32, #tpu.memory_space<hbm>>
      %dma_start3A_295 = tpu.memref_squeeze %dma_start3A_294 : memref<1x10240x128xf32, #tpu.memory_space<hbm>> -> memref<10240x128xf32, #tpu.memory_space<hbm>>
      %dma_start3A_296 = arith.constant 0 : i32
      %dma_start3A_297 = tpu.memref_slice %dma_start3A_295[%mul3A_290, %dma_start3A_296] : memref<10240x128xf32, #tpu.memory_space<hbm>> -> memref<640x128xf32, #tpu.memory_space<hbm>>
      %dma_start3A_298 = arith.constant 0 : i32
      %dma_start3A_299 = tpu.memref_slice %arg12[%mul3A_288, %dma_start3A_298] : memref<10240x128xf32, #tpu.memory_space<vmem_shared>> -> memref<640x128xf32, #tpu.memory_space<vmem_shared>>
      tpu.enqueue_dma source(%dma_start3A_299 : memref<640x128xf32, #tpu.memory_space<vmem_shared>>) target(%dma_start3A_297 : memref<640x128xf32, #tpu.memory_space<hbm>>) target_semaphore(%run_scoped3A_291 : memref<!tpu.dma_semaphore, #tpu.memory_space<semaphore_mem>>)
      %dma_wait3A_300 = arith.constant 0 : i32
      %dma_wait3A_301 = arith.constant 0 : i32
      %dma_wait3A_302 = tpu.memref_slice %arg6[%arg0, %dma_wait3A_300, %dma_wait3A_301] : memref<2x10240x128xf32, #tpu.memory_space<hbm>> -> memref<1x10240x128xf32, #tpu.memory_space<hbm>>
      %dma_wait3A_303 = tpu.memref_squeeze %dma_wait3A_302 : memref<1x10240x128xf32, #tpu.memory_space<hbm>> -> memref<10240x128xf32, #tpu.memory_space<hbm>>
      %dma_wait3A_304 = arith.constant 0 : i32
      %dma_wait3A_305 = tpu.memref_slice %dma_wait3A_303[%mul3A_290, %dma_wait3A_304] : memref<10240x128xf32, #tpu.memory_space<hbm>> -> memref<640x128xf32, #tpu.memory_space<hbm>>
      %dma_wait3A_306 = arith.constant 0 : i32
      %dma_wait3A_307 = tpu.memref_slice %arg12[%mul3A_288, %dma_wait3A_306] : memref<10240x128xf32, #tpu.memory_space<vmem_shared>> -> memref<640x128xf32, #tpu.memory_space<vmem_shared>>
      tpu.wait_dma2 semaphore(%run_scoped3A_291 : memref<!tpu.dma_semaphore, #tpu.memory_space<semaphore_mem>>) src(%dma_wait3A_307 : memref<640x128xf32, #tpu.memory_space<vmem_shared>>) dst(%dma_wait3A_305 : memref<640x128xf32, #tpu.memory_space<hbm>>)
      tpu.yield
    }) : () -> ()
    return
  }
}

#map = affine_map<(d0, d1) -> (0, 0)>
#map1 = affine_map<(d0, d1) -> (0, 0, 0)>
module attributes {stable_mosaic.version = 14 : i64} {
  func.func @_sc_agg_body(%arg0: i32, %arg1: i32, %arg2: memref<10240x128xf32, #tpu.memory_space<hbm>>, %arg3: memref<2560x128xi32, #tpu.memory_space<hbm>>, %arg4: memref<2560x128xi32, #tpu.memory_space<hbm>>, %arg5: memref<128x128xf32, #tpu.memory_space<hbm>>, %arg6: memref<2x10240x128xf32, #tpu.memory_space<hbm>>, %arg7: memref<40x128xi32, #tpu.memory_space<vmem>>, %arg8: memref<40x128xi32, #tpu.memory_space<vmem>>, %arg9: memref<2x128x128xf32, #tpu.memory_space<vmem>>, %arg10: memref<2x!tpu.dma_semaphore, #tpu.memory_space<semaphore_mem>>, %arg11: memref<2x!tpu.dma_semaphore, #tpu.memory_space<semaphore_mem>>, %arg12: memref<10240x128xf32, #tpu.memory_space<vmem_shared>>) attributes {dimension_semantics = [#tpu.dimension_semantics<core_parallel>, #tpu.dimension_semantics<subcore_parallel>], iteration_bounds = array<i64: 2, 16>, scalar_prefetch = 0 : i64, scratch_operands = 6 : i64, tpu.core_type = #tpu.core_type<sc_vector_subcore>, window_params = [{transform_indices = #map}, {transform_indices = #map}, {transform_indices = #map}, {transform_indices = #map}, {transform_indices = #map1}]} {
    %run_scoped3A = arith.constant 0 : i32
    "tpu.region"() ({
      %run_scoped3A_291 = tpu.sem_alloc : memref<!tpu.dma_semaphore, #tpu.memory_space<semaphore_mem>>
      %dma_start3A_292 = arith.constant 0 : i32
      %dma_start3A_293 = arith.constant 0 : i32
      %dma_start3A_294 = tpu.memref_slice %arg9[%run_scoped3A, %dma_start3A_292, %dma_start3A_293] : memref<2x128x128xf32, #tpu.memory_space<vmem>> -> memref<1x128x128xf32, #tpu.memory_space<vmem>>
      %dma_start3A_295 = tpu.memref_squeeze %dma_start3A_294 : memref<1x128x128xf32, #tpu.memory_space<vmem>> -> memref<128x128xf32, #tpu.memory_space<vmem>>
      %dma_start3A_296 = arith.constant 0 : i32
      %dma_start3A_297 = arith.constant 0 : i32
      %dma_start3A_298 = tpu.memref_slice %arg9[%run_scoped3A, %dma_start3A_296, %dma_start3A_297] : memref<2x128x128xf32, #tpu.memory_space<vmem>> -> memref<1x128x128xf32, #tpu.memory_space<vmem>>
      %dma_start3A_299 = tpu.memref_squeeze %dma_start3A_298 : memref<1x128x128xf32, #tpu.memory_space<vmem>> -> memref<128x128xf32, #tpu.memory_space<vmem>>
      tpu.enqueue_dma source(%arg5 : memref<128x128xf32, #tpu.memory_space<hbm>>) target(%dma_start3A_299 : memref<128x128xf32, #tpu.memory_space<vmem>>) target_semaphore(%run_scoped3A_291 : memref<!tpu.dma_semaphore, #tpu.memory_space<semaphore_mem>>)
      %dma_wait3A_300 = arith.constant 0 : i32
      %dma_wait3A_301 = arith.constant 0 : i32
      %dma_wait3A_302 = tpu.memref_slice %arg9[%run_scoped3A, %dma_wait3A_300, %dma_wait3A_301] : memref<2x128x128xf32, #tpu.memory_space<vmem>> -> memref<1x128x128xf32, #tpu.memory_space<vmem>>
      %dma_wait3A_303 = tpu.memref_squeeze %dma_wait3A_302 : memref<1x128x128xf32, #tpu.memory_space<vmem>> -> memref<128x128xf32, #tpu.memory_space<vmem>>
      %dma_wait3A_304 = arith.constant 0 : i32
      %dma_wait3A_305 = arith.constant 0 : i32
      %dma_wait3A_306 = tpu.memref_slice %arg9[%run_scoped3A, %dma_wait3A_304, %dma_wait3A_305] : memref<2x128x128xf32, #tpu.memory_space<vmem>> -> memref<1x128x128xf32, #tpu.memory_space<vmem>>
      %dma_wait3A_307 = tpu.memref_squeeze %dma_wait3A_306 : memref<1x128x128xf32, #tpu.memory_space<vmem>> -> memref<128x128xf32, #tpu.memory_space<vmem>>
      tpu.wait_dma2 semaphore(%run_scoped3A_291 : memref<!tpu.dma_semaphore, #tpu.memory_space<semaphore_mem>>) src(%arg5 : memref<128x128xf32, #tpu.memory_space<hbm>>) dst(%dma_wait3A_307 : memref<128x128xf32, #tpu.memory_space<vmem>>)
      tpu.yield
    }) : () -> ()
    %mul3A = arith.constant 640 : i32
    %mul3A_0 = arith.muli %arg1, %mul3A : i32
    %add3A = arith.constant 0 : i32
    %add3A_1 = arith.addi %mul3A_0, %add3A : i32
    %run_scoped3A_2 = arith.constant 0 : i32
    "tpu.region"() ({
      %run_scoped3A_291 = tpu.sem_alloc : memref<!tpu.dma_semaphore, #tpu.memory_space<semaphore_mem>>
      %dma_start3A_292 = arith.constant 0 : i32
      %dma_start3A_293 = arith.constant 0 : i32
      %dma_start3A_294 = tpu.memref_slice %arg9[%run_scoped3A_2, %dma_start3A_292, %dma_start3A_293] : memref<2x128x128xf32, #tpu.memory_space<vmem>> -> memref<1x128x128xf32, #tpu.memory_space<vmem>>
      %dma_start3A_295 = tpu.memref_squeeze %dma_start3A_294 : memref<1x128x128xf32, #tpu.memory_space<vmem>> -> memref<128x128xf32, #tpu.memory_space<vmem>>
      %dma_start3A_296 = arith.constant 0 : i32
      %dma_start3A_297 = tpu.memref_slice %arg12[%add3A_1, %dma_start3A_296] : memref<10240x128xf32, #tpu.memory_space<vmem_shared>> -> memref<128x128xf32, #tpu.memory_space<vmem_shared>>
      %dma_start3A_298 = arith.constant 0 : i32
      %dma_start3A_299 = tpu.memref_slice %arg12[%add3A_1, %dma_start3A_298] : memref<10240x128xf32, #tpu.memory_space<vmem_shared>> -> memref<128x128xf32, #tpu.memory_space<vmem_shared>>
      %dma_start3A_300 = arith.constant 0 : i32
      %dma_start3A_301 = arith.constant 0 : i32
      %dma_start3A_302 = tpu.memref_slice %arg9[%run_scoped3A_2, %dma_start3A_300, %dma_start3A_301] : memref<2x128x128xf32, #tpu.memory_space<vmem>> -> memref<1x128x128xf32, #tpu.memory_space<vmem>>
      %dma_start3A_303 = tpu.memref_squeeze %dma_start3A_302 : memref<1x128x128xf32, #tpu.memory_space<vmem>> -> memref<128x128xf32, #tpu.memory_space<vmem>>
      tpu.enqueue_dma source(%dma_start3A_303 : memref<128x128xf32, #tpu.memory_space<vmem>>) target(%dma_start3A_299 : memref<128x128xf32, #tpu.memory_space<vmem_shared>>) target_semaphore(%run_scoped3A_291 : memref<!tpu.dma_semaphore, #tpu.memory_space<semaphore_mem>>)
      %dma_wait3A_304 = arith.constant 0 : i32
      %dma_wait3A_305 = arith.constant 0 : i32
      %dma_wait3A_306 = tpu.memref_slice %arg9[%run_scoped3A_2, %dma_wait3A_304, %dma_wait3A_305] : memref<2x128x128xf32, #tpu.memory_space<vmem>> -> memref<1x128x128xf32, #tpu.memory_space<vmem>>
      %dma_wait3A_307 = tpu.memref_squeeze %dma_wait3A_306 : memref<1x128x128xf32, #tpu.memory_space<vmem>> -> memref<128x128xf32, #tpu.memory_space<vmem>>
      %dma_wait3A_308 = arith.constant 0 : i32
      %dma_wait3A_309 = tpu.memref_slice %arg12[%add3A_1, %dma_wait3A_308] : memref<10240x128xf32, #tpu.memory_space<vmem_shared>> -> memref<128x128xf32, #tpu.memory_space<vmem_shared>>
      %dma_wait3A_310 = arith.constant 0 : i32
      %dma_wait3A_311 = tpu.memref_slice %arg12[%add3A_1, %dma_wait3A_310] : memref<10240x128xf32, #tpu.memory_space<vmem_shared>> -> memref<128x128xf32, #tpu.memory_space<vmem_shared>>
      %dma_wait3A_312 = arith.constant 0 : i32
      %dma_wait3A_313 = arith.constant 0 : i32
      %dma_wait3A_314 = tpu.memref_slice %arg9[%run_scoped3A_2, %dma_wait3A_312, %dma_wait3A_313] : memref<2x128x128xf32, #tpu.memory_space<vmem>> -> memref<1x128x128xf32, #tpu.memory_space<vmem>>
      %dma_wait3A_315 = tpu.memref_squeeze %dma_wait3A_314 : memref<1x128x128xf32, #tpu.memory_space<vmem>> -> memref<128x128xf32, #tpu.memory_space<vmem>>
      tpu.wait_dma2 semaphore(%run_scoped3A_291 : memref<!tpu.dma_semaphore, #tpu.memory_space<semaphore_mem>>) src(%dma_wait3A_315 : memref<128x128xf32, #tpu.memory_space<vmem>>) dst(%dma_wait3A_311 : memref<128x128xf32, #tpu.memory_space<vmem_shared>>)
      tpu.yield
    }) : () -> ()
    %mul3A_3 = arith.constant 640 : i32
    %mul3A_4 = arith.muli %arg1, %mul3A_3 : i32
    %add3A_5 = arith.constant 128 : i32
    %add3A_6 = arith.addi %mul3A_4, %add3A_5 : i32
    %run_scoped3A_7 = arith.constant 0 : i32
    "tpu.region"() ({
      %run_scoped3A_291 = tpu.sem_alloc : memref<!tpu.dma_semaphore, #tpu.memory_space<semaphore_mem>>
      %dma_start3A_292 = arith.constant 0 : i32
      %dma_start3A_293 = arith.constant 0 : i32
      %dma_start3A_294 = tpu.memref_slice %arg9[%run_scoped3A_7, %dma_start3A_292, %dma_start3A_293] : memref<2x128x128xf32, #tpu.memory_space<vmem>> -> memref<1x128x128xf32, #tpu.memory_space<vmem>>
      %dma_start3A_295 = tpu.memref_squeeze %dma_start3A_294 : memref<1x128x128xf32, #tpu.memory_space<vmem>> -> memref<128x128xf32, #tpu.memory_space<vmem>>
      %dma_start3A_296 = arith.constant 0 : i32
      %dma_start3A_297 = tpu.memref_slice %arg12[%add3A_6, %dma_start3A_296] : memref<10240x128xf32, #tpu.memory_space<vmem_shared>> -> memref<128x128xf32, #tpu.memory_space<vmem_shared>>
      %dma_start3A_298 = arith.constant 0 : i32
      %dma_start3A_299 = tpu.memref_slice %arg12[%add3A_6, %dma_start3A_298] : memref<10240x128xf32, #tpu.memory_space<vmem_shared>> -> memref<128x128xf32, #tpu.memory_space<vmem_shared>>
      %dma_start3A_300 = arith.constant 0 : i32
      %dma_start3A_301 = arith.constant 0 : i32
      %dma_start3A_302 = tpu.memref_slice %arg9[%run_scoped3A_7, %dma_start3A_300, %dma_start3A_301] : memref<2x128x128xf32, #tpu.memory_space<vmem>> -> memref<1x128x128xf32, #tpu.memory_space<vmem>>
      %dma_start3A_303 = tpu.memref_squeeze %dma_start3A_302 : memref<1x128x128xf32, #tpu.memory_space<vmem>> -> memref<128x128xf32, #tpu.memory_space<vmem>>
      tpu.enqueue_dma source(%dma_start3A_303 : memref<128x128xf32, #tpu.memory_space<vmem>>) target(%dma_start3A_299 : memref<128x128xf32, #tpu.memory_space<vmem_shared>>) target_semaphore(%run_scoped3A_291 : memref<!tpu.dma_semaphore, #tpu.memory_space<semaphore_mem>>)
      %dma_wait3A_304 = arith.constant 0 : i32
      %dma_wait3A_305 = arith.constant 0 : i32
      %dma_wait3A_306 = tpu.memref_slice %arg9[%run_scoped3A_7, %dma_wait3A_304, %dma_wait3A_305] : memref<2x128x128xf32, #tpu.memory_space<vmem>> -> memref<1x128x128xf32, #tpu.memory_space<vmem>>
      %dma_wait3A_307 = tpu.memref_squeeze %dma_wait3A_306 : memref<1x128x128xf32, #tpu.memory_space<vmem>> -> memref<128x128xf32, #tpu.memory_space<vmem>>
      %dma_wait3A_308 = arith.constant 0 : i32
      %dma_wait3A_309 = tpu.memref_slice %arg12[%add3A_6, %dma_wait3A_308] : memref<10240x128xf32, #tpu.memory_space<vmem_shared>> -> memref<128x128xf32, #tpu.memory_space<vmem_shared>>
      %dma_wait3A_310 = arith.constant 0 : i32
      %dma_wait3A_311 = tpu.memref_slice %arg12[%add3A_6, %dma_wait3A_310] : memref<10240x128xf32, #tpu.memory_space<vmem_shared>> -> memref<128x128xf32, #tpu.memory_space<vmem_shared>>
      %dma_wait3A_312 = arith.constant 0 : i32
      %dma_wait3A_313 = arith.constant 0 : i32
      %dma_wait3A_314 = tpu.memref_slice %arg9[%run_scoped3A_7, %dma_wait3A_312, %dma_wait3A_313] : memref<2x128x128xf32, #tpu.memory_space<vmem>> -> memref<1x128x128xf32, #tpu.memory_space<vmem>>
      %dma_wait3A_315 = tpu.memref_squeeze %dma_wait3A_314 : memref<1x128x128xf32, #tpu.memory_space<vmem>> -> memref<128x128xf32, #tpu.memory_space<vmem>>
      tpu.wait_dma2 semaphore(%run_scoped3A_291 : memref<!tpu.dma_semaphore, #tpu.memory_space<semaphore_mem>>) src(%dma_wait3A_315 : memref<128x128xf32, #tpu.memory_space<vmem>>) dst(%dma_wait3A_311 : memref<128x128xf32, #tpu.memory_space<vmem_shared>>)
      tpu.yield
    }) : () -> ()
    %mul3A_8 = arith.constant 640 : i32
    %mul3A_9 = arith.muli %arg1, %mul3A_8 : i32
    %add3A_10 = arith.constant 256 : i32
    %add3A_11 = arith.addi %mul3A_9, %add3A_10 : i32
    %run_scoped3A_12 = arith.constant 0 : i32
    "tpu.region"() ({
      %run_scoped3A_291 = tpu.sem_alloc : memref<!tpu.dma_semaphore, #tpu.memory_space<semaphore_mem>>
      %dma_start3A_292 = arith.constant 0 : i32
      %dma_start3A_293 = arith.constant 0 : i32
      %dma_start3A_294 = tpu.memref_slice %arg9[%run_scoped3A_12, %dma_start3A_292, %dma_start3A_293] : memref<2x128x128xf32, #tpu.memory_space<vmem>> -> memref<1x128x128xf32, #tpu.memory_space<vmem>>
      %dma_start3A_295 = tpu.memref_squeeze %dma_start3A_294 : memref<1x128x128xf32, #tpu.memory_space<vmem>> -> memref<128x128xf32, #tpu.memory_space<vmem>>
      %dma_start3A_296 = arith.constant 0 : i32
      %dma_start3A_297 = tpu.memref_slice %arg12[%add3A_11, %dma_start3A_296] : memref<10240x128xf32, #tpu.memory_space<vmem_shared>> -> memref<128x128xf32, #tpu.memory_space<vmem_shared>>
      %dma_start3A_298 = arith.constant 0 : i32
      %dma_start3A_299 = tpu.memref_slice %arg12[%add3A_11, %dma_start3A_298] : memref<10240x128xf32, #tpu.memory_space<vmem_shared>> -> memref<128x128xf32, #tpu.memory_space<vmem_shared>>
      %dma_start3A_300 = arith.constant 0 : i32
      %dma_start3A_301 = arith.constant 0 : i32
      %dma_start3A_302 = tpu.memref_slice %arg9[%run_scoped3A_12, %dma_start3A_300, %dma_start3A_301] : memref<2x128x128xf32, #tpu.memory_space<vmem>> -> memref<1x128x128xf32, #tpu.memory_space<vmem>>
      %dma_start3A_303 = tpu.memref_squeeze %dma_start3A_302 : memref<1x128x128xf32, #tpu.memory_space<vmem>> -> memref<128x128xf32, #tpu.memory_space<vmem>>
      tpu.enqueue_dma source(%dma_start3A_303 : memref<128x128xf32, #tpu.memory_space<vmem>>) target(%dma_start3A_299 : memref<128x128xf32, #tpu.memory_space<vmem_shared>>) target_semaphore(%run_scoped3A_291 : memref<!tpu.dma_semaphore, #tpu.memory_space<semaphore_mem>>)
      %dma_wait3A_304 = arith.constant 0 : i32
      %dma_wait3A_305 = arith.constant 0 : i32
      %dma_wait3A_306 = tpu.memref_slice %arg9[%run_scoped3A_12, %dma_wait3A_304, %dma_wait3A_305] : memref<2x128x128xf32, #tpu.memory_space<vmem>> -> memref<1x128x128xf32, #tpu.memory_space<vmem>>
      %dma_wait3A_307 = tpu.memref_squeeze %dma_wait3A_306 : memref<1x128x128xf32, #tpu.memory_space<vmem>> -> memref<128x128xf32, #tpu.memory_space<vmem>>
      %dma_wait3A_308 = arith.constant 0 : i32
      %dma_wait3A_309 = tpu.memref_slice %arg12[%add3A_11, %dma_wait3A_308] : memref<10240x128xf32, #tpu.memory_space<vmem_shared>> -> memref<128x128xf32, #tpu.memory_space<vmem_shared>>
      %dma_wait3A_310 = arith.constant 0 : i32
      %dma_wait3A_311 = tpu.memref_slice %arg12[%add3A_11, %dma_wait3A_310] : memref<10240x128xf32, #tpu.memory_space<vmem_shared>> -> memref<128x128xf32, #tpu.memory_space<vmem_shared>>
      %dma_wait3A_312 = arith.constant 0 : i32
      %dma_wait3A_313 = arith.constant 0 : i32
      %dma_wait3A_314 = tpu.memref_slice %arg9[%run_scoped3A_12, %dma_wait3A_312, %dma_wait3A_313] : memref<2x128x128xf32, #tpu.memory_space<vmem>> -> memref<1x128x128xf32, #tpu.memory_space<vmem>>
      %dma_wait3A_315 = tpu.memref_squeeze %dma_wait3A_314 : memref<1x128x128xf32, #tpu.memory_space<vmem>> -> memref<128x128xf32, #tpu.memory_space<vmem>>
      tpu.wait_dma2 semaphore(%run_scoped3A_291 : memref<!tpu.dma_semaphore, #tpu.memory_space<semaphore_mem>>) src(%dma_wait3A_315 : memref<128x128xf32, #tpu.memory_space<vmem>>) dst(%dma_wait3A_311 : memref<128x128xf32, #tpu.memory_space<vmem_shared>>)
      tpu.yield
    }) : () -> ()
    %mul3A_13 = arith.constant 640 : i32
    %mul3A_14 = arith.muli %arg1, %mul3A_13 : i32
    %add3A_15 = arith.constant 384 : i32
    %add3A_16 = arith.addi %mul3A_14, %add3A_15 : i32
    %run_scoped3A_17 = arith.constant 0 : i32
    "tpu.region"() ({
      %run_scoped3A_291 = tpu.sem_alloc : memref<!tpu.dma_semaphore, #tpu.memory_space<semaphore_mem>>
      %dma_start3A_292 = arith.constant 0 : i32
      %dma_start3A_293 = arith.constant 0 : i32
      %dma_start3A_294 = tpu.memref_slice %arg9[%run_scoped3A_17, %dma_start3A_292, %dma_start3A_293] : memref<2x128x128xf32, #tpu.memory_space<vmem>> -> memref<1x128x128xf32, #tpu.memory_space<vmem>>
      %dma_start3A_295 = tpu.memref_squeeze %dma_start3A_294 : memref<1x128x128xf32, #tpu.memory_space<vmem>> -> memref<128x128xf32, #tpu.memory_space<vmem>>
      %dma_start3A_296 = arith.constant 0 : i32
      %dma_start3A_297 = tpu.memref_slice %arg12[%add3A_16, %dma_start3A_296] : memref<10240x128xf32, #tpu.memory_space<vmem_shared>> -> memref<128x128xf32, #tpu.memory_space<vmem_shared>>
      %dma_start3A_298 = arith.constant 0 : i32
      %dma_start3A_299 = tpu.memref_slice %arg12[%add3A_16, %dma_start3A_298] : memref<10240x128xf32, #tpu.memory_space<vmem_shared>> -> memref<128x128xf32, #tpu.memory_space<vmem_shared>>
      %dma_start3A_300 = arith.constant 0 : i32
      %dma_start3A_301 = arith.constant 0 : i32
      %dma_start3A_302 = tpu.memref_slice %arg9[%run_scoped3A_17, %dma_start3A_300, %dma_start3A_301] : memref<2x128x128xf32, #tpu.memory_space<vmem>> -> memref<1x128x128xf32, #tpu.memory_space<vmem>>
      %dma_start3A_303 = tpu.memref_squeeze %dma_start3A_302 : memref<1x128x128xf32, #tpu.memory_space<vmem>> -> memref<128x128xf32, #tpu.memory_space<vmem>>
      tpu.enqueue_dma source(%dma_start3A_303 : memref<128x128xf32, #tpu.memory_space<vmem>>) target(%dma_start3A_299 : memref<128x128xf32, #tpu.memory_space<vmem_shared>>) target_semaphore(%run_scoped3A_291 : memref<!tpu.dma_semaphore, #tpu.memory_space<semaphore_mem>>)
      %dma_wait3A_304 = arith.constant 0 : i32
      %dma_wait3A_305 = arith.constant 0 : i32
      %dma_wait3A_306 = tpu.memref_slice %arg9[%run_scoped3A_17, %dma_wait3A_304, %dma_wait3A_305] : memref<2x128x128xf32, #tpu.memory_space<vmem>> -> memref<1x128x128xf32, #tpu.memory_space<vmem>>
      %dma_wait3A_307 = tpu.memref_squeeze %dma_wait3A_306 : memref<1x128x128xf32, #tpu.memory_space<vmem>> -> memref<128x128xf32, #tpu.memory_space<vmem>>
      %dma_wait3A_308 = arith.constant 0 : i32
      %dma_wait3A_309 = tpu.memref_slice %arg12[%add3A_16, %dma_wait3A_308] : memref<10240x128xf32, #tpu.memory_space<vmem_shared>> -> memref<128x128xf32, #tpu.memory_space<vmem_shared>>
      %dma_wait3A_310 = arith.constant 0 : i32
      %dma_wait3A_311 = tpu.memref_slice %arg12[%add3A_16, %dma_wait3A_310] : memref<10240x128xf32, #tpu.memory_space<vmem_shared>> -> memref<128x128xf32, #tpu.memory_space<vmem_shared>>
      %dma_wait3A_312 = arith.constant 0 : i32
      %dma_wait3A_313 = arith.constant 0 : i32
      %dma_wait3A_314 = tpu.memref_slice %arg9[%run_scoped3A_17, %dma_wait3A_312, %dma_wait3A_313] : memref<2x128x128xf32, #tpu.memory_space<vmem>> -> memref<1x128x128xf32, #tpu.memory_space<vmem>>
      %dma_wait3A_315 = tpu.memref_squeeze %dma_wait3A_314 : memref<1x128x128xf32, #tpu.memory_space<vmem>> -> memref<128x128xf32, #tpu.memory_space<vmem>>
      tpu.wait_dma2 semaphore(%run_scoped3A_291 : memref<!tpu.dma_semaphore, #tpu.memory_space<semaphore_mem>>) src(%dma_wait3A_315 : memref<128x128xf32, #tpu.memory_space<vmem>>) dst(%dma_wait3A_311 : memref<128x128xf32, #tpu.memory_space<vmem_shared>>)
      tpu.yield
    }) : () -> ()
    %mul3A_18 = arith.constant 640 : i32
    %mul3A_19 = arith.muli %arg1, %mul3A_18 : i32
    %add3A_20 = arith.constant 512 : i32
    %add3A_21 = arith.addi %mul3A_19, %add3A_20 : i32
    %run_scoped3A_22 = arith.constant 0 : i32
    "tpu.region"() ({
      %run_scoped3A_291 = tpu.sem_alloc : memref<!tpu.dma_semaphore, #tpu.memory_space<semaphore_mem>>
      %dma_start3A_292 = arith.constant 0 : i32
      %dma_start3A_293 = arith.constant 0 : i32
      %dma_start3A_294 = tpu.memref_slice %arg9[%run_scoped3A_22, %dma_start3A_292, %dma_start3A_293] : memref<2x128x128xf32, #tpu.memory_space<vmem>> -> memref<1x128x128xf32, #tpu.memory_space<vmem>>
      %dma_start3A_295 = tpu.memref_squeeze %dma_start3A_294 : memref<1x128x128xf32, #tpu.memory_space<vmem>> -> memref<128x128xf32, #tpu.memory_space<vmem>>
      %dma_start3A_296 = arith.constant 0 : i32
      %dma_start3A_297 = tpu.memref_slice %arg12[%add3A_21, %dma_start3A_296] : memref<10240x128xf32, #tpu.memory_space<vmem_shared>> -> memref<128x128xf32, #tpu.memory_space<vmem_shared>>
      %dma_start3A_298 = arith.constant 0 : i32
      %dma_start3A_299 = tpu.memref_slice %arg12[%add3A_21, %dma_start3A_298] : memref<10240x128xf32, #tpu.memory_space<vmem_shared>> -> memref<128x128xf32, #tpu.memory_space<vmem_shared>>
      %dma_start3A_300 = arith.constant 0 : i32
      %dma_start3A_301 = arith.constant 0 : i32
      %dma_start3A_302 = tpu.memref_slice %arg9[%run_scoped3A_22, %dma_start3A_300, %dma_start3A_301] : memref<2x128x128xf32, #tpu.memory_space<vmem>> -> memref<1x128x128xf32, #tpu.memory_space<vmem>>
      %dma_start3A_303 = tpu.memref_squeeze %dma_start3A_302 : memref<1x128x128xf32, #tpu.memory_space<vmem>> -> memref<128x128xf32, #tpu.memory_space<vmem>>
      tpu.enqueue_dma source(%dma_start3A_303 : memref<128x128xf32, #tpu.memory_space<vmem>>) target(%dma_start3A_299 : memref<128x128xf32, #tpu.memory_space<vmem_shared>>) target_semaphore(%run_scoped3A_291 : memref<!tpu.dma_semaphore, #tpu.memory_space<semaphore_mem>>)
      %dma_wait3A_304 = arith.constant 0 : i32
      %dma_wait3A_305 = arith.constant 0 : i32
      %dma_wait3A_306 = tpu.memref_slice %arg9[%run_scoped3A_22, %dma_wait3A_304, %dma_wait3A_305] : memref<2x128x128xf32, #tpu.memory_space<vmem>> -> memref<1x128x128xf32, #tpu.memory_space<vmem>>
      %dma_wait3A_307 = tpu.memref_squeeze %dma_wait3A_306 : memref<1x128x128xf32, #tpu.memory_space<vmem>> -> memref<128x128xf32, #tpu.memory_space<vmem>>
      %dma_wait3A_308 = arith.constant 0 : i32
      %dma_wait3A_309 = tpu.memref_slice %arg12[%add3A_21, %dma_wait3A_308] : memref<10240x128xf32, #tpu.memory_space<vmem_shared>> -> memref<128x128xf32, #tpu.memory_space<vmem_shared>>
      %dma_wait3A_310 = arith.constant 0 : i32
      %dma_wait3A_311 = tpu.memref_slice %arg12[%add3A_21, %dma_wait3A_310] : memref<10240x128xf32, #tpu.memory_space<vmem_shared>> -> memref<128x128xf32, #tpu.memory_space<vmem_shared>>
      %dma_wait3A_312 = arith.constant 0 : i32
      %dma_wait3A_313 = arith.constant 0 : i32
      %dma_wait3A_314 = tpu.memref_slice %arg9[%run_scoped3A_22, %dma_wait3A_312, %dma_wait3A_313] : memref<2x128x128xf32, #tpu.memory_space<vmem>> -> memref<1x128x128xf32, #tpu.memory_space<vmem>>
      %dma_wait3A_315 = tpu.memref_squeeze %dma_wait3A_314 : memref<1x128x128xf32, #tpu.memory_space<vmem>> -> memref<128x128xf32, #tpu.memory_space<vmem>>
      tpu.wait_dma2 semaphore(%run_scoped3A_291 : memref<!tpu.dma_semaphore, #tpu.memory_space<semaphore_mem>>) src(%dma_wait3A_315 : memref<128x128xf32, #tpu.memory_space<vmem>>) dst(%dma_wait3A_311 : memref<128x128xf32, #tpu.memory_space<vmem_shared>>)
      tpu.yield
    }) : () -> ()
    %barrier3A = arith.constant 0 : index
    tpu.barrier barrier_id(%barrier3A)
    %mul3A_23 = arith.constant 16 : i32
    %mul3A_24 = arith.muli %arg0, %mul3A_23 : i32
    %add3A_25 = arith.addi %mul3A_24, %arg1 : i32
    %mul3A_26 = arith.constant 80 : i32
    %mul3A_27 = arith.muli %add3A_25, %mul3A_26 : i32
    %add3A_28 = arith.constant 0 : i32
    %add3A_29 = arith.addi %mul3A_27, %add3A_28 : i32
    "tpu.region"() ({
      %run_scoped3A_291 = tpu.sem_alloc : memref<!tpu.dma_semaphore, #tpu.memory_space<semaphore_mem>>
      %dma_start3A_292 = arith.constant 0 : i32
      %dma_start3A_293 = tpu.memref_slice %arg3[%add3A_29, %dma_start3A_292] : memref<2560x128xi32, #tpu.memory_space<hbm>> -> memref<40x128xi32, #tpu.memory_space<hbm>>
      %dma_start3A_294 = arith.constant 0 : i32
      %dma_start3A_295 = tpu.memref_slice %arg3[%add3A_29, %dma_start3A_294] : memref<2560x128xi32, #tpu.memory_space<hbm>> -> memref<40x128xi32, #tpu.memory_space<hbm>>
      tpu.enqueue_dma source(%dma_start3A_295 : memref<40x128xi32, #tpu.memory_space<hbm>>) target(%arg7 : memref<40x128xi32, #tpu.memory_space<vmem>>) target_semaphore(%run_scoped3A_291 : memref<!tpu.dma_semaphore, #tpu.memory_space<semaphore_mem>>)
      %dma_wait3A_296 = arith.constant 0 : i32
      %dma_wait3A_297 = tpu.memref_slice %arg3[%add3A_29, %dma_wait3A_296] : memref<2560x128xi32, #tpu.memory_space<hbm>> -> memref<40x128xi32, #tpu.memory_space<hbm>>
      %dma_wait3A_298 = arith.constant 0 : i32
      %dma_wait3A_299 = tpu.memref_slice %arg3[%add3A_29, %dma_wait3A_298] : memref<2560x128xi32, #tpu.memory_space<hbm>> -> memref<40x128xi32, #tpu.memory_space<hbm>>
      tpu.wait_dma2 semaphore(%run_scoped3A_291 : memref<!tpu.dma_semaphore, #tpu.memory_space<semaphore_mem>>) src(%dma_wait3A_299 : memref<40x128xi32, #tpu.memory_space<hbm>>) dst(%arg7 : memref<40x128xi32, #tpu.memory_space<vmem>>)
      tpu.yield
    }) : () -> ()
    "tpu.region"() ({
      %run_scoped3A_291 = tpu.sem_alloc : memref<!tpu.dma_semaphore, #tpu.memory_space<semaphore_mem>>
      %dma_start3A_292 = arith.constant 0 : i32
      %dma_start3A_293 = tpu.memref_slice %arg4[%add3A_29, %dma_start3A_292] : memref<2560x128xi32, #tpu.memory_space<hbm>> -> memref<40x128xi32, #tpu.memory_space<hbm>>
      %dma_start3A_294 = arith.constant 0 : i32
      %dma_start3A_295 = tpu.memref_slice %arg4[%add3A_29, %dma_start3A_294] : memref<2560x128xi32, #tpu.memory_space<hbm>> -> memref<40x128xi32, #tpu.memory_space<hbm>>
      tpu.enqueue_dma source(%dma_start3A_295 : memref<40x128xi32, #tpu.memory_space<hbm>>) target(%arg8 : memref<40x128xi32, #tpu.memory_space<vmem>>) target_semaphore(%run_scoped3A_291 : memref<!tpu.dma_semaphore, #tpu.memory_space<semaphore_mem>>)
      %dma_wait3A_296 = arith.constant 0 : i32
      %dma_wait3A_297 = tpu.memref_slice %arg4[%add3A_29, %dma_wait3A_296] : memref<2560x128xi32, #tpu.memory_space<hbm>> -> memref<40x128xi32, #tpu.memory_space<hbm>>
      %dma_wait3A_298 = arith.constant 0 : i32
      %dma_wait3A_299 = tpu.memref_slice %arg4[%add3A_29, %dma_wait3A_298] : memref<2560x128xi32, #tpu.memory_space<hbm>> -> memref<40x128xi32, #tpu.memory_space<hbm>>
      tpu.wait_dma2 semaphore(%run_scoped3A_291 : memref<!tpu.dma_semaphore, #tpu.memory_space<semaphore_mem>>) src(%dma_wait3A_299 : memref<40x128xi32, #tpu.memory_space<hbm>>) dst(%arg8 : memref<40x128xi32, #tpu.memory_space<vmem>>)
      tpu.yield
    }) : () -> ()
    %dma_start3A = arith.constant 0 : i32
    %dma_start3A_30 = arith.constant 0 : i32
    %dma_start3A_31 = arith.constant 0 : i32
    %dma_start3A_32 = arith.constant 0 : i32
    %dma_start3A_33 = arith.constant 0 : i32
    %dma_start3A_34 = tpu.memref_slice %arg9[%dma_start3A_30, %dma_start3A_32, %dma_start3A_33] : memref<2x128x128xf32, #tpu.memory_space<vmem>> -> memref<1x128x128xf32, #tpu.memory_space<vmem>>
    %dma_start3A_35 = tpu.memref_squeeze %dma_start3A_34 : memref<1x128x128xf32, #tpu.memory_space<vmem>> -> memref<128x128xf32, #tpu.memory_space<vmem>>
    %dma_start3A_36 = arith.constant 0 : i32
    %dma_start3A_37 = tpu.memref_slice %arg7[%dma_start3A, %dma_start3A_36] : memref<40x128xi32, #tpu.memory_space<vmem>> -> memref<1x128xi32, #tpu.memory_space<vmem>>
    %dma_start3A_38 = tpu.memref_squeeze %dma_start3A_37 : memref<1x128xi32, #tpu.memory_space<vmem>> -> memref<128xi32, #tpu.memory_space<vmem>>
    %dma_start3A_39 = arith.constant 0 : i32
    %dma_start3A_40 = arith.constant 0 : i32
    %dma_start3A_41 = tpu.memref_slice %arg2[%dma_start3A_39, %dma_start3A_40] : memref<10240x128xf32, #tpu.memory_space<hbm>> -> memref<10240x128xf32, #tpu.memory_space<hbm>>
    %dma_start3A_42 = tpu.memref_slice %arg10[%dma_start3A_31] : memref<2x!tpu.dma_semaphore, #tpu.memory_space<semaphore_mem>> -> memref<1x!tpu.dma_semaphore, #tpu.memory_space<semaphore_mem>>
    %dma_start3A_43 = tpu.memref_squeeze %dma_start3A_42 : memref<1x!tpu.dma_semaphore, #tpu.memory_space<semaphore_mem>> -> memref<!tpu.dma_semaphore, #tpu.memory_space<semaphore_mem>>
    tpu.enqueue_indirect_dma source(%dma_start3A_41 : memref<10240x128xf32, #tpu.memory_space<hbm>>) target(%dma_start3A_35 : memref<128x128xf32, #tpu.memory_space<vmem>>) offsets(%dma_start3A_38 : memref<128xi32, #tpu.memory_space<vmem>>) semaphore(%dma_start3A_43 : memref<!tpu.dma_semaphore, #tpu.memory_space<semaphore_mem>>)
    %dma_start3A_44 = arith.constant 1 : i32
    %dma_start3A_45 = arith.constant 1 : i32
    %dma_start3A_46 = arith.constant 1 : i32
    %dma_start3A_47 = arith.constant 0 : i32
    %dma_start3A_48 = arith.constant 0 : i32
    %dma_start3A_49 = tpu.memref_slice %arg9[%dma_start3A_45, %dma_start3A_47, %dma_start3A_48] : memref<2x128x128xf32, #tpu.memory_space<vmem>> -> memref<1x128x128xf32, #tpu.memory_space<vmem>>
    %dma_start3A_50 = tpu.memref_squeeze %dma_start3A_49 : memref<1x128x128xf32, #tpu.memory_space<vmem>> -> memref<128x128xf32, #tpu.memory_space<vmem>>
    %dma_start3A_51 = arith.constant 0 : i32
    %dma_start3A_52 = tpu.memref_slice %arg7[%dma_start3A_44, %dma_start3A_51] : memref<40x128xi32, #tpu.memory_space<vmem>> -> memref<1x128xi32, #tpu.memory_space<vmem>>
    %dma_start3A_53 = tpu.memref_squeeze %dma_start3A_52 : memref<1x128xi32, #tpu.memory_space<vmem>> -> memref<128xi32, #tpu.memory_space<vmem>>
    %dma_start3A_54 = arith.constant 0 : i32
    %dma_start3A_55 = arith.constant 0 : i32
    %dma_start3A_56 = tpu.memref_slice %arg2[%dma_start3A_54, %dma_start3A_55] : memref<10240x128xf32, #tpu.memory_space<hbm>> -> memref<10240x128xf32, #tpu.memory_space<hbm>>
    %dma_start3A_57 = tpu.memref_slice %arg10[%dma_start3A_46] : memref<2x!tpu.dma_semaphore, #tpu.memory_space<semaphore_mem>> -> memref<1x!tpu.dma_semaphore, #tpu.memory_space<semaphore_mem>>
    %dma_start3A_58 = tpu.memref_squeeze %dma_start3A_57 : memref<1x!tpu.dma_semaphore, #tpu.memory_space<semaphore_mem>> -> memref<!tpu.dma_semaphore, #tpu.memory_space<semaphore_mem>>
    tpu.enqueue_indirect_dma source(%dma_start3A_56 : memref<10240x128xf32, #tpu.memory_space<hbm>>) target(%dma_start3A_50 : memref<128x128xf32, #tpu.memory_space<vmem>>) offsets(%dma_start3A_53 : memref<128xi32, #tpu.memory_space<vmem>>) semaphore(%dma_start3A_58 : memref<!tpu.dma_semaphore, #tpu.memory_space<semaphore_mem>>)
    %dma_wait3A = arith.constant 0 : i32
    %dma_wait3A_59 = arith.constant 0 : i32
    %dma_wait3A_60 = arith.constant 0 : i32
    %dma_wait3A_61 = arith.constant 0 : i32
    %dma_wait3A_62 = arith.constant 0 : i32
    %dma_wait3A_63 = tpu.memref_slice %arg9[%dma_wait3A_59, %dma_wait3A_61, %dma_wait3A_62] : memref<2x128x128xf32, #tpu.memory_space<vmem>> -> memref<1x128x128xf32, #tpu.memory_space<vmem>>
    %dma_wait3A_64 = tpu.memref_squeeze %dma_wait3A_63 : memref<1x128x128xf32, #tpu.memory_space<vmem>> -> memref<128x128xf32, #tpu.memory_space<vmem>>
    %dma_wait3A_65 = arith.constant 0 : i32
    %dma_wait3A_66 = tpu.memref_slice %arg7[%dma_wait3A, %dma_wait3A_65] : memref<40x128xi32, #tpu.memory_space<vmem>> -> memref<1x128xi32, #tpu.memory_space<vmem>>
    %dma_wait3A_67 = tpu.memref_squeeze %dma_wait3A_66 : memref<1x128xi32, #tpu.memory_space<vmem>> -> memref<128xi32, #tpu.memory_space<vmem>>
    %dma_wait3A_68 = arith.constant 0 : i32
    %dma_wait3A_69 = arith.constant 0 : i32
    %dma_wait3A_70 = tpu.memref_slice %arg2[%dma_wait3A_68, %dma_wait3A_69] : memref<10240x128xf32, #tpu.memory_space<hbm>> -> memref<10240x128xf32, #tpu.memory_space<hbm>>
    %dma_wait3A_71 = tpu.memref_slice %arg10[%dma_wait3A_60] : memref<2x!tpu.dma_semaphore, #tpu.memory_space<semaphore_mem>> -> memref<1x!tpu.dma_semaphore, #tpu.memory_space<semaphore_mem>>
    %dma_wait3A_72 = tpu.memref_squeeze %dma_wait3A_71 : memref<1x!tpu.dma_semaphore, #tpu.memory_space<semaphore_mem>> -> memref<!tpu.dma_semaphore, #tpu.memory_space<semaphore_mem>>
    tpu.wait_indirect_dma semaphore(%dma_wait3A_72 : memref<!tpu.dma_semaphore, #tpu.memory_space<semaphore_mem>>) src(%dma_wait3A_70 : memref<10240x128xf32, #tpu.memory_space<hbm>>) dst(%dma_wait3A_64 : memref<128x128xf32, #tpu.memory_space<vmem>>)
    %dma_start3A_73 = arith.constant 0 : i32
    %dma_start3A_74 = arith.constant 0 : i32
    %dma_start3A_75 = arith.constant 0 : i32
    %dma_start3A_76 = arith.constant 0 : i32
    %dma_start3A_77 = arith.constant 0 : i32
    %dma_start3A_78 = tpu.memref_slice %arg9[%dma_start3A_73, %dma_start3A_76, %dma_start3A_77] : memref<2x128x128xf32, #tpu.memory_space<vmem>> -> memref<1x128x128xf32, #tpu.memory_space<vmem>>
    %dma_start3A_79 = tpu.memref_squeeze %dma_start3A_78 : memref<1x128x128xf32, #tpu.memory_space<vmem>> -> memref<128x128xf32, #tpu.memory_space<vmem>>
    %dma_start3A_80 = arith.constant 0 : i32
    %dma_start3A_81 = tpu.memref_slice %arg8[%dma_start3A_74, %dma_start3A_80] : memref<40x128xi32, #tpu.memory_space<vmem>> -> memref<1x128xi32, #tpu.memory_space<vmem>>
    %dma_start3A_82 = tpu.memref_squeeze %dma_start3A_81 : memref<1x128xi32, #tpu.memory_space<vmem>> -> memref<128xi32, #tpu.memory_space<vmem>>
    %dma_start3A_83 = arith.constant 0 : i32
    %dma_start3A_84 = arith.constant 0 : i32
    %dma_start3A_85 = tpu.memref_slice %arg12[%dma_start3A_83, %dma_start3A_84] : memref<10240x128xf32, #tpu.memory_space<vmem_shared>> -> memref<10240x128xf32, #tpu.memory_space<vmem_shared>>
    %dma_start3A_86 = tpu.memref_slice %arg11[%dma_start3A_75] : memref<2x!tpu.dma_semaphore, #tpu.memory_space<semaphore_mem>> -> memref<1x!tpu.dma_semaphore, #tpu.memory_space<semaphore_mem>>
    %dma_start3A_87 = tpu.memref_squeeze %dma_start3A_86 : memref<1x!tpu.dma_semaphore, #tpu.memory_space<semaphore_mem>> -> memref<!tpu.dma_semaphore, #tpu.memory_space<semaphore_mem>>
    tpu.enqueue_indirect_dma source(%dma_start3A_79 : memref<128x128xf32, #tpu.memory_space<vmem>>) target(%dma_start3A_85 : memref<10240x128xf32, #tpu.memory_space<vmem_shared>>) offsets(%dma_start3A_82 : memref<128xi32, #tpu.memory_space<vmem>>) semaphore(%dma_start3A_87 : memref<!tpu.dma_semaphore, #tpu.memory_space<semaphore_mem>>) {add = true}
    %scan3A = arith.constant 0 : i32
    %scan3A_88 = arith.constant 0 : i32
    %scan3A_89 = arith.constant 19 : i32
    %scan3A_90 = arith.addi %scan3A_88, %scan3A_89 : i32
    %scan3A_91 = arith.constant 1 : i32
    scf.for %scan3A_291 = %scan3A_88 to %scan3A_90 step %scan3A_91  : i32 {
      %mul3A_292 = arith.constant 2 : i32
      %mul3A_293 = arith.muli %scan3A_291, %mul3A_292 : i32
      %add3A_294 = arith.constant 2 : i32
      %add3A_295 = arith.addi %add3A_294, %mul3A_293 : i32
      %add3A_296 = arith.constant 0 : i32
      %add3A_297 = arith.addi %add3A_295, %add3A_296 : i32
      %sub3A = arith.constant 2 : i32
      %sub3A_298 = arith.subi %add3A_297, %sub3A : i32
      %dma_wait3A_299 = arith.constant 0 : i32
      %dma_wait3A_300 = arith.constant 0 : i32
      %dma_wait3A_301 = arith.constant 0 : i32
      %dma_wait3A_302 = arith.constant 0 : i32
      %dma_wait3A_303 = tpu.memref_slice %arg9[%dma_wait3A_299, %dma_wait3A_301, %dma_wait3A_302] : memref<2x128x128xf32, #tpu.memory_space<vmem>> -> memref<1x128x128xf32, #tpu.memory_space<vmem>>
      %dma_wait3A_304 = tpu.memref_squeeze %dma_wait3A_303 : memref<1x128x128xf32, #tpu.memory_space<vmem>> -> memref<128x128xf32, #tpu.memory_space<vmem>>
      %dma_wait3A_305 = arith.constant 0 : i32
      %dma_wait3A_306 = tpu.memref_slice %arg8[%sub3A_298, %dma_wait3A_305] : memref<40x128xi32, #tpu.memory_space<vmem>> -> memref<1x128xi32, #tpu.memory_space<vmem>>
      %dma_wait3A_307 = tpu.memref_squeeze %dma_wait3A_306 : memref<1x128xi32, #tpu.memory_space<vmem>> -> memref<128xi32, #tpu.memory_space<vmem>>
      %dma_wait3A_308 = arith.constant 0 : i32
      %dma_wait3A_309 = arith.constant 0 : i32
      %dma_wait3A_310 = tpu.memref_slice %arg12[%dma_wait3A_308, %dma_wait3A_309] : memref<10240x128xf32, #tpu.memory_space<vmem_shared>> -> memref<10240x128xf32, #tpu.memory_space<vmem_shared>>
      %dma_wait3A_311 = tpu.memref_slice %arg11[%dma_wait3A_300] : memref<2x!tpu.dma_semaphore, #tpu.memory_space<semaphore_mem>> -> memref<1x!tpu.dma_semaphore, #tpu.memory_space<semaphore_mem>>
      %dma_wait3A_312 = tpu.memref_squeeze %dma_wait3A_311 : memref<1x!tpu.dma_semaphore, #tpu.memory_space<semaphore_mem>> -> memref<!tpu.dma_semaphore, #tpu.memory_space<semaphore_mem>>
      tpu.wait_indirect_dma semaphore(%dma_wait3A_312 : memref<!tpu.dma_semaphore, #tpu.memory_space<semaphore_mem>>) src(%dma_wait3A_304 : memref<128x128xf32, #tpu.memory_space<vmem>>) dst(%dma_wait3A_310 : memref<10240x128xf32, #tpu.memory_space<vmem_shared>>)
      %dma_start3A_313 = arith.constant 0 : i32
      %dma_start3A_314 = arith.constant 0 : i32
      %dma_start3A_315 = arith.constant 0 : i32
      %dma_start3A_316 = arith.constant 0 : i32
      %dma_start3A_317 = tpu.memref_slice %arg9[%dma_start3A_313, %dma_start3A_315, %dma_start3A_316] : memref<2x128x128xf32, #tpu.memory_space<vmem>> -> memref<1x128x128xf32, #tpu.memory_space<vmem>>
      %dma_start3A_318 = tpu.memref_squeeze %dma_start3A_317 : memref<1x128x128xf32, #tpu.memory_space<vmem>> -> memref<128x128xf32, #tpu.memory_space<vmem>>
      %dma_start3A_319 = arith.constant 0 : i32
      %dma_start3A_320 = tpu.memref_slice %arg7[%add3A_297, %dma_start3A_319] : memref<40x128xi32, #tpu.memory_space<vmem>> -> memref<1x128xi32, #tpu.memory_space<vmem>>
      %dma_start3A_321 = tpu.memref_squeeze %dma_start3A_320 : memref<1x128xi32, #tpu.memory_space<vmem>> -> memref<128xi32, #tpu.memory_space<vmem>>
      %dma_start3A_322 = arith.constant 0 : i32
      %dma_start3A_323 = arith.constant 0 : i32
      %dma_start3A_324 = tpu.memref_slice %arg2[%dma_start3A_322, %dma_start3A_323] : memref<10240x128xf32, #tpu.memory_space<hbm>> -> memref<10240x128xf32, #tpu.memory_space<hbm>>
      %dma_start3A_325 = tpu.memref_slice %arg10[%dma_start3A_314] : memref<2x!tpu.dma_semaphore, #tpu.memory_space<semaphore_mem>> -> memref<1x!tpu.dma_semaphore, #tpu.memory_space<semaphore_mem>>
      %dma_start3A_326 = tpu.memref_squeeze %dma_start3A_325 : memref<1x!tpu.dma_semaphore, #tpu.memory_space<semaphore_mem>> -> memref<!tpu.dma_semaphore, #tpu.memory_space<semaphore_mem>>
      tpu.enqueue_indirect_dma source(%dma_start3A_324 : memref<10240x128xf32, #tpu.memory_space<hbm>>) target(%dma_start3A_318 : memref<128x128xf32, #tpu.memory_space<vmem>>) offsets(%dma_start3A_321 : memref<128xi32, #tpu.memory_space<vmem>>) semaphore(%dma_start3A_326 : memref<!tpu.dma_semaphore, #tpu.memory_space<semaphore_mem>>)
      %sub3A_327 = arith.constant 1 : i32
      %sub3A_328 = arith.subi %add3A_297, %sub3A_327 : i32
      %dma_wait3A_329 = arith.constant 1 : i32
      %dma_wait3A_330 = arith.constant 1 : i32
      %dma_wait3A_331 = arith.constant 0 : i32
      %dma_wait3A_332 = arith.constant 0 : i32
      %dma_wait3A_333 = tpu.memref_slice %arg9[%dma_wait3A_329, %dma_wait3A_331, %dma_wait3A_332] : memref<2x128x128xf32, #tpu.memory_space<vmem>> -> memref<1x128x128xf32, #tpu.memory_space<vmem>>
      %dma_wait3A_334 = tpu.memref_squeeze %dma_wait3A_333 : memref<1x128x128xf32, #tpu.memory_space<vmem>> -> memref<128x128xf32, #tpu.memory_space<vmem>>
      %dma_wait3A_335 = arith.constant 0 : i32
      %dma_wait3A_336 = tpu.memref_slice %arg7[%sub3A_328, %dma_wait3A_335] : memref<40x128xi32, #tpu.memory_space<vmem>> -> memref<1x128xi32, #tpu.memory_space<vmem>>
      %dma_wait3A_337 = tpu.memref_squeeze %dma_wait3A_336 : memref<1x128xi32, #tpu.memory_space<vmem>> -> memref<128xi32, #tpu.memory_space<vmem>>
      %dma_wait3A_338 = arith.constant 0 : i32
      %dma_wait3A_339 = arith.constant 0 : i32
      %dma_wait3A_340 = tpu.memref_slice %arg2[%dma_wait3A_338, %dma_wait3A_339] : memref<10240x128xf32, #tpu.memory_space<hbm>> -> memref<10240x128xf32, #tpu.memory_space<hbm>>
      %dma_wait3A_341 = tpu.memref_slice %arg10[%dma_wait3A_330] : memref<2x!tpu.dma_semaphore, #tpu.memory_space<semaphore_mem>> -> memref<1x!tpu.dma_semaphore, #tpu.memory_space<semaphore_mem>>
      %dma_wait3A_342 = tpu.memref_squeeze %dma_wait3A_341 : memref<1x!tpu.dma_semaphore, #tpu.memory_space<semaphore_mem>> -> memref<!tpu.dma_semaphore, #tpu.memory_space<semaphore_mem>>
      tpu.wait_indirect_dma semaphore(%dma_wait3A_342 : memref<!tpu.dma_semaphore, #tpu.memory_space<semaphore_mem>>) src(%dma_wait3A_340 : memref<10240x128xf32, #tpu.memory_space<hbm>>) dst(%dma_wait3A_334 : memref<128x128xf32, #tpu.memory_space<vmem>>)
      %dma_start3A_343 = arith.constant 1 : i32
      %dma_start3A_344 = arith.constant 1 : i32
      %dma_start3A_345 = arith.constant 0 : i32
      %dma_start3A_346 = arith.constant 0 : i32
      %dma_start3A_347 = tpu.memref_slice %arg9[%dma_start3A_343, %dma_start3A_345, %dma_start3A_346] : memref<2x128x128xf32, #tpu.memory_space<vmem>> -> memref<1x128x128xf32, #tpu.memory_space<vmem>>
      %dma_start3A_348 = tpu.memref_squeeze %dma_start3A_347 : memref<1x128x128xf32, #tpu.memory_space<vmem>> -> memref<128x128xf32, #tpu.memory_space<vmem>>
      %dma_start3A_349 = arith.constant 0 : i32
      %dma_start3A_350 = tpu.memref_slice %arg8[%sub3A_328, %dma_start3A_349] : memref<40x128xi32, #tpu.memory_space<vmem>> -> memref<1x128xi32, #tpu.memory_space<vmem>>
      %dma_start3A_351 = tpu.memref_squeeze %dma_start3A_350 : memref<1x128xi32, #tpu.memory_space<vmem>> -> memref<128xi32, #tpu.memory_space<vmem>>
      %dma_start3A_352 = arith.constant 0 : i32
      %dma_start3A_353 = arith.constant 0 : i32
      %dma_start3A_354 = tpu.memref_slice %arg12[%dma_start3A_352, %dma_start3A_353] : memref<10240x128xf32, #tpu.memory_space<vmem_shared>> -> memref<10240x128xf32, #tpu.memory_space<vmem_shared>>
      %dma_start3A_355 = tpu.memref_slice %arg11[%dma_start3A_344] : memref<2x!tpu.dma_semaphore, #tpu.memory_space<semaphore_mem>> -> memref<1x!tpu.dma_semaphore, #tpu.memory_space<semaphore_mem>>
      %dma_start3A_356 = tpu.memref_squeeze %dma_start3A_355 : memref<1x!tpu.dma_semaphore, #tpu.memory_space<semaphore_mem>> -> memref<!tpu.dma_semaphore, #tpu.memory_space<semaphore_mem>>
      tpu.enqueue_indirect_dma source(%dma_start3A_348 : memref<128x128xf32, #tpu.memory_space<vmem>>) target(%dma_start3A_354 : memref<10240x128xf32, #tpu.memory_space<vmem_shared>>) offsets(%dma_start3A_351 : memref<128xi32, #tpu.memory_space<vmem>>) semaphore(%dma_start3A_356 : memref<!tpu.dma_semaphore, #tpu.memory_space<semaphore_mem>>) {add = true}
      %mul3A_357 = arith.constant 2 : i32
      %mul3A_358 = arith.muli %scan3A_291, %mul3A_357 : i32
      %add3A_359 = arith.constant 2 : i32
      %add3A_360 = arith.addi %add3A_359, %mul3A_358 : i32
      %add3A_361 = arith.constant 1 : i32
      %add3A_362 = arith.addi %add3A_360, %add3A_361 : i32
      %sub3A_363 = arith.constant 2 : i32
      %sub3A_364 = arith.subi %add3A_362, %sub3A_363 : i32
      %dma_wait3A_365 = arith.constant 1 : i32
      %dma_wait3A_366 = arith.constant 1 : i32
      %dma_wait3A_367 = arith.constant 0 : i32
      %dma_wait3A_368 = arith.constant 0 : i32
      %dma_wait3A_369 = tpu.memref_slice %arg9[%dma_wait3A_365, %dma_wait3A_367, %dma_wait3A_368] : memref<2x128x128xf32, #tpu.memory_space<vmem>> -> memref<1x128x128xf32, #tpu.memory_space<vmem>>
      %dma_wait3A_370 = tpu.memref_squeeze %dma_wait3A_369 : memref<1x128x128xf32, #tpu.memory_space<vmem>> -> memref<128x128xf32, #tpu.memory_space<vmem>>
      %dma_wait3A_371 = arith.constant 0 : i32
      %dma_wait3A_372 = tpu.memref_slice %arg8[%sub3A_364, %dma_wait3A_371] : memref<40x128xi32, #tpu.memory_space<vmem>> -> memref<1x128xi32, #tpu.memory_space<vmem>>
      %dma_wait3A_373 = tpu.memref_squeeze %dma_wait3A_372 : memref<1x128xi32, #tpu.memory_space<vmem>> -> memref<128xi32, #tpu.memory_space<vmem>>
      %dma_wait3A_374 = arith.constant 0 : i32
      %dma_wait3A_375 = arith.constant 0 : i32
      %dma_wait3A_376 = tpu.memref_slice %arg12[%dma_wait3A_374, %dma_wait3A_375] : memref<10240x128xf32, #tpu.memory_space<vmem_shared>> -> memref<10240x128xf32, #tpu.memory_space<vmem_shared>>
      %dma_wait3A_377 = tpu.memref_slice %arg11[%dma_wait3A_366] : memref<2x!tpu.dma_semaphore, #tpu.memory_space<semaphore_mem>> -> memref<1x!tpu.dma_semaphore, #tpu.memory_space<semaphore_mem>>
      %dma_wait3A_378 = tpu.memref_squeeze %dma_wait3A_377 : memref<1x!tpu.dma_semaphore, #tpu.memory_space<semaphore_mem>> -> memref<!tpu.dma_semaphore, #tpu.memory_space<semaphore_mem>>
      tpu.wait_indirect_dma semaphore(%dma_wait3A_378 : memref<!tpu.dma_semaphore, #tpu.memory_space<semaphore_mem>>) src(%dma_wait3A_370 : memref<128x128xf32, #tpu.memory_space<vmem>>) dst(%dma_wait3A_376 : memref<10240x128xf32, #tpu.memory_space<vmem_shared>>)
      %dma_start3A_379 = arith.constant 1 : i32
      %dma_start3A_380 = arith.constant 1 : i32
      %dma_start3A_381 = arith.constant 0 : i32
      %dma_start3A_382 = arith.constant 0 : i32
      %dma_start3A_383 = tpu.memref_slice %arg9[%dma_start3A_379, %dma_start3A_381, %dma_start3A_382] : memref<2x128x128xf32, #tpu.memory_space<vmem>> -> memref<1x128x128xf32, #tpu.memory_space<vmem>>
      %dma_start3A_384 = tpu.memref_squeeze %dma_start3A_383 : memref<1x128x128xf32, #tpu.memory_space<vmem>> -> memref<128x128xf32, #tpu.memory_space<vmem>>
      %dma_start3A_385 = arith.constant 0 : i32
      %dma_start3A_386 = tpu.memref_slice %arg7[%add3A_362, %dma_start3A_385] : memref<40x128xi32, #tpu.memory_space<vmem>> -> memref<1x128xi32, #tpu.memory_space<vmem>>
      %dma_start3A_387 = tpu.memref_squeeze %dma_start3A_386 : memref<1x128xi32, #tpu.memory_space<vmem>> -> memref<128xi32, #tpu.memory_space<vmem>>
      %dma_start3A_388 = arith.constant 0 : i32
      %dma_start3A_389 = arith.constant 0 : i32
      %dma_start3A_390 = tpu.memref_slice %arg2[%dma_start3A_388, %dma_start3A_389] : memref<10240x128xf32, #tpu.memory_space<hbm>> -> memref<10240x128xf32, #tpu.memory_space<hbm>>
      %dma_start3A_391 = tpu.memref_slice %arg10[%dma_start3A_380] : memref<2x!tpu.dma_semaphore, #tpu.memory_space<semaphore_mem>> -> memref<1x!tpu.dma_semaphore, #tpu.memory_space<semaphore_mem>>
      %dma_start3A_392 = tpu.memref_squeeze %dma_start3A_391 : memref<1x!tpu.dma_semaphore, #tpu.memory_space<semaphore_mem>> -> memref<!tpu.dma_semaphore, #tpu.memory_space<semaphore_mem>>
      tpu.enqueue_indirect_dma source(%dma_start3A_390 : memref<10240x128xf32, #tpu.memory_space<hbm>>) target(%dma_start3A_384 : memref<128x128xf32, #tpu.memory_space<vmem>>) offsets(%dma_start3A_387 : memref<128xi32, #tpu.memory_space<vmem>>) semaphore(%dma_start3A_392 : memref<!tpu.dma_semaphore, #tpu.memory_space<semaphore_mem>>)
      %sub3A_393 = arith.constant 1 : i32
      %sub3A_394 = arith.subi %add3A_362, %sub3A_393 : i32
      %dma_wait3A_395 = arith.constant 0 : i32
      %dma_wait3A_396 = arith.constant 0 : i32
      %dma_wait3A_397 = arith.constant 0 : i32
      %dma_wait3A_398 = arith.constant 0 : i32
      %dma_wait3A_399 = tpu.memref_slice %arg9[%dma_wait3A_395, %dma_wait3A_397, %dma_wait3A_398] : memref<2x128x128xf32, #tpu.memory_space<vmem>> -> memref<1x128x128xf32, #tpu.memory_space<vmem>>
      %dma_wait3A_400 = tpu.memref_squeeze %dma_wait3A_399 : memref<1x128x128xf32, #tpu.memory_space<vmem>> -> memref<128x128xf32, #tpu.memory_space<vmem>>
      %dma_wait3A_401 = arith.constant 0 : i32
      %dma_wait3A_402 = tpu.memref_slice %arg7[%sub3A_394, %dma_wait3A_401] : memref<40x128xi32, #tpu.memory_space<vmem>> -> memref<1x128xi32, #tpu.memory_space<vmem>>
      %dma_wait3A_403 = tpu.memref_squeeze %dma_wait3A_402 : memref<1x128xi32, #tpu.memory_space<vmem>> -> memref<128xi32, #tpu.memory_space<vmem>>
      %dma_wait3A_404 = arith.constant 0 : i32
      %dma_wait3A_405 = arith.constant 0 : i32
      %dma_wait3A_406 = tpu.memref_slice %arg2[%dma_wait3A_404, %dma_wait3A_405] : memref<10240x128xf32, #tpu.memory_space<hbm>> -> memref<10240x128xf32, #tpu.memory_space<hbm>>
      %dma_wait3A_407 = tpu.memref_slice %arg10[%dma_wait3A_396] : memref<2x!tpu.dma_semaphore, #tpu.memory_space<semaphore_mem>> -> memref<1x!tpu.dma_semaphore, #tpu.memory_space<semaphore_mem>>
      %dma_wait3A_408 = tpu.memref_squeeze %dma_wait3A_407 : memref<1x!tpu.dma_semaphore, #tpu.memory_space<semaphore_mem>> -> memref<!tpu.dma_semaphore, #tpu.memory_space<semaphore_mem>>
      tpu.wait_indirect_dma semaphore(%dma_wait3A_408 : memref<!tpu.dma_semaphore, #tpu.memory_space<semaphore_mem>>) src(%dma_wait3A_406 : memref<10240x128xf32, #tpu.memory_space<hbm>>) dst(%dma_wait3A_400 : memref<128x128xf32, #tpu.memory_space<vmem>>)
      %dma_start3A_409 = arith.constant 0 : i32
      %dma_start3A_410 = arith.constant 0 : i32
      %dma_start3A_411 = arith.constant 0 : i32
      %dma_start3A_412 = arith.constant 0 : i32
      %dma_start3A_413 = tpu.memref_slice %arg9[%dma_start3A_409, %dma_start3A_411, %dma_start3A_412] : memref<2x128x128xf32, #tpu.memory_space<vmem>> -> memref<1x128x128xf32, #tpu.memory_space<vmem>>
      %dma_start3A_414 = tpu.memref_squeeze %dma_start3A_413 : memref<1x128x128xf32, #tpu.memory_space<vmem>> -> memref<128x128xf32, #tpu.memory_space<vmem>>
      %dma_start3A_415 = arith.constant 0 : i32
      %dma_start3A_416 = tpu.memref_slice %arg8[%sub3A_394, %dma_start3A_415] : memref<40x128xi32, #tpu.memory_space<vmem>> -> memref<1x128xi32, #tpu.memory_space<vmem>>
      %dma_start3A_417 = tpu.memref_squeeze %dma_start3A_416 : memref<1x128xi32, #tpu.memory_space<vmem>> -> memref<128xi32, #tpu.memory_space<vmem>>
      %dma_start3A_418 = arith.constant 0 : i32
      %dma_start3A_419 = arith.constant 0 : i32
      %dma_start3A_420 = tpu.memref_slice %arg12[%dma_start3A_418, %dma_start3A_419] : memref<10240x128xf32, #tpu.memory_space<vmem_shared>> -> memref<10240x128xf32, #tpu.memory_space<vmem_shared>>
      %dma_start3A_421 = tpu.memref_slice %arg11[%dma_start3A_410] : memref<2x!tpu.dma_semaphore, #tpu.memory_space<semaphore_mem>> -> memref<1x!tpu.dma_semaphore, #tpu.memory_space<semaphore_mem>>
      %dma_start3A_422 = tpu.memref_squeeze %dma_start3A_421 : memref<1x!tpu.dma_semaphore, #tpu.memory_space<semaphore_mem>> -> memref<!tpu.dma_semaphore, #tpu.memory_space<semaphore_mem>>
      tpu.enqueue_indirect_dma source(%dma_start3A_414 : memref<128x128xf32, #tpu.memory_space<vmem>>) target(%dma_start3A_420 : memref<10240x128xf32, #tpu.memory_space<vmem_shared>>) offsets(%dma_start3A_417 : memref<128xi32, #tpu.memory_space<vmem>>) semaphore(%dma_start3A_422 : memref<!tpu.dma_semaphore, #tpu.memory_space<semaphore_mem>>) {add = true}
    }
    %scan3A_92 = arith.constant 19 : i32
    %dma_wait3A_93 = arith.constant 0 : i32
    %dma_wait3A_94 = arith.constant 38 : i32
    %dma_wait3A_95 = arith.constant 0 : i32
    %dma_wait3A_96 = arith.constant 0 : i32
    %dma_wait3A_97 = arith.constant 0 : i32
    %dma_wait3A_98 = tpu.memref_slice %arg9[%dma_wait3A_93, %dma_wait3A_96, %dma_wait3A_97] : memref<2x128x128xf32, #tpu.memory_space<vmem>> -> memref<1x128x128xf32, #tpu.memory_space<vmem>>
    %dma_wait3A_99 = tpu.memref_squeeze %dma_wait3A_98 : memref<1x128x128xf32, #tpu.memory_space<vmem>> -> memref<128x128xf32, #tpu.memory_space<vmem>>
    %dma_wait3A_100 = arith.constant 0 : i32
    %dma_wait3A_101 = tpu.memref_slice %arg8[%dma_wait3A_94, %dma_wait3A_100] : memref<40x128xi32, #tpu.memory_space<vmem>> -> memref<1x128xi32, #tpu.memory_space<vmem>>
    %dma_wait3A_102 = tpu.memref_squeeze %dma_wait3A_101 : memref<1x128xi32, #tpu.memory_space<vmem>> -> memref<128xi32, #tpu.memory_space<vmem>>
    %dma_wait3A_103 = arith.constant 0 : i32
    %dma_wait3A_104 = arith.constant 0 : i32
    %dma_wait3A_105 = tpu.memref_slice %arg12[%dma_wait3A_103, %dma_wait3A_104] : memref<10240x128xf32, #tpu.memory_space<vmem_shared>> -> memref<10240x128xf32, #tpu.memory_space<vmem_shared>>
    %dma_wait3A_106 = tpu.memref_slice %arg11[%dma_wait3A_95] : memref<2x!tpu.dma_semaphore, #tpu.memory_space<semaphore_mem>> -> memref<1x!tpu.dma_semaphore, #tpu.memory_space<semaphore_mem>>
    %dma_wait3A_107 = tpu.memref_squeeze %dma_wait3A_106 : memref<1x!tpu.dma_semaphore, #tpu.memory_space<semaphore_mem>> -> memref<!tpu.dma_semaphore, #tpu.memory_space<semaphore_mem>>
    tpu.wait_indirect_dma semaphore(%dma_wait3A_107 : memref<!tpu.dma_semaphore, #tpu.memory_space<semaphore_mem>>) src(%dma_wait3A_99 : memref<128x128xf32, #tpu.memory_space<vmem>>) dst(%dma_wait3A_105 : memref<10240x128xf32, #tpu.memory_space<vmem_shared>>)
    %dma_wait3A_108 = arith.constant 39 : i32
    %dma_wait3A_109 = arith.constant 1 : i32
    %dma_wait3A_110 = arith.constant 1 : i32
    %dma_wait3A_111 = arith.constant 0 : i32
    %dma_wait3A_112 = arith.constant 0 : i32
    %dma_wait3A_113 = tpu.memref_slice %arg9[%dma_wait3A_109, %dma_wait3A_111, %dma_wait3A_112] : memref<2x128x128xf32, #tpu.memory_space<vmem>> -> memref<1x128x128xf32, #tpu.memory_space<vmem>>
    %dma_wait3A_114 = tpu.memref_squeeze %dma_wait3A_113 : memref<1x128x128xf32, #tpu.memory_space<vmem>> -> memref<128x128xf32, #tpu.memory_space<vmem>>
    %dma_wait3A_115 = arith.constant 0 : i32
    %dma_wait3A_116 = tpu.memref_slice %arg7[%dma_wait3A_108, %dma_wait3A_115] : memref<40x128xi32, #tpu.memory_space<vmem>> -> memref<1x128xi32, #tpu.memory_space<vmem>>
    %dma_wait3A_117 = tpu.memref_squeeze %dma_wait3A_116 : memref<1x128xi32, #tpu.memory_space<vmem>> -> memref<128xi32, #tpu.memory_space<vmem>>
    %dma_wait3A_118 = arith.constant 0 : i32
    %dma_wait3A_119 = arith.constant 0 : i32
    %dma_wait3A_120 = tpu.memref_slice %arg2[%dma_wait3A_118, %dma_wait3A_119] : memref<10240x128xf32, #tpu.memory_space<hbm>> -> memref<10240x128xf32, #tpu.memory_space<hbm>>
    %dma_wait3A_121 = tpu.memref_slice %arg10[%dma_wait3A_110] : memref<2x!tpu.dma_semaphore, #tpu.memory_space<semaphore_mem>> -> memref<1x!tpu.dma_semaphore, #tpu.memory_space<semaphore_mem>>
    %dma_wait3A_122 = tpu.memref_squeeze %dma_wait3A_121 : memref<1x!tpu.dma_semaphore, #tpu.memory_space<semaphore_mem>> -> memref<!tpu.dma_semaphore, #tpu.memory_space<semaphore_mem>>
    tpu.wait_indirect_dma semaphore(%dma_wait3A_122 : memref<!tpu.dma_semaphore, #tpu.memory_space<semaphore_mem>>) src(%dma_wait3A_120 : memref<10240x128xf32, #tpu.memory_space<hbm>>) dst(%dma_wait3A_114 : memref<128x128xf32, #tpu.memory_space<vmem>>)
    %dma_start3A_123 = arith.constant 1 : i32
    %dma_start3A_124 = arith.constant 39 : i32
    %dma_start3A_125 = arith.constant 1 : i32
    %dma_start3A_126 = arith.constant 0 : i32
    %dma_start3A_127 = arith.constant 0 : i32
    %dma_start3A_128 = tpu.memref_slice %arg9[%dma_start3A_123, %dma_start3A_126, %dma_start3A_127] : memref<2x128x128xf32, #tpu.memory_space<vmem>> -> memref<1x128x128xf32, #tpu.memory_space<vmem>>
    %dma_start3A_129 = tpu.memref_squeeze %dma_start3A_128 : memref<1x128x128xf32, #tpu.memory_space<vmem>> -> memref<128x128xf32, #tpu.memory_space<vmem>>
    %dma_start3A_130 = arith.constant 0 : i32
    %dma_start3A_131 = tpu.memref_slice %arg8[%dma_start3A_124, %dma_start3A_130] : memref<40x128xi32, #tpu.memory_space<vmem>> -> memref<1x128xi32, #tpu.memory_space<vmem>>
    %dma_start3A_132 = tpu.memref_squeeze %dma_start3A_131 : memref<1x128xi32, #tpu.memory_space<vmem>> -> memref<128xi32, #tpu.memory_space<vmem>>
    %dma_start3A_133 = arith.constant 0 : i32
    %dma_start3A_134 = arith.constant 0 : i32
    %dma_start3A_135 = tpu.memref_slice %arg12[%dma_start3A_133, %dma_start3A_134] : memref<10240x128xf32, #tpu.memory_space<vmem_shared>> -> memref<10240x128xf32, #tpu.memory_space<vmem_shared>>
    %dma_start3A_136 = tpu.memref_slice %arg11[%dma_start3A_125] : memref<2x!tpu.dma_semaphore, #tpu.memory_space<semaphore_mem>> -> memref<1x!tpu.dma_semaphore, #tpu.memory_space<semaphore_mem>>
    %dma_start3A_137 = tpu.memref_squeeze %dma_start3A_136 : memref<1x!tpu.dma_semaphore, #tpu.memory_space<semaphore_mem>> -> memref<!tpu.dma_semaphore, #tpu.memory_space<semaphore_mem>>
    tpu.enqueue_indirect_dma source(%dma_start3A_129 : memref<128x128xf32, #tpu.memory_space<vmem>>) target(%dma_start3A_135 : memref<10240x128xf32, #tpu.memory_space<vmem_shared>>) offsets(%dma_start3A_132 : memref<128xi32, #tpu.memory_space<vmem>>) semaphore(%dma_start3A_137 : memref<!tpu.dma_semaphore, #tpu.memory_space<semaphore_mem>>) {add = true}
    %dma_wait3A_138 = arith.constant 1 : i32
    %dma_wait3A_139 = arith.constant 39 : i32
    %dma_wait3A_140 = arith.constant 1 : i32
    %dma_wait3A_141 = arith.constant 0 : i32
    %dma_wait3A_142 = arith.constant 0 : i32
    %dma_wait3A_143 = tpu.memref_slice %arg9[%dma_wait3A_138, %dma_wait3A_141, %dma_wait3A_142] : memref<2x128x128xf32, #tpu.memory_space<vmem>> -> memref<1x128x128xf32, #tpu.memory_space<vmem>>
    %dma_wait3A_144 = tpu.memref_squeeze %dma_wait3A_143 : memref<1x128x128xf32, #tpu.memory_space<vmem>> -> memref<128x128xf32, #tpu.memory_space<vmem>>
    %dma_wait3A_145 = arith.constant 0 : i32
    %dma_wait3A_146 = tpu.memref_slice %arg8[%dma_wait3A_139, %dma_wait3A_145] : memref<40x128xi32, #tpu.memory_space<vmem>> -> memref<1x128xi32, #tpu.memory_space<vmem>>
    %dma_wait3A_147 = tpu.memref_squeeze %dma_wait3A_146 : memref<1x128xi32, #tpu.memory_space<vmem>> -> memref<128xi32, #tpu.memory_space<vmem>>
    %dma_wait3A_148 = arith.constant 0 : i32
    %dma_wait3A_149 = arith.constant 0 : i32
    %dma_wait3A_150 = tpu.memref_slice %arg12[%dma_wait3A_148, %dma_wait3A_149] : memref<10240x128xf32, #tpu.memory_space<vmem_shared>> -> memref<10240x128xf32, #tpu.memory_space<vmem_shared>>
    %dma_wait3A_151 = tpu.memref_slice %arg11[%dma_wait3A_140] : memref<2x!tpu.dma_semaphore, #tpu.memory_space<semaphore_mem>> -> memref<1x!tpu.dma_semaphore, #tpu.memory_space<semaphore_mem>>
    %dma_wait3A_152 = tpu.memref_squeeze %dma_wait3A_151 : memref<1x!tpu.dma_semaphore, #tpu.memory_space<semaphore_mem>> -> memref<!tpu.dma_semaphore, #tpu.memory_space<semaphore_mem>>
    tpu.wait_indirect_dma semaphore(%dma_wait3A_152 : memref<!tpu.dma_semaphore, #tpu.memory_space<semaphore_mem>>) src(%dma_wait3A_144 : memref<128x128xf32, #tpu.memory_space<vmem>>) dst(%dma_wait3A_150 : memref<10240x128xf32, #tpu.memory_space<vmem_shared>>)
    %mul3A_153 = arith.constant 16 : i32
    %mul3A_154 = arith.muli %arg0, %mul3A_153 : i32
    %add3A_155 = arith.addi %mul3A_154, %arg1 : i32
    %mul3A_156 = arith.constant 80 : i32
    %mul3A_157 = arith.muli %add3A_155, %mul3A_156 : i32
    %add3A_158 = arith.constant 40 : i32
    %add3A_159 = arith.addi %mul3A_157, %add3A_158 : i32
    "tpu.region"() ({
      %run_scoped3A_291 = tpu.sem_alloc : memref<!tpu.dma_semaphore, #tpu.memory_space<semaphore_mem>>
      %dma_start3A_292 = arith.constant 0 : i32
      %dma_start3A_293 = tpu.memref_slice %arg3[%add3A_159, %dma_start3A_292] : memref<2560x128xi32, #tpu.memory_space<hbm>> -> memref<40x128xi32, #tpu.memory_space<hbm>>
      %dma_start3A_294 = arith.constant 0 : i32
      %dma_start3A_295 = tpu.memref_slice %arg3[%add3A_159, %dma_start3A_294] : memref<2560x128xi32, #tpu.memory_space<hbm>> -> memref<40x128xi32, #tpu.memory_space<hbm>>
      tpu.enqueue_dma source(%dma_start3A_295 : memref<40x128xi32, #tpu.memory_space<hbm>>) target(%arg7 : memref<40x128xi32, #tpu.memory_space<vmem>>) target_semaphore(%run_scoped3A_291 : memref<!tpu.dma_semaphore, #tpu.memory_space<semaphore_mem>>)
      %dma_wait3A_296 = arith.constant 0 : i32
      %dma_wait3A_297 = tpu.memref_slice %arg3[%add3A_159, %dma_wait3A_296] : memref<2560x128xi32, #tpu.memory_space<hbm>> -> memref<40x128xi32, #tpu.memory_space<hbm>>
      %dma_wait3A_298 = arith.constant 0 : i32
      %dma_wait3A_299 = tpu.memref_slice %arg3[%add3A_159, %dma_wait3A_298] : memref<2560x128xi32, #tpu.memory_space<hbm>> -> memref<40x128xi32, #tpu.memory_space<hbm>>
      tpu.wait_dma2 semaphore(%run_scoped3A_291 : memref<!tpu.dma_semaphore, #tpu.memory_space<semaphore_mem>>) src(%dma_wait3A_299 : memref<40x128xi32, #tpu.memory_space<hbm>>) dst(%arg7 : memref<40x128xi32, #tpu.memory_space<vmem>>)
      tpu.yield
    }) : () -> ()
    "tpu.region"() ({
      %run_scoped3A_291 = tpu.sem_alloc : memref<!tpu.dma_semaphore, #tpu.memory_space<semaphore_mem>>
      %dma_start3A_292 = arith.constant 0 : i32
      %dma_start3A_293 = tpu.memref_slice %arg4[%add3A_159, %dma_start3A_292] : memref<2560x128xi32, #tpu.memory_space<hbm>> -> memref<40x128xi32, #tpu.memory_space<hbm>>
      %dma_start3A_294 = arith.constant 0 : i32
      %dma_start3A_295 = tpu.memref_slice %arg4[%add3A_159, %dma_start3A_294] : memref<2560x128xi32, #tpu.memory_space<hbm>> -> memref<40x128xi32, #tpu.memory_space<hbm>>
      tpu.enqueue_dma source(%dma_start3A_295 : memref<40x128xi32, #tpu.memory_space<hbm>>) target(%arg8 : memref<40x128xi32, #tpu.memory_space<vmem>>) target_semaphore(%run_scoped3A_291 : memref<!tpu.dma_semaphore, #tpu.memory_space<semaphore_mem>>)
      %dma_wait3A_296 = arith.constant 0 : i32
      %dma_wait3A_297 = tpu.memref_slice %arg4[%add3A_159, %dma_wait3A_296] : memref<2560x128xi32, #tpu.memory_space<hbm>> -> memref<40x128xi32, #tpu.memory_space<hbm>>
      %dma_wait3A_298 = arith.constant 0 : i32
      %dma_wait3A_299 = tpu.memref_slice %arg4[%add3A_159, %dma_wait3A_298] : memref<2560x128xi32, #tpu.memory_space<hbm>> -> memref<40x128xi32, #tpu.memory_space<hbm>>
      tpu.wait_dma2 semaphore(%run_scoped3A_291 : memref<!tpu.dma_semaphore, #tpu.memory_space<semaphore_mem>>) src(%dma_wait3A_299 : memref<40x128xi32, #tpu.memory_space<hbm>>) dst(%arg8 : memref<40x128xi32, #tpu.memory_space<vmem>>)
      tpu.yield
    }) : () -> ()
    %dma_start3A_160 = arith.constant 0 : i32
    %dma_start3A_161 = arith.constant 0 : i32
    %dma_start3A_162 = arith.constant 0 : i32
    %dma_start3A_163 = arith.constant 0 : i32
    %dma_start3A_164 = arith.constant 0 : i32
    %dma_start3A_165 = tpu.memref_slice %arg9[%dma_start3A_161, %dma_start3A_163, %dma_start3A_164] : memref<2x128x128xf32, #tpu.memory_space<vmem>> -> memref<1x128x128xf32, #tpu.memory_space<vmem>>
    %dma_start3A_166 = tpu.memref_squeeze %dma_start3A_165 : memref<1x128x128xf32, #tpu.memory_space<vmem>> -> memref<128x128xf32, #tpu.memory_space<vmem>>
    %dma_start3A_167 = arith.constant 0 : i32
    %dma_start3A_168 = tpu.memref_slice %arg7[%dma_start3A_160, %dma_start3A_167] : memref<40x128xi32, #tpu.memory_space<vmem>> -> memref<1x128xi32, #tpu.memory_space<vmem>>
    %dma_start3A_169 = tpu.memref_squeeze %dma_start3A_168 : memref<1x128xi32, #tpu.memory_space<vmem>> -> memref<128xi32, #tpu.memory_space<vmem>>
    %dma_start3A_170 = arith.constant 0 : i32
    %dma_start3A_171 = arith.constant 0 : i32
    %dma_start3A_172 = tpu.memref_slice %arg2[%dma_start3A_170, %dma_start3A_171] : memref<10240x128xf32, #tpu.memory_space<hbm>> -> memref<10240x128xf32, #tpu.memory_space<hbm>>
    %dma_start3A_173 = tpu.memref_slice %arg10[%dma_start3A_162] : memref<2x!tpu.dma_semaphore, #tpu.memory_space<semaphore_mem>> -> memref<1x!tpu.dma_semaphore, #tpu.memory_space<semaphore_mem>>
    %dma_start3A_174 = tpu.memref_squeeze %dma_start3A_173 : memref<1x!tpu.dma_semaphore, #tpu.memory_space<semaphore_mem>> -> memref<!tpu.dma_semaphore, #tpu.memory_space<semaphore_mem>>
    tpu.enqueue_indirect_dma source(%dma_start3A_172 : memref<10240x128xf32, #tpu.memory_space<hbm>>) target(%dma_start3A_166 : memref<128x128xf32, #tpu.memory_space<vmem>>) offsets(%dma_start3A_169 : memref<128xi32, #tpu.memory_space<vmem>>) semaphore(%dma_start3A_174 : memref<!tpu.dma_semaphore, #tpu.memory_space<semaphore_mem>>)
    %dma_start3A_175 = arith.constant 1 : i32
    %dma_start3A_176 = arith.constant 1 : i32
    %dma_start3A_177 = arith.constant 1 : i32
    %dma_start3A_178 = arith.constant 0 : i32
    %dma_start3A_179 = arith.constant 0 : i32
    %dma_start3A_180 = tpu.memref_slice %arg9[%dma_start3A_176, %dma_start3A_178, %dma_start3A_179] : memref<2x128x128xf32, #tpu.memory_space<vmem>> -> memref<1x128x128xf32, #tpu.memory_space<vmem>>
    %dma_start3A_181 = tpu.memref_squeeze %dma_start3A_180 : memref<1x128x128xf32, #tpu.memory_space<vmem>> -> memref<128x128xf32, #tpu.memory_space<vmem>>
    %dma_start3A_182 = arith.constant 0 : i32
    %dma_start3A_183 = tpu.memref_slice %arg7[%dma_start3A_175, %dma_start3A_182] : memref<40x128xi32, #tpu.memory_space<vmem>> -> memref<1x128xi32, #tpu.memory_space<vmem>>
    %dma_start3A_184 = tpu.memref_squeeze %dma_start3A_183 : memref<1x128xi32, #tpu.memory_space<vmem>> -> memref<128xi32, #tpu.memory_space<vmem>>
    %dma_start3A_185 = arith.constant 0 : i32
    %dma_start3A_186 = arith.constant 0 : i32
    %dma_start3A_187 = tpu.memref_slice %arg2[%dma_start3A_185, %dma_start3A_186] : memref<10240x128xf32, #tpu.memory_space<hbm>> -> memref<10240x128xf32, #tpu.memory_space<hbm>>
    %dma_start3A_188 = tpu.memref_slice %arg10[%dma_start3A_177] : memref<2x!tpu.dma_semaphore, #tpu.memory_space<semaphore_mem>> -> memref<1x!tpu.dma_semaphore, #tpu.memory_space<semaphore_mem>>
    %dma_start3A_189 = tpu.memref_squeeze %dma_start3A_188 : memref<1x!tpu.dma_semaphore, #tpu.memory_space<semaphore_mem>> -> memref<!tpu.dma_semaphore, #tpu.memory_space<semaphore_mem>>
    tpu.enqueue_indirect_dma source(%dma_start3A_187 : memref<10240x128xf32, #tpu.memory_space<hbm>>) target(%dma_start3A_181 : memref<128x128xf32, #tpu.memory_space<vmem>>) offsets(%dma_start3A_184 : memref<128xi32, #tpu.memory_space<vmem>>) semaphore(%dma_start3A_189 : memref<!tpu.dma_semaphore, #tpu.memory_space<semaphore_mem>>)
    %dma_wait3A_190 = arith.constant 0 : i32
    %dma_wait3A_191 = arith.constant 0 : i32
    %dma_wait3A_192 = arith.constant 0 : i32
    %dma_wait3A_193 = arith.constant 0 : i32
    %dma_wait3A_194 = arith.constant 0 : i32
    %dma_wait3A_195 = tpu.memref_slice %arg9[%dma_wait3A_191, %dma_wait3A_193, %dma_wait3A_194] : memref<2x128x128xf32, #tpu.memory_space<vmem>> -> memref<1x128x128xf32, #tpu.memory_space<vmem>>
    %dma_wait3A_196 = tpu.memref_squeeze %dma_wait3A_195 : memref<1x128x128xf32, #tpu.memory_space<vmem>> -> memref<128x128xf32, #tpu.memory_space<vmem>>
    %dma_wait3A_197 = arith.constant 0 : i32
    %dma_wait3A_198 = tpu.memref_slice %arg7[%dma_wait3A_190, %dma_wait3A_197] : memref<40x128xi32, #tpu.memory_space<vmem>> -> memref<1x128xi32, #tpu.memory_space<vmem>>
    %dma_wait3A_199 = tpu.memref_squeeze %dma_wait3A_198 : memref<1x128xi32, #tpu.memory_space<vmem>> -> memref<128xi32, #tpu.memory_space<vmem>>
    %dma_wait3A_200 = arith.constant 0 : i32
    %dma_wait3A_201 = arith.constant 0 : i32
    %dma_wait3A_202 = tpu.memref_slice %arg2[%dma_wait3A_200, %dma_wait3A_201] : memref<10240x128xf32, #tpu.memory_space<hbm>> -> memref<10240x128xf32, #tpu.memory_space<hbm>>
    %dma_wait3A_203 = tpu.memref_slice %arg10[%dma_wait3A_192] : memref<2x!tpu.dma_semaphore, #tpu.memory_space<semaphore_mem>> -> memref<1x!tpu.dma_semaphore, #tpu.memory_space<semaphore_mem>>
    %dma_wait3A_204 = tpu.memref_squeeze %dma_wait3A_203 : memref<1x!tpu.dma_semaphore, #tpu.memory_space<semaphore_mem>> -> memref<!tpu.dma_semaphore, #tpu.memory_space<semaphore_mem>>
    tpu.wait_indirect_dma semaphore(%dma_wait3A_204 : memref<!tpu.dma_semaphore, #tpu.memory_space<semaphore_mem>>) src(%dma_wait3A_202 : memref<10240x128xf32, #tpu.memory_space<hbm>>) dst(%dma_wait3A_196 : memref<128x128xf32, #tpu.memory_space<vmem>>)
    %dma_start3A_205 = arith.constant 0 : i32
    %dma_start3A_206 = arith.constant 0 : i32
    %dma_start3A_207 = arith.constant 0 : i32
    %dma_start3A_208 = arith.constant 0 : i32
    %dma_start3A_209 = arith.constant 0 : i32
    %dma_start3A_210 = tpu.memref_slice %arg9[%dma_start3A_205, %dma_start3A_208, %dma_start3A_209] : memref<2x128x128xf32, #tpu.memory_space<vmem>> -> memref<1x128x128xf32, #tpu.memory_space<vmem>>
    %dma_start3A_211 = tpu.memref_squeeze %dma_start3A_210 : memref<1x128x128xf32, #tpu.memory_space<vmem>> -> memref<128x128xf32, #tpu.memory_space<vmem>>
    %dma_start3A_212 = arith.constant 0 : i32
    %dma_start3A_213 = tpu.memref_slice %arg8[%dma_start3A_206, %dma_start3A_212] : memref<40x128xi32, #tpu.memory_space<vmem>> -> memref<1x128xi32, #tpu.memory_space<vmem>>
    %dma_start3A_214 = tpu.memref_squeeze %dma_start3A_213 : memref<1x128xi32, #tpu.memory_space<vmem>> -> memref<128xi32, #tpu.memory_space<vmem>>
    %dma_start3A_215 = arith.constant 0 : i32
    %dma_start3A_216 = arith.constant 0 : i32
    %dma_start3A_217 = tpu.memref_slice %arg12[%dma_start3A_215, %dma_start3A_216] : memref<10240x128xf32, #tpu.memory_space<vmem_shared>> -> memref<10240x128xf32, #tpu.memory_space<vmem_shared>>
    %dma_start3A_218 = tpu.memref_slice %arg11[%dma_start3A_207] : memref<2x!tpu.dma_semaphore, #tpu.memory_space<semaphore_mem>> -> memref<1x!tpu.dma_semaphore, #tpu.memory_space<semaphore_mem>>
    %dma_start3A_219 = tpu.memref_squeeze %dma_start3A_218 : memref<1x!tpu.dma_semaphore, #tpu.memory_space<semaphore_mem>> -> memref<!tpu.dma_semaphore, #tpu.memory_space<semaphore_mem>>
    tpu.enqueue_indirect_dma source(%dma_start3A_211 : memref<128x128xf32, #tpu.memory_space<vmem>>) target(%dma_start3A_217 : memref<10240x128xf32, #tpu.memory_space<vmem_shared>>) offsets(%dma_start3A_214 : memref<128xi32, #tpu.memory_space<vmem>>) semaphore(%dma_start3A_219 : memref<!tpu.dma_semaphore, #tpu.memory_space<semaphore_mem>>) {add = true}
    %scan3A_220 = arith.constant 0 : i32
    %scan3A_221 = arith.constant 0 : i32
    %scan3A_222 = arith.constant 19 : i32
    %scan3A_223 = arith.addi %scan3A_221, %scan3A_222 : i32
    %scan3A_224 = arith.constant 1 : i32
    scf.for %scan3A_291 = %scan3A_221 to %scan3A_223 step %scan3A_224  : i32 {
      %mul3A_292 = arith.constant 2 : i32
      %mul3A_293 = arith.muli %scan3A_291, %mul3A_292 : i32
      %add3A_294 = arith.constant 2 : i32
      %add3A_295 = arith.addi %add3A_294, %mul3A_293 : i32
      %add3A_296 = arith.constant 0 : i32
      %add3A_297 = arith.addi %add3A_295, %add3A_296 : i32
      %sub3A = arith.constant 2 : i32
      %sub3A_298 = arith.subi %add3A_297, %sub3A : i32
      %dma_wait3A_299 = arith.constant 0 : i32
      %dma_wait3A_300 = arith.constant 0 : i32
      %dma_wait3A_301 = arith.constant 0 : i32
      %dma_wait3A_302 = arith.constant 0 : i32
      %dma_wait3A_303 = tpu.memref_slice %arg9[%dma_wait3A_299, %dma_wait3A_301, %dma_wait3A_302] : memref<2x128x128xf32, #tpu.memory_space<vmem>> -> memref<1x128x128xf32, #tpu.memory_space<vmem>>
      %dma_wait3A_304 = tpu.memref_squeeze %dma_wait3A_303 : memref<1x128x128xf32, #tpu.memory_space<vmem>> -> memref<128x128xf32, #tpu.memory_space<vmem>>
      %dma_wait3A_305 = arith.constant 0 : i32
      %dma_wait3A_306 = tpu.memref_slice %arg8[%sub3A_298, %dma_wait3A_305] : memref<40x128xi32, #tpu.memory_space<vmem>> -> memref<1x128xi32, #tpu.memory_space<vmem>>
      %dma_wait3A_307 = tpu.memref_squeeze %dma_wait3A_306 : memref<1x128xi32, #tpu.memory_space<vmem>> -> memref<128xi32, #tpu.memory_space<vmem>>
      %dma_wait3A_308 = arith.constant 0 : i32
      %dma_wait3A_309 = arith.constant 0 : i32
      %dma_wait3A_310 = tpu.memref_slice %arg12[%dma_wait3A_308, %dma_wait3A_309] : memref<10240x128xf32, #tpu.memory_space<vmem_shared>> -> memref<10240x128xf32, #tpu.memory_space<vmem_shared>>
      %dma_wait3A_311 = tpu.memref_slice %arg11[%dma_wait3A_300] : memref<2x!tpu.dma_semaphore, #tpu.memory_space<semaphore_mem>> -> memref<1x!tpu.dma_semaphore, #tpu.memory_space<semaphore_mem>>
      %dma_wait3A_312 = tpu.memref_squeeze %dma_wait3A_311 : memref<1x!tpu.dma_semaphore, #tpu.memory_space<semaphore_mem>> -> memref<!tpu.dma_semaphore, #tpu.memory_space<semaphore_mem>>
      tpu.wait_indirect_dma semaphore(%dma_wait3A_312 : memref<!tpu.dma_semaphore, #tpu.memory_space<semaphore_mem>>) src(%dma_wait3A_304 : memref<128x128xf32, #tpu.memory_space<vmem>>) dst(%dma_wait3A_310 : memref<10240x128xf32, #tpu.memory_space<vmem_shared>>)
      %dma_start3A_313 = arith.constant 0 : i32
      %dma_start3A_314 = arith.constant 0 : i32
      %dma_start3A_315 = arith.constant 0 : i32
      %dma_start3A_316 = arith.constant 0 : i32
      %dma_start3A_317 = tpu.memref_slice %arg9[%dma_start3A_313, %dma_start3A_315, %dma_start3A_316] : memref<2x128x128xf32, #tpu.memory_space<vmem>> -> memref<1x128x128xf32, #tpu.memory_space<vmem>>
      %dma_start3A_318 = tpu.memref_squeeze %dma_start3A_317 : memref<1x128x128xf32, #tpu.memory_space<vmem>> -> memref<128x128xf32, #tpu.memory_space<vmem>>
      %dma_start3A_319 = arith.constant 0 : i32
      %dma_start3A_320 = tpu.memref_slice %arg7[%add3A_297, %dma_start3A_319] : memref<40x128xi32, #tpu.memory_space<vmem>> -> memref<1x128xi32, #tpu.memory_space<vmem>>
      %dma_start3A_321 = tpu.memref_squeeze %dma_start3A_320 : memref<1x128xi32, #tpu.memory_space<vmem>> -> memref<128xi32, #tpu.memory_space<vmem>>
      %dma_start3A_322 = arith.constant 0 : i32
      %dma_start3A_323 = arith.constant 0 : i32
      %dma_start3A_324 = tpu.memref_slice %arg2[%dma_start3A_322, %dma_start3A_323] : memref<10240x128xf32, #tpu.memory_space<hbm>> -> memref<10240x128xf32, #tpu.memory_space<hbm>>
      %dma_start3A_325 = tpu.memref_slice %arg10[%dma_start3A_314] : memref<2x!tpu.dma_semaphore, #tpu.memory_space<semaphore_mem>> -> memref<1x!tpu.dma_semaphore, #tpu.memory_space<semaphore_mem>>
      %dma_start3A_326 = tpu.memref_squeeze %dma_start3A_325 : memref<1x!tpu.dma_semaphore, #tpu.memory_space<semaphore_mem>> -> memref<!tpu.dma_semaphore, #tpu.memory_space<semaphore_mem>>
      tpu.enqueue_indirect_dma source(%dma_start3A_324 : memref<10240x128xf32, #tpu.memory_space<hbm>>) target(%dma_start3A_318 : memref<128x128xf32, #tpu.memory_space<vmem>>) offsets(%dma_start3A_321 : memref<128xi32, #tpu.memory_space<vmem>>) semaphore(%dma_start3A_326 : memref<!tpu.dma_semaphore, #tpu.memory_space<semaphore_mem>>)
      %sub3A_327 = arith.constant 1 : i32
      %sub3A_328 = arith.subi %add3A_297, %sub3A_327 : i32
      %dma_wait3A_329 = arith.constant 1 : i32
      %dma_wait3A_330 = arith.constant 1 : i32
      %dma_wait3A_331 = arith.constant 0 : i32
      %dma_wait3A_332 = arith.constant 0 : i32
      %dma_wait3A_333 = tpu.memref_slice %arg9[%dma_wait3A_329, %dma_wait3A_331, %dma_wait3A_332] : memref<2x128x128xf32, #tpu.memory_space<vmem>> -> memref<1x128x128xf32, #tpu.memory_space<vmem>>
      %dma_wait3A_334 = tpu.memref_squeeze %dma_wait3A_333 : memref<1x128x128xf32, #tpu.memory_space<vmem>> -> memref<128x128xf32, #tpu.memory_space<vmem>>
      %dma_wait3A_335 = arith.constant 0 : i32
      %dma_wait3A_336 = tpu.memref_slice %arg7[%sub3A_328, %dma_wait3A_335] : memref<40x128xi32, #tpu.memory_space<vmem>> -> memref<1x128xi32, #tpu.memory_space<vmem>>
      %dma_wait3A_337 = tpu.memref_squeeze %dma_wait3A_336 : memref<1x128xi32, #tpu.memory_space<vmem>> -> memref<128xi32, #tpu.memory_space<vmem>>
      %dma_wait3A_338 = arith.constant 0 : i32
      %dma_wait3A_339 = arith.constant 0 : i32
      %dma_wait3A_340 = tpu.memref_slice %arg2[%dma_wait3A_338, %dma_wait3A_339] : memref<10240x128xf32, #tpu.memory_space<hbm>> -> memref<10240x128xf32, #tpu.memory_space<hbm>>
      %dma_wait3A_341 = tpu.memref_slice %arg10[%dma_wait3A_330] : memref<2x!tpu.dma_semaphore, #tpu.memory_space<semaphore_mem>> -> memref<1x!tpu.dma_semaphore, #tpu.memory_space<semaphore_mem>>
      %dma_wait3A_342 = tpu.memref_squeeze %dma_wait3A_341 : memref<1x!tpu.dma_semaphore, #tpu.memory_space<semaphore_mem>> -> memref<!tpu.dma_semaphore, #tpu.memory_space<semaphore_mem>>
      tpu.wait_indirect_dma semaphore(%dma_wait3A_342 : memref<!tpu.dma_semaphore, #tpu.memory_space<semaphore_mem>>) src(%dma_wait3A_340 : memref<10240x128xf32, #tpu.memory_space<hbm>>) dst(%dma_wait3A_334 : memref<128x128xf32, #tpu.memory_space<vmem>>)
      %dma_start3A_343 = arith.constant 1 : i32
      %dma_start3A_344 = arith.constant 1 : i32
      %dma_start3A_345 = arith.constant 0 : i32
      %dma_start3A_346 = arith.constant 0 : i32
      %dma_start3A_347 = tpu.memref_slice %arg9[%dma_start3A_343, %dma_start3A_345, %dma_start3A_346] : memref<2x128x128xf32, #tpu.memory_space<vmem>> -> memref<1x128x128xf32, #tpu.memory_space<vmem>>
      %dma_start3A_348 = tpu.memref_squeeze %dma_start3A_347 : memref<1x128x128xf32, #tpu.memory_space<vmem>> -> memref<128x128xf32, #tpu.memory_space<vmem>>
      %dma_start3A_349 = arith.constant 0 : i32
      %dma_start3A_350 = tpu.memref_slice %arg8[%sub3A_328, %dma_start3A_349] : memref<40x128xi32, #tpu.memory_space<vmem>> -> memref<1x128xi32, #tpu.memory_space<vmem>>
      %dma_start3A_351 = tpu.memref_squeeze %dma_start3A_350 : memref<1x128xi32, #tpu.memory_space<vmem>> -> memref<128xi32, #tpu.memory_space<vmem>>
      %dma_start3A_352 = arith.constant 0 : i32
      %dma_start3A_353 = arith.constant 0 : i32
      %dma_start3A_354 = tpu.memref_slice %arg12[%dma_start3A_352, %dma_start3A_353] : memref<10240x128xf32, #tpu.memory_space<vmem_shared>> -> memref<10240x128xf32, #tpu.memory_space<vmem_shared>>
      %dma_start3A_355 = tpu.memref_slice %arg11[%dma_start3A_344] : memref<2x!tpu.dma_semaphore, #tpu.memory_space<semaphore_mem>> -> memref<1x!tpu.dma_semaphore, #tpu.memory_space<semaphore_mem>>
      %dma_start3A_356 = tpu.memref_squeeze %dma_start3A_355 : memref<1x!tpu.dma_semaphore, #tpu.memory_space<semaphore_mem>> -> memref<!tpu.dma_semaphore, #tpu.memory_space<semaphore_mem>>
      tpu.enqueue_indirect_dma source(%dma_start3A_348 : memref<128x128xf32, #tpu.memory_space<vmem>>) target(%dma_start3A_354 : memref<10240x128xf32, #tpu.memory_space<vmem_shared>>) offsets(%dma_start3A_351 : memref<128xi32, #tpu.memory_space<vmem>>) semaphore(%dma_start3A_356 : memref<!tpu.dma_semaphore, #tpu.memory_space<semaphore_mem>>) {add = true}
      %mul3A_357 = arith.constant 2 : i32
      %mul3A_358 = arith.muli %scan3A_291, %mul3A_357 : i32
      %add3A_359 = arith.constant 2 : i32
      %add3A_360 = arith.addi %add3A_359, %mul3A_358 : i32
      %add3A_361 = arith.constant 1 : i32
      %add3A_362 = arith.addi %add3A_360, %add3A_361 : i32
      %sub3A_363 = arith.constant 2 : i32
      %sub3A_364 = arith.subi %add3A_362, %sub3A_363 : i32
      %dma_wait3A_365 = arith.constant 1 : i32
      %dma_wait3A_366 = arith.constant 1 : i32
      %dma_wait3A_367 = arith.constant 0 : i32
      %dma_wait3A_368 = arith.constant 0 : i32
      %dma_wait3A_369 = tpu.memref_slice %arg9[%dma_wait3A_365, %dma_wait3A_367, %dma_wait3A_368] : memref<2x128x128xf32, #tpu.memory_space<vmem>> -> memref<1x128x128xf32, #tpu.memory_space<vmem>>
      %dma_wait3A_370 = tpu.memref_squeeze %dma_wait3A_369 : memref<1x128x128xf32, #tpu.memory_space<vmem>> -> memref<128x128xf32, #tpu.memory_space<vmem>>
      %dma_wait3A_371 = arith.constant 0 : i32
      %dma_wait3A_372 = tpu.memref_slice %arg8[%sub3A_364, %dma_wait3A_371] : memref<40x128xi32, #tpu.memory_space<vmem>> -> memref<1x128xi32, #tpu.memory_space<vmem>>
      %dma_wait3A_373 = tpu.memref_squeeze %dma_wait3A_372 : memref<1x128xi32, #tpu.memory_space<vmem>> -> memref<128xi32, #tpu.memory_space<vmem>>
      %dma_wait3A_374 = arith.constant 0 : i32
      %dma_wait3A_375 = arith.constant 0 : i32
      %dma_wait3A_376 = tpu.memref_slice %arg12[%dma_wait3A_374, %dma_wait3A_375] : memref<10240x128xf32, #tpu.memory_space<vmem_shared>> -> memref<10240x128xf32, #tpu.memory_space<vmem_shared>>
      %dma_wait3A_377 = tpu.memref_slice %arg11[%dma_wait3A_366] : memref<2x!tpu.dma_semaphore, #tpu.memory_space<semaphore_mem>> -> memref<1x!tpu.dma_semaphore, #tpu.memory_space<semaphore_mem>>
      %dma_wait3A_378 = tpu.memref_squeeze %dma_wait3A_377 : memref<1x!tpu.dma_semaphore, #tpu.memory_space<semaphore_mem>> -> memref<!tpu.dma_semaphore, #tpu.memory_space<semaphore_mem>>
      tpu.wait_indirect_dma semaphore(%dma_wait3A_378 : memref<!tpu.dma_semaphore, #tpu.memory_space<semaphore_mem>>) src(%dma_wait3A_370 : memref<128x128xf32, #tpu.memory_space<vmem>>) dst(%dma_wait3A_376 : memref<10240x128xf32, #tpu.memory_space<vmem_shared>>)
      %dma_start3A_379 = arith.constant 1 : i32
      %dma_start3A_380 = arith.constant 1 : i32
      %dma_start3A_381 = arith.constant 0 : i32
      %dma_start3A_382 = arith.constant 0 : i32
      %dma_start3A_383 = tpu.memref_slice %arg9[%dma_start3A_379, %dma_start3A_381, %dma_start3A_382] : memref<2x128x128xf32, #tpu.memory_space<vmem>> -> memref<1x128x128xf32, #tpu.memory_space<vmem>>
      %dma_start3A_384 = tpu.memref_squeeze %dma_start3A_383 : memref<1x128x128xf32, #tpu.memory_space<vmem>> -> memref<128x128xf32, #tpu.memory_space<vmem>>
      %dma_start3A_385 = arith.constant 0 : i32
      %dma_start3A_386 = tpu.memref_slice %arg7[%add3A_362, %dma_start3A_385] : memref<40x128xi32, #tpu.memory_space<vmem>> -> memref<1x128xi32, #tpu.memory_space<vmem>>
      %dma_start3A_387 = tpu.memref_squeeze %dma_start3A_386 : memref<1x128xi32, #tpu.memory_space<vmem>> -> memref<128xi32, #tpu.memory_space<vmem>>
      %dma_start3A_388 = arith.constant 0 : i32
      %dma_start3A_389 = arith.constant 0 : i32
      %dma_start3A_390 = tpu.memref_slice %arg2[%dma_start3A_388, %dma_start3A_389] : memref<10240x128xf32, #tpu.memory_space<hbm>> -> memref<10240x128xf32, #tpu.memory_space<hbm>>
      %dma_start3A_391 = tpu.memref_slice %arg10[%dma_start3A_380] : memref<2x!tpu.dma_semaphore, #tpu.memory_space<semaphore_mem>> -> memref<1x!tpu.dma_semaphore, #tpu.memory_space<semaphore_mem>>
      %dma_start3A_392 = tpu.memref_squeeze %dma_start3A_391 : memref<1x!tpu.dma_semaphore, #tpu.memory_space<semaphore_mem>> -> memref<!tpu.dma_semaphore, #tpu.memory_space<semaphore_mem>>
      tpu.enqueue_indirect_dma source(%dma_start3A_390 : memref<10240x128xf32, #tpu.memory_space<hbm>>) target(%dma_start3A_384 : memref<128x128xf32, #tpu.memory_space<vmem>>) offsets(%dma_start3A_387 : memref<128xi32, #tpu.memory_space<vmem>>) semaphore(%dma_start3A_392 : memref<!tpu.dma_semaphore, #tpu.memory_space<semaphore_mem>>)
      %sub3A_393 = arith.constant 1 : i32
      %sub3A_394 = arith.subi %add3A_362, %sub3A_393 : i32
      %dma_wait3A_395 = arith.constant 0 : i32
      %dma_wait3A_396 = arith.constant 0 : i32
      %dma_wait3A_397 = arith.constant 0 : i32
      %dma_wait3A_398 = arith.constant 0 : i32
      %dma_wait3A_399 = tpu.memref_slice %arg9[%dma_wait3A_395, %dma_wait3A_397, %dma_wait3A_398] : memref<2x128x128xf32, #tpu.memory_space<vmem>> -> memref<1x128x128xf32, #tpu.memory_space<vmem>>
      %dma_wait3A_400 = tpu.memref_squeeze %dma_wait3A_399 : memref<1x128x128xf32, #tpu.memory_space<vmem>> -> memref<128x128xf32, #tpu.memory_space<vmem>>
      %dma_wait3A_401 = arith.constant 0 : i32
      %dma_wait3A_402 = tpu.memref_slice %arg7[%sub3A_394, %dma_wait3A_401] : memref<40x128xi32, #tpu.memory_space<vmem>> -> memref<1x128xi32, #tpu.memory_space<vmem>>
      %dma_wait3A_403 = tpu.memref_squeeze %dma_wait3A_402 : memref<1x128xi32, #tpu.memory_space<vmem>> -> memref<128xi32, #tpu.memory_space<vmem>>
      %dma_wait3A_404 = arith.constant 0 : i32
      %dma_wait3A_405 = arith.constant 0 : i32
      %dma_wait3A_406 = tpu.memref_slice %arg2[%dma_wait3A_404, %dma_wait3A_405] : memref<10240x128xf32, #tpu.memory_space<hbm>> -> memref<10240x128xf32, #tpu.memory_space<hbm>>
      %dma_wait3A_407 = tpu.memref_slice %arg10[%dma_wait3A_396] : memref<2x!tpu.dma_semaphore, #tpu.memory_space<semaphore_mem>> -> memref<1x!tpu.dma_semaphore, #tpu.memory_space<semaphore_mem>>
      %dma_wait3A_408 = tpu.memref_squeeze %dma_wait3A_407 : memref<1x!tpu.dma_semaphore, #tpu.memory_space<semaphore_mem>> -> memref<!tpu.dma_semaphore, #tpu.memory_space<semaphore_mem>>
      tpu.wait_indirect_dma semaphore(%dma_wait3A_408 : memref<!tpu.dma_semaphore, #tpu.memory_space<semaphore_mem>>) src(%dma_wait3A_406 : memref<10240x128xf32, #tpu.memory_space<hbm>>) dst(%dma_wait3A_400 : memref<128x128xf32, #tpu.memory_space<vmem>>)
      %dma_start3A_409 = arith.constant 0 : i32
      %dma_start3A_410 = arith.constant 0 : i32
      %dma_start3A_411 = arith.constant 0 : i32
      %dma_start3A_412 = arith.constant 0 : i32
      %dma_start3A_413 = tpu.memref_slice %arg9[%dma_start3A_409, %dma_start3A_411, %dma_start3A_412] : memref<2x128x128xf32, #tpu.memory_space<vmem>> -> memref<1x128x128xf32, #tpu.memory_space<vmem>>
      %dma_start3A_414 = tpu.memref_squeeze %dma_start3A_413 : memref<1x128x128xf32, #tpu.memory_space<vmem>> -> memref<128x128xf32, #tpu.memory_space<vmem>>
      %dma_start3A_415 = arith.constant 0 : i32
      %dma_start3A_416 = tpu.memref_slice %arg8[%sub3A_394, %dma_start3A_415] : memref<40x128xi32, #tpu.memory_space<vmem>> -> memref<1x128xi32, #tpu.memory_space<vmem>>
      %dma_start3A_417 = tpu.memref_squeeze %dma_start3A_416 : memref<1x128xi32, #tpu.memory_space<vmem>> -> memref<128xi32, #tpu.memory_space<vmem>>
      %dma_start3A_418 = arith.constant 0 : i32
      %dma_start3A_419 = arith.constant 0 : i32
      %dma_start3A_420 = tpu.memref_slice %arg12[%dma_start3A_418, %dma_start3A_419] : memref<10240x128xf32, #tpu.memory_space<vmem_shared>> -> memref<10240x128xf32, #tpu.memory_space<vmem_shared>>
      %dma_start3A_421 = tpu.memref_slice %arg11[%dma_start3A_410] : memref<2x!tpu.dma_semaphore, #tpu.memory_space<semaphore_mem>> -> memref<1x!tpu.dma_semaphore, #tpu.memory_space<semaphore_mem>>
      %dma_start3A_422 = tpu.memref_squeeze %dma_start3A_421 : memref<1x!tpu.dma_semaphore, #tpu.memory_space<semaphore_mem>> -> memref<!tpu.dma_semaphore, #tpu.memory_space<semaphore_mem>>
      tpu.enqueue_indirect_dma source(%dma_start3A_414 : memref<128x128xf32, #tpu.memory_space<vmem>>) target(%dma_start3A_420 : memref<10240x128xf32, #tpu.memory_space<vmem_shared>>) offsets(%dma_start3A_417 : memref<128xi32, #tpu.memory_space<vmem>>) semaphore(%dma_start3A_422 : memref<!tpu.dma_semaphore, #tpu.memory_space<semaphore_mem>>) {add = true}
    }
    %scan3A_225 = arith.constant 19 : i32
    %dma_wait3A_226 = arith.constant 0 : i32
    %dma_wait3A_227 = arith.constant 38 : i32
    %dma_wait3A_228 = arith.constant 0 : i32
    %dma_wait3A_229 = arith.constant 0 : i32
    %dma_wait3A_230 = arith.constant 0 : i32
    %dma_wait3A_231 = tpu.memref_slice %arg9[%dma_wait3A_226, %dma_wait3A_229, %dma_wait3A_230] : memref<2x128x128xf32, #tpu.memory_space<vmem>> -> memref<1x128x128xf32, #tpu.memory_space<vmem>>
    %dma_wait3A_232 = tpu.memref_squeeze %dma_wait3A_231 : memref<1x128x128xf32, #tpu.memory_space<vmem>> -> memref<128x128xf32, #tpu.memory_space<vmem>>
    %dma_wait3A_233 = arith.constant 0 : i32
    %dma_wait3A_234 = tpu.memref_slice %arg8[%dma_wait3A_227, %dma_wait3A_233] : memref<40x128xi32, #tpu.memory_space<vmem>> -> memref<1x128xi32, #tpu.memory_space<vmem>>
    %dma_wait3A_235 = tpu.memref_squeeze %dma_wait3A_234 : memref<1x128xi32, #tpu.memory_space<vmem>> -> memref<128xi32, #tpu.memory_space<vmem>>
    %dma_wait3A_236 = arith.constant 0 : i32
    %dma_wait3A_237 = arith.constant 0 : i32
    %dma_wait3A_238 = tpu.memref_slice %arg12[%dma_wait3A_236, %dma_wait3A_237] : memref<10240x128xf32, #tpu.memory_space<vmem_shared>> -> memref<10240x128xf32, #tpu.memory_space<vmem_shared>>
    %dma_wait3A_239 = tpu.memref_slice %arg11[%dma_wait3A_228] : memref<2x!tpu.dma_semaphore, #tpu.memory_space<semaphore_mem>> -> memref<1x!tpu.dma_semaphore, #tpu.memory_space<semaphore_mem>>
    %dma_wait3A_240 = tpu.memref_squeeze %dma_wait3A_239 : memref<1x!tpu.dma_semaphore, #tpu.memory_space<semaphore_mem>> -> memref<!tpu.dma_semaphore, #tpu.memory_space<semaphore_mem>>
    tpu.wait_indirect_dma semaphore(%dma_wait3A_240 : memref<!tpu.dma_semaphore, #tpu.memory_space<semaphore_mem>>) src(%dma_wait3A_232 : memref<128x128xf32, #tpu.memory_space<vmem>>) dst(%dma_wait3A_238 : memref<10240x128xf32, #tpu.memory_space<vmem_shared>>)
    %dma_wait3A_241 = arith.constant 39 : i32
    %dma_wait3A_242 = arith.constant 1 : i32
    %dma_wait3A_243 = arith.constant 1 : i32
    %dma_wait3A_244 = arith.constant 0 : i32
    %dma_wait3A_245 = arith.constant 0 : i32
    %dma_wait3A_246 = tpu.memref_slice %arg9[%dma_wait3A_242, %dma_wait3A_244, %dma_wait3A_245] : memref<2x128x128xf32, #tpu.memory_space<vmem>> -> memref<1x128x128xf32, #tpu.memory_space<vmem>>
    %dma_wait3A_247 = tpu.memref_squeeze %dma_wait3A_246 : memref<1x128x128xf32, #tpu.memory_space<vmem>> -> memref<128x128xf32, #tpu.memory_space<vmem>>
    %dma_wait3A_248 = arith.constant 0 : i32
    %dma_wait3A_249 = tpu.memref_slice %arg7[%dma_wait3A_241, %dma_wait3A_248] : memref<40x128xi32, #tpu.memory_space<vmem>> -> memref<1x128xi32, #tpu.memory_space<vmem>>
    %dma_wait3A_250 = tpu.memref_squeeze %dma_wait3A_249 : memref<1x128xi32, #tpu.memory_space<vmem>> -> memref<128xi32, #tpu.memory_space<vmem>>
    %dma_wait3A_251 = arith.constant 0 : i32
    %dma_wait3A_252 = arith.constant 0 : i32
    %dma_wait3A_253 = tpu.memref_slice %arg2[%dma_wait3A_251, %dma_wait3A_252] : memref<10240x128xf32, #tpu.memory_space<hbm>> -> memref<10240x128xf32, #tpu.memory_space<hbm>>
    %dma_wait3A_254 = tpu.memref_slice %arg10[%dma_wait3A_243] : memref<2x!tpu.dma_semaphore, #tpu.memory_space<semaphore_mem>> -> memref<1x!tpu.dma_semaphore, #tpu.memory_space<semaphore_mem>>
    %dma_wait3A_255 = tpu.memref_squeeze %dma_wait3A_254 : memref<1x!tpu.dma_semaphore, #tpu.memory_space<semaphore_mem>> -> memref<!tpu.dma_semaphore, #tpu.memory_space<semaphore_mem>>
    tpu.wait_indirect_dma semaphore(%dma_wait3A_255 : memref<!tpu.dma_semaphore, #tpu.memory_space<semaphore_mem>>) src(%dma_wait3A_253 : memref<10240x128xf32, #tpu.memory_space<hbm>>) dst(%dma_wait3A_247 : memref<128x128xf32, #tpu.memory_space<vmem>>)
    %dma_start3A_256 = arith.constant 1 : i32
    %dma_start3A_257 = arith.constant 39 : i32
    %dma_start3A_258 = arith.constant 1 : i32
    %dma_start3A_259 = arith.constant 0 : i32
    %dma_start3A_260 = arith.constant 0 : i32
    %dma_start3A_261 = tpu.memref_slice %arg9[%dma_start3A_256, %dma_start3A_259, %dma_start3A_260] : memref<2x128x128xf32, #tpu.memory_space<vmem>> -> memref<1x128x128xf32, #tpu.memory_space<vmem>>
    %dma_start3A_262 = tpu.memref_squeeze %dma_start3A_261 : memref<1x128x128xf32, #tpu.memory_space<vmem>> -> memref<128x128xf32, #tpu.memory_space<vmem>>
    %dma_start3A_263 = arith.constant 0 : i32
    %dma_start3A_264 = tpu.memref_slice %arg8[%dma_start3A_257, %dma_start3A_263] : memref<40x128xi32, #tpu.memory_space<vmem>> -> memref<1x128xi32, #tpu.memory_space<vmem>>
    %dma_start3A_265 = tpu.memref_squeeze %dma_start3A_264 : memref<1x128xi32, #tpu.memory_space<vmem>> -> memref<128xi32, #tpu.memory_space<vmem>>
    %dma_start3A_266 = arith.constant 0 : i32
    %dma_start3A_267 = arith.constant 0 : i32
    %dma_start3A_268 = tpu.memref_slice %arg12[%dma_start3A_266, %dma_start3A_267] : memref<10240x128xf32, #tpu.memory_space<vmem_shared>> -> memref<10240x128xf32, #tpu.memory_space<vmem_shared>>
    %dma_start3A_269 = tpu.memref_slice %arg11[%dma_start3A_258] : memref<2x!tpu.dma_semaphore, #tpu.memory_space<semaphore_mem>> -> memref<1x!tpu.dma_semaphore, #tpu.memory_space<semaphore_mem>>
    %dma_start3A_270 = tpu.memref_squeeze %dma_start3A_269 : memref<1x!tpu.dma_semaphore, #tpu.memory_space<semaphore_mem>> -> memref<!tpu.dma_semaphore, #tpu.memory_space<semaphore_mem>>
    tpu.enqueue_indirect_dma source(%dma_start3A_262 : memref<128x128xf32, #tpu.memory_space<vmem>>) target(%dma_start3A_268 : memref<10240x128xf32, #tpu.memory_space<vmem_shared>>) offsets(%dma_start3A_265 : memref<128xi32, #tpu.memory_space<vmem>>) semaphore(%dma_start3A_270 : memref<!tpu.dma_semaphore, #tpu.memory_space<semaphore_mem>>) {add = true}
    %dma_wait3A_271 = arith.constant 1 : i32
    %dma_wait3A_272 = arith.constant 39 : i32
    %dma_wait3A_273 = arith.constant 1 : i32
    %dma_wait3A_274 = arith.constant 0 : i32
    %dma_wait3A_275 = arith.constant 0 : i32
    %dma_wait3A_276 = tpu.memref_slice %arg9[%dma_wait3A_271, %dma_wait3A_274, %dma_wait3A_275] : memref<2x128x128xf32, #tpu.memory_space<vmem>> -> memref<1x128x128xf32, #tpu.memory_space<vmem>>
    %dma_wait3A_277 = tpu.memref_squeeze %dma_wait3A_276 : memref<1x128x128xf32, #tpu.memory_space<vmem>> -> memref<128x128xf32, #tpu.memory_space<vmem>>
    %dma_wait3A_278 = arith.constant 0 : i32
    %dma_wait3A_279 = tpu.memref_slice %arg8[%dma_wait3A_272, %dma_wait3A_278] : memref<40x128xi32, #tpu.memory_space<vmem>> -> memref<1x128xi32, #tpu.memory_space<vmem>>
    %dma_wait3A_280 = tpu.memref_squeeze %dma_wait3A_279 : memref<1x128xi32, #tpu.memory_space<vmem>> -> memref<128xi32, #tpu.memory_space<vmem>>
    %dma_wait3A_281 = arith.constant 0 : i32
    %dma_wait3A_282 = arith.constant 0 : i32
    %dma_wait3A_283 = tpu.memref_slice %arg12[%dma_wait3A_281, %dma_wait3A_282] : memref<10240x128xf32, #tpu.memory_space<vmem_shared>> -> memref<10240x128xf32, #tpu.memory_space<vmem_shared>>
    %dma_wait3A_284 = tpu.memref_slice %arg11[%dma_wait3A_273] : memref<2x!tpu.dma_semaphore, #tpu.memory_space<semaphore_mem>> -> memref<1x!tpu.dma_semaphore, #tpu.memory_space<semaphore_mem>>
    %dma_wait3A_285 = tpu.memref_squeeze %dma_wait3A_284 : memref<1x!tpu.dma_semaphore, #tpu.memory_space<semaphore_mem>> -> memref<!tpu.dma_semaphore, #tpu.memory_space<semaphore_mem>>
    tpu.wait_indirect_dma semaphore(%dma_wait3A_285 : memref<!tpu.dma_semaphore, #tpu.memory_space<semaphore_mem>>) src(%dma_wait3A_277 : memref<128x128xf32, #tpu.memory_space<vmem>>) dst(%dma_wait3A_283 : memref<10240x128xf32, #tpu.memory_space<vmem_shared>>)
    %barrier3A_286 = arith.constant 0 : index
    tpu.barrier barrier_id(%barrier3A_286)
    %mul3A_287 = arith.constant 640 : i32
    %mul3A_288 = arith.muli %arg1, %mul3A_287 : i32
    %mul3A_289 = arith.constant 640 : i32
    %mul3A_290 = arith.muli %arg1, %mul3A_289 : i32
    "tpu.region"() ({
      %run_scoped3A_291 = tpu.sem_alloc : memref<!tpu.dma_semaphore, #tpu.memory_space<semaphore_mem>>
      %dma_start3A_292 = arith.constant 0 : i32
      %dma_start3A_293 = arith.constant 0 : i32
      %dma_start3A_294 = tpu.memref_slice %arg6[%arg0, %dma_start3A_292, %dma_start3A_293] : memref<2x10240x128xf32, #tpu.memory_space<hbm>> -> memref<1x10240x128xf32, #tpu.memory_space<hbm>>
      %dma_start3A_295 = tpu.memref_squeeze %dma_start3A_294 : memref<1x10240x128xf32, #tpu.memory_space<hbm>> -> memref<10240x128xf32, #tpu.memory_space<hbm>>
      %dma_start3A_296 = arith.constant 0 : i32
      %dma_start3A_297 = tpu.memref_slice %dma_start3A_295[%mul3A_290, %dma_start3A_296] : memref<10240x128xf32, #tpu.memory_space<hbm>> -> memref<640x128xf32, #tpu.memory_space<hbm>>
      %dma_start3A_298 = arith.constant 0 : i32
      %dma_start3A_299 = tpu.memref_slice %arg12[%mul3A_288, %dma_start3A_298] : memref<10240x128xf32, #tpu.memory_space<vmem_shared>> -> memref<640x128xf32, #tpu.memory_space<vmem_shared>>
      tpu.enqueue_dma source(%dma_start3A_299 : memref<640x128xf32, #tpu.memory_space<vmem_shared>>) target(%dma_start3A_297 : memref<640x128xf32, #tpu.memory_space<hbm>>) target_semaphore(%run_scoped3A_291 : memref<!tpu.dma_semaphore, #tpu.memory_space<semaphore_mem>>)
      %dma_wait3A_300 = arith.constant 0 : i32
      %dma_wait3A_301 = arith.constant 0 : i32
      %dma_wait3A_302 = tpu.memref_slice %arg6[%arg0, %dma_wait3A_300, %dma_wait3A_301] : memref<2x10240x128xf32, #tpu.memory_space<hbm>> -> memref<1x10240x128xf32, #tpu.memory_space<hbm>>
      %dma_wait3A_303 = tpu.memref_squeeze %dma_wait3A_302 : memref<1x10240x128xf32, #tpu.memory_space<hbm>> -> memref<10240x128xf32, #tpu.memory_space<hbm>>
      %dma_wait3A_304 = arith.constant 0 : i32
      %dma_wait3A_305 = tpu.memref_slice %dma_wait3A_303[%mul3A_290, %dma_wait3A_304] : memref<10240x128xf32, #tpu.memory_space<hbm>> -> memref<640x128xf32, #tpu.memory_space<hbm>>
      %dma_wait3A_306 = arith.constant 0 : i32
      %dma_wait3A_307 = tpu.memref_slice %arg12[%mul3A_288, %dma_wait3A_306] : memref<10240x128xf32, #tpu.memory_space<vmem_shared>> -> memref<640x128xf32, #tpu.memory_space<vmem_shared>>
      tpu.wait_dma2 semaphore(%run_scoped3A_291 : memref<!tpu.dma_semaphore, #tpu.memory_space<semaphore_mem>>) src(%dma_wait3A_307 : memref<640x128xf32, #tpu.memory_space<vmem_shared>>) dst(%dma_wait3A_305 : memref<640x128xf32, #tpu.memory_space<hbm>>)
      tpu.yield
    }) : () -> ()
    return
  }
}

#map = affine_map<(d0, d1) -> (0, 0)>
#map1 = affine_map<(d0, d1) -> (0, 0, 0)>
module attributes {stable_mosaic.version = 14 : i64} {
  func.func @_sc_agg_body(%arg0: i32, %arg1: i32, %arg2: memref<10240x128xf32, #tpu.memory_space<hbm>>, %arg3: memref<2560x128xi32, #tpu.memory_space<hbm>>, %arg4: memref<2560x128xi32, #tpu.memory_space<hbm>>, %arg5: memref<128x128xf32, #tpu.memory_space<hbm>>, %arg6: memref<2x10240x128xf32, #tpu.memory_space<hbm>>, %arg7: memref<40x128xi32, #tpu.memory_space<vmem>>, %arg8: memref<40x128xi32, #tpu.memory_space<vmem>>, %arg9: memref<2x128x128xf32, #tpu.memory_space<vmem>>, %arg10: memref<2x!tpu.dma_semaphore, #tpu.memory_space<semaphore_mem>>, %arg11: memref<2x!tpu.dma_semaphore, #tpu.memory_space<semaphore_mem>>, %arg12: memref<10240x128xf32, #tpu.memory_space<vmem_shared>>) attributes {dimension_semantics = [#tpu.dimension_semantics<core_parallel>, #tpu.dimension_semantics<subcore_parallel>], iteration_bounds = array<i64: 2, 16>, scalar_prefetch = 0 : i64, scratch_operands = 6 : i64, tpu.core_type = #tpu.core_type<sc_vector_subcore>, window_params = [{transform_indices = #map}, {transform_indices = #map}, {transform_indices = #map}, {transform_indices = #map}, {transform_indices = #map1}]} {
    %run_scoped3A = arith.constant 0 : i32
    "tpu.region"() ({
      %run_scoped3A_291 = tpu.sem_alloc : memref<!tpu.dma_semaphore, #tpu.memory_space<semaphore_mem>>
      %dma_start3A_292 = arith.constant 0 : i32
      %dma_start3A_293 = arith.constant 0 : i32
      %dma_start3A_294 = tpu.memref_slice %arg9[%run_scoped3A, %dma_start3A_292, %dma_start3A_293] : memref<2x128x128xf32, #tpu.memory_space<vmem>> -> memref<1x128x128xf32, #tpu.memory_space<vmem>>
      %dma_start3A_295 = tpu.memref_squeeze %dma_start3A_294 : memref<1x128x128xf32, #tpu.memory_space<vmem>> -> memref<128x128xf32, #tpu.memory_space<vmem>>
      %dma_start3A_296 = arith.constant 0 : i32
      %dma_start3A_297 = arith.constant 0 : i32
      %dma_start3A_298 = tpu.memref_slice %arg9[%run_scoped3A, %dma_start3A_296, %dma_start3A_297] : memref<2x128x128xf32, #tpu.memory_space<vmem>> -> memref<1x128x128xf32, #tpu.memory_space<vmem>>
      %dma_start3A_299 = tpu.memref_squeeze %dma_start3A_298 : memref<1x128x128xf32, #tpu.memory_space<vmem>> -> memref<128x128xf32, #tpu.memory_space<vmem>>
      tpu.enqueue_dma source(%arg5 : memref<128x128xf32, #tpu.memory_space<hbm>>) target(%dma_start3A_299 : memref<128x128xf32, #tpu.memory_space<vmem>>) target_semaphore(%run_scoped3A_291 : memref<!tpu.dma_semaphore, #tpu.memory_space<semaphore_mem>>)
      %dma_wait3A_300 = arith.constant 0 : i32
      %dma_wait3A_301 = arith.constant 0 : i32
      %dma_wait3A_302 = tpu.memref_slice %arg9[%run_scoped3A, %dma_wait3A_300, %dma_wait3A_301] : memref<2x128x128xf32, #tpu.memory_space<vmem>> -> memref<1x128x128xf32, #tpu.memory_space<vmem>>
      %dma_wait3A_303 = tpu.memref_squeeze %dma_wait3A_302 : memref<1x128x128xf32, #tpu.memory_space<vmem>> -> memref<128x128xf32, #tpu.memory_space<vmem>>
      %dma_wait3A_304 = arith.constant 0 : i32
      %dma_wait3A_305 = arith.constant 0 : i32
      %dma_wait3A_306 = tpu.memref_slice %arg9[%run_scoped3A, %dma_wait3A_304, %dma_wait3A_305] : memref<2x128x128xf32, #tpu.memory_space<vmem>> -> memref<1x128x128xf32, #tpu.memory_space<vmem>>
      %dma_wait3A_307 = tpu.memref_squeeze %dma_wait3A_306 : memref<1x128x128xf32, #tpu.memory_space<vmem>> -> memref<128x128xf32, #tpu.memory_space<vmem>>
      tpu.wait_dma2 semaphore(%run_scoped3A_291 : memref<!tpu.dma_semaphore, #tpu.memory_space<semaphore_mem>>) src(%arg5 : memref<128x128xf32, #tpu.memory_space<hbm>>) dst(%dma_wait3A_307 : memref<128x128xf32, #tpu.memory_space<vmem>>)
      tpu.yield
    }) : () -> ()
    %mul3A = arith.constant 640 : i32
    %mul3A_0 = arith.muli %arg1, %mul3A : i32
    %add3A = arith.constant 0 : i32
    %add3A_1 = arith.addi %mul3A_0, %add3A : i32
    %run_scoped3A_2 = arith.constant 0 : i32
    "tpu.region"() ({
      %run_scoped3A_291 = tpu.sem_alloc : memref<!tpu.dma_semaphore, #tpu.memory_space<semaphore_mem>>
      %dma_start3A_292 = arith.constant 0 : i32
      %dma_start3A_293 = arith.constant 0 : i32
      %dma_start3A_294 = tpu.memref_slice %arg9[%run_scoped3A_2, %dma_start3A_292, %dma_start3A_293] : memref<2x128x128xf32, #tpu.memory_space<vmem>> -> memref<1x128x128xf32, #tpu.memory_space<vmem>>
      %dma_start3A_295 = tpu.memref_squeeze %dma_start3A_294 : memref<1x128x128xf32, #tpu.memory_space<vmem>> -> memref<128x128xf32, #tpu.memory_space<vmem>>
      %dma_start3A_296 = arith.constant 0 : i32
      %dma_start3A_297 = tpu.memref_slice %arg12[%add3A_1, %dma_start3A_296] : memref<10240x128xf32, #tpu.memory_space<vmem_shared>> -> memref<128x128xf32, #tpu.memory_space<vmem_shared>>
      %dma_start3A_298 = arith.constant 0 : i32
      %dma_start3A_299 = tpu.memref_slice %arg12[%add3A_1, %dma_start3A_298] : memref<10240x128xf32, #tpu.memory_space<vmem_shared>> -> memref<128x128xf32, #tpu.memory_space<vmem_shared>>
      %dma_start3A_300 = arith.constant 0 : i32
      %dma_start3A_301 = arith.constant 0 : i32
      %dma_start3A_302 = tpu.memref_slice %arg9[%run_scoped3A_2, %dma_start3A_300, %dma_start3A_301] : memref<2x128x128xf32, #tpu.memory_space<vmem>> -> memref<1x128x128xf32, #tpu.memory_space<vmem>>
      %dma_start3A_303 = tpu.memref_squeeze %dma_start3A_302 : memref<1x128x128xf32, #tpu.memory_space<vmem>> -> memref<128x128xf32, #tpu.memory_space<vmem>>
      tpu.enqueue_dma source(%dma_start3A_303 : memref<128x128xf32, #tpu.memory_space<vmem>>) target(%dma_start3A_299 : memref<128x128xf32, #tpu.memory_space<vmem_shared>>) target_semaphore(%run_scoped3A_291 : memref<!tpu.dma_semaphore, #tpu.memory_space<semaphore_mem>>)
      %dma_wait3A_304 = arith.constant 0 : i32
      %dma_wait3A_305 = arith.constant 0 : i32
      %dma_wait3A_306 = tpu.memref_slice %arg9[%run_scoped3A_2, %dma_wait3A_304, %dma_wait3A_305] : memref<2x128x128xf32, #tpu.memory_space<vmem>> -> memref<1x128x128xf32, #tpu.memory_space<vmem>>
      %dma_wait3A_307 = tpu.memref_squeeze %dma_wait3A_306 : memref<1x128x128xf32, #tpu.memory_space<vmem>> -> memref<128x128xf32, #tpu.memory_space<vmem>>
      %dma_wait3A_308 = arith.constant 0 : i32
      %dma_wait3A_309 = tpu.memref_slice %arg12[%add3A_1, %dma_wait3A_308] : memref<10240x128xf32, #tpu.memory_space<vmem_shared>> -> memref<128x128xf32, #tpu.memory_space<vmem_shared>>
      %dma_wait3A_310 = arith.constant 0 : i32
      %dma_wait3A_311 = tpu.memref_slice %arg12[%add3A_1, %dma_wait3A_310] : memref<10240x128xf32, #tpu.memory_space<vmem_shared>> -> memref<128x128xf32, #tpu.memory_space<vmem_shared>>
      %dma_wait3A_312 = arith.constant 0 : i32
      %dma_wait3A_313 = arith.constant 0 : i32
      %dma_wait3A_314 = tpu.memref_slice %arg9[%run_scoped3A_2, %dma_wait3A_312, %dma_wait3A_313] : memref<2x128x128xf32, #tpu.memory_space<vmem>> -> memref<1x128x128xf32, #tpu.memory_space<vmem>>
      %dma_wait3A_315 = tpu.memref_squeeze %dma_wait3A_314 : memref<1x128x128xf32, #tpu.memory_space<vmem>> -> memref<128x128xf32, #tpu.memory_space<vmem>>
      tpu.wait_dma2 semaphore(%run_scoped3A_291 : memref<!tpu.dma_semaphore, #tpu.memory_space<semaphore_mem>>) src(%dma_wait3A_315 : memref<128x128xf32, #tpu.memory_space<vmem>>) dst(%dma_wait3A_311 : memref<128x128xf32, #tpu.memory_space<vmem_shared>>)
      tpu.yield
    }) : () -> ()
    %mul3A_3 = arith.constant 640 : i32
    %mul3A_4 = arith.muli %arg1, %mul3A_3 : i32
    %add3A_5 = arith.constant 128 : i32
    %add3A_6 = arith.addi %mul3A_4, %add3A_5 : i32
    %run_scoped3A_7 = arith.constant 0 : i32
    "tpu.region"() ({
      %run_scoped3A_291 = tpu.sem_alloc : memref<!tpu.dma_semaphore, #tpu.memory_space<semaphore_mem>>
      %dma_start3A_292 = arith.constant 0 : i32
      %dma_start3A_293 = arith.constant 0 : i32
      %dma_start3A_294 = tpu.memref_slice %arg9[%run_scoped3A_7, %dma_start3A_292, %dma_start3A_293] : memref<2x128x128xf32, #tpu.memory_space<vmem>> -> memref<1x128x128xf32, #tpu.memory_space<vmem>>
      %dma_start3A_295 = tpu.memref_squeeze %dma_start3A_294 : memref<1x128x128xf32, #tpu.memory_space<vmem>> -> memref<128x128xf32, #tpu.memory_space<vmem>>
      %dma_start3A_296 = arith.constant 0 : i32
      %dma_start3A_297 = tpu.memref_slice %arg12[%add3A_6, %dma_start3A_296] : memref<10240x128xf32, #tpu.memory_space<vmem_shared>> -> memref<128x128xf32, #tpu.memory_space<vmem_shared>>
      %dma_start3A_298 = arith.constant 0 : i32
      %dma_start3A_299 = tpu.memref_slice %arg12[%add3A_6, %dma_start3A_298] : memref<10240x128xf32, #tpu.memory_space<vmem_shared>> -> memref<128x128xf32, #tpu.memory_space<vmem_shared>>
      %dma_start3A_300 = arith.constant 0 : i32
      %dma_start3A_301 = arith.constant 0 : i32
      %dma_start3A_302 = tpu.memref_slice %arg9[%run_scoped3A_7, %dma_start3A_300, %dma_start3A_301] : memref<2x128x128xf32, #tpu.memory_space<vmem>> -> memref<1x128x128xf32, #tpu.memory_space<vmem>>
      %dma_start3A_303 = tpu.memref_squeeze %dma_start3A_302 : memref<1x128x128xf32, #tpu.memory_space<vmem>> -> memref<128x128xf32, #tpu.memory_space<vmem>>
      tpu.enqueue_dma source(%dma_start3A_303 : memref<128x128xf32, #tpu.memory_space<vmem>>) target(%dma_start3A_299 : memref<128x128xf32, #tpu.memory_space<vmem_shared>>) target_semaphore(%run_scoped3A_291 : memref<!tpu.dma_semaphore, #tpu.memory_space<semaphore_mem>>)
      %dma_wait3A_304 = arith.constant 0 : i32
      %dma_wait3A_305 = arith.constant 0 : i32
      %dma_wait3A_306 = tpu.memref_slice %arg9[%run_scoped3A_7, %dma_wait3A_304, %dma_wait3A_305] : memref<2x128x128xf32, #tpu.memory_space<vmem>> -> memref<1x128x128xf32, #tpu.memory_space<vmem>>
      %dma_wait3A_307 = tpu.memref_squeeze %dma_wait3A_306 : memref<1x128x128xf32, #tpu.memory_space<vmem>> -> memref<128x128xf32, #tpu.memory_space<vmem>>
      %dma_wait3A_308 = arith.constant 0 : i32
      %dma_wait3A_309 = tpu.memref_slice %arg12[%add3A_6, %dma_wait3A_308] : memref<10240x128xf32, #tpu.memory_space<vmem_shared>> -> memref<128x128xf32, #tpu.memory_space<vmem_shared>>
      %dma_wait3A_310 = arith.constant 0 : i32
      %dma_wait3A_311 = tpu.memref_slice %arg12[%add3A_6, %dma_wait3A_310] : memref<10240x128xf32, #tpu.memory_space<vmem_shared>> -> memref<128x128xf32, #tpu.memory_space<vmem_shared>>
      %dma_wait3A_312 = arith.constant 0 : i32
      %dma_wait3A_313 = arith.constant 0 : i32
      %dma_wait3A_314 = tpu.memref_slice %arg9[%run_scoped3A_7, %dma_wait3A_312, %dma_wait3A_313] : memref<2x128x128xf32, #tpu.memory_space<vmem>> -> memref<1x128x128xf32, #tpu.memory_space<vmem>>
      %dma_wait3A_315 = tpu.memref_squeeze %dma_wait3A_314 : memref<1x128x128xf32, #tpu.memory_space<vmem>> -> memref<128x128xf32, #tpu.memory_space<vmem>>
      tpu.wait_dma2 semaphore(%run_scoped3A_291 : memref<!tpu.dma_semaphore, #tpu.memory_space<semaphore_mem>>) src(%dma_wait3A_315 : memref<128x128xf32, #tpu.memory_space<vmem>>) dst(%dma_wait3A_311 : memref<128x128xf32, #tpu.memory_space<vmem_shared>>)
      tpu.yield
    }) : () -> ()
    %mul3A_8 = arith.constant 640 : i32
    %mul3A_9 = arith.muli %arg1, %mul3A_8 : i32
    %add3A_10 = arith.constant 256 : i32
    %add3A_11 = arith.addi %mul3A_9, %add3A_10 : i32
    %run_scoped3A_12 = arith.constant 0 : i32
    "tpu.region"() ({
      %run_scoped3A_291 = tpu.sem_alloc : memref<!tpu.dma_semaphore, #tpu.memory_space<semaphore_mem>>
      %dma_start3A_292 = arith.constant 0 : i32
      %dma_start3A_293 = arith.constant 0 : i32
      %dma_start3A_294 = tpu.memref_slice %arg9[%run_scoped3A_12, %dma_start3A_292, %dma_start3A_293] : memref<2x128x128xf32, #tpu.memory_space<vmem>> -> memref<1x128x128xf32, #tpu.memory_space<vmem>>
      %dma_start3A_295 = tpu.memref_squeeze %dma_start3A_294 : memref<1x128x128xf32, #tpu.memory_space<vmem>> -> memref<128x128xf32, #tpu.memory_space<vmem>>
      %dma_start3A_296 = arith.constant 0 : i32
      %dma_start3A_297 = tpu.memref_slice %arg12[%add3A_11, %dma_start3A_296] : memref<10240x128xf32, #tpu.memory_space<vmem_shared>> -> memref<128x128xf32, #tpu.memory_space<vmem_shared>>
      %dma_start3A_298 = arith.constant 0 : i32
      %dma_start3A_299 = tpu.memref_slice %arg12[%add3A_11, %dma_start3A_298] : memref<10240x128xf32, #tpu.memory_space<vmem_shared>> -> memref<128x128xf32, #tpu.memory_space<vmem_shared>>
      %dma_start3A_300 = arith.constant 0 : i32
      %dma_start3A_301 = arith.constant 0 : i32
      %dma_start3A_302 = tpu.memref_slice %arg9[%run_scoped3A_12, %dma_start3A_300, %dma_start3A_301] : memref<2x128x128xf32, #tpu.memory_space<vmem>> -> memref<1x128x128xf32, #tpu.memory_space<vmem>>
      %dma_start3A_303 = tpu.memref_squeeze %dma_start3A_302 : memref<1x128x128xf32, #tpu.memory_space<vmem>> -> memref<128x128xf32, #tpu.memory_space<vmem>>
      tpu.enqueue_dma source(%dma_start3A_303 : memref<128x128xf32, #tpu.memory_space<vmem>>) target(%dma_start3A_299 : memref<128x128xf32, #tpu.memory_space<vmem_shared>>) target_semaphore(%run_scoped3A_291 : memref<!tpu.dma_semaphore, #tpu.memory_space<semaphore_mem>>)
      %dma_wait3A_304 = arith.constant 0 : i32
      %dma_wait3A_305 = arith.constant 0 : i32
      %dma_wait3A_306 = tpu.memref_slice %arg9[%run_scoped3A_12, %dma_wait3A_304, %dma_wait3A_305] : memref<2x128x128xf32, #tpu.memory_space<vmem>> -> memref<1x128x128xf32, #tpu.memory_space<vmem>>
      %dma_wait3A_307 = tpu.memref_squeeze %dma_wait3A_306 : memref<1x128x128xf32, #tpu.memory_space<vmem>> -> memref<128x128xf32, #tpu.memory_space<vmem>>
      %dma_wait3A_308 = arith.constant 0 : i32
      %dma_wait3A_309 = tpu.memref_slice %arg12[%add3A_11, %dma_wait3A_308] : memref<10240x128xf32, #tpu.memory_space<vmem_shared>> -> memref<128x128xf32, #tpu.memory_space<vmem_shared>>
      %dma_wait3A_310 = arith.constant 0 : i32
      %dma_wait3A_311 = tpu.memref_slice %arg12[%add3A_11, %dma_wait3A_310] : memref<10240x128xf32, #tpu.memory_space<vmem_shared>> -> memref<128x128xf32, #tpu.memory_space<vmem_shared>>
      %dma_wait3A_312 = arith.constant 0 : i32
      %dma_wait3A_313 = arith.constant 0 : i32
      %dma_wait3A_314 = tpu.memref_slice %arg9[%run_scoped3A_12, %dma_wait3A_312, %dma_wait3A_313] : memref<2x128x128xf32, #tpu.memory_space<vmem>> -> memref<1x128x128xf32, #tpu.memory_space<vmem>>
      %dma_wait3A_315 = tpu.memref_squeeze %dma_wait3A_314 : memref<1x128x128xf32, #tpu.memory_space<vmem>> -> memref<128x128xf32, #tpu.memory_space<vmem>>
      tpu.wait_dma2 semaphore(%run_scoped3A_291 : memref<!tpu.dma_semaphore, #tpu.memory_space<semaphore_mem>>) src(%dma_wait3A_315 : memref<128x128xf32, #tpu.memory_space<vmem>>) dst(%dma_wait3A_311 : memref<128x128xf32, #tpu.memory_space<vmem_shared>>)
      tpu.yield
    }) : () -> ()
    %mul3A_13 = arith.constant 640 : i32
    %mul3A_14 = arith.muli %arg1, %mul3A_13 : i32
    %add3A_15 = arith.constant 384 : i32
    %add3A_16 = arith.addi %mul3A_14, %add3A_15 : i32
    %run_scoped3A_17 = arith.constant 0 : i32
    "tpu.region"() ({
      %run_scoped3A_291 = tpu.sem_alloc : memref<!tpu.dma_semaphore, #tpu.memory_space<semaphore_mem>>
      %dma_start3A_292 = arith.constant 0 : i32
      %dma_start3A_293 = arith.constant 0 : i32
      %dma_start3A_294 = tpu.memref_slice %arg9[%run_scoped3A_17, %dma_start3A_292, %dma_start3A_293] : memref<2x128x128xf32, #tpu.memory_space<vmem>> -> memref<1x128x128xf32, #tpu.memory_space<vmem>>
      %dma_start3A_295 = tpu.memref_squeeze %dma_start3A_294 : memref<1x128x128xf32, #tpu.memory_space<vmem>> -> memref<128x128xf32, #tpu.memory_space<vmem>>
      %dma_start3A_296 = arith.constant 0 : i32
      %dma_start3A_297 = tpu.memref_slice %arg12[%add3A_16, %dma_start3A_296] : memref<10240x128xf32, #tpu.memory_space<vmem_shared>> -> memref<128x128xf32, #tpu.memory_space<vmem_shared>>
      %dma_start3A_298 = arith.constant 0 : i32
      %dma_start3A_299 = tpu.memref_slice %arg12[%add3A_16, %dma_start3A_298] : memref<10240x128xf32, #tpu.memory_space<vmem_shared>> -> memref<128x128xf32, #tpu.memory_space<vmem_shared>>
      %dma_start3A_300 = arith.constant 0 : i32
      %dma_start3A_301 = arith.constant 0 : i32
      %dma_start3A_302 = tpu.memref_slice %arg9[%run_scoped3A_17, %dma_start3A_300, %dma_start3A_301] : memref<2x128x128xf32, #tpu.memory_space<vmem>> -> memref<1x128x128xf32, #tpu.memory_space<vmem>>
      %dma_start3A_303 = tpu.memref_squeeze %dma_start3A_302 : memref<1x128x128xf32, #tpu.memory_space<vmem>> -> memref<128x128xf32, #tpu.memory_space<vmem>>
      tpu.enqueue_dma source(%dma_start3A_303 : memref<128x128xf32, #tpu.memory_space<vmem>>) target(%dma_start3A_299 : memref<128x128xf32, #tpu.memory_space<vmem_shared>>) target_semaphore(%run_scoped3A_291 : memref<!tpu.dma_semaphore, #tpu.memory_space<semaphore_mem>>)
      %dma_wait3A_304 = arith.constant 0 : i32
      %dma_wait3A_305 = arith.constant 0 : i32
      %dma_wait3A_306 = tpu.memref_slice %arg9[%run_scoped3A_17, %dma_wait3A_304, %dma_wait3A_305] : memref<2x128x128xf32, #tpu.memory_space<vmem>> -> memref<1x128x128xf32, #tpu.memory_space<vmem>>
      %dma_wait3A_307 = tpu.memref_squeeze %dma_wait3A_306 : memref<1x128x128xf32, #tpu.memory_space<vmem>> -> memref<128x128xf32, #tpu.memory_space<vmem>>
      %dma_wait3A_308 = arith.constant 0 : i32
      %dma_wait3A_309 = tpu.memref_slice %arg12[%add3A_16, %dma_wait3A_308] : memref<10240x128xf32, #tpu.memory_space<vmem_shared>> -> memref<128x128xf32, #tpu.memory_space<vmem_shared>>
      %dma_wait3A_310 = arith.constant 0 : i32
      %dma_wait3A_311 = tpu.memref_slice %arg12[%add3A_16, %dma_wait3A_310] : memref<10240x128xf32, #tpu.memory_space<vmem_shared>> -> memref<128x128xf32, #tpu.memory_space<vmem_shared>>
      %dma_wait3A_312 = arith.constant 0 : i32
      %dma_wait3A_313 = arith.constant 0 : i32
      %dma_wait3A_314 = tpu.memref_slice %arg9[%run_scoped3A_17, %dma_wait3A_312, %dma_wait3A_313] : memref<2x128x128xf32, #tpu.memory_space<vmem>> -> memref<1x128x128xf32, #tpu.memory_space<vmem>>
      %dma_wait3A_315 = tpu.memref_squeeze %dma_wait3A_314 : memref<1x128x128xf32, #tpu.memory_space<vmem>> -> memref<128x128xf32, #tpu.memory_space<vmem>>
      tpu.wait_dma2 semaphore(%run_scoped3A_291 : memref<!tpu.dma_semaphore, #tpu.memory_space<semaphore_mem>>) src(%dma_wait3A_315 : memref<128x128xf32, #tpu.memory_space<vmem>>) dst(%dma_wait3A_311 : memref<128x128xf32, #tpu.memory_space<vmem_shared>>)
      tpu.yield
    }) : () -> ()
    %mul3A_18 = arith.constant 640 : i32
    %mul3A_19 = arith.muli %arg1, %mul3A_18 : i32
    %add3A_20 = arith.constant 512 : i32
    %add3A_21 = arith.addi %mul3A_19, %add3A_20 : i32
    %run_scoped3A_22 = arith.constant 0 : i32
    "tpu.region"() ({
      %run_scoped3A_291 = tpu.sem_alloc : memref<!tpu.dma_semaphore, #tpu.memory_space<semaphore_mem>>
      %dma_start3A_292 = arith.constant 0 : i32
      %dma_start3A_293 = arith.constant 0 : i32
      %dma_start3A_294 = tpu.memref_slice %arg9[%run_scoped3A_22, %dma_start3A_292, %dma_start3A_293] : memref<2x128x128xf32, #tpu.memory_space<vmem>> -> memref<1x128x128xf32, #tpu.memory_space<vmem>>
      %dma_start3A_295 = tpu.memref_squeeze %dma_start3A_294 : memref<1x128x128xf32, #tpu.memory_space<vmem>> -> memref<128x128xf32, #tpu.memory_space<vmem>>
      %dma_start3A_296 = arith.constant 0 : i32
      %dma_start3A_297 = tpu.memref_slice %arg12[%add3A_21, %dma_start3A_296] : memref<10240x128xf32, #tpu.memory_space<vmem_shared>> -> memref<128x128xf32, #tpu.memory_space<vmem_shared>>
      %dma_start3A_298 = arith.constant 0 : i32
      %dma_start3A_299 = tpu.memref_slice %arg12[%add3A_21, %dma_start3A_298] : memref<10240x128xf32, #tpu.memory_space<vmem_shared>> -> memref<128x128xf32, #tpu.memory_space<vmem_shared>>
      %dma_start3A_300 = arith.constant 0 : i32
      %dma_start3A_301 = arith.constant 0 : i32
      %dma_start3A_302 = tpu.memref_slice %arg9[%run_scoped3A_22, %dma_start3A_300, %dma_start3A_301] : memref<2x128x128xf32, #tpu.memory_space<vmem>> -> memref<1x128x128xf32, #tpu.memory_space<vmem>>
      %dma_start3A_303 = tpu.memref_squeeze %dma_start3A_302 : memref<1x128x128xf32, #tpu.memory_space<vmem>> -> memref<128x128xf32, #tpu.memory_space<vmem>>
      tpu.enqueue_dma source(%dma_start3A_303 : memref<128x128xf32, #tpu.memory_space<vmem>>) target(%dma_start3A_299 : memref<128x128xf32, #tpu.memory_space<vmem_shared>>) target_semaphore(%run_scoped3A_291 : memref<!tpu.dma_semaphore, #tpu.memory_space<semaphore_mem>>)
      %dma_wait3A_304 = arith.constant 0 : i32
      %dma_wait3A_305 = arith.constant 0 : i32
      %dma_wait3A_306 = tpu.memref_slice %arg9[%run_scoped3A_22, %dma_wait3A_304, %dma_wait3A_305] : memref<2x128x128xf32, #tpu.memory_space<vmem>> -> memref<1x128x128xf32, #tpu.memory_space<vmem>>
      %dma_wait3A_307 = tpu.memref_squeeze %dma_wait3A_306 : memref<1x128x128xf32, #tpu.memory_space<vmem>> -> memref<128x128xf32, #tpu.memory_space<vmem>>
      %dma_wait3A_308 = arith.constant 0 : i32
      %dma_wait3A_309 = tpu.memref_slice %arg12[%add3A_21, %dma_wait3A_308] : memref<10240x128xf32, #tpu.memory_space<vmem_shared>> -> memref<128x128xf32, #tpu.memory_space<vmem_shared>>
      %dma_wait3A_310 = arith.constant 0 : i32
      %dma_wait3A_311 = tpu.memref_slice %arg12[%add3A_21, %dma_wait3A_310] : memref<10240x128xf32, #tpu.memory_space<vmem_shared>> -> memref<128x128xf32, #tpu.memory_space<vmem_shared>>
      %dma_wait3A_312 = arith.constant 0 : i32
      %dma_wait3A_313 = arith.constant 0 : i32
      %dma_wait3A_314 = tpu.memref_slice %arg9[%run_scoped3A_22, %dma_wait3A_312, %dma_wait3A_313] : memref<2x128x128xf32, #tpu.memory_space<vmem>> -> memref<1x128x128xf32, #tpu.memory_space<vmem>>
      %dma_wait3A_315 = tpu.memref_squeeze %dma_wait3A_314 : memref<1x128x128xf32, #tpu.memory_space<vmem>> -> memref<128x128xf32, #tpu.memory_space<vmem>>
      tpu.wait_dma2 semaphore(%run_scoped3A_291 : memref<!tpu.dma_semaphore, #tpu.memory_space<semaphore_mem>>) src(%dma_wait3A_315 : memref<128x128xf32, #tpu.memory_space<vmem>>) dst(%dma_wait3A_311 : memref<128x128xf32, #tpu.memory_space<vmem_shared>>)
      tpu.yield
    }) : () -> ()
    %barrier3A = arith.constant 0 : index
    tpu.barrier barrier_id(%barrier3A)
    %mul3A_23 = arith.constant 16 : i32
    %mul3A_24 = arith.muli %arg0, %mul3A_23 : i32
    %add3A_25 = arith.addi %mul3A_24, %arg1 : i32
    %mul3A_26 = arith.constant 80 : i32
    %mul3A_27 = arith.muli %add3A_25, %mul3A_26 : i32
    %add3A_28 = arith.constant 0 : i32
    %add3A_29 = arith.addi %mul3A_27, %add3A_28 : i32
    "tpu.region"() ({
      %run_scoped3A_291 = tpu.sem_alloc : memref<!tpu.dma_semaphore, #tpu.memory_space<semaphore_mem>>
      %dma_start3A_292 = arith.constant 0 : i32
      %dma_start3A_293 = tpu.memref_slice %arg3[%add3A_29, %dma_start3A_292] : memref<2560x128xi32, #tpu.memory_space<hbm>> -> memref<40x128xi32, #tpu.memory_space<hbm>>
      %dma_start3A_294 = arith.constant 0 : i32
      %dma_start3A_295 = tpu.memref_slice %arg3[%add3A_29, %dma_start3A_294] : memref<2560x128xi32, #tpu.memory_space<hbm>> -> memref<40x128xi32, #tpu.memory_space<hbm>>
      tpu.enqueue_dma source(%dma_start3A_295 : memref<40x128xi32, #tpu.memory_space<hbm>>) target(%arg7 : memref<40x128xi32, #tpu.memory_space<vmem>>) target_semaphore(%run_scoped3A_291 : memref<!tpu.dma_semaphore, #tpu.memory_space<semaphore_mem>>)
      %dma_wait3A_296 = arith.constant 0 : i32
      %dma_wait3A_297 = tpu.memref_slice %arg3[%add3A_29, %dma_wait3A_296] : memref<2560x128xi32, #tpu.memory_space<hbm>> -> memref<40x128xi32, #tpu.memory_space<hbm>>
      %dma_wait3A_298 = arith.constant 0 : i32
      %dma_wait3A_299 = tpu.memref_slice %arg3[%add3A_29, %dma_wait3A_298] : memref<2560x128xi32, #tpu.memory_space<hbm>> -> memref<40x128xi32, #tpu.memory_space<hbm>>
      tpu.wait_dma2 semaphore(%run_scoped3A_291 : memref<!tpu.dma_semaphore, #tpu.memory_space<semaphore_mem>>) src(%dma_wait3A_299 : memref<40x128xi32, #tpu.memory_space<hbm>>) dst(%arg7 : memref<40x128xi32, #tpu.memory_space<vmem>>)
      tpu.yield
    }) : () -> ()
    "tpu.region"() ({
      %run_scoped3A_291 = tpu.sem_alloc : memref<!tpu.dma_semaphore, #tpu.memory_space<semaphore_mem>>
      %dma_start3A_292 = arith.constant 0 : i32
      %dma_start3A_293 = tpu.memref_slice %arg4[%add3A_29, %dma_start3A_292] : memref<2560x128xi32, #tpu.memory_space<hbm>> -> memref<40x128xi32, #tpu.memory_space<hbm>>
      %dma_start3A_294 = arith.constant 0 : i32
      %dma_start3A_295 = tpu.memref_slice %arg4[%add3A_29, %dma_start3A_294] : memref<2560x128xi32, #tpu.memory_space<hbm>> -> memref<40x128xi32, #tpu.memory_space<hbm>>
      tpu.enqueue_dma source(%dma_start3A_295 : memref<40x128xi32, #tpu.memory_space<hbm>>) target(%arg8 : memref<40x128xi32, #tpu.memory_space<vmem>>) target_semaphore(%run_scoped3A_291 : memref<!tpu.dma_semaphore, #tpu.memory_space<semaphore_mem>>)
      %dma_wait3A_296 = arith.constant 0 : i32
      %dma_wait3A_297 = tpu.memref_slice %arg4[%add3A_29, %dma_wait3A_296] : memref<2560x128xi32, #tpu.memory_space<hbm>> -> memref<40x128xi32, #tpu.memory_space<hbm>>
      %dma_wait3A_298 = arith.constant 0 : i32
      %dma_wait3A_299 = tpu.memref_slice %arg4[%add3A_29, %dma_wait3A_298] : memref<2560x128xi32, #tpu.memory_space<hbm>> -> memref<40x128xi32, #tpu.memory_space<hbm>>
      tpu.wait_dma2 semaphore(%run_scoped3A_291 : memref<!tpu.dma_semaphore, #tpu.memory_space<semaphore_mem>>) src(%dma_wait3A_299 : memref<40x128xi32, #tpu.memory_space<hbm>>) dst(%arg8 : memref<40x128xi32, #tpu.memory_space<vmem>>)
      tpu.yield
    }) : () -> ()
    %dma_start3A = arith.constant 0 : i32
    %dma_start3A_30 = arith.constant 0 : i32
    %dma_start3A_31 = arith.constant 0 : i32
    %dma_start3A_32 = arith.constant 0 : i32
    %dma_start3A_33 = arith.constant 0 : i32
    %dma_start3A_34 = tpu.memref_slice %arg9[%dma_start3A_30, %dma_start3A_32, %dma_start3A_33] : memref<2x128x128xf32, #tpu.memory_space<vmem>> -> memref<1x128x128xf32, #tpu.memory_space<vmem>>
    %dma_start3A_35 = tpu.memref_squeeze %dma_start3A_34 : memref<1x128x128xf32, #tpu.memory_space<vmem>> -> memref<128x128xf32, #tpu.memory_space<vmem>>
    %dma_start3A_36 = arith.constant 0 : i32
    %dma_start3A_37 = tpu.memref_slice %arg7[%dma_start3A, %dma_start3A_36] : memref<40x128xi32, #tpu.memory_space<vmem>> -> memref<1x128xi32, #tpu.memory_space<vmem>>
    %dma_start3A_38 = tpu.memref_squeeze %dma_start3A_37 : memref<1x128xi32, #tpu.memory_space<vmem>> -> memref<128xi32, #tpu.memory_space<vmem>>
    %dma_start3A_39 = arith.constant 0 : i32
    %dma_start3A_40 = arith.constant 0 : i32
    %dma_start3A_41 = tpu.memref_slice %arg2[%dma_start3A_39, %dma_start3A_40] : memref<10240x128xf32, #tpu.memory_space<hbm>> -> memref<10240x128xf32, #tpu.memory_space<hbm>>
    %dma_start3A_42 = tpu.memref_slice %arg10[%dma_start3A_31] : memref<2x!tpu.dma_semaphore, #tpu.memory_space<semaphore_mem>> -> memref<1x!tpu.dma_semaphore, #tpu.memory_space<semaphore_mem>>
    %dma_start3A_43 = tpu.memref_squeeze %dma_start3A_42 : memref<1x!tpu.dma_semaphore, #tpu.memory_space<semaphore_mem>> -> memref<!tpu.dma_semaphore, #tpu.memory_space<semaphore_mem>>
    tpu.enqueue_indirect_dma source(%dma_start3A_41 : memref<10240x128xf32, #tpu.memory_space<hbm>>) target(%dma_start3A_35 : memref<128x128xf32, #tpu.memory_space<vmem>>) offsets(%dma_start3A_38 : memref<128xi32, #tpu.memory_space<vmem>>) semaphore(%dma_start3A_43 : memref<!tpu.dma_semaphore, #tpu.memory_space<semaphore_mem>>)
    %dma_start3A_44 = arith.constant 1 : i32
    %dma_start3A_45 = arith.constant 1 : i32
    %dma_start3A_46 = arith.constant 1 : i32
    %dma_start3A_47 = arith.constant 0 : i32
    %dma_start3A_48 = arith.constant 0 : i32
    %dma_start3A_49 = tpu.memref_slice %arg9[%dma_start3A_45, %dma_start3A_47, %dma_start3A_48] : memref<2x128x128xf32, #tpu.memory_space<vmem>> -> memref<1x128x128xf32, #tpu.memory_space<vmem>>
    %dma_start3A_50 = tpu.memref_squeeze %dma_start3A_49 : memref<1x128x128xf32, #tpu.memory_space<vmem>> -> memref<128x128xf32, #tpu.memory_space<vmem>>
    %dma_start3A_51 = arith.constant 0 : i32
    %dma_start3A_52 = tpu.memref_slice %arg7[%dma_start3A_44, %dma_start3A_51] : memref<40x128xi32, #tpu.memory_space<vmem>> -> memref<1x128xi32, #tpu.memory_space<vmem>>
    %dma_start3A_53 = tpu.memref_squeeze %dma_start3A_52 : memref<1x128xi32, #tpu.memory_space<vmem>> -> memref<128xi32, #tpu.memory_space<vmem>>
    %dma_start3A_54 = arith.constant 0 : i32
    %dma_start3A_55 = arith.constant 0 : i32
    %dma_start3A_56 = tpu.memref_slice %arg2[%dma_start3A_54, %dma_start3A_55] : memref<10240x128xf32, #tpu.memory_space<hbm>> -> memref<10240x128xf32, #tpu.memory_space<hbm>>
    %dma_start3A_57 = tpu.memref_slice %arg10[%dma_start3A_46] : memref<2x!tpu.dma_semaphore, #tpu.memory_space<semaphore_mem>> -> memref<1x!tpu.dma_semaphore, #tpu.memory_space<semaphore_mem>>
    %dma_start3A_58 = tpu.memref_squeeze %dma_start3A_57 : memref<1x!tpu.dma_semaphore, #tpu.memory_space<semaphore_mem>> -> memref<!tpu.dma_semaphore, #tpu.memory_space<semaphore_mem>>
    tpu.enqueue_indirect_dma source(%dma_start3A_56 : memref<10240x128xf32, #tpu.memory_space<hbm>>) target(%dma_start3A_50 : memref<128x128xf32, #tpu.memory_space<vmem>>) offsets(%dma_start3A_53 : memref<128xi32, #tpu.memory_space<vmem>>) semaphore(%dma_start3A_58 : memref<!tpu.dma_semaphore, #tpu.memory_space<semaphore_mem>>)
    %dma_wait3A = arith.constant 0 : i32
    %dma_wait3A_59 = arith.constant 0 : i32
    %dma_wait3A_60 = arith.constant 0 : i32
    %dma_wait3A_61 = arith.constant 0 : i32
    %dma_wait3A_62 = arith.constant 0 : i32
    %dma_wait3A_63 = tpu.memref_slice %arg9[%dma_wait3A_59, %dma_wait3A_61, %dma_wait3A_62] : memref<2x128x128xf32, #tpu.memory_space<vmem>> -> memref<1x128x128xf32, #tpu.memory_space<vmem>>
    %dma_wait3A_64 = tpu.memref_squeeze %dma_wait3A_63 : memref<1x128x128xf32, #tpu.memory_space<vmem>> -> memref<128x128xf32, #tpu.memory_space<vmem>>
    %dma_wait3A_65 = arith.constant 0 : i32
    %dma_wait3A_66 = tpu.memref_slice %arg7[%dma_wait3A, %dma_wait3A_65] : memref<40x128xi32, #tpu.memory_space<vmem>> -> memref<1x128xi32, #tpu.memory_space<vmem>>
    %dma_wait3A_67 = tpu.memref_squeeze %dma_wait3A_66 : memref<1x128xi32, #tpu.memory_space<vmem>> -> memref<128xi32, #tpu.memory_space<vmem>>
    %dma_wait3A_68 = arith.constant 0 : i32
    %dma_wait3A_69 = arith.constant 0 : i32
    %dma_wait3A_70 = tpu.memref_slice %arg2[%dma_wait3A_68, %dma_wait3A_69] : memref<10240x128xf32, #tpu.memory_space<hbm>> -> memref<10240x128xf32, #tpu.memory_space<hbm>>
    %dma_wait3A_71 = tpu.memref_slice %arg10[%dma_wait3A_60] : memref<2x!tpu.dma_semaphore, #tpu.memory_space<semaphore_mem>> -> memref<1x!tpu.dma_semaphore, #tpu.memory_space<semaphore_mem>>
    %dma_wait3A_72 = tpu.memref_squeeze %dma_wait3A_71 : memref<1x!tpu.dma_semaphore, #tpu.memory_space<semaphore_mem>> -> memref<!tpu.dma_semaphore, #tpu.memory_space<semaphore_mem>>
    tpu.wait_indirect_dma semaphore(%dma_wait3A_72 : memref<!tpu.dma_semaphore, #tpu.memory_space<semaphore_mem>>) src(%dma_wait3A_70 : memref<10240x128xf32, #tpu.memory_space<hbm>>) dst(%dma_wait3A_64 : memref<128x128xf32, #tpu.memory_space<vmem>>)
    %dma_start3A_73 = arith.constant 0 : i32
    %dma_start3A_74 = arith.constant 0 : i32
    %dma_start3A_75 = arith.constant 0 : i32
    %dma_start3A_76 = arith.constant 0 : i32
    %dma_start3A_77 = arith.constant 0 : i32
    %dma_start3A_78 = tpu.memref_slice %arg9[%dma_start3A_73, %dma_start3A_76, %dma_start3A_77] : memref<2x128x128xf32, #tpu.memory_space<vmem>> -> memref<1x128x128xf32, #tpu.memory_space<vmem>>
    %dma_start3A_79 = tpu.memref_squeeze %dma_start3A_78 : memref<1x128x128xf32, #tpu.memory_space<vmem>> -> memref<128x128xf32, #tpu.memory_space<vmem>>
    %dma_start3A_80 = arith.constant 0 : i32
    %dma_start3A_81 = tpu.memref_slice %arg8[%dma_start3A_74, %dma_start3A_80] : memref<40x128xi32, #tpu.memory_space<vmem>> -> memref<1x128xi32, #tpu.memory_space<vmem>>
    %dma_start3A_82 = tpu.memref_squeeze %dma_start3A_81 : memref<1x128xi32, #tpu.memory_space<vmem>> -> memref<128xi32, #tpu.memory_space<vmem>>
    %dma_start3A_83 = arith.constant 0 : i32
    %dma_start3A_84 = arith.constant 0 : i32
    %dma_start3A_85 = tpu.memref_slice %arg12[%dma_start3A_83, %dma_start3A_84] : memref<10240x128xf32, #tpu.memory_space<vmem_shared>> -> memref<10240x128xf32, #tpu.memory_space<vmem_shared>>
    %dma_start3A_86 = tpu.memref_slice %arg11[%dma_start3A_75] : memref<2x!tpu.dma_semaphore, #tpu.memory_space<semaphore_mem>> -> memref<1x!tpu.dma_semaphore, #tpu.memory_space<semaphore_mem>>
    %dma_start3A_87 = tpu.memref_squeeze %dma_start3A_86 : memref<1x!tpu.dma_semaphore, #tpu.memory_space<semaphore_mem>> -> memref<!tpu.dma_semaphore, #tpu.memory_space<semaphore_mem>>
    tpu.enqueue_indirect_dma source(%dma_start3A_79 : memref<128x128xf32, #tpu.memory_space<vmem>>) target(%dma_start3A_85 : memref<10240x128xf32, #tpu.memory_space<vmem_shared>>) offsets(%dma_start3A_82 : memref<128xi32, #tpu.memory_space<vmem>>) semaphore(%dma_start3A_87 : memref<!tpu.dma_semaphore, #tpu.memory_space<semaphore_mem>>) {add = true}
    %scan3A = arith.constant 0 : i32
    %scan3A_88 = arith.constant 0 : i32
    %scan3A_89 = arith.constant 19 : i32
    %scan3A_90 = arith.addi %scan3A_88, %scan3A_89 : i32
    %scan3A_91 = arith.constant 1 : i32
    scf.for %scan3A_291 = %scan3A_88 to %scan3A_90 step %scan3A_91  : i32 {
      %mul3A_292 = arith.constant 2 : i32
      %mul3A_293 = arith.muli %scan3A_291, %mul3A_292 : i32
      %add3A_294 = arith.constant 2 : i32
      %add3A_295 = arith.addi %add3A_294, %mul3A_293 : i32
      %add3A_296 = arith.constant 0 : i32
      %add3A_297 = arith.addi %add3A_295, %add3A_296 : i32
      %sub3A = arith.constant 2 : i32
      %sub3A_298 = arith.subi %add3A_297, %sub3A : i32
      %dma_wait3A_299 = arith.constant 0 : i32
      %dma_wait3A_300 = arith.constant 0 : i32
      %dma_wait3A_301 = arith.constant 0 : i32
      %dma_wait3A_302 = arith.constant 0 : i32
      %dma_wait3A_303 = tpu.memref_slice %arg9[%dma_wait3A_299, %dma_wait3A_301, %dma_wait3A_302] : memref<2x128x128xf32, #tpu.memory_space<vmem>> -> memref<1x128x128xf32, #tpu.memory_space<vmem>>
      %dma_wait3A_304 = tpu.memref_squeeze %dma_wait3A_303 : memref<1x128x128xf32, #tpu.memory_space<vmem>> -> memref<128x128xf32, #tpu.memory_space<vmem>>
      %dma_wait3A_305 = arith.constant 0 : i32
      %dma_wait3A_306 = tpu.memref_slice %arg8[%sub3A_298, %dma_wait3A_305] : memref<40x128xi32, #tpu.memory_space<vmem>> -> memref<1x128xi32, #tpu.memory_space<vmem>>
      %dma_wait3A_307 = tpu.memref_squeeze %dma_wait3A_306 : memref<1x128xi32, #tpu.memory_space<vmem>> -> memref<128xi32, #tpu.memory_space<vmem>>
      %dma_wait3A_308 = arith.constant 0 : i32
      %dma_wait3A_309 = arith.constant 0 : i32
      %dma_wait3A_310 = tpu.memref_slice %arg12[%dma_wait3A_308, %dma_wait3A_309] : memref<10240x128xf32, #tpu.memory_space<vmem_shared>> -> memref<10240x128xf32, #tpu.memory_space<vmem_shared>>
      %dma_wait3A_311 = tpu.memref_slice %arg11[%dma_wait3A_300] : memref<2x!tpu.dma_semaphore, #tpu.memory_space<semaphore_mem>> -> memref<1x!tpu.dma_semaphore, #tpu.memory_space<semaphore_mem>>
      %dma_wait3A_312 = tpu.memref_squeeze %dma_wait3A_311 : memref<1x!tpu.dma_semaphore, #tpu.memory_space<semaphore_mem>> -> memref<!tpu.dma_semaphore, #tpu.memory_space<semaphore_mem>>
      tpu.wait_indirect_dma semaphore(%dma_wait3A_312 : memref<!tpu.dma_semaphore, #tpu.memory_space<semaphore_mem>>) src(%dma_wait3A_304 : memref<128x128xf32, #tpu.memory_space<vmem>>) dst(%dma_wait3A_310 : memref<10240x128xf32, #tpu.memory_space<vmem_shared>>)
      %dma_start3A_313 = arith.constant 0 : i32
      %dma_start3A_314 = arith.constant 0 : i32
      %dma_start3A_315 = arith.constant 0 : i32
      %dma_start3A_316 = arith.constant 0 : i32
      %dma_start3A_317 = tpu.memref_slice %arg9[%dma_start3A_313, %dma_start3A_315, %dma_start3A_316] : memref<2x128x128xf32, #tpu.memory_space<vmem>> -> memref<1x128x128xf32, #tpu.memory_space<vmem>>
      %dma_start3A_318 = tpu.memref_squeeze %dma_start3A_317 : memref<1x128x128xf32, #tpu.memory_space<vmem>> -> memref<128x128xf32, #tpu.memory_space<vmem>>
      %dma_start3A_319 = arith.constant 0 : i32
      %dma_start3A_320 = tpu.memref_slice %arg7[%add3A_297, %dma_start3A_319] : memref<40x128xi32, #tpu.memory_space<vmem>> -> memref<1x128xi32, #tpu.memory_space<vmem>>
      %dma_start3A_321 = tpu.memref_squeeze %dma_start3A_320 : memref<1x128xi32, #tpu.memory_space<vmem>> -> memref<128xi32, #tpu.memory_space<vmem>>
      %dma_start3A_322 = arith.constant 0 : i32
      %dma_start3A_323 = arith.constant 0 : i32
      %dma_start3A_324 = tpu.memref_slice %arg2[%dma_start3A_322, %dma_start3A_323] : memref<10240x128xf32, #tpu.memory_space<hbm>> -> memref<10240x128xf32, #tpu.memory_space<hbm>>
      %dma_start3A_325 = tpu.memref_slice %arg10[%dma_start3A_314] : memref<2x!tpu.dma_semaphore, #tpu.memory_space<semaphore_mem>> -> memref<1x!tpu.dma_semaphore, #tpu.memory_space<semaphore_mem>>
      %dma_start3A_326 = tpu.memref_squeeze %dma_start3A_325 : memref<1x!tpu.dma_semaphore, #tpu.memory_space<semaphore_mem>> -> memref<!tpu.dma_semaphore, #tpu.memory_space<semaphore_mem>>
      tpu.enqueue_indirect_dma source(%dma_start3A_324 : memref<10240x128xf32, #tpu.memory_space<hbm>>) target(%dma_start3A_318 : memref<128x128xf32, #tpu.memory_space<vmem>>) offsets(%dma_start3A_321 : memref<128xi32, #tpu.memory_space<vmem>>) semaphore(%dma_start3A_326 : memref<!tpu.dma_semaphore, #tpu.memory_space<semaphore_mem>>)
      %sub3A_327 = arith.constant 1 : i32
      %sub3A_328 = arith.subi %add3A_297, %sub3A_327 : i32
      %dma_wait3A_329 = arith.constant 1 : i32
      %dma_wait3A_330 = arith.constant 1 : i32
      %dma_wait3A_331 = arith.constant 0 : i32
      %dma_wait3A_332 = arith.constant 0 : i32
      %dma_wait3A_333 = tpu.memref_slice %arg9[%dma_wait3A_329, %dma_wait3A_331, %dma_wait3A_332] : memref<2x128x128xf32, #tpu.memory_space<vmem>> -> memref<1x128x128xf32, #tpu.memory_space<vmem>>
      %dma_wait3A_334 = tpu.memref_squeeze %dma_wait3A_333 : memref<1x128x128xf32, #tpu.memory_space<vmem>> -> memref<128x128xf32, #tpu.memory_space<vmem>>
      %dma_wait3A_335 = arith.constant 0 : i32
      %dma_wait3A_336 = tpu.memref_slice %arg7[%sub3A_328, %dma_wait3A_335] : memref<40x128xi32, #tpu.memory_space<vmem>> -> memref<1x128xi32, #tpu.memory_space<vmem>>
      %dma_wait3A_337 = tpu.memref_squeeze %dma_wait3A_336 : memref<1x128xi32, #tpu.memory_space<vmem>> -> memref<128xi32, #tpu.memory_space<vmem>>
      %dma_wait3A_338 = arith.constant 0 : i32
      %dma_wait3A_339 = arith.constant 0 : i32
      %dma_wait3A_340 = tpu.memref_slice %arg2[%dma_wait3A_338, %dma_wait3A_339] : memref<10240x128xf32, #tpu.memory_space<hbm>> -> memref<10240x128xf32, #tpu.memory_space<hbm>>
      %dma_wait3A_341 = tpu.memref_slice %arg10[%dma_wait3A_330] : memref<2x!tpu.dma_semaphore, #tpu.memory_space<semaphore_mem>> -> memref<1x!tpu.dma_semaphore, #tpu.memory_space<semaphore_mem>>
      %dma_wait3A_342 = tpu.memref_squeeze %dma_wait3A_341 : memref<1x!tpu.dma_semaphore, #tpu.memory_space<semaphore_mem>> -> memref<!tpu.dma_semaphore, #tpu.memory_space<semaphore_mem>>
      tpu.wait_indirect_dma semaphore(%dma_wait3A_342 : memref<!tpu.dma_semaphore, #tpu.memory_space<semaphore_mem>>) src(%dma_wait3A_340 : memref<10240x128xf32, #tpu.memory_space<hbm>>) dst(%dma_wait3A_334 : memref<128x128xf32, #tpu.memory_space<vmem>>)
      %dma_start3A_343 = arith.constant 1 : i32
      %dma_start3A_344 = arith.constant 1 : i32
      %dma_start3A_345 = arith.constant 0 : i32
      %dma_start3A_346 = arith.constant 0 : i32
      %dma_start3A_347 = tpu.memref_slice %arg9[%dma_start3A_343, %dma_start3A_345, %dma_start3A_346] : memref<2x128x128xf32, #tpu.memory_space<vmem>> -> memref<1x128x128xf32, #tpu.memory_space<vmem>>
      %dma_start3A_348 = tpu.memref_squeeze %dma_start3A_347 : memref<1x128x128xf32, #tpu.memory_space<vmem>> -> memref<128x128xf32, #tpu.memory_space<vmem>>
      %dma_start3A_349 = arith.constant 0 : i32
      %dma_start3A_350 = tpu.memref_slice %arg8[%sub3A_328, %dma_start3A_349] : memref<40x128xi32, #tpu.memory_space<vmem>> -> memref<1x128xi32, #tpu.memory_space<vmem>>
      %dma_start3A_351 = tpu.memref_squeeze %dma_start3A_350 : memref<1x128xi32, #tpu.memory_space<vmem>> -> memref<128xi32, #tpu.memory_space<vmem>>
      %dma_start3A_352 = arith.constant 0 : i32
      %dma_start3A_353 = arith.constant 0 : i32
      %dma_start3A_354 = tpu.memref_slice %arg12[%dma_start3A_352, %dma_start3A_353] : memref<10240x128xf32, #tpu.memory_space<vmem_shared>> -> memref<10240x128xf32, #tpu.memory_space<vmem_shared>>
      %dma_start3A_355 = tpu.memref_slice %arg11[%dma_start3A_344] : memref<2x!tpu.dma_semaphore, #tpu.memory_space<semaphore_mem>> -> memref<1x!tpu.dma_semaphore, #tpu.memory_space<semaphore_mem>>
      %dma_start3A_356 = tpu.memref_squeeze %dma_start3A_355 : memref<1x!tpu.dma_semaphore, #tpu.memory_space<semaphore_mem>> -> memref<!tpu.dma_semaphore, #tpu.memory_space<semaphore_mem>>
      tpu.enqueue_indirect_dma source(%dma_start3A_348 : memref<128x128xf32, #tpu.memory_space<vmem>>) target(%dma_start3A_354 : memref<10240x128xf32, #tpu.memory_space<vmem_shared>>) offsets(%dma_start3A_351 : memref<128xi32, #tpu.memory_space<vmem>>) semaphore(%dma_start3A_356 : memref<!tpu.dma_semaphore, #tpu.memory_space<semaphore_mem>>) {add = true}
      %mul3A_357 = arith.constant 2 : i32
      %mul3A_358 = arith.muli %scan3A_291, %mul3A_357 : i32
      %add3A_359 = arith.constant 2 : i32
      %add3A_360 = arith.addi %add3A_359, %mul3A_358 : i32
      %add3A_361 = arith.constant 1 : i32
      %add3A_362 = arith.addi %add3A_360, %add3A_361 : i32
      %sub3A_363 = arith.constant 2 : i32
      %sub3A_364 = arith.subi %add3A_362, %sub3A_363 : i32
      %dma_wait3A_365 = arith.constant 1 : i32
      %dma_wait3A_366 = arith.constant 1 : i32
      %dma_wait3A_367 = arith.constant 0 : i32
      %dma_wait3A_368 = arith.constant 0 : i32
      %dma_wait3A_369 = tpu.memref_slice %arg9[%dma_wait3A_365, %dma_wait3A_367, %dma_wait3A_368] : memref<2x128x128xf32, #tpu.memory_space<vmem>> -> memref<1x128x128xf32, #tpu.memory_space<vmem>>
      %dma_wait3A_370 = tpu.memref_squeeze %dma_wait3A_369 : memref<1x128x128xf32, #tpu.memory_space<vmem>> -> memref<128x128xf32, #tpu.memory_space<vmem>>
      %dma_wait3A_371 = arith.constant 0 : i32
      %dma_wait3A_372 = tpu.memref_slice %arg8[%sub3A_364, %dma_wait3A_371] : memref<40x128xi32, #tpu.memory_space<vmem>> -> memref<1x128xi32, #tpu.memory_space<vmem>>
      %dma_wait3A_373 = tpu.memref_squeeze %dma_wait3A_372 : memref<1x128xi32, #tpu.memory_space<vmem>> -> memref<128xi32, #tpu.memory_space<vmem>>
      %dma_wait3A_374 = arith.constant 0 : i32
      %dma_wait3A_375 = arith.constant 0 : i32
      %dma_wait3A_376 = tpu.memref_slice %arg12[%dma_wait3A_374, %dma_wait3A_375] : memref<10240x128xf32, #tpu.memory_space<vmem_shared>> -> memref<10240x128xf32, #tpu.memory_space<vmem_shared>>
      %dma_wait3A_377 = tpu.memref_slice %arg11[%dma_wait3A_366] : memref<2x!tpu.dma_semaphore, #tpu.memory_space<semaphore_mem>> -> memref<1x!tpu.dma_semaphore, #tpu.memory_space<semaphore_mem>>
      %dma_wait3A_378 = tpu.memref_squeeze %dma_wait3A_377 : memref<1x!tpu.dma_semaphore, #tpu.memory_space<semaphore_mem>> -> memref<!tpu.dma_semaphore, #tpu.memory_space<semaphore_mem>>
      tpu.wait_indirect_dma semaphore(%dma_wait3A_378 : memref<!tpu.dma_semaphore, #tpu.memory_space<semaphore_mem>>) src(%dma_wait3A_370 : memref<128x128xf32, #tpu.memory_space<vmem>>) dst(%dma_wait3A_376 : memref<10240x128xf32, #tpu.memory_space<vmem_shared>>)
      %dma_start3A_379 = arith.constant 1 : i32
      %dma_start3A_380 = arith.constant 1 : i32
      %dma_start3A_381 = arith.constant 0 : i32
      %dma_start3A_382 = arith.constant 0 : i32
      %dma_start3A_383 = tpu.memref_slice %arg9[%dma_start3A_379, %dma_start3A_381, %dma_start3A_382] : memref<2x128x128xf32, #tpu.memory_space<vmem>> -> memref<1x128x128xf32, #tpu.memory_space<vmem>>
      %dma_start3A_384 = tpu.memref_squeeze %dma_start3A_383 : memref<1x128x128xf32, #tpu.memory_space<vmem>> -> memref<128x128xf32, #tpu.memory_space<vmem>>
      %dma_start3A_385 = arith.constant 0 : i32
      %dma_start3A_386 = tpu.memref_slice %arg7[%add3A_362, %dma_start3A_385] : memref<40x128xi32, #tpu.memory_space<vmem>> -> memref<1x128xi32, #tpu.memory_space<vmem>>
      %dma_start3A_387 = tpu.memref_squeeze %dma_start3A_386 : memref<1x128xi32, #tpu.memory_space<vmem>> -> memref<128xi32, #tpu.memory_space<vmem>>
      %dma_start3A_388 = arith.constant 0 : i32
      %dma_start3A_389 = arith.constant 0 : i32
      %dma_start3A_390 = tpu.memref_slice %arg2[%dma_start3A_388, %dma_start3A_389] : memref<10240x128xf32, #tpu.memory_space<hbm>> -> memref<10240x128xf32, #tpu.memory_space<hbm>>
      %dma_start3A_391 = tpu.memref_slice %arg10[%dma_start3A_380] : memref<2x!tpu.dma_semaphore, #tpu.memory_space<semaphore_mem>> -> memref<1x!tpu.dma_semaphore, #tpu.memory_space<semaphore_mem>>
      %dma_start3A_392 = tpu.memref_squeeze %dma_start3A_391 : memref<1x!tpu.dma_semaphore, #tpu.memory_space<semaphore_mem>> -> memref<!tpu.dma_semaphore, #tpu.memory_space<semaphore_mem>>
      tpu.enqueue_indirect_dma source(%dma_start3A_390 : memref<10240x128xf32, #tpu.memory_space<hbm>>) target(%dma_start3A_384 : memref<128x128xf32, #tpu.memory_space<vmem>>) offsets(%dma_start3A_387 : memref<128xi32, #tpu.memory_space<vmem>>) semaphore(%dma_start3A_392 : memref<!tpu.dma_semaphore, #tpu.memory_space<semaphore_mem>>)
      %sub3A_393 = arith.constant 1 : i32
      %sub3A_394 = arith.subi %add3A_362, %sub3A_393 : i32
      %dma_wait3A_395 = arith.constant 0 : i32
      %dma_wait3A_396 = arith.constant 0 : i32
      %dma_wait3A_397 = arith.constant 0 : i32
      %dma_wait3A_398 = arith.constant 0 : i32
      %dma_wait3A_399 = tpu.memref_slice %arg9[%dma_wait3A_395, %dma_wait3A_397, %dma_wait3A_398] : memref<2x128x128xf32, #tpu.memory_space<vmem>> -> memref<1x128x128xf32, #tpu.memory_space<vmem>>
      %dma_wait3A_400 = tpu.memref_squeeze %dma_wait3A_399 : memref<1x128x128xf32, #tpu.memory_space<vmem>> -> memref<128x128xf32, #tpu.memory_space<vmem>>
      %dma_wait3A_401 = arith.constant 0 : i32
      %dma_wait3A_402 = tpu.memref_slice %arg7[%sub3A_394, %dma_wait3A_401] : memref<40x128xi32, #tpu.memory_space<vmem>> -> memref<1x128xi32, #tpu.memory_space<vmem>>
      %dma_wait3A_403 = tpu.memref_squeeze %dma_wait3A_402 : memref<1x128xi32, #tpu.memory_space<vmem>> -> memref<128xi32, #tpu.memory_space<vmem>>
      %dma_wait3A_404 = arith.constant 0 : i32
      %dma_wait3A_405 = arith.constant 0 : i32
      %dma_wait3A_406 = tpu.memref_slice %arg2[%dma_wait3A_404, %dma_wait3A_405] : memref<10240x128xf32, #tpu.memory_space<hbm>> -> memref<10240x128xf32, #tpu.memory_space<hbm>>
      %dma_wait3A_407 = tpu.memref_slice %arg10[%dma_wait3A_396] : memref<2x!tpu.dma_semaphore, #tpu.memory_space<semaphore_mem>> -> memref<1x!tpu.dma_semaphore, #tpu.memory_space<semaphore_mem>>
      %dma_wait3A_408 = tpu.memref_squeeze %dma_wait3A_407 : memref<1x!tpu.dma_semaphore, #tpu.memory_space<semaphore_mem>> -> memref<!tpu.dma_semaphore, #tpu.memory_space<semaphore_mem>>
      tpu.wait_indirect_dma semaphore(%dma_wait3A_408 : memref<!tpu.dma_semaphore, #tpu.memory_space<semaphore_mem>>) src(%dma_wait3A_406 : memref<10240x128xf32, #tpu.memory_space<hbm>>) dst(%dma_wait3A_400 : memref<128x128xf32, #tpu.memory_space<vmem>>)
      %dma_start3A_409 = arith.constant 0 : i32
      %dma_start3A_410 = arith.constant 0 : i32
      %dma_start3A_411 = arith.constant 0 : i32
      %dma_start3A_412 = arith.constant 0 : i32
      %dma_start3A_413 = tpu.memref_slice %arg9[%dma_start3A_409, %dma_start3A_411, %dma_start3A_412] : memref<2x128x128xf32, #tpu.memory_space<vmem>> -> memref<1x128x128xf32, #tpu.memory_space<vmem>>
      %dma_start3A_414 = tpu.memref_squeeze %dma_start3A_413 : memref<1x128x128xf32, #tpu.memory_space<vmem>> -> memref<128x128xf32, #tpu.memory_space<vmem>>
      %dma_start3A_415 = arith.constant 0 : i32
      %dma_start3A_416 = tpu.memref_slice %arg8[%sub3A_394, %dma_start3A_415] : memref<40x128xi32, #tpu.memory_space<vmem>> -> memref<1x128xi32, #tpu.memory_space<vmem>>
      %dma_start3A_417 = tpu.memref_squeeze %dma_start3A_416 : memref<1x128xi32, #tpu.memory_space<vmem>> -> memref<128xi32, #tpu.memory_space<vmem>>
      %dma_start3A_418 = arith.constant 0 : i32
      %dma_start3A_419 = arith.constant 0 : i32
      %dma_start3A_420 = tpu.memref_slice %arg12[%dma_start3A_418, %dma_start3A_419] : memref<10240x128xf32, #tpu.memory_space<vmem_shared>> -> memref<10240x128xf32, #tpu.memory_space<vmem_shared>>
      %dma_start3A_421 = tpu.memref_slice %arg11[%dma_start3A_410] : memref<2x!tpu.dma_semaphore, #tpu.memory_space<semaphore_mem>> -> memref<1x!tpu.dma_semaphore, #tpu.memory_space<semaphore_mem>>
      %dma_start3A_422 = tpu.memref_squeeze %dma_start3A_421 : memref<1x!tpu.dma_semaphore, #tpu.memory_space<semaphore_mem>> -> memref<!tpu.dma_semaphore, #tpu.memory_space<semaphore_mem>>
      tpu.enqueue_indirect_dma source(%dma_start3A_414 : memref<128x128xf32, #tpu.memory_space<vmem>>) target(%dma_start3A_420 : memref<10240x128xf32, #tpu.memory_space<vmem_shared>>) offsets(%dma_start3A_417 : memref<128xi32, #tpu.memory_space<vmem>>) semaphore(%dma_start3A_422 : memref<!tpu.dma_semaphore, #tpu.memory_space<semaphore_mem>>) {add = true}
    }
    %scan3A_92 = arith.constant 19 : i32
    %dma_wait3A_93 = arith.constant 0 : i32
    %dma_wait3A_94 = arith.constant 38 : i32
    %dma_wait3A_95 = arith.constant 0 : i32
    %dma_wait3A_96 = arith.constant 0 : i32
    %dma_wait3A_97 = arith.constant 0 : i32
    %dma_wait3A_98 = tpu.memref_slice %arg9[%dma_wait3A_93, %dma_wait3A_96, %dma_wait3A_97] : memref<2x128x128xf32, #tpu.memory_space<vmem>> -> memref<1x128x128xf32, #tpu.memory_space<vmem>>
    %dma_wait3A_99 = tpu.memref_squeeze %dma_wait3A_98 : memref<1x128x128xf32, #tpu.memory_space<vmem>> -> memref<128x128xf32, #tpu.memory_space<vmem>>
    %dma_wait3A_100 = arith.constant 0 : i32
    %dma_wait3A_101 = tpu.memref_slice %arg8[%dma_wait3A_94, %dma_wait3A_100] : memref<40x128xi32, #tpu.memory_space<vmem>> -> memref<1x128xi32, #tpu.memory_space<vmem>>
    %dma_wait3A_102 = tpu.memref_squeeze %dma_wait3A_101 : memref<1x128xi32, #tpu.memory_space<vmem>> -> memref<128xi32, #tpu.memory_space<vmem>>
    %dma_wait3A_103 = arith.constant 0 : i32
    %dma_wait3A_104 = arith.constant 0 : i32
    %dma_wait3A_105 = tpu.memref_slice %arg12[%dma_wait3A_103, %dma_wait3A_104] : memref<10240x128xf32, #tpu.memory_space<vmem_shared>> -> memref<10240x128xf32, #tpu.memory_space<vmem_shared>>
    %dma_wait3A_106 = tpu.memref_slice %arg11[%dma_wait3A_95] : memref<2x!tpu.dma_semaphore, #tpu.memory_space<semaphore_mem>> -> memref<1x!tpu.dma_semaphore, #tpu.memory_space<semaphore_mem>>
    %dma_wait3A_107 = tpu.memref_squeeze %dma_wait3A_106 : memref<1x!tpu.dma_semaphore, #tpu.memory_space<semaphore_mem>> -> memref<!tpu.dma_semaphore, #tpu.memory_space<semaphore_mem>>
    tpu.wait_indirect_dma semaphore(%dma_wait3A_107 : memref<!tpu.dma_semaphore, #tpu.memory_space<semaphore_mem>>) src(%dma_wait3A_99 : memref<128x128xf32, #tpu.memory_space<vmem>>) dst(%dma_wait3A_105 : memref<10240x128xf32, #tpu.memory_space<vmem_shared>>)
    %dma_wait3A_108 = arith.constant 39 : i32
    %dma_wait3A_109 = arith.constant 1 : i32
    %dma_wait3A_110 = arith.constant 1 : i32
    %dma_wait3A_111 = arith.constant 0 : i32
    %dma_wait3A_112 = arith.constant 0 : i32
    %dma_wait3A_113 = tpu.memref_slice %arg9[%dma_wait3A_109, %dma_wait3A_111, %dma_wait3A_112] : memref<2x128x128xf32, #tpu.memory_space<vmem>> -> memref<1x128x128xf32, #tpu.memory_space<vmem>>
    %dma_wait3A_114 = tpu.memref_squeeze %dma_wait3A_113 : memref<1x128x128xf32, #tpu.memory_space<vmem>> -> memref<128x128xf32, #tpu.memory_space<vmem>>
    %dma_wait3A_115 = arith.constant 0 : i32
    %dma_wait3A_116 = tpu.memref_slice %arg7[%dma_wait3A_108, %dma_wait3A_115] : memref<40x128xi32, #tpu.memory_space<vmem>> -> memref<1x128xi32, #tpu.memory_space<vmem>>
    %dma_wait3A_117 = tpu.memref_squeeze %dma_wait3A_116 : memref<1x128xi32, #tpu.memory_space<vmem>> -> memref<128xi32, #tpu.memory_space<vmem>>
    %dma_wait3A_118 = arith.constant 0 : i32
    %dma_wait3A_119 = arith.constant 0 : i32
    %dma_wait3A_120 = tpu.memref_slice %arg2[%dma_wait3A_118, %dma_wait3A_119] : memref<10240x128xf32, #tpu.memory_space<hbm>> -> memref<10240x128xf32, #tpu.memory_space<hbm>>
    %dma_wait3A_121 = tpu.memref_slice %arg10[%dma_wait3A_110] : memref<2x!tpu.dma_semaphore, #tpu.memory_space<semaphore_mem>> -> memref<1x!tpu.dma_semaphore, #tpu.memory_space<semaphore_mem>>
    %dma_wait3A_122 = tpu.memref_squeeze %dma_wait3A_121 : memref<1x!tpu.dma_semaphore, #tpu.memory_space<semaphore_mem>> -> memref<!tpu.dma_semaphore, #tpu.memory_space<semaphore_mem>>
    tpu.wait_indirect_dma semaphore(%dma_wait3A_122 : memref<!tpu.dma_semaphore, #tpu.memory_space<semaphore_mem>>) src(%dma_wait3A_120 : memref<10240x128xf32, #tpu.memory_space<hbm>>) dst(%dma_wait3A_114 : memref<128x128xf32, #tpu.memory_space<vmem>>)
    %dma_start3A_123 = arith.constant 1 : i32
    %dma_start3A_124 = arith.constant 39 : i32
    %dma_start3A_125 = arith.constant 1 : i32
    %dma_start3A_126 = arith.constant 0 : i32
    %dma_start3A_127 = arith.constant 0 : i32
    %dma_start3A_128 = tpu.memref_slice %arg9[%dma_start3A_123, %dma_start3A_126, %dma_start3A_127] : memref<2x128x128xf32, #tpu.memory_space<vmem>> -> memref<1x128x128xf32, #tpu.memory_space<vmem>>
    %dma_start3A_129 = tpu.memref_squeeze %dma_start3A_128 : memref<1x128x128xf32, #tpu.memory_space<vmem>> -> memref<128x128xf32, #tpu.memory_space<vmem>>
    %dma_start3A_130 = arith.constant 0 : i32
    %dma_start3A_131 = tpu.memref_slice %arg8[%dma_start3A_124, %dma_start3A_130] : memref<40x128xi32, #tpu.memory_space<vmem>> -> memref<1x128xi32, #tpu.memory_space<vmem>>
    %dma_start3A_132 = tpu.memref_squeeze %dma_start3A_131 : memref<1x128xi32, #tpu.memory_space<vmem>> -> memref<128xi32, #tpu.memory_space<vmem>>
    %dma_start3A_133 = arith.constant 0 : i32
    %dma_start3A_134 = arith.constant 0 : i32
    %dma_start3A_135 = tpu.memref_slice %arg12[%dma_start3A_133, %dma_start3A_134] : memref<10240x128xf32, #tpu.memory_space<vmem_shared>> -> memref<10240x128xf32, #tpu.memory_space<vmem_shared>>
    %dma_start3A_136 = tpu.memref_slice %arg11[%dma_start3A_125] : memref<2x!tpu.dma_semaphore, #tpu.memory_space<semaphore_mem>> -> memref<1x!tpu.dma_semaphore, #tpu.memory_space<semaphore_mem>>
    %dma_start3A_137 = tpu.memref_squeeze %dma_start3A_136 : memref<1x!tpu.dma_semaphore, #tpu.memory_space<semaphore_mem>> -> memref<!tpu.dma_semaphore, #tpu.memory_space<semaphore_mem>>
    tpu.enqueue_indirect_dma source(%dma_start3A_129 : memref<128x128xf32, #tpu.memory_space<vmem>>) target(%dma_start3A_135 : memref<10240x128xf32, #tpu.memory_space<vmem_shared>>) offsets(%dma_start3A_132 : memref<128xi32, #tpu.memory_space<vmem>>) semaphore(%dma_start3A_137 : memref<!tpu.dma_semaphore, #tpu.memory_space<semaphore_mem>>) {add = true}
    %dma_wait3A_138 = arith.constant 1 : i32
    %dma_wait3A_139 = arith.constant 39 : i32
    %dma_wait3A_140 = arith.constant 1 : i32
    %dma_wait3A_141 = arith.constant 0 : i32
    %dma_wait3A_142 = arith.constant 0 : i32
    %dma_wait3A_143 = tpu.memref_slice %arg9[%dma_wait3A_138, %dma_wait3A_141, %dma_wait3A_142] : memref<2x128x128xf32, #tpu.memory_space<vmem>> -> memref<1x128x128xf32, #tpu.memory_space<vmem>>
    %dma_wait3A_144 = tpu.memref_squeeze %dma_wait3A_143 : memref<1x128x128xf32, #tpu.memory_space<vmem>> -> memref<128x128xf32, #tpu.memory_space<vmem>>
    %dma_wait3A_145 = arith.constant 0 : i32
    %dma_wait3A_146 = tpu.memref_slice %arg8[%dma_wait3A_139, %dma_wait3A_145] : memref<40x128xi32, #tpu.memory_space<vmem>> -> memref<1x128xi32, #tpu.memory_space<vmem>>
    %dma_wait3A_147 = tpu.memref_squeeze %dma_wait3A_146 : memref<1x128xi32, #tpu.memory_space<vmem>> -> memref<128xi32, #tpu.memory_space<vmem>>
    %dma_wait3A_148 = arith.constant 0 : i32
    %dma_wait3A_149 = arith.constant 0 : i32
    %dma_wait3A_150 = tpu.memref_slice %arg12[%dma_wait3A_148, %dma_wait3A_149] : memref<10240x128xf32, #tpu.memory_space<vmem_shared>> -> memref<10240x128xf32, #tpu.memory_space<vmem_shared>>
    %dma_wait3A_151 = tpu.memref_slice %arg11[%dma_wait3A_140] : memref<2x!tpu.dma_semaphore, #tpu.memory_space<semaphore_mem>> -> memref<1x!tpu.dma_semaphore, #tpu.memory_space<semaphore_mem>>
    %dma_wait3A_152 = tpu.memref_squeeze %dma_wait3A_151 : memref<1x!tpu.dma_semaphore, #tpu.memory_space<semaphore_mem>> -> memref<!tpu.dma_semaphore, #tpu.memory_space<semaphore_mem>>
    tpu.wait_indirect_dma semaphore(%dma_wait3A_152 : memref<!tpu.dma_semaphore, #tpu.memory_space<semaphore_mem>>) src(%dma_wait3A_144 : memref<128x128xf32, #tpu.memory_space<vmem>>) dst(%dma_wait3A_150 : memref<10240x128xf32, #tpu.memory_space<vmem_shared>>)
    %mul3A_153 = arith.constant 16 : i32
    %mul3A_154 = arith.muli %arg0, %mul3A_153 : i32
    %add3A_155 = arith.addi %mul3A_154, %arg1 : i32
    %mul3A_156 = arith.constant 80 : i32
    %mul3A_157 = arith.muli %add3A_155, %mul3A_156 : i32
    %add3A_158 = arith.constant 40 : i32
    %add3A_159 = arith.addi %mul3A_157, %add3A_158 : i32
    "tpu.region"() ({
      %run_scoped3A_291 = tpu.sem_alloc : memref<!tpu.dma_semaphore, #tpu.memory_space<semaphore_mem>>
      %dma_start3A_292 = arith.constant 0 : i32
      %dma_start3A_293 = tpu.memref_slice %arg3[%add3A_159, %dma_start3A_292] : memref<2560x128xi32, #tpu.memory_space<hbm>> -> memref<40x128xi32, #tpu.memory_space<hbm>>
      %dma_start3A_294 = arith.constant 0 : i32
      %dma_start3A_295 = tpu.memref_slice %arg3[%add3A_159, %dma_start3A_294] : memref<2560x128xi32, #tpu.memory_space<hbm>> -> memref<40x128xi32, #tpu.memory_space<hbm>>
      tpu.enqueue_dma source(%dma_start3A_295 : memref<40x128xi32, #tpu.memory_space<hbm>>) target(%arg7 : memref<40x128xi32, #tpu.memory_space<vmem>>) target_semaphore(%run_scoped3A_291 : memref<!tpu.dma_semaphore, #tpu.memory_space<semaphore_mem>>)
      %dma_wait3A_296 = arith.constant 0 : i32
      %dma_wait3A_297 = tpu.memref_slice %arg3[%add3A_159, %dma_wait3A_296] : memref<2560x128xi32, #tpu.memory_space<hbm>> -> memref<40x128xi32, #tpu.memory_space<hbm>>
      %dma_wait3A_298 = arith.constant 0 : i32
      %dma_wait3A_299 = tpu.memref_slice %arg3[%add3A_159, %dma_wait3A_298] : memref<2560x128xi32, #tpu.memory_space<hbm>> -> memref<40x128xi32, #tpu.memory_space<hbm>>
      tpu.wait_dma2 semaphore(%run_scoped3A_291 : memref<!tpu.dma_semaphore, #tpu.memory_space<semaphore_mem>>) src(%dma_wait3A_299 : memref<40x128xi32, #tpu.memory_space<hbm>>) dst(%arg7 : memref<40x128xi32, #tpu.memory_space<vmem>>)
      tpu.yield
    }) : () -> ()
    "tpu.region"() ({
      %run_scoped3A_291 = tpu.sem_alloc : memref<!tpu.dma_semaphore, #tpu.memory_space<semaphore_mem>>
      %dma_start3A_292 = arith.constant 0 : i32
      %dma_start3A_293 = tpu.memref_slice %arg4[%add3A_159, %dma_start3A_292] : memref<2560x128xi32, #tpu.memory_space<hbm>> -> memref<40x128xi32, #tpu.memory_space<hbm>>
      %dma_start3A_294 = arith.constant 0 : i32
      %dma_start3A_295 = tpu.memref_slice %arg4[%add3A_159, %dma_start3A_294] : memref<2560x128xi32, #tpu.memory_space<hbm>> -> memref<40x128xi32, #tpu.memory_space<hbm>>
      tpu.enqueue_dma source(%dma_start3A_295 : memref<40x128xi32, #tpu.memory_space<hbm>>) target(%arg8 : memref<40x128xi32, #tpu.memory_space<vmem>>) target_semaphore(%run_scoped3A_291 : memref<!tpu.dma_semaphore, #tpu.memory_space<semaphore_mem>>)
      %dma_wait3A_296 = arith.constant 0 : i32
      %dma_wait3A_297 = tpu.memref_slice %arg4[%add3A_159, %dma_wait3A_296] : memref<2560x128xi32, #tpu.memory_space<hbm>> -> memref<40x128xi32, #tpu.memory_space<hbm>>
      %dma_wait3A_298 = arith.constant 0 : i32
      %dma_wait3A_299 = tpu.memref_slice %arg4[%add3A_159, %dma_wait3A_298] : memref<2560x128xi32, #tpu.memory_space<hbm>> -> memref<40x128xi32, #tpu.memory_space<hbm>>
      tpu.wait_dma2 semaphore(%run_scoped3A_291 : memref<!tpu.dma_semaphore, #tpu.memory_space<semaphore_mem>>) src(%dma_wait3A_299 : memref<40x128xi32, #tpu.memory_space<hbm>>) dst(%arg8 : memref<40x128xi32, #tpu.memory_space<vmem>>)
      tpu.yield
    }) : () -> ()
    %dma_start3A_160 = arith.constant 0 : i32
    %dma_start3A_161 = arith.constant 0 : i32
    %dma_start3A_162 = arith.constant 0 : i32
    %dma_start3A_163 = arith.constant 0 : i32
    %dma_start3A_164 = arith.constant 0 : i32
    %dma_start3A_165 = tpu.memref_slice %arg9[%dma_start3A_161, %dma_start3A_163, %dma_start3A_164] : memref<2x128x128xf32, #tpu.memory_space<vmem>> -> memref<1x128x128xf32, #tpu.memory_space<vmem>>
    %dma_start3A_166 = tpu.memref_squeeze %dma_start3A_165 : memref<1x128x128xf32, #tpu.memory_space<vmem>> -> memref<128x128xf32, #tpu.memory_space<vmem>>
    %dma_start3A_167 = arith.constant 0 : i32
    %dma_start3A_168 = tpu.memref_slice %arg7[%dma_start3A_160, %dma_start3A_167] : memref<40x128xi32, #tpu.memory_space<vmem>> -> memref<1x128xi32, #tpu.memory_space<vmem>>
    %dma_start3A_169 = tpu.memref_squeeze %dma_start3A_168 : memref<1x128xi32, #tpu.memory_space<vmem>> -> memref<128xi32, #tpu.memory_space<vmem>>
    %dma_start3A_170 = arith.constant 0 : i32
    %dma_start3A_171 = arith.constant 0 : i32
    %dma_start3A_172 = tpu.memref_slice %arg2[%dma_start3A_170, %dma_start3A_171] : memref<10240x128xf32, #tpu.memory_space<hbm>> -> memref<10240x128xf32, #tpu.memory_space<hbm>>
    %dma_start3A_173 = tpu.memref_slice %arg10[%dma_start3A_162] : memref<2x!tpu.dma_semaphore, #tpu.memory_space<semaphore_mem>> -> memref<1x!tpu.dma_semaphore, #tpu.memory_space<semaphore_mem>>
    %dma_start3A_174 = tpu.memref_squeeze %dma_start3A_173 : memref<1x!tpu.dma_semaphore, #tpu.memory_space<semaphore_mem>> -> memref<!tpu.dma_semaphore, #tpu.memory_space<semaphore_mem>>
    tpu.enqueue_indirect_dma source(%dma_start3A_172 : memref<10240x128xf32, #tpu.memory_space<hbm>>) target(%dma_start3A_166 : memref<128x128xf32, #tpu.memory_space<vmem>>) offsets(%dma_start3A_169 : memref<128xi32, #tpu.memory_space<vmem>>) semaphore(%dma_start3A_174 : memref<!tpu.dma_semaphore, #tpu.memory_space<semaphore_mem>>)
    %dma_start3A_175 = arith.constant 1 : i32
    %dma_start3A_176 = arith.constant 1 : i32
    %dma_start3A_177 = arith.constant 1 : i32
    %dma_start3A_178 = arith.constant 0 : i32
    %dma_start3A_179 = arith.constant 0 : i32
    %dma_start3A_180 = tpu.memref_slice %arg9[%dma_start3A_176, %dma_start3A_178, %dma_start3A_179] : memref<2x128x128xf32, #tpu.memory_space<vmem>> -> memref<1x128x128xf32, #tpu.memory_space<vmem>>
    %dma_start3A_181 = tpu.memref_squeeze %dma_start3A_180 : memref<1x128x128xf32, #tpu.memory_space<vmem>> -> memref<128x128xf32, #tpu.memory_space<vmem>>
    %dma_start3A_182 = arith.constant 0 : i32
    %dma_start3A_183 = tpu.memref_slice %arg7[%dma_start3A_175, %dma_start3A_182] : memref<40x128xi32, #tpu.memory_space<vmem>> -> memref<1x128xi32, #tpu.memory_space<vmem>>
    %dma_start3A_184 = tpu.memref_squeeze %dma_start3A_183 : memref<1x128xi32, #tpu.memory_space<vmem>> -> memref<128xi32, #tpu.memory_space<vmem>>
    %dma_start3A_185 = arith.constant 0 : i32
    %dma_start3A_186 = arith.constant 0 : i32
    %dma_start3A_187 = tpu.memref_slice %arg2[%dma_start3A_185, %dma_start3A_186] : memref<10240x128xf32, #tpu.memory_space<hbm>> -> memref<10240x128xf32, #tpu.memory_space<hbm>>
    %dma_start3A_188 = tpu.memref_slice %arg10[%dma_start3A_177] : memref<2x!tpu.dma_semaphore, #tpu.memory_space<semaphore_mem>> -> memref<1x!tpu.dma_semaphore, #tpu.memory_space<semaphore_mem>>
    %dma_start3A_189 = tpu.memref_squeeze %dma_start3A_188 : memref<1x!tpu.dma_semaphore, #tpu.memory_space<semaphore_mem>> -> memref<!tpu.dma_semaphore, #tpu.memory_space<semaphore_mem>>
    tpu.enqueue_indirect_dma source(%dma_start3A_187 : memref<10240x128xf32, #tpu.memory_space<hbm>>) target(%dma_start3A_181 : memref<128x128xf32, #tpu.memory_space<vmem>>) offsets(%dma_start3A_184 : memref<128xi32, #tpu.memory_space<vmem>>) semaphore(%dma_start3A_189 : memref<!tpu.dma_semaphore, #tpu.memory_space<semaphore_mem>>)
    %dma_wait3A_190 = arith.constant 0 : i32
    %dma_wait3A_191 = arith.constant 0 : i32
    %dma_wait3A_192 = arith.constant 0 : i32
    %dma_wait3A_193 = arith.constant 0 : i32
    %dma_wait3A_194 = arith.constant 0 : i32
    %dma_wait3A_195 = tpu.memref_slice %arg9[%dma_wait3A_191, %dma_wait3A_193, %dma_wait3A_194] : memref<2x128x128xf32, #tpu.memory_space<vmem>> -> memref<1x128x128xf32, #tpu.memory_space<vmem>>
    %dma_wait3A_196 = tpu.memref_squeeze %dma_wait3A_195 : memref<1x128x128xf32, #tpu.memory_space<vmem>> -> memref<128x128xf32, #tpu.memory_space<vmem>>
    %dma_wait3A_197 = arith.constant 0 : i32
    %dma_wait3A_198 = tpu.memref_slice %arg7[%dma_wait3A_190, %dma_wait3A_197] : memref<40x128xi32, #tpu.memory_space<vmem>> -> memref<1x128xi32, #tpu.memory_space<vmem>>
    %dma_wait3A_199 = tpu.memref_squeeze %dma_wait3A_198 : memref<1x128xi32, #tpu.memory_space<vmem>> -> memref<128xi32, #tpu.memory_space<vmem>>
    %dma_wait3A_200 = arith.constant 0 : i32
    %dma_wait3A_201 = arith.constant 0 : i32
    %dma_wait3A_202 = tpu.memref_slice %arg2[%dma_wait3A_200, %dma_wait3A_201] : memref<10240x128xf32, #tpu.memory_space<hbm>> -> memref<10240x128xf32, #tpu.memory_space<hbm>>
    %dma_wait3A_203 = tpu.memref_slice %arg10[%dma_wait3A_192] : memref<2x!tpu.dma_semaphore, #tpu.memory_space<semaphore_mem>> -> memref<1x!tpu.dma_semaphore, #tpu.memory_space<semaphore_mem>>
    %dma_wait3A_204 = tpu.memref_squeeze %dma_wait3A_203 : memref<1x!tpu.dma_semaphore, #tpu.memory_space<semaphore_mem>> -> memref<!tpu.dma_semaphore, #tpu.memory_space<semaphore_mem>>
    tpu.wait_indirect_dma semaphore(%dma_wait3A_204 : memref<!tpu.dma_semaphore, #tpu.memory_space<semaphore_mem>>) src(%dma_wait3A_202 : memref<10240x128xf32, #tpu.memory_space<hbm>>) dst(%dma_wait3A_196 : memref<128x128xf32, #tpu.memory_space<vmem>>)
    %dma_start3A_205 = arith.constant 0 : i32
    %dma_start3A_206 = arith.constant 0 : i32
    %dma_start3A_207 = arith.constant 0 : i32
    %dma_start3A_208 = arith.constant 0 : i32
    %dma_start3A_209 = arith.constant 0 : i32
    %dma_start3A_210 = tpu.memref_slice %arg9[%dma_start3A_205, %dma_start3A_208, %dma_start3A_209] : memref<2x128x128xf32, #tpu.memory_space<vmem>> -> memref<1x128x128xf32, #tpu.memory_space<vmem>>
    %dma_start3A_211 = tpu.memref_squeeze %dma_start3A_210 : memref<1x128x128xf32, #tpu.memory_space<vmem>> -> memref<128x128xf32, #tpu.memory_space<vmem>>
    %dma_start3A_212 = arith.constant 0 : i32
    %dma_start3A_213 = tpu.memref_slice %arg8[%dma_start3A_206, %dma_start3A_212] : memref<40x128xi32, #tpu.memory_space<vmem>> -> memref<1x128xi32, #tpu.memory_space<vmem>>
    %dma_start3A_214 = tpu.memref_squeeze %dma_start3A_213 : memref<1x128xi32, #tpu.memory_space<vmem>> -> memref<128xi32, #tpu.memory_space<vmem>>
    %dma_start3A_215 = arith.constant 0 : i32
    %dma_start3A_216 = arith.constant 0 : i32
    %dma_start3A_217 = tpu.memref_slice %arg12[%dma_start3A_215, %dma_start3A_216] : memref<10240x128xf32, #tpu.memory_space<vmem_shared>> -> memref<10240x128xf32, #tpu.memory_space<vmem_shared>>
    %dma_start3A_218 = tpu.memref_slice %arg11[%dma_start3A_207] : memref<2x!tpu.dma_semaphore, #tpu.memory_space<semaphore_mem>> -> memref<1x!tpu.dma_semaphore, #tpu.memory_space<semaphore_mem>>
    %dma_start3A_219 = tpu.memref_squeeze %dma_start3A_218 : memref<1x!tpu.dma_semaphore, #tpu.memory_space<semaphore_mem>> -> memref<!tpu.dma_semaphore, #tpu.memory_space<semaphore_mem>>
    tpu.enqueue_indirect_dma source(%dma_start3A_211 : memref<128x128xf32, #tpu.memory_space<vmem>>) target(%dma_start3A_217 : memref<10240x128xf32, #tpu.memory_space<vmem_shared>>) offsets(%dma_start3A_214 : memref<128xi32, #tpu.memory_space<vmem>>) semaphore(%dma_start3A_219 : memref<!tpu.dma_semaphore, #tpu.memory_space<semaphore_mem>>) {add = true}
    %scan3A_220 = arith.constant 0 : i32
    %scan3A_221 = arith.constant 0 : i32
    %scan3A_222 = arith.constant 19 : i32
    %scan3A_223 = arith.addi %scan3A_221, %scan3A_222 : i32
    %scan3A_224 = arith.constant 1 : i32
    scf.for %scan3A_291 = %scan3A_221 to %scan3A_223 step %scan3A_224  : i32 {
      %mul3A_292 = arith.constant 2 : i32
      %mul3A_293 = arith.muli %scan3A_291, %mul3A_292 : i32
      %add3A_294 = arith.constant 2 : i32
      %add3A_295 = arith.addi %add3A_294, %mul3A_293 : i32
      %add3A_296 = arith.constant 0 : i32
      %add3A_297 = arith.addi %add3A_295, %add3A_296 : i32
      %sub3A = arith.constant 2 : i32
      %sub3A_298 = arith.subi %add3A_297, %sub3A : i32
      %dma_wait3A_299 = arith.constant 0 : i32
      %dma_wait3A_300 = arith.constant 0 : i32
      %dma_wait3A_301 = arith.constant 0 : i32
      %dma_wait3A_302 = arith.constant 0 : i32
      %dma_wait3A_303 = tpu.memref_slice %arg9[%dma_wait3A_299, %dma_wait3A_301, %dma_wait3A_302] : memref<2x128x128xf32, #tpu.memory_space<vmem>> -> memref<1x128x128xf32, #tpu.memory_space<vmem>>
      %dma_wait3A_304 = tpu.memref_squeeze %dma_wait3A_303 : memref<1x128x128xf32, #tpu.memory_space<vmem>> -> memref<128x128xf32, #tpu.memory_space<vmem>>
      %dma_wait3A_305 = arith.constant 0 : i32
      %dma_wait3A_306 = tpu.memref_slice %arg8[%sub3A_298, %dma_wait3A_305] : memref<40x128xi32, #tpu.memory_space<vmem>> -> memref<1x128xi32, #tpu.memory_space<vmem>>
      %dma_wait3A_307 = tpu.memref_squeeze %dma_wait3A_306 : memref<1x128xi32, #tpu.memory_space<vmem>> -> memref<128xi32, #tpu.memory_space<vmem>>
      %dma_wait3A_308 = arith.constant 0 : i32
      %dma_wait3A_309 = arith.constant 0 : i32
      %dma_wait3A_310 = tpu.memref_slice %arg12[%dma_wait3A_308, %dma_wait3A_309] : memref<10240x128xf32, #tpu.memory_space<vmem_shared>> -> memref<10240x128xf32, #tpu.memory_space<vmem_shared>>
      %dma_wait3A_311 = tpu.memref_slice %arg11[%dma_wait3A_300] : memref<2x!tpu.dma_semaphore, #tpu.memory_space<semaphore_mem>> -> memref<1x!tpu.dma_semaphore, #tpu.memory_space<semaphore_mem>>
      %dma_wait3A_312 = tpu.memref_squeeze %dma_wait3A_311 : memref<1x!tpu.dma_semaphore, #tpu.memory_space<semaphore_mem>> -> memref<!tpu.dma_semaphore, #tpu.memory_space<semaphore_mem>>
      tpu.wait_indirect_dma semaphore(%dma_wait3A_312 : memref<!tpu.dma_semaphore, #tpu.memory_space<semaphore_mem>>) src(%dma_wait3A_304 : memref<128x128xf32, #tpu.memory_space<vmem>>) dst(%dma_wait3A_310 : memref<10240x128xf32, #tpu.memory_space<vmem_shared>>)
      %dma_start3A_313 = arith.constant 0 : i32
      %dma_start3A_314 = arith.constant 0 : i32
      %dma_start3A_315 = arith.constant 0 : i32
      %dma_start3A_316 = arith.constant 0 : i32
      %dma_start3A_317 = tpu.memref_slice %arg9[%dma_start3A_313, %dma_start3A_315, %dma_start3A_316] : memref<2x128x128xf32, #tpu.memory_space<vmem>> -> memref<1x128x128xf32, #tpu.memory_space<vmem>>
      %dma_start3A_318 = tpu.memref_squeeze %dma_start3A_317 : memref<1x128x128xf32, #tpu.memory_space<vmem>> -> memref<128x128xf32, #tpu.memory_space<vmem>>
      %dma_start3A_319 = arith.constant 0 : i32
      %dma_start3A_320 = tpu.memref_slice %arg7[%add3A_297, %dma_start3A_319] : memref<40x128xi32, #tpu.memory_space<vmem>> -> memref<1x128xi32, #tpu.memory_space<vmem>>
      %dma_start3A_321 = tpu.memref_squeeze %dma_start3A_320 : memref<1x128xi32, #tpu.memory_space<vmem>> -> memref<128xi32, #tpu.memory_space<vmem>>
      %dma_start3A_322 = arith.constant 0 : i32
      %dma_start3A_323 = arith.constant 0 : i32
      %dma_start3A_324 = tpu.memref_slice %arg2[%dma_start3A_322, %dma_start3A_323] : memref<10240x128xf32, #tpu.memory_space<hbm>> -> memref<10240x128xf32, #tpu.memory_space<hbm>>
      %dma_start3A_325 = tpu.memref_slice %arg10[%dma_start3A_314] : memref<2x!tpu.dma_semaphore, #tpu.memory_space<semaphore_mem>> -> memref<1x!tpu.dma_semaphore, #tpu.memory_space<semaphore_mem>>
      %dma_start3A_326 = tpu.memref_squeeze %dma_start3A_325 : memref<1x!tpu.dma_semaphore, #tpu.memory_space<semaphore_mem>> -> memref<!tpu.dma_semaphore, #tpu.memory_space<semaphore_mem>>
      tpu.enqueue_indirect_dma source(%dma_start3A_324 : memref<10240x128xf32, #tpu.memory_space<hbm>>) target(%dma_start3A_318 : memref<128x128xf32, #tpu.memory_space<vmem>>) offsets(%dma_start3A_321 : memref<128xi32, #tpu.memory_space<vmem>>) semaphore(%dma_start3A_326 : memref<!tpu.dma_semaphore, #tpu.memory_space<semaphore_mem>>)
      %sub3A_327 = arith.constant 1 : i32
      %sub3A_328 = arith.subi %add3A_297, %sub3A_327 : i32
      %dma_wait3A_329 = arith.constant 1 : i32
      %dma_wait3A_330 = arith.constant 1 : i32
      %dma_wait3A_331 = arith.constant 0 : i32
      %dma_wait3A_332 = arith.constant 0 : i32
      %dma_wait3A_333 = tpu.memref_slice %arg9[%dma_wait3A_329, %dma_wait3A_331, %dma_wait3A_332] : memref<2x128x128xf32, #tpu.memory_space<vmem>> -> memref<1x128x128xf32, #tpu.memory_space<vmem>>
      %dma_wait3A_334 = tpu.memref_squeeze %dma_wait3A_333 : memref<1x128x128xf32, #tpu.memory_space<vmem>> -> memref<128x128xf32, #tpu.memory_space<vmem>>
      %dma_wait3A_335 = arith.constant 0 : i32
      %dma_wait3A_336 = tpu.memref_slice %arg7[%sub3A_328, %dma_wait3A_335] : memref<40x128xi32, #tpu.memory_space<vmem>> -> memref<1x128xi32, #tpu.memory_space<vmem>>
      %dma_wait3A_337 = tpu.memref_squeeze %dma_wait3A_336 : memref<1x128xi32, #tpu.memory_space<vmem>> -> memref<128xi32, #tpu.memory_space<vmem>>
      %dma_wait3A_338 = arith.constant 0 : i32
      %dma_wait3A_339 = arith.constant 0 : i32
      %dma_wait3A_340 = tpu.memref_slice %arg2[%dma_wait3A_338, %dma_wait3A_339] : memref<10240x128xf32, #tpu.memory_space<hbm>> -> memref<10240x128xf32, #tpu.memory_space<hbm>>
      %dma_wait3A_341 = tpu.memref_slice %arg10[%dma_wait3A_330] : memref<2x!tpu.dma_semaphore, #tpu.memory_space<semaphore_mem>> -> memref<1x!tpu.dma_semaphore, #tpu.memory_space<semaphore_mem>>
      %dma_wait3A_342 = tpu.memref_squeeze %dma_wait3A_341 : memref<1x!tpu.dma_semaphore, #tpu.memory_space<semaphore_mem>> -> memref<!tpu.dma_semaphore, #tpu.memory_space<semaphore_mem>>
      tpu.wait_indirect_dma semaphore(%dma_wait3A_342 : memref<!tpu.dma_semaphore, #tpu.memory_space<semaphore_mem>>) src(%dma_wait3A_340 : memref<10240x128xf32, #tpu.memory_space<hbm>>) dst(%dma_wait3A_334 : memref<128x128xf32, #tpu.memory_space<vmem>>)
      %dma_start3A_343 = arith.constant 1 : i32
      %dma_start3A_344 = arith.constant 1 : i32
      %dma_start3A_345 = arith.constant 0 : i32
      %dma_start3A_346 = arith.constant 0 : i32
      %dma_start3A_347 = tpu.memref_slice %arg9[%dma_start3A_343, %dma_start3A_345, %dma_start3A_346] : memref<2x128x128xf32, #tpu.memory_space<vmem>> -> memref<1x128x128xf32, #tpu.memory_space<vmem>>
      %dma_start3A_348 = tpu.memref_squeeze %dma_start3A_347 : memref<1x128x128xf32, #tpu.memory_space<vmem>> -> memref<128x128xf32, #tpu.memory_space<vmem>>
      %dma_start3A_349 = arith.constant 0 : i32
      %dma_start3A_350 = tpu.memref_slice %arg8[%sub3A_328, %dma_start3A_349] : memref<40x128xi32, #tpu.memory_space<vmem>> -> memref<1x128xi32, #tpu.memory_space<vmem>>
      %dma_start3A_351 = tpu.memref_squeeze %dma_start3A_350 : memref<1x128xi32, #tpu.memory_space<vmem>> -> memref<128xi32, #tpu.memory_space<vmem>>
      %dma_start3A_352 = arith.constant 0 : i32
      %dma_start3A_353 = arith.constant 0 : i32
      %dma_start3A_354 = tpu.memref_slice %arg12[%dma_start3A_352, %dma_start3A_353] : memref<10240x128xf32, #tpu.memory_space<vmem_shared>> -> memref<10240x128xf32, #tpu.memory_space<vmem_shared>>
      %dma_start3A_355 = tpu.memref_slice %arg11[%dma_start3A_344] : memref<2x!tpu.dma_semaphore, #tpu.memory_space<semaphore_mem>> -> memref<1x!tpu.dma_semaphore, #tpu.memory_space<semaphore_mem>>
      %dma_start3A_356 = tpu.memref_squeeze %dma_start3A_355 : memref<1x!tpu.dma_semaphore, #tpu.memory_space<semaphore_mem>> -> memref<!tpu.dma_semaphore, #tpu.memory_space<semaphore_mem>>
      tpu.enqueue_indirect_dma source(%dma_start3A_348 : memref<128x128xf32, #tpu.memory_space<vmem>>) target(%dma_start3A_354 : memref<10240x128xf32, #tpu.memory_space<vmem_shared>>) offsets(%dma_start3A_351 : memref<128xi32, #tpu.memory_space<vmem>>) semaphore(%dma_start3A_356 : memref<!tpu.dma_semaphore, #tpu.memory_space<semaphore_mem>>) {add = true}
      %mul3A_357 = arith.constant 2 : i32
      %mul3A_358 = arith.muli %scan3A_291, %mul3A_357 : i32
      %add3A_359 = arith.constant 2 : i32
      %add3A_360 = arith.addi %add3A_359, %mul3A_358 : i32
      %add3A_361 = arith.constant 1 : i32
      %add3A_362 = arith.addi %add3A_360, %add3A_361 : i32
      %sub3A_363 = arith.constant 2 : i32
      %sub3A_364 = arith.subi %add3A_362, %sub3A_363 : i32
      %dma_wait3A_365 = arith.constant 1 : i32
      %dma_wait3A_366 = arith.constant 1 : i32
      %dma_wait3A_367 = arith.constant 0 : i32
      %dma_wait3A_368 = arith.constant 0 : i32
      %dma_wait3A_369 = tpu.memref_slice %arg9[%dma_wait3A_365, %dma_wait3A_367, %dma_wait3A_368] : memref<2x128x128xf32, #tpu.memory_space<vmem>> -> memref<1x128x128xf32, #tpu.memory_space<vmem>>
      %dma_wait3A_370 = tpu.memref_squeeze %dma_wait3A_369 : memref<1x128x128xf32, #tpu.memory_space<vmem>> -> memref<128x128xf32, #tpu.memory_space<vmem>>
      %dma_wait3A_371 = arith.constant 0 : i32
      %dma_wait3A_372 = tpu.memref_slice %arg8[%sub3A_364, %dma_wait3A_371] : memref<40x128xi32, #tpu.memory_space<vmem>> -> memref<1x128xi32, #tpu.memory_space<vmem>>
      %dma_wait3A_373 = tpu.memref_squeeze %dma_wait3A_372 : memref<1x128xi32, #tpu.memory_space<vmem>> -> memref<128xi32, #tpu.memory_space<vmem>>
      %dma_wait3A_374 = arith.constant 0 : i32
      %dma_wait3A_375 = arith.constant 0 : i32
      %dma_wait3A_376 = tpu.memref_slice %arg12[%dma_wait3A_374, %dma_wait3A_375] : memref<10240x128xf32, #tpu.memory_space<vmem_shared>> -> memref<10240x128xf32, #tpu.memory_space<vmem_shared>>
      %dma_wait3A_377 = tpu.memref_slice %arg11[%dma_wait3A_366] : memref<2x!tpu.dma_semaphore, #tpu.memory_space<semaphore_mem>> -> memref<1x!tpu.dma_semaphore, #tpu.memory_space<semaphore_mem>>
      %dma_wait3A_378 = tpu.memref_squeeze %dma_wait3A_377 : memref<1x!tpu.dma_semaphore, #tpu.memory_space<semaphore_mem>> -> memref<!tpu.dma_semaphore, #tpu.memory_space<semaphore_mem>>
      tpu.wait_indirect_dma semaphore(%dma_wait3A_378 : memref<!tpu.dma_semaphore, #tpu.memory_space<semaphore_mem>>) src(%dma_wait3A_370 : memref<128x128xf32, #tpu.memory_space<vmem>>) dst(%dma_wait3A_376 : memref<10240x128xf32, #tpu.memory_space<vmem_shared>>)
      %dma_start3A_379 = arith.constant 1 : i32
      %dma_start3A_380 = arith.constant 1 : i32
      %dma_start3A_381 = arith.constant 0 : i32
      %dma_start3A_382 = arith.constant 0 : i32
      %dma_start3A_383 = tpu.memref_slice %arg9[%dma_start3A_379, %dma_start3A_381, %dma_start3A_382] : memref<2x128x128xf32, #tpu.memory_space<vmem>> -> memref<1x128x128xf32, #tpu.memory_space<vmem>>
      %dma_start3A_384 = tpu.memref_squeeze %dma_start3A_383 : memref<1x128x128xf32, #tpu.memory_space<vmem>> -> memref<128x128xf32, #tpu.memory_space<vmem>>
      %dma_start3A_385 = arith.constant 0 : i32
      %dma_start3A_386 = tpu.memref_slice %arg7[%add3A_362, %dma_start3A_385] : memref<40x128xi32, #tpu.memory_space<vmem>> -> memref<1x128xi32, #tpu.memory_space<vmem>>
      %dma_start3A_387 = tpu.memref_squeeze %dma_start3A_386 : memref<1x128xi32, #tpu.memory_space<vmem>> -> memref<128xi32, #tpu.memory_space<vmem>>
      %dma_start3A_388 = arith.constant 0 : i32
      %dma_start3A_389 = arith.constant 0 : i32
      %dma_start3A_390 = tpu.memref_slice %arg2[%dma_start3A_388, %dma_start3A_389] : memref<10240x128xf32, #tpu.memory_space<hbm>> -> memref<10240x128xf32, #tpu.memory_space<hbm>>
      %dma_start3A_391 = tpu.memref_slice %arg10[%dma_start3A_380] : memref<2x!tpu.dma_semaphore, #tpu.memory_space<semaphore_mem>> -> memref<1x!tpu.dma_semaphore, #tpu.memory_space<semaphore_mem>>
      %dma_start3A_392 = tpu.memref_squeeze %dma_start3A_391 : memref<1x!tpu.dma_semaphore, #tpu.memory_space<semaphore_mem>> -> memref<!tpu.dma_semaphore, #tpu.memory_space<semaphore_mem>>
      tpu.enqueue_indirect_dma source(%dma_start3A_390 : memref<10240x128xf32, #tpu.memory_space<hbm>>) target(%dma_start3A_384 : memref<128x128xf32, #tpu.memory_space<vmem>>) offsets(%dma_start3A_387 : memref<128xi32, #tpu.memory_space<vmem>>) semaphore(%dma_start3A_392 : memref<!tpu.dma_semaphore, #tpu.memory_space<semaphore_mem>>)
      %sub3A_393 = arith.constant 1 : i32
      %sub3A_394 = arith.subi %add3A_362, %sub3A_393 : i32
      %dma_wait3A_395 = arith.constant 0 : i32
      %dma_wait3A_396 = arith.constant 0 : i32
      %dma_wait3A_397 = arith.constant 0 : i32
      %dma_wait3A_398 = arith.constant 0 : i32
      %dma_wait3A_399 = tpu.memref_slice %arg9[%dma_wait3A_395, %dma_wait3A_397, %dma_wait3A_398] : memref<2x128x128xf32, #tpu.memory_space<vmem>> -> memref<1x128x128xf32, #tpu.memory_space<vmem>>
      %dma_wait3A_400 = tpu.memref_squeeze %dma_wait3A_399 : memref<1x128x128xf32, #tpu.memory_space<vmem>> -> memref<128x128xf32, #tpu.memory_space<vmem>>
      %dma_wait3A_401 = arith.constant 0 : i32
      %dma_wait3A_402 = tpu.memref_slice %arg7[%sub3A_394, %dma_wait3A_401] : memref<40x128xi32, #tpu.memory_space<vmem>> -> memref<1x128xi32, #tpu.memory_space<vmem>>
      %dma_wait3A_403 = tpu.memref_squeeze %dma_wait3A_402 : memref<1x128xi32, #tpu.memory_space<vmem>> -> memref<128xi32, #tpu.memory_space<vmem>>
      %dma_wait3A_404 = arith.constant 0 : i32
      %dma_wait3A_405 = arith.constant 0 : i32
      %dma_wait3A_406 = tpu.memref_slice %arg2[%dma_wait3A_404, %dma_wait3A_405] : memref<10240x128xf32, #tpu.memory_space<hbm>> -> memref<10240x128xf32, #tpu.memory_space<hbm>>
      %dma_wait3A_407 = tpu.memref_slice %arg10[%dma_wait3A_396] : memref<2x!tpu.dma_semaphore, #tpu.memory_space<semaphore_mem>> -> memref<1x!tpu.dma_semaphore, #tpu.memory_space<semaphore_mem>>
      %dma_wait3A_408 = tpu.memref_squeeze %dma_wait3A_407 : memref<1x!tpu.dma_semaphore, #tpu.memory_space<semaphore_mem>> -> memref<!tpu.dma_semaphore, #tpu.memory_space<semaphore_mem>>
      tpu.wait_indirect_dma semaphore(%dma_wait3A_408 : memref<!tpu.dma_semaphore, #tpu.memory_space<semaphore_mem>>) src(%dma_wait3A_406 : memref<10240x128xf32, #tpu.memory_space<hbm>>) dst(%dma_wait3A_400 : memref<128x128xf32, #tpu.memory_space<vmem>>)
      %dma_start3A_409 = arith.constant 0 : i32
      %dma_start3A_410 = arith.constant 0 : i32
      %dma_start3A_411 = arith.constant 0 : i32
      %dma_start3A_412 = arith.constant 0 : i32
      %dma_start3A_413 = tpu.memref_slice %arg9[%dma_start3A_409, %dma_start3A_411, %dma_start3A_412] : memref<2x128x128xf32, #tpu.memory_space<vmem>> -> memref<1x128x128xf32, #tpu.memory_space<vmem>>
      %dma_start3A_414 = tpu.memref_squeeze %dma_start3A_413 : memref<1x128x128xf32, #tpu.memory_space<vmem>> -> memref<128x128xf32, #tpu.memory_space<vmem>>
      %dma_start3A_415 = arith.constant 0 : i32
      %dma_start3A_416 = tpu.memref_slice %arg8[%sub3A_394, %dma_start3A_415] : memref<40x128xi32, #tpu.memory_space<vmem>> -> memref<1x128xi32, #tpu.memory_space<vmem>>
      %dma_start3A_417 = tpu.memref_squeeze %dma_start3A_416 : memref<1x128xi32, #tpu.memory_space<vmem>> -> memref<128xi32, #tpu.memory_space<vmem>>
      %dma_start3A_418 = arith.constant 0 : i32
      %dma_start3A_419 = arith.constant 0 : i32
      %dma_start3A_420 = tpu.memref_slice %arg12[%dma_start3A_418, %dma_start3A_419] : memref<10240x128xf32, #tpu.memory_space<vmem_shared>> -> memref<10240x128xf32, #tpu.memory_space<vmem_shared>>
      %dma_start3A_421 = tpu.memref_slice %arg11[%dma_start3A_410] : memref<2x!tpu.dma_semaphore, #tpu.memory_space<semaphore_mem>> -> memref<1x!tpu.dma_semaphore, #tpu.memory_space<semaphore_mem>>
      %dma_start3A_422 = tpu.memref_squeeze %dma_start3A_421 : memref<1x!tpu.dma_semaphore, #tpu.memory_space<semaphore_mem>> -> memref<!tpu.dma_semaphore, #tpu.memory_space<semaphore_mem>>
      tpu.enqueue_indirect_dma source(%dma_start3A_414 : memref<128x128xf32, #tpu.memory_space<vmem>>) target(%dma_start3A_420 : memref<10240x128xf32, #tpu.memory_space<vmem_shared>>) offsets(%dma_start3A_417 : memref<128xi32, #tpu.memory_space<vmem>>) semaphore(%dma_start3A_422 : memref<!tpu.dma_semaphore, #tpu.memory_space<semaphore_mem>>) {add = true}
    }
    %scan3A_225 = arith.constant 19 : i32
    %dma_wait3A_226 = arith.constant 0 : i32
    %dma_wait3A_227 = arith.constant 38 : i32
    %dma_wait3A_228 = arith.constant 0 : i32
    %dma_wait3A_229 = arith.constant 0 : i32
    %dma_wait3A_230 = arith.constant 0 : i32
    %dma_wait3A_231 = tpu.memref_slice %arg9[%dma_wait3A_226, %dma_wait3A_229, %dma_wait3A_230] : memref<2x128x128xf32, #tpu.memory_space<vmem>> -> memref<1x128x128xf32, #tpu.memory_space<vmem>>
    %dma_wait3A_232 = tpu.memref_squeeze %dma_wait3A_231 : memref<1x128x128xf32, #tpu.memory_space<vmem>> -> memref<128x128xf32, #tpu.memory_space<vmem>>
    %dma_wait3A_233 = arith.constant 0 : i32
    %dma_wait3A_234 = tpu.memref_slice %arg8[%dma_wait3A_227, %dma_wait3A_233] : memref<40x128xi32, #tpu.memory_space<vmem>> -> memref<1x128xi32, #tpu.memory_space<vmem>>
    %dma_wait3A_235 = tpu.memref_squeeze %dma_wait3A_234 : memref<1x128xi32, #tpu.memory_space<vmem>> -> memref<128xi32, #tpu.memory_space<vmem>>
    %dma_wait3A_236 = arith.constant 0 : i32
    %dma_wait3A_237 = arith.constant 0 : i32
    %dma_wait3A_238 = tpu.memref_slice %arg12[%dma_wait3A_236, %dma_wait3A_237] : memref<10240x128xf32, #tpu.memory_space<vmem_shared>> -> memref<10240x128xf32, #tpu.memory_space<vmem_shared>>
    %dma_wait3A_239 = tpu.memref_slice %arg11[%dma_wait3A_228] : memref<2x!tpu.dma_semaphore, #tpu.memory_space<semaphore_mem>> -> memref<1x!tpu.dma_semaphore, #tpu.memory_space<semaphore_mem>>
    %dma_wait3A_240 = tpu.memref_squeeze %dma_wait3A_239 : memref<1x!tpu.dma_semaphore, #tpu.memory_space<semaphore_mem>> -> memref<!tpu.dma_semaphore, #tpu.memory_space<semaphore_mem>>
    tpu.wait_indirect_dma semaphore(%dma_wait3A_240 : memref<!tpu.dma_semaphore, #tpu.memory_space<semaphore_mem>>) src(%dma_wait3A_232 : memref<128x128xf32, #tpu.memory_space<vmem>>) dst(%dma_wait3A_238 : memref<10240x128xf32, #tpu.memory_space<vmem_shared>>)
    %dma_wait3A_241 = arith.constant 39 : i32
    %dma_wait3A_242 = arith.constant 1 : i32
    %dma_wait3A_243 = arith.constant 1 : i32
    %dma_wait3A_244 = arith.constant 0 : i32
    %dma_wait3A_245 = arith.constant 0 : i32
    %dma_wait3A_246 = tpu.memref_slice %arg9[%dma_wait3A_242, %dma_wait3A_244, %dma_wait3A_245] : memref<2x128x128xf32, #tpu.memory_space<vmem>> -> memref<1x128x128xf32, #tpu.memory_space<vmem>>
    %dma_wait3A_247 = tpu.memref_squeeze %dma_wait3A_246 : memref<1x128x128xf32, #tpu.memory_space<vmem>> -> memref<128x128xf32, #tpu.memory_space<vmem>>
    %dma_wait3A_248 = arith.constant 0 : i32
    %dma_wait3A_249 = tpu.memref_slice %arg7[%dma_wait3A_241, %dma_wait3A_248] : memref<40x128xi32, #tpu.memory_space<vmem>> -> memref<1x128xi32, #tpu.memory_space<vmem>>
    %dma_wait3A_250 = tpu.memref_squeeze %dma_wait3A_249 : memref<1x128xi32, #tpu.memory_space<vmem>> -> memref<128xi32, #tpu.memory_space<vmem>>
    %dma_wait3A_251 = arith.constant 0 : i32
    %dma_wait3A_252 = arith.constant 0 : i32
    %dma_wait3A_253 = tpu.memref_slice %arg2[%dma_wait3A_251, %dma_wait3A_252] : memref<10240x128xf32, #tpu.memory_space<hbm>> -> memref<10240x128xf32, #tpu.memory_space<hbm>>
    %dma_wait3A_254 = tpu.memref_slice %arg10[%dma_wait3A_243] : memref<2x!tpu.dma_semaphore, #tpu.memory_space<semaphore_mem>> -> memref<1x!tpu.dma_semaphore, #tpu.memory_space<semaphore_mem>>
    %dma_wait3A_255 = tpu.memref_squeeze %dma_wait3A_254 : memref<1x!tpu.dma_semaphore, #tpu.memory_space<semaphore_mem>> -> memref<!tpu.dma_semaphore, #tpu.memory_space<semaphore_mem>>
    tpu.wait_indirect_dma semaphore(%dma_wait3A_255 : memref<!tpu.dma_semaphore, #tpu.memory_space<semaphore_mem>>) src(%dma_wait3A_253 : memref<10240x128xf32, #tpu.memory_space<hbm>>) dst(%dma_wait3A_247 : memref<128x128xf32, #tpu.memory_space<vmem>>)
    %dma_start3A_256 = arith.constant 1 : i32
    %dma_start3A_257 = arith.constant 39 : i32
    %dma_start3A_258 = arith.constant 1 : i32
    %dma_start3A_259 = arith.constant 0 : i32
    %dma_start3A_260 = arith.constant 0 : i32
    %dma_start3A_261 = tpu.memref_slice %arg9[%dma_start3A_256, %dma_start3A_259, %dma_start3A_260] : memref<2x128x128xf32, #tpu.memory_space<vmem>> -> memref<1x128x128xf32, #tpu.memory_space<vmem>>
    %dma_start3A_262 = tpu.memref_squeeze %dma_start3A_261 : memref<1x128x128xf32, #tpu.memory_space<vmem>> -> memref<128x128xf32, #tpu.memory_space<vmem>>
    %dma_start3A_263 = arith.constant 0 : i32
    %dma_start3A_264 = tpu.memref_slice %arg8[%dma_start3A_257, %dma_start3A_263] : memref<40x128xi32, #tpu.memory_space<vmem>> -> memref<1x128xi32, #tpu.memory_space<vmem>>
    %dma_start3A_265 = tpu.memref_squeeze %dma_start3A_264 : memref<1x128xi32, #tpu.memory_space<vmem>> -> memref<128xi32, #tpu.memory_space<vmem>>
    %dma_start3A_266 = arith.constant 0 : i32
    %dma_start3A_267 = arith.constant 0 : i32
    %dma_start3A_268 = tpu.memref_slice %arg12[%dma_start3A_266, %dma_start3A_267] : memref<10240x128xf32, #tpu.memory_space<vmem_shared>> -> memref<10240x128xf32, #tpu.memory_space<vmem_shared>>
    %dma_start3A_269 = tpu.memref_slice %arg11[%dma_start3A_258] : memref<2x!tpu.dma_semaphore, #tpu.memory_space<semaphore_mem>> -> memref<1x!tpu.dma_semaphore, #tpu.memory_space<semaphore_mem>>
    %dma_start3A_270 = tpu.memref_squeeze %dma_start3A_269 : memref<1x!tpu.dma_semaphore, #tpu.memory_space<semaphore_mem>> -> memref<!tpu.dma_semaphore, #tpu.memory_space<semaphore_mem>>
    tpu.enqueue_indirect_dma source(%dma_start3A_262 : memref<128x128xf32, #tpu.memory_space<vmem>>) target(%dma_start3A_268 : memref<10240x128xf32, #tpu.memory_space<vmem_shared>>) offsets(%dma_start3A_265 : memref<128xi32, #tpu.memory_space<vmem>>) semaphore(%dma_start3A_270 : memref<!tpu.dma_semaphore, #tpu.memory_space<semaphore_mem>>) {add = true}
    %dma_wait3A_271 = arith.constant 1 : i32
    %dma_wait3A_272 = arith.constant 39 : i32
    %dma_wait3A_273 = arith.constant 1 : i32
    %dma_wait3A_274 = arith.constant 0 : i32
    %dma_wait3A_275 = arith.constant 0 : i32
    %dma_wait3A_276 = tpu.memref_slice %arg9[%dma_wait3A_271, %dma_wait3A_274, %dma_wait3A_275] : memref<2x128x128xf32, #tpu.memory_space<vmem>> -> memref<1x128x128xf32, #tpu.memory_space<vmem>>
    %dma_wait3A_277 = tpu.memref_squeeze %dma_wait3A_276 : memref<1x128x128xf32, #tpu.memory_space<vmem>> -> memref<128x128xf32, #tpu.memory_space<vmem>>
    %dma_wait3A_278 = arith.constant 0 : i32
    %dma_wait3A_279 = tpu.memref_slice %arg8[%dma_wait3A_272, %dma_wait3A_278] : memref<40x128xi32, #tpu.memory_space<vmem>> -> memref<1x128xi32, #tpu.memory_space<vmem>>
    %dma_wait3A_280 = tpu.memref_squeeze %dma_wait3A_279 : memref<1x128xi32, #tpu.memory_space<vmem>> -> memref<128xi32, #tpu.memory_space<vmem>>
    %dma_wait3A_281 = arith.constant 0 : i32
    %dma_wait3A_282 = arith.constant 0 : i32
    %dma_wait3A_283 = tpu.memref_slice %arg12[%dma_wait3A_281, %dma_wait3A_282] : memref<10240x128xf32, #tpu.memory_space<vmem_shared>> -> memref<10240x128xf32, #tpu.memory_space<vmem_shared>>
    %dma_wait3A_284 = tpu.memref_slice %arg11[%dma_wait3A_273] : memref<2x!tpu.dma_semaphore, #tpu.memory_space<semaphore_mem>> -> memref<1x!tpu.dma_semaphore, #tpu.memory_space<semaphore_mem>>
    %dma_wait3A_285 = tpu.memref_squeeze %dma_wait3A_284 : memref<1x!tpu.dma_semaphore, #tpu.memory_space<semaphore_mem>> -> memref<!tpu.dma_semaphore, #tpu.memory_space<semaphore_mem>>
    tpu.wait_indirect_dma semaphore(%dma_wait3A_285 : memref<!tpu.dma_semaphore, #tpu.memory_space<semaphore_mem>>) src(%dma_wait3A_277 : memref<128x128xf32, #tpu.memory_space<vmem>>) dst(%dma_wait3A_283 : memref<10240x128xf32, #tpu.memory_space<vmem_shared>>)
    %barrier3A_286 = arith.constant 0 : index
    tpu.barrier barrier_id(%barrier3A_286)
    %mul3A_287 = arith.constant 640 : i32
    %mul3A_288 = arith.muli %arg1, %mul3A_287 : i32
    %mul3A_289 = arith.constant 640 : i32
    %mul3A_290 = arith.muli %arg1, %mul3A_289 : i32
    "tpu.region"() ({
      %run_scoped3A_291 = tpu.sem_alloc : memref<!tpu.dma_semaphore, #tpu.memory_space<semaphore_mem>>
      %dma_start3A_292 = arith.constant 0 : i32
      %dma_start3A_293 = arith.constant 0 : i32
      %dma_start3A_294 = tpu.memref_slice %arg6[%arg0, %dma_start3A_292, %dma_start3A_293] : memref<2x10240x128xf32, #tpu.memory_space<hbm>> -> memref<1x10240x128xf32, #tpu.memory_space<hbm>>
      %dma_start3A_295 = tpu.memref_squeeze %dma_start3A_294 : memref<1x10240x128xf32, #tpu.memory_space<hbm>> -> memref<10240x128xf32, #tpu.memory_space<hbm>>
      %dma_start3A_296 = arith.constant 0 : i32
      %dma_start3A_297 = tpu.memref_slice %dma_start3A_295[%mul3A_290, %dma_start3A_296] : memref<10240x128xf32, #tpu.memory_space<hbm>> -> memref<640x128xf32, #tpu.memory_space<hbm>>
      %dma_start3A_298 = arith.constant 0 : i32
      %dma_start3A_299 = tpu.memref_slice %arg12[%mul3A_288, %dma_start3A_298] : memref<10240x128xf32, #tpu.memory_space<vmem_shared>> -> memref<640x128xf32, #tpu.memory_space<vmem_shared>>
      tpu.enqueue_dma source(%dma_start3A_299 : memref<640x128xf32, #tpu.memory_space<vmem_shared>>) target(%dma_start3A_297 : memref<640x128xf32, #tpu.memory_space<hbm>>) target_semaphore(%run_scoped3A_291 : memref<!tpu.dma_semaphore, #tpu.memory_space<semaphore_mem>>)
      %dma_wait3A_300 = arith.constant 0 : i32
      %dma_wait3A_301 = arith.constant 0 : i32
      %dma_wait3A_302 = tpu.memref_slice %arg6[%arg0, %dma_wait3A_300, %dma_wait3A_301] : memref<2x10240x128xf32, #tpu.memory_space<hbm>> -> memref<1x10240x128xf32, #tpu.memory_space<hbm>>
      %dma_wait3A_303 = tpu.memref_squeeze %dma_wait3A_302 : memref<1x10240x128xf32, #tpu.memory_space<hbm>> -> memref<10240x128xf32, #tpu.memory_space<hbm>>
      %dma_wait3A_304 = arith.constant 0 : i32
      %dma_wait3A_305 = tpu.memref_slice %dma_wait3A_303[%mul3A_290, %dma_wait3A_304] : memref<10240x128xf32, #tpu.memory_space<hbm>> -> memref<640x128xf32, #tpu.memory_space<hbm>>
      %dma_wait3A_306 = arith.constant 0 : i32
      %dma_wait3A_307 = tpu.memref_slice %arg12[%mul3A_288, %dma_wait3A_306] : memref<10240x128xf32, #tpu.memory_space<vmem_shared>> -> memref<640x128xf32, #tpu.memory_space<vmem_shared>>
      tpu.wait_dma2 semaphore(%run_scoped3A_291 : memref<!tpu.dma_semaphore, #tpu.memory_space<semaphore_mem>>) src(%dma_wait3A_307 : memref<640x128xf32, #tpu.memory_space<vmem_shared>>) dst(%dma_wait3A_305 : memref<640x128xf32, #tpu.memory_space<hbm>>)
      tpu.yield
    }) : () -> ()
    return
  }
}

module attributes {stable_mosaic.version = 14 : i64} {
  func.func @_mlp2_body(%arg0: i32, %arg1: memref<1024x128xf32, #tpu.memory_space<vmem>>, %arg2: memref<128x128xf32, #tpu.memory_space<vmem>>, %arg3: memref<1x128xf32, #tpu.memory_space<vmem>>, %arg4: memref<128x128xf32, #tpu.memory_space<vmem>>, %arg5: memref<1x128xf32, #tpu.memory_space<vmem>>, %arg6: memref<1024x128xf32, #tpu.memory_space<vmem>>) attributes {dimension_semantics = [#tpu.dimension_semantics<arbitrary>], iteration_bounds = array<i64: 10>, scalar_prefetch = 0 : i64, scratch_operands = 0 : i64, tpu.core_type = #tpu.core_type<tc>, window_params = [{transform_indices = @transform_0, window_bounds = array<i64: 1024, 128>}, {pipeline_mode = #tpu.pipeline_mode<synchronous>, transform_indices = @transform_1, window_bounds = array<i64: 128, 128>}, {pipeline_mode = #tpu.pipeline_mode<synchronous>, transform_indices = @transform_2, window_bounds = array<i64: 1, 128>}, {pipeline_mode = #tpu.pipeline_mode<synchronous>, transform_indices = @transform_3, window_bounds = array<i64: 128, 128>}, {pipeline_mode = #tpu.pipeline_mode<synchronous>, transform_indices = @transform_4, window_bounds = array<i64: 1, 128>}, {transform_indices = @transform_5, window_bounds = array<i64: 1024, 128>}]} {
    %get3A = arith.constant 0 : index
    %get3A_0 = arith.constant 0 : index
    %get3A_1 = vector.load %arg1[%get3A, %get3A_0] : memref<1024x128xf32, #tpu.memory_space<vmem>>, vector<1024x128xf32>
    %get3A_2 = arith.constant 0 : index
    %get3A_3 = arith.constant 0 : index
    %get3A_4 = vector.load %arg2[%get3A_2, %get3A_3] : memref<128x128xf32, #tpu.memory_space<vmem>>, vector<128x128xf32>
    %dot_general3A = arith.constant dense<0.000000e+00> : vector<1024x128xf32>
    %dot_general3A_5 = tpu.matmul %get3A_1, %get3A_4, %dot_general3A {dimension_numbers = #tpu.dot_dimension_numbers<[1], [0], [0], [1], [0, 0, 1, 1], [], []>, transpose_lhs_hint = false} : vector<1024x128xf32>, vector<128x128xf32>, vector<1024x128xf32> -> vector<1024x128xf32>
    %get3A_6 = arith.constant 0 : index
    %get3A_7 = arith.constant 0 : index
    %get3A_8 = vector.load %arg3[%get3A_6, %get3A_7] : memref<1x128xf32, #tpu.memory_space<vmem>>, vector<1x128xf32>
    %add3A = vector.broadcast %get3A_8 : vector<1x128xf32> to vector<1024x128xf32>
    %add3A_9 = arith.addf %dot_general3A_5, %add3A : vector<1024x128xf32>
    %max3A = arith.constant 0.000000e+00 : f32
    %max3A_10 = vector.broadcast %max3A : f32 to vector<1024x128xf32>
    %max3A_11 = arith.maximumf %add3A_9, %max3A_10 : vector<1024x128xf32>
    %get3A_12 = arith.constant 0 : index
    %get3A_13 = arith.constant 0 : index
    %get3A_14 = vector.load %arg4[%get3A_12, %get3A_13] : memref<128x128xf32, #tpu.memory_space<vmem>>, vector<128x128xf32>
    %dot_general3A_15 = arith.constant dense<0.000000e+00> : vector<1024x128xf32>
    %dot_general3A_16 = tpu.matmul %max3A_11, %get3A_14, %dot_general3A_15 {dimension_numbers = #tpu.dot_dimension_numbers<[1], [0], [0], [1], [0, 0, 1, 1], [], []>, transpose_lhs_hint = false} : vector<1024x128xf32>, vector<128x128xf32>, vector<1024x128xf32> -> vector<1024x128xf32>
    %get3A_17 = arith.constant 0 : index
    %get3A_18 = arith.constant 0 : index
    %get3A_19 = vector.load %arg5[%get3A_17, %get3A_18] : memref<1x128xf32, #tpu.memory_space<vmem>>, vector<1x128xf32>
    %add3A_20 = vector.broadcast %get3A_19 : vector<1x128xf32> to vector<1024x128xf32>
    %add3A_21 = arith.addf %dot_general3A_16, %add3A_20 : vector<1024x128xf32>
    %max3A_22 = arith.constant 0.000000e+00 : f32
    %max3A_23 = vector.broadcast %max3A_22 : f32 to vector<1024x128xf32>
    %max3A_24 = arith.maximumf %add3A_21, %max3A_23 : vector<1024x128xf32>
    %swap3A = arith.constant 0 : index
    %swap3A_25 = arith.constant 0 : index
    %swap3A_26 = vector.load %arg6[%swap3A, %swap3A_25] : memref<1024x128xf32, #tpu.memory_space<vmem>>, vector<1024x128xf32>
    tpu.vector_store %arg6[%swap3A, %swap3A_25], %max3A_24 {strides = array<i32>} : memref<1024x128xf32, #tpu.memory_space<vmem>>, vector<1024x128xf32>,
    return
  }
  func.func @transform_0(%arg0: i32) -> (i32, i32) {
    %c0_i32 = arith.constant 0 : i32
    %c0_i32_0 = arith.constant 0 : i32
    return %arg0, %c0_i32 : i32, i32
  }
  func.func @transform_1(%arg0: i32) -> (i32, i32) {
    %c0_i32 = arith.constant 0 : i32
    %c0_i32_0 = arith.constant 0 : i32
    %c0_i32_1 = arith.constant 0 : i32
    return %c0_i32, %c0_i32_0 : i32, i32
  }
  func.func @transform_2(%arg0: i32) -> (i32, i32) {
    %c0_i32 = arith.constant 0 : i32
    %c0_i32_0 = arith.constant 0 : i32
    %c0_i32_1 = arith.constant 0 : i32
    return %c0_i32, %c0_i32_0 : i32, i32
  }
  func.func @transform_3(%arg0: i32) -> (i32, i32) {
    %c0_i32 = arith.constant 0 : i32
    %c0_i32_0 = arith.constant 0 : i32
    %c0_i32_1 = arith.constant 0 : i32
    return %c0_i32, %c0_i32_0 : i32, i32
  }
  func.func @transform_4(%arg0: i32) -> (i32, i32) {
    %c0_i32 = arith.constant 0 : i32
    %c0_i32_0 = arith.constant 0 : i32
    %c0_i32_1 = arith.constant 0 : i32
    return %c0_i32, %c0_i32_0 : i32, i32
  }
  func.func @transform_5(%arg0: i32) -> (i32, i32) {
    %c0_i32 = arith.constant 0 : i32
    %c0_i32_0 = arith.constant 0 : i32
    return %arg0, %c0_i32 : i32, i32
  }
}

module attributes {stable_mosaic.version = 14 : i64} {
  func.func @_gin_final_body(%arg0: i32, %arg1: memref<2x1024x128xf32, #tpu.memory_space<vmem>>, %arg2: memref<1024x128xf32, #tpu.memory_space<vmem>>, %arg3: memref<1024x128xf32, #tpu.memory_space<vmem>>, %arg4: memref<128x128xf32, #tpu.memory_space<vmem>>, %arg5: memref<1x128xf32, #tpu.memory_space<vmem>>, %arg6: memref<128x128xf32, #tpu.memory_space<vmem>>, %arg7: memref<1x128xf32, #tpu.memory_space<vmem>>, %arg8: memref<1024x128xf32, #tpu.memory_space<vmem>>) attributes {dimension_semantics = [#tpu.dimension_semantics<arbitrary>], iteration_bounds = array<i64: 10>, scalar_prefetch = 0 : i64, scratch_operands = 0 : i64, tpu.core_type = #tpu.core_type<tc>, window_params = [{transform_indices = @transform_0, window_bounds = array<i64: 2, 1024, 128>}, {transform_indices = @transform_1, window_bounds = array<i64: 1024, 128>}, {transform_indices = @transform_2, window_bounds = array<i64: 1024, 128>}, {pipeline_mode = #tpu.pipeline_mode<synchronous>, transform_indices = @transform_3, window_bounds = array<i64: 128, 128>}, {pipeline_mode = #tpu.pipeline_mode<synchronous>, transform_indices = @transform_4, window_bounds = array<i64: 1, 128>}, {pipeline_mode = #tpu.pipeline_mode<synchronous>, transform_indices = @transform_5, window_bounds = array<i64: 128, 128>}, {pipeline_mode = #tpu.pipeline_mode<synchronous>, transform_indices = @transform_6, window_bounds = array<i64: 1, 128>}, {transform_indices = @transform_7, window_bounds = array<i64: 1024, 128>}]} {
    %get3A = arith.constant 0 : index
    %get3A_0 = arith.constant 0 : index
    %get3A_1 = arith.constant 0 : index
    %get3A_2 = vector.load %arg1[%get3A, %get3A_0, %get3A_1] : memref<2x1024x128xf32, #tpu.memory_space<vmem>>, vector<1x1024x128xf32>
    %get3A_3 = vector.shape_cast %get3A_2 : vector<1x1024x128xf32> to vector<1024x128xf32>
    %get3A_4 = arith.constant 1 : index
    %get3A_5 = arith.constant 0 : index
    %get3A_6 = arith.constant 0 : index
    %get3A_7 = vector.load %arg1[%get3A_4, %get3A_5, %get3A_6] : memref<2x1024x128xf32, #tpu.memory_space<vmem>>, vector<1x1024x128xf32>
    %get3A_8 = vector.shape_cast %get3A_7 : vector<1x1024x128xf32> to vector<1024x128xf32>
    %add3A = arith.addf %get3A_3, %get3A_8 : vector<1024x128xf32>
    %get3A_9 = arith.constant 0 : index
    %get3A_10 = arith.constant 0 : index
    %get3A_11 = vector.load %arg2[%get3A_9, %get3A_10] : memref<1024x128xf32, #tpu.memory_space<vmem>>, vector<1024x128xf32>
    %add3A_12 = arith.addf %add3A, %get3A_11 : vector<1024x128xf32>
    %get3A_13 = arith.constant 0 : index
    %get3A_14 = arith.constant 0 : index
    %get3A_15 = vector.load %arg4[%get3A_13, %get3A_14] : memref<128x128xf32, #tpu.memory_space<vmem>>, vector<128x128xf32>
    %dot_general3A = arith.constant dense<0.000000e+00> : vector<1024x128xf32>
    %dot_general3A_16 = tpu.matmul %add3A_12, %get3A_15, %dot_general3A {dimension_numbers = #tpu.dot_dimension_numbers<[1], [0], [0], [1], [0, 0, 1, 1], [], []>, transpose_lhs_hint = false} : vector<1024x128xf32>, vector<128x128xf32>, vector<1024x128xf32> -> vector<1024x128xf32>
    %get3A_17 = arith.constant 0 : index
    %get3A_18 = arith.constant 0 : index
    %get3A_19 = vector.load %arg5[%get3A_17, %get3A_18] : memref<1x128xf32, #tpu.memory_space<vmem>>, vector<1x128xf32>
    %add3A_20 = vector.broadcast %get3A_19 : vector<1x128xf32> to vector<1024x128xf32>
    %add3A_21 = arith.addf %dot_general3A_16, %add3A_20 : vector<1024x128xf32>
    %max3A = arith.constant 0.000000e+00 : f32
    %max3A_22 = vector.broadcast %max3A : f32 to vector<1024x128xf32>
    %max3A_23 = arith.maximumf %add3A_21, %max3A_22 : vector<1024x128xf32>
    %get3A_24 = arith.constant 0 : index
    %get3A_25 = arith.constant 0 : index
    %get3A_26 = vector.load %arg3[%get3A_24, %get3A_25] : memref<1024x128xf32, #tpu.memory_space<vmem>>, vector<1024x128xf32>
    %add3A_27 = arith.addf %get3A_26, %max3A_23 : vector<1024x128xf32>
    %get3A_28 = arith.constant 0 : index
    %get3A_29 = arith.constant 0 : index
    %get3A_30 = vector.load %arg6[%get3A_28, %get3A_29] : memref<128x128xf32, #tpu.memory_space<vmem>>, vector<128x128xf32>
    %dot_general3A_31 = arith.constant dense<0.000000e+00> : vector<1024x128xf32>
    %dot_general3A_32 = tpu.matmul %add3A_27, %get3A_30, %dot_general3A_31 {dimension_numbers = #tpu.dot_dimension_numbers<[1], [0], [0], [1], [0, 0, 1, 1], [], []>, transpose_lhs_hint = false} : vector<1024x128xf32>, vector<128x128xf32>, vector<1024x128xf32> -> vector<1024x128xf32>
    %get3A_33 = arith.constant 0 : index
    %get3A_34 = arith.constant 0 : index
    %get3A_35 = vector.load %arg7[%get3A_33, %get3A_34] : memref<1x128xf32, #tpu.memory_space<vmem>>, vector<1x128xf32>
    %add3A_36 = vector.broadcast %get3A_35 : vector<1x128xf32> to vector<1024x128xf32>
    %add3A_37 = arith.addf %dot_general3A_32, %add3A_36 : vector<1024x128xf32>
    %swap3A = arith.constant 0 : index
    %swap3A_38 = arith.constant 0 : index
    %swap3A_39 = vector.load %arg8[%swap3A, %swap3A_38] : memref<1024x128xf32, #tpu.memory_space<vmem>>, vector<1024x128xf32>
    tpu.vector_store %arg8[%swap3A, %swap3A_38], %add3A_37 {strides = array<i32>} : memref<1024x128xf32, #tpu.memory_space<vmem>>, vector<1024x128xf32>,
    return
  }
  func.func @transform_0(%arg0: i32) -> (i32, i32, i32) {
    %c0_i32 = arith.constant 0 : i32
    %c0_i32_0 = arith.constant 0 : i32
    %c0_i32_1 = arith.constant 0 : i32
    return %c0_i32, %arg0, %c0_i32_0 : i32, i32, i32
  }
  func.func @transform_1(%arg0: i32) -> (i32, i32) {
    %c0_i32 = arith.constant 0 : i32
    %c0_i32_0 = arith.constant 0 : i32
    return %arg0, %c0_i32 : i32, i32
  }
  func.func @transform_2(%arg0: i32) -> (i32, i32) {
    %c0_i32 = arith.constant 0 : i32
    %c0_i32_0 = arith.constant 0 : i32
    return %arg0, %c0_i32 : i32, i32
  }
  func.func @transform_3(%arg0: i32) -> (i32, i32) {
    %c0_i32 = arith.constant 0 : i32
    %c0_i32_0 = arith.constant 0 : i32
    %c0_i32_1 = arith.constant 0 : i32
    return %c0_i32, %c0_i32_0 : i32, i32
  }
  func.func @transform_4(%arg0: i32) -> (i32, i32) {
    %c0_i32 = arith.constant 0 : i32
    %c0_i32_0 = arith.constant 0 : i32
    %c0_i32_1 = arith.constant 0 : i32
    return %c0_i32, %c0_i32_0 : i32, i32
  }
  func.func @transform_5(%arg0: i32) -> (i32, i32) {
    %c0_i32 = arith.constant 0 : i32
    %c0_i32_0 = arith.constant 0 : i32
    %c0_i32_1 = arith.constant 0 : i32
    return %c0_i32, %c0_i32_0 : i32, i32
  }
  func.func @transform_6(%arg0: i32) -> (i32, i32) {
    %c0_i32 = arith.constant 0 : i32
    %c0_i32_0 = arith.constant 0 : i32
    %c0_i32_1 = arith.constant 0 : i32
    return %c0_i32, %c0_i32_0 : i32, i32
  }
  func.func @transform_7(%arg0: i32) -> (i32, i32) {
    %c0_i32 = arith.constant 0 : i32
    %c0_i32_0 = arith.constant 0 : i32
    return %arg0, %c0_i32 : i32, i32
  }
}

module attributes {stable_mosaic.version = 14 : i64} {
  func.func @_gin_body(%arg0: i32, %arg1: memref<2x1024x128xf32, #tpu.memory_space<vmem>>, %arg2: memref<1024x128xf32, #tpu.memory_space<vmem>>, %arg3: memref<1024x128xf32, #tpu.memory_space<vmem>>, %arg4: memref<128x128xf32, #tpu.memory_space<vmem>>, %arg5: memref<1x128xf32, #tpu.memory_space<vmem>>, %arg6: memref<1024x128xf32, #tpu.memory_space<vmem>>, %arg7: memref<1024x128xf32, #tpu.memory_space<vmem>>) attributes {dimension_semantics = [#tpu.dimension_semantics<arbitrary>], iteration_bounds = array<i64: 10>, scalar_prefetch = 0 : i64, scratch_operands = 0 : i64, tpu.core_type = #tpu.core_type<tc>, window_params = [{transform_indices = @transform_0, window_bounds = array<i64: 2, 1024, 128>}, {transform_indices = @transform_1, window_bounds = array<i64: 1024, 128>}, {transform_indices = @transform_2, window_bounds = array<i64: 1024, 128>}, {pipeline_mode = #tpu.pipeline_mode<synchronous>, transform_indices = @transform_3, window_bounds = array<i64: 128, 128>}, {pipeline_mode = #tpu.pipeline_mode<synchronous>, transform_indices = @transform_4, window_bounds = array<i64: 1, 128>}, {transform_indices = @transform_5, window_bounds = array<i64: 1024, 128>}, {transform_indices = @transform_6, window_bounds = array<i64: 1024, 128>}]} {
    %get3A = arith.constant 0 : index
    %get3A_0 = arith.constant 0 : index
    %get3A_1 = arith.constant 0 : index
    %get3A_2 = vector.load %arg1[%get3A, %get3A_0, %get3A_1] : memref<2x1024x128xf32, #tpu.memory_space<vmem>>, vector<1x1024x128xf32>
    %get3A_3 = vector.shape_cast %get3A_2 : vector<1x1024x128xf32> to vector<1024x128xf32>
    %get3A_4 = arith.constant 1 : index
    %get3A_5 = arith.constant 0 : index
    %get3A_6 = arith.constant 0 : index
    %get3A_7 = vector.load %arg1[%get3A_4, %get3A_5, %get3A_6] : memref<2x1024x128xf32, #tpu.memory_space<vmem>>, vector<1x1024x128xf32>
    %get3A_8 = vector.shape_cast %get3A_7 : vector<1x1024x128xf32> to vector<1024x128xf32>
    %add3A = arith.addf %get3A_3, %get3A_8 : vector<1024x128xf32>
    %get3A_9 = arith.constant 0 : index
    %get3A_10 = arith.constant 0 : index
    %get3A_11 = vector.load %arg2[%get3A_9, %get3A_10] : memref<1024x128xf32, #tpu.memory_space<vmem>>, vector<1024x128xf32>
    %add3A_12 = arith.addf %add3A, %get3A_11 : vector<1024x128xf32>
    %get3A_13 = arith.constant 0 : index
    %get3A_14 = arith.constant 0 : index
    %get3A_15 = vector.load %arg4[%get3A_13, %get3A_14] : memref<128x128xf32, #tpu.memory_space<vmem>>, vector<128x128xf32>
    %dot_general3A = arith.constant dense<0.000000e+00> : vector<1024x128xf32>
    %dot_general3A_16 = tpu.matmul %add3A_12, %get3A_15, %dot_general3A {dimension_numbers = #tpu.dot_dimension_numbers<[1], [0], [0], [1], [0, 0, 1, 1], [], []>, transpose_lhs_hint = false} : vector<1024x128xf32>, vector<128x128xf32>, vector<1024x128xf32> -> vector<1024x128xf32>
    %get3A_17 = arith.constant 0 : index
    %get3A_18 = arith.constant 0 : index
    %get3A_19 = vector.load %arg5[%get3A_17, %get3A_18] : memref<1x128xf32, #tpu.memory_space<vmem>>, vector<1x128xf32>
    %add3A_20 = vector.broadcast %get3A_19 : vector<1x128xf32> to vector<1024x128xf32>
    %add3A_21 = arith.addf %dot_general3A_16, %add3A_20 : vector<1024x128xf32>
    %max3A = arith.constant 0.000000e+00 : f32
    %max3A_22 = vector.broadcast %max3A : f32 to vector<1024x128xf32>
    %max3A_23 = arith.maximumf %add3A_21, %max3A_22 : vector<1024x128xf32>
    %swap3A = arith.constant 0 : index
    %swap3A_24 = arith.constant 0 : index
    %swap3A_25 = vector.load %arg6[%swap3A, %swap3A_24] : memref<1024x128xf32, #tpu.memory_space<vmem>>, vector<1024x128xf32>
    tpu.vector_store %arg6[%swap3A, %swap3A_24], %max3A_23 {strides = array<i32>} : memref<1024x128xf32, #tpu.memory_space<vmem>>, vector<1024x128xf32>,
    %get3A_26 = arith.constant 0 : index
    %get3A_27 = arith.constant 0 : index
    %get3A_28 = vector.load %arg3[%get3A_26, %get3A_27] : memref<1024x128xf32, #tpu.memory_space<vmem>>, vector<1024x128xf32>
    %add3A_29 = arith.addf %get3A_28, %max3A_23 : vector<1024x128xf32>
    %swap3A_30 = arith.constant 0 : index
    %swap3A_31 = arith.constant 0 : index
    %swap3A_32 = vector.load %arg7[%swap3A_30, %swap3A_31] : memref<1024x128xf32, #tpu.memory_space<vmem>>, vector<1024x128xf32>
    tpu.vector_store %arg7[%swap3A_30, %swap3A_31], %add3A_29 {strides = array<i32>} : memref<1024x128xf32, #tpu.memory_space<vmem>>, vector<1024x128xf32>,
    return
  }
  func.func @transform_0(%arg0: i32) -> (i32, i32, i32) {
    %c0_i32 = arith.constant 0 : i32
    %c0_i32_0 = arith.constant 0 : i32
    %c0_i32_1 = arith.constant 0 : i32
    return %c0_i32, %arg0, %c0_i32_0 : i32, i32, i32
  }
  func.func @transform_1(%arg0: i32) -> (i32, i32) {
    %c0_i32 = arith.constant 0 : i32
    %c0_i32_0 = arith.constant 0 : i32
    return %arg0, %c0_i32 : i32, i32
  }
  func.func @transform_2(%arg0: i32) -> (i32, i32) {
    %c0_i32 = arith.constant 0 : i32
    %c0_i32_0 = arith.constant 0 : i32
    return %arg0, %c0_i32 : i32, i32
  }
  func.func @transform_3(%arg0: i32) -> (i32, i32) {
    %c0_i32 = arith.constant 0 : i32
    %c0_i32_0 = arith.constant 0 : i32
    %c0_i32_1 = arith.constant 0 : i32
    return %c0_i32, %c0_i32_0 : i32, i32
  }
  func.func @transform_4(%arg0: i32) -> (i32, i32) {
    %c0_i32 = arith.constant 0 : i32
    %c0_i32_0 = arith.constant 0 : i32
    %c0_i32_1 = arith.constant 0 : i32
    return %c0_i32, %c0_i32_0 : i32, i32
  }
  func.func @transform_5(%arg0: i32) -> (i32, i32) {
    %c0_i32 = arith.constant 0 : i32
    %c0_i32_0 = arith.constant 0 : i32
    return %arg0, %c0_i32 : i32, i32
  }
  func.func @transform_6(%arg0: i32) -> (i32, i32) {
    %c0_i32 = arith.constant 0 : i32
    %c0_i32_0 = arith.constant 0 : i32
    return %arg0, %c0_i32 : i32, i32
  }
}

</mosaic_0001>

<sc_bundles>
// kernel: kernel.12.cloned.1.call-start
scs
__scs_entry_jumppad:
0x0: {  	(pc) =	sbr.rel $0x88, $3  }
0x1: {  	(tag) =	ssettag $0x0;
	lr =	simm.s32 $0x1  }
0x2: {  	[smem:$0x3F93] =	sst lr;
	_ =	strace $0xD0000000  }
0x3: {  	_ = 	snop  }
0x4: {  	_ = 	snop  }
0x5: {  	_ = 	snop  }
0x6: {  	_ = 	snop  }
0x7: {  	_ = 	snop  }
__scs_overlays_trampoline_lowered:
0x8: {  	[smem:$0x3FA2] =	sst s0  }
0x9: {  	[smem:$0x3FA3] =	sst s1  }
0xa: {  	[smem:$0x3FA4] =	sst s2  }
0xb: {  	[smem:$0x3FA5] =	sst s3  }
0xc: {  	[smem:$0x3FA6] =	sst s4  }
0xd: {  	[smem:$0x3FA7] =	sst s5  }
0xe: {  	[smem:$0x3FA8] =	sst s6  }
0xf: {  	[smem:$0x3FA9] =	sst s7  }
0x10: {  	[smem:$0x3FAA] =	sst s8  }
0x11: {  	[smem:$0x3FAB] =	sst s9;
	s0 =	simm.s32 @!p0 $0x0  }
0x12: {  	s1 =	sld [smem:$0x3F91];
	s0 =	simm.s32 @p0 $0x1  }
0x13: {  	[smem:$0x3FAC] =	sst s0;
	s0 =	simm.s32 @!p1 $0x0  }
0x14: {  	s2 =	sld [smem:$0x3F90];
	s0 =	simm.s32 @p1 $0x1  }
0x15: {  	[smem:$0x3FAD] =	sst s0;
	s0 =	simm.s32 @!p2 $0x0  }
0x16: {  	s3 =	sld [smem:$0x3FDB];
	s0 =	simm.s32 @p2 $0x1  }
0x17: {  	s4 =	simm.s32 $0x1BF5;
	[smem:$0x3FAF] =	sst s0  }
0x18: {  	s0 =	sld [smem:$0x3F92];
	_ =	swait.ge [sflag:s4], $0x0  }
0x19: {  	s7 =	sld [smem:$0x3F93]  }
0x1a: {  	s8 =	sadd.s32 $0xFFFFE003, lr  }
0x1b: {  	s9 =	sadd.s32 $0xFFFFFEF7, lr;
	s5 =	simm.s32 $0xFFFFFFFF;
	p2 =	slt.u32 s8, $0xFFFFF086  }
0x1c: {  	p1 =	slt.u32 s9, $0xF7A;
	s5 =	simm.s32 @!p2 $0x0  }
0x1d: {  	s5 =	simm.s32 @p1 $0x1;
	p0 =	seq.s32 s7, s2  }
0x1e: {  	s7 =	smul.u32 @!p0 $0xF7A, s2;
	p2 =	seq.s32 @!p0 s5, $0x0  }
0x1f: {  	s9 =	smul.u32 $0xF7A, s1;
	s8 =	simm.s32 @!p0 $0x1BF5;
	p2 =	por !p2, p0  }
0x20: {  	[sflag:s8] =	ssyncset.s32 @!p0 $0xFFFFF086;
	s6 =	sadd.s32 @!p0 s3, s7;
	s7 =	simm.s32 @!p0 $0x108  }
0x21: {  	s3 =	sadd.s32 s3, s9;
	s6 =	sadd.s32 @!p0 $0x88, s6;
	s7 =	simm.s32 @p2 $0x1082  }
0x22: {  	[simem:s7], [sflag:s8] =	dma.local @!p0 [hbm:s6], $0xF7A  }
0x23: {  	s9 =	sor.u32 $0xD0000000, s2;
	s6 =	simm.s32 $0x108;
	_ =	swait.ge @!p0 [sflag:s8], $0x0  }
0x24: {  	s3 =	sadd.s32 $0x88, s3;
	s6 =	simm.s32 @!p1 $0x1082;
	[sflag:s4] =	ssyncset.s32 $0xFFFFF086  }
0x25: {  	[simem:s6], [sflag:s4] =	dma.local [hbm:s3], $0xF7A  }
0x26: {  	[smem:$0x3F93] =	sst s1;
	(tag) =	ssettag s2;
	_ =	strace s9  }
0x27: {  	s1 =	sld [smem:$0x3FA3]  }
0x28: {  	s2 =	sld [smem:$0x3FA4]  }
0x29: {  	s4 =	sld [smem:$0x3FA6]  }
0x2a: {  	p0 =	seq.s32 s5, $0x0;
	s5 =	sld [smem:$0x3FA7]  }
0x2b: {  	s6 =	sld [smem:$0x3FA8]  }
0x2c: {  	s7 =	sld [smem:$0x3FA9]  }
0x2d: {  	s3 =	simm.s32 $0x108;
	s8 =	sld [smem:$0x3FAA]  }
0x2e: {  	s3 =	simm.s32 @!p0 $0x1082;
	s9 =	sld [smem:$0x3FAB]  }
0x2f: {  	lr =	sadd.s32 s0, s3;
	s0 =	sld [smem:$0x3FA2]  }
0x30: {  	s3 =	sld [smem:$0x3FA5]  }
0x31: {  	[smem:$0x3FAE] =	sst s10  }
0x32: {  	s10 =	sld [smem:$0x3FAC];
	_ =	sdelay $0x3  }
0x33: {  	p0 =	seq.s32 s10, $0x1;
	s10 =	sld [smem:$0x3FAE];
	_ =	sdelay $0x3  }
0x34: {  	[smem:$0x3FAE] =	sst s10  }
0x35: {  	s10 =	sld [smem:$0x3FAD];
	_ =	sdelay $0x3  }
0x36: {  	p1 =	seq.s32 s10, $0x1;
	s10 =	sld [smem:$0x3FAE];
	_ =	sdelay $0x3  }
0x37: {  	[smem:$0x3FAE] =	sst s10  }
0x38: {  	s10 =	sld [smem:$0x3FAF]  }
0x39: {  	_ = 	snop;
	(pc) =	sbr.ind lr, $3  }
0x3a: {  	_ = 	snop  }
0x3b: {  	_ = 	snop  }
0x3c: {  	p2 =	seq.s32 s10, $0x1;
	s10 =	sld [smem:$0x3FAE]  }
0x3d: {  	_ =	shalt  }
0x3e: {  	_ =	shalt  }
0x3f: {  	_ =	shalt  }
0x40: {  	_ =	shalt  }
0x41: {  	_ =	shalt  }
0x42: {  	_ =	shalt  }
0x43: {  	_ =	shalt  }
0x44: {  	_ =	shalt  }
0x45: {  	_ =	shalt  }
0x46: {  	_ =	shalt  }
0x47: {  	_ =	shalt  }
0x48: {  	_ =	shalt  }
0x49: {  	_ =	shalt  }
0x4a: {  	_ =	shalt  }
0x4b: {  	_ =	shalt  }
0x4c: {  	_ =	shalt  }
0x4d: {  	_ =	shalt  }
0x4e: {  	_ =	shalt  }
0x4f: {  	_ =	shalt  }
0x50: {  	_ =	shalt  }
0x51: {  	_ =	shalt  }
0x52: {  	_ =	shalt  }
0x53: {  	_ =	shalt  }
0x54: {  	_ =	shalt  }
0x55: {  	_ =	shalt  }
0x56: {  	_ =	shalt  }
0x57: {  	_ =	shalt  }
0x58: {  	_ =	shalt  }
0x59: {  	_ =	shalt  }
0x5a: {  	_ =	shalt  }
0x5b: {  	_ =	shalt  }
0x5c: {  	_ =	shalt  }
0x5d: {  	_ =	shalt  }
0x5e: {  	_ =	shalt  }
0x5f: {  	_ =	shalt  }
0x60: {  	_ =	shalt  }
0x61: {  	_ =	shalt  }
0x62: {  	_ =	shalt  }
0x63: {  	_ =	shalt  }
0x64: {  	_ =	shalt  }
0x65: {  	_ =	shalt  }
0x66: {  	_ =	shalt  }
0x67: {  	_ =	shalt  }
0x68: {  	_ =	shalt  }
0x69: {  	_ =	shalt  }
0x6a: {  	_ =	shalt  }
0x6b: {  	_ =	shalt  }
0x6c: {  	_ =	shalt  }
0x6d: {  	_ =	shalt  }
0x6e: {  	_ =	shalt  }
0x6f: {  	_ =	shalt  }
0x70: {  	_ =	shalt  }
0x71: {  	_ =	shalt  }
0x72: {  	_ =	shalt  }
0x73: {  	_ =	shalt  }
0x74: {  	_ =	shalt  }
0x75: {  	_ =	shalt  }
0x76: {  	_ =	shalt  }
0x77: {  	_ =	shalt  }
0x78: {  	_ =	shalt  }
0x79: {  	_ =	shalt  }
0x7a: {  	_ =	shalt  }
0x7b: {  	_ =	shalt  }
0x7c: {  	_ =	shalt  }
0x7d: {  	_ =	shalt  }
0x7e: {  	_ =	shalt  }
0x7f: {  	_ =	shalt  }
0x80: {  	_ =	shalt  }
0x81: {  	_ =	shalt  }
0x82: {  	_ =	shalt  }
0x83: {  	_ =	shalt  }
0x84: {  	_ =	shalt  }
0x85: {  	_ =	shalt  }
0x86: {  	_ =	shalt  }
0x87: {  	_ =	shalt  }
.Lfunc_end0:
.L_simem_size_0:
called_computation.1_lowered:
.L_overlay_start_0:
0x88: {  	s2 =	sld [smem:$0x3FD9]  }
0x89: {  	s3 =	sld [smem:$0x3FFE];
	_ =	sdelay $0x1  }
0x8a: {  	s1 =	srdreg.scid  }
0x8b: {  	s0 =	sand.u32 $0x1, s1  }
0x8c: {  	s17 =	sshll.u32 s0, $0xA;
	s2 =	sadd.s32 s3, s2  }
0x8d: {  	s2 =	sadd.s32 s2, s17  }
0x8e: {  	[smem:$0x3FBA] =	sst s2  }
0x8f: {  	_ = 	snop  }
0x90: {  	s2 =	sld [smem:$0x3FD0];
	(tm) =	ssettm $0x1  }
0x91: {  	s18 =	sld [smem:$0x3FFB];
	_ =	sdelay $0x3  }
0x92: {  	_ =	strace s18  }
0x93: {  	s3 =	sld [smem:$0x3FFC];
	_ =	sdelay $0x3  }
0x94: {  	_ =	strace s3  }
0x95: {  	s3 =	sld [smem:$0x3FFD];
	_ =	sdelay $0x3  }
0x96: {  	_ =	strace s3  }
0x97: {  	_ =	strace $0x8FFFFFFF  }
0x98: {  	s19 =	sld [smem:$0x3FDB];
	_ =	sdelay $0x1  }
0x99: {  	s4 =	simm.s32 $_scs_section_size  }
0x9a: {  	s5 =	simm.s32 $_size__tile_overlayer_lowered;
	s6 =	simm.s32 $_tile_overlayer_lowered  }
0x9b: {  	s22 =	simm.s32 $0x1BFF;
	s21 =	sshll.u32 s6, $0x1;
	s3 =	sadd.s32 s4, s19  }
0x9c: {  	s7 =	simm.s32 $0x0;
	s20 =	sshll.u32 s5, $0x1;
	s5 =	sadd.s32 s21, s3  }
0x9d: {  	[timem:s7], [sflag:s22] =	dma.local [hbm:s5], s20  }
0x9e: {  	_ =	swait.ge [sflag:s22], s20  }
0x9f: {  	s4 =	ssub.s32 $0x0, s20;
	[sflag:s22] =	ssyncset.done $0x0  }
0xa0: {  	[sflag:s22] =	ssyncadd.s32 s4;
	_ =	sdelay $0x1  }
0xa1: {  	s23 =	simm.s32 $0x1B8B  }
0xa2: {  	_ =	swait.ge [sflag:s23], $0x1  }
0xa3: {  	[sflag:s23] =	ssyncset.done $0x0  }
0xa4: {  	s25 =	simm.s32 $0x1B8E;
	s24 =	sld [smem:$0x3FFE];
	[sflag:s23] =	ssyncadd.s32 $0xFFFFFFFF  }
0xa5: {  	s26 =	simm.s32 $execute0_lowered;
	[smem:$0x3FD2] =	sst s25  }
0xa6: {  	s5 =	sshll.u32 s26, $0x1;
	_ =	strace $0x80000049;
	[dreg:$0x1] =	wrdreg $0xFFFFFFFF  }
0xa7: {  	s28 =	simm.s32 $_size_execute0_lowered;
	s3 =	sadd.s32 s3, s5;
	[dreg:$0x0] =	wrdreg $0x0  }
0xa8: {  	s5 =	sshll.u32 s28, $0x1;
	[dreg:$0x2] =	wrdreg s3  }
0xa9: {  	[dreg:$0x3] =	wrdreg s5  }
0xaa: {  	[dreg:$0x4] =	wrdreg $0xC0  }
0xab: {  	_ =	task [dreg:s7], $0x5FFFF  }
0xac: {  	[dreg:$0x1] =	wrdreg $0xFFFFFFFF  }
0xad: {  	[dreg:$0x0] =	wrdreg $0x60  }
0xae: {  	[dreg:$0x2] =	wrdreg s24  }
0xaf: {  	[dreg:$0x3] =	wrdreg s2  }
0xb0: {  	[dreg:$0x4] =	wrdreg $0xA8000  }
0xb1: {  	[dreg:$0x5] =	wrdreg $0x9  }
0xb2: {  	_ =	task.clear_ibuf [dreg:s7], $0x6FFFF;
	_ =	strace $0x90000049  }
0xb3: {  	s29 =	simm.s32 $0x9;
	_ =	strace $0x8000004B  }
0xb4: {  	_ =	swait.ge [sflag:s29], $0x1  }
0xb5: {  	[sflag:s29] =	ssyncadd.s32 $0xFFFFFFFF  }
0xb6: {  	_ =	strace $0x9000004B  }
0xb7: {  	_ =	sfence  }
0xb8: {  	s30 =	sld [smem:$0x0];
	_ =	sdelay $0x2  }
0xb9: {  	s31 =	sshll.u32 s1, $0xD;
	s1 =	sshrl.u32 s1, $0x2  }
0xba: {  	s3 =	sand.u32 $0x4000, s31;
	s1 =	sadd.s32 s1, s30  }
0xbb: {  	s0 =	sor.u32 s3, s0;
	s1 =	sshll.u32 s1, $0x11  }
0xbc: {  	s0 =	sor.u32 s1, s0  }
0xbd: {  	s0 =	sadd.s32 $0x8F2B, s0  }
0xbe: {  	[sflag:s0] =	ssyncadd.remote.s32 $0x1  }
0xbf: {  	_ =	sfence.sel $0xFFFF  }
0xc0: {  	[dreg:$0x0] =	wrdreg $0xFFFFFFFF;
	(pc) =	sbr.abs _section_cstart, $3  }
0xc1: {  	[dreg:$0x1] =	wrdreg $0xFFFFFFFF  }
0xc2: {  	_ =	task.clear_ibuf [dreg:s7], $0x2FFFF;
	_ =	strace $0x9FFFFFFF  }
0xc3: {  	(tm) =	ssettm $0x7FFFFFFF  }
tec
execute0_lowered:
.L_overlay_start_1:
0x0: {  	(tag) =	ssettag $0x1  }
0x1: {  	s6 =	rddreg [dreg:$0x0]  }
0x2: {  	s1 =	rddreg [dreg:$0x1]  }
0x3: {  	s2 =	rddreg [dreg:$0x2]  }
0x4: {  	s0 =	rddreg [dreg:$0x3];
	s3 =	simm.s32 $0x0  }
0x5: {  	s4 =	srdreg.scid;
	s18 =	simm.s32 $0x1400;
	s19 =	simm.s32 $0x80  }
0x6: {  	s20 =	simm.s32 $0x6800;
	s21 =	simm.s32 $0x1;
	s22 =	simm.s32 $0x3  }
0x7: {  	s23 =	simm.s32 $0x2;
	s26 =	simm.s32 $0x2780;
	s28 =	simm.s32 $0x0  }
0x8: {  	[smem:$0x7FF] =	sst s3;
	s7 =	sand.u32 $0x1, s4;
	s4 =	stileid.u32  }
0x9: {  	s5 =	sadd.s32 $0x18200, s6;
	s13 =	sadd.s32 $0xE200, s6;
	s8 =	smul.u32 $0x28000, s7  }
0xa: {  	s14 =	sadd.s32 $0x4200, s6;
	_ =	strace $0x8000004A;
	s9 =	smul.u32 $0x50000, s4  }
0xb: {  	s29 =	sshll.u32 s7, $0x4;
	s7 =	ssub.s32 $0x2, s7;
	s25 =	smul.u32 $0x2800, s4  }
0xc: {  	s31 =	sor.u32 s4, s29;
	s10 =	sshrl.u32 s7, $0x1;
	s15 =	sadd.s32 s8, s6  }
0xd: {  	s30 =	sshrl.u32 s9, $0x2;
	s11 =	smul.u32 $0x2800, s31;
	s16 =	ssub.s32 s7, s10  }
0xe: {  	s12 =	smul.u32 $0x500, s31;
	s6 =	sadd.s32 s30, s2;
	s24 =	sadd.s32 $0x40200, s15  }
0xf: {  	s15 =	smax.u32 s16, $0x1;
	s16 =	simm.s32 $0x2800;
	s7 =	sadd.s32 $0x4000, s6  }
0x10: {  	s8 =	sadd.s32 $0x8000, s6;
	s9 =	sadd.s32 $0xC000, s6;
	s17 =	sshrl.u32 s11, $0x3  }
0x11: {  	s10 =	sadd.s32 $0x10000, s6;
	s11 =	sadd.s32 s13, s12;
	s12 =	sadd.s32 s14, s12  }
0x12: {  	s24 =	sadd.s32 s25, s24;
	s25 =	simm.s32 $0x4;
	s17 =	sadd.s32 $0x280, s17  }
0x13: {  	s13 =	sadd.s32 s13, s17;
	s14 =	sadd.s32 s14, s17;
	s17 =	simm.s32 $0x5  }
.LBB2_1:
0x14: {  	[tilespmem:s16], [sflag:$0x5] =	stream.linear.gather [hbm4b:s1+s3], $0x4000, $0x38;
	[tilespmem:$0x1E800] =	vst v63  }
0x15: {  	_ =	swait.ge [sflag:s17], $0x4000  }
0x16: {  	[sflag:s17] =	ssyncset.done $0x0  }
0x17: {  	[sflag:s17] =	ssyncadd.s32 $0xFFFFC000  }
0x18: {  	[spmem:s6] =	stream.linear.scatter [tilespmem:s16], [sflag:$0x5], $0x4000, $0x38;
	[tilespmem:$0x1E800] =	vst v63  }
0x19: {  	_ =	swait.ge [sflag:s17], $0x4000  }
0x1a: {  	[sflag:s17] =	ssyncset.done $0x0  }
0x1b: {  	[sflag:s17] =	ssyncadd.s32 $0xFFFFC000  }
0x1c: {  	[spmem:s7] =	stream.linear.scatter [tilespmem:s16], [sflag:$0x5], $0x4000, $0x38;
	[tilespmem:$0x1E800] =	vst v63  }
0x1d: {  	_ =	swait.ge [sflag:s17], $0x4000  }
0x1e: {  	[sflag:s17] =	ssyncset.done $0x0  }
0x1f: {  	[sflag:s17] =	ssyncadd.s32 $0xFFFFC000  }
0x20: {  	[spmem:s8] =	stream.linear.scatter [tilespmem:s16], [sflag:$0x5], $0x4000, $0x38;
	[tilespmem:$0x1E800] =	vst v63  }
0x21: {  	_ =	swait.ge [sflag:s17], $0x4000  }
0x22: {  	[sflag:s17] =	ssyncset.done $0x0  }
0x23: {  	[sflag:s17] =	ssyncadd.s32 $0xFFFFC000  }
0x24: {  	[spmem:s9] =	stream.linear.scatter [tilespmem:s16], [sflag:$0x5], $0x4000, $0x38;
	[tilespmem:$0x1E800] =	vst v63  }
0x25: {  	_ =	swait.ge [sflag:s17], $0x4000  }
0x26: {  	[sflag:s17] =	ssyncset.done $0x0  }
0x27: {  	[sflag:s17] =	ssyncadd.s32 $0xFFFFC000  }
0x28: {  	[spmem:s10] =	stream.linear.scatter [tilespmem:s16], [sflag:$0x5], $0x4000, $0x38;
	[tilespmem:$0x1E800] =	vst v63  }
0x29: {  	_ =	swait.ge [sflag:s17], $0x4000  }
0x2a: {  	[sflag:s17] =	ssyncset.done $0x0  }
0x2b: {  	[sflag:s17] =	ssyncadd.s32 $0xFFFFC000  }
0x2c: {  	[bflag:$0x0] =	sbarrier.arrive $0xFFFF  }
0x2d: {  	[tilespmem:s3], [sflag:$0x5] =	stream.linear.gather [hbm4b:s11+s3], $0x1400, $0x38;
	[tilespmem:$0x1E800] =	vst v63  }
0x2e: {  	_ =	swait.ge [sflag:s17], $0x1400  }
0x2f: {  	[sflag:s17] =	ssyncset.done $0x0  }
0x30: {  	[sflag:s17] =	ssyncadd.s32 $0xFFFFEC00  }
0x31: {  	[tilespmem:s18], [sflag:$0x5] =	stream.linear.gather [hbm4b:s12+s3], $0x1400, $0x38;
	[tilespmem:$0x1E800] =	vst v63  }
0x32: {  	_ =	swait.ge [sflag:s17], $0x1400  }
0x33: {  	[sflag:s17] =	ssyncset.done $0x0  }
0x34: {  	[sflag:s17] =	ssyncadd.s32 $0xFFFFEC00  }
0x35: {  	[tilespmem:s16], [sflag:$0x1] =	stream.indirect.gather [hbm4b:s5+s19], $0x80, s3, s19, $0xb8;
	[tilespmem:$0x1E800] =	vst v63  }
0x36: {  	_ = 	snop  }
0x37: {  	[tilespmem:s20], [sflag:$0x2] =	stream.indirect.gather [hbm4b:s5+s19], $0x80, s19, s19, $0xb8;
	[tilespmem:$0x1E800] =	vst v63  }
0x38: {  	_ =	swait.ge [sflag:s21], $0x4000  }
0x39: {  	[sflag:s21] =	ssyncset.done $0x0  }
0x3a: {  	[sflag:s21] =	ssyncadd.s32 $0xFFFFC000  }
0x3b: {  	[spmem:s2] =	stream.indirect.scatter.add.f32 [tilespmem:s16], [sflag:$0x3], $0x80, s18, s19, $0xb8;
	[tilespmem:$0x1E800] =	vst v63  }
0x3c: {  	_ =	swait.ge [sflag:s22], $0x4000  }
0x3d: {  	[sflag:s22] =	ssyncset.done $0x0  }
0x3e: {  	s29 =	simm.s32 $0x100;
	[sflag:s22] =	ssyncadd.s32 $0xFFFFC000  }
0x3f: {  	[tilespmem:s16], [sflag:$0x1] =	stream.indirect.gather [hbm4b:s5+s19], $0x80, s29, s19, $0xb8;
	[tilespmem:$0x1E800] =	vst v63  }
0x40: {  	_ =	swait.ge [sflag:s23], $0x4000  }
0x41: {  	[sflag:s23] =	ssyncset.done $0x0  }
0x42: {  	s29 =	simm.s32 $0x1480;
	[sflag:s23] =	ssyncadd.s32 $0xFFFFC000  }
0x43: {  	[spmem:s2] =	stream.indirect.scatter.add.f32 [tilespmem:s20], [sflag:$0x4], $0x80, s29, s19, $0xb8;
	[tilespmem:$0x1E800] =	vst v63  }
0x44: {  	_ =	swait.ge [sflag:s25], $0x4000  }
0x45: {  	[sflag:s25] =	ssyncset.done $0x0  }
0x46: {  	s29 =	simm.s32 $0x180;
	[sflag:s25] =	ssyncadd.s32 $0xFFFFC000  }
0x47: {  	[tilespmem:s20], [sflag:$0x2] =	stream.indirect.gather [hbm4b:s5+s19], $0x80, s29, s19, $0xb8;
	[tilespmem:$0x1E800] =	vst v63  }
0x48: {  	_ =	swait.ge [sflag:s21], $0x4000  }
0x49: {  	[sflag:s21] =	ssyncset.done $0x0  }
0x4a: {  	s30 =	simm.s32 $0x1500;
	s29 =	simm.s32 $0xFFFFB800;
	[sflag:s21] =	ssyncadd.s32 $0xFFFFC000  }
.LBB2_2:
0x4b: {  	[spmem:s2] =	stream.indirect.scatter.add.f32 [tilespmem:s16], [sflag:$0x3], $0x80, s30, s19, $0xb8;
	[tilespmem:$0x1E800] =	vst v63  }
0x4c: {  	s30 =	smov.u32 s29  }
0x4d: {  	p0 =	sne.s32 s29, $0xFFFFFC00;
	s29 =	sadd.s32 $0x400, s29;
	_ =	swait.ge [sflag:s22], $0x4000  }
0x4e: {  	s30 =	sshra.s32 s30, $0x2;
	[sflag:s22] =	ssyncset.done $0x0  }
0x4f: {  	s31 =	sadd.s32 $0x1400, s30;
	[sflag:s22] =	ssyncadd.s32 $0xFFFFC000  }
0x50: {  	[tilespmem:s16], [sflag:$0x1] =	stream.indirect.gather [hbm4b:s5+s19], $0x80, s31, s19, $0xb8;
	[tilespmem:$0x1E800] =	vst v63  }
0x51: {  	_ =	swait.ge [sflag:s23], $0x4000  }
0x52: {  	[sflag:s23] =	ssyncset.done $0x0  }
0x53: {  	s31 =	sadd.s32 $0x2780, s30;
	[sflag:s23] =	ssyncadd.s32 $0xFFFFC000  }
0x54: {  	[spmem:s2] =	stream.indirect.scatter.add.f32 [tilespmem:s20], [sflag:$0x4], $0x80, s31, s19, $0xb8;
	[tilespmem:$0x1E800] =	vst v63  }
0x55: {  	_ =	swait.ge [sflag:s25], $0x4000  }
0x56: {  	[sflag:s25] =	ssyncset.done $0x0  }
.Ltmp0:
0x57: {  	s31 =	sadd.s32 $0x1480, s30;
	[sflag:s25] =	ssyncadd.s32 $0xFFFFC000;
	(pc) =	sbr.rel @p0 .LBB2_2-.Ltmp0, $4  }
0x58: {  	[tilespmem:s20], [sflag:$0x2] =	stream.indirect.gather [hbm4b:s5+s19], $0x80, s31, s19, $0xb8;
	[tilespmem:$0x1E800] =	vst v63  }
0x59: {  	_ =	swait.ge [sflag:s21], $0x4000  }
0x5a: {  	[sflag:s21] =	ssyncset.done $0x0  }
0x5b: {  	s30 =	sadd.s32 $0x2800, s30;
	[sflag:s21] =	ssyncadd.s32 $0xFFFFC000  }
0x5c: {  	[spmem:s2] =	stream.indirect.scatter.add.f32 [tilespmem:s16], [sflag:$0x3], $0x80, s30, s19, $0xb8;
	[tilespmem:$0x1E800] =	vst v63  }
0x5d: {  	_ =	swait.ge [sflag:s22], $0x4000  }
0x5e: {  	[sflag:s22] =	ssyncset.done $0x0  }
0x5f: {  	[sflag:s22] =	ssyncadd.s32 $0xFFFFC000  }
0x60: {  	_ =	swait.ge [sflag:s23], $0x4000  }
0x61: {  	[sflag:s23] =	ssyncset.done $0x0  }
0x62: {  	[sflag:s23] =	ssyncadd.s32 $0xFFFFC000  }
0x63: {  	[spmem:s2] =	stream.indirect.scatter.add.f32 [tilespmem:s20], [sflag:$0x4], $0x80, s26, s19, $0xb8;
	[tilespmem:$0x1E800] =	vst v63  }
0x64: {  	_ =	swait.ge [sflag:s25], $0x4000  }
0x65: {  	[sflag:s25] =	ssyncset.done $0x0  }
0x66: {  	[sflag:s25] =	ssyncadd.s32 $0xFFFFC000  }
0x67: {  	[tilespmem:s3], [sflag:$0x5] =	stream.linear.gather [hbm4b:s13+s3], $0x1400, $0x38;
	[tilespmem:$0x1E800] =	vst v63  }
0x68: {  	_ =	swait.ge [sflag:s17], $0x1400  }
0x69: {  	[sflag:s17] =	ssyncset.done $0x0  }
0x6a: {  	[sflag:s17] =	ssyncadd.s32 $0xFFFFEC00  }
0x6b: {  	[tilespmem:s18], [sflag:$0x5] =	stream.linear.gather [hbm4b:s14+s3], $0x1400, $0x38;
	[tilespmem:$0x1E800] =	vst v63  }
0x6c: {  	_ =	swait.ge [sflag:s17], $0x1400  }
0x6d: {  	[sflag:s17] =	ssyncset.done $0x0  }
0x6e: {  	[sflag:s17] =	ssyncadd.s32 $0xFFFFEC00  }
0x6f: {  	[tilespmem:s16], [sflag:$0x1] =	stream.indirect.gather [hbm4b:s5+s19], $0x80, s3, s19, $0xb8;
	[tilespmem:$0x1E800] =	vst v63  }
0x70: {  	_ = 	snop  }
0x71: {  	[tilespmem:s20], [sflag:$0x2] =	stream.indirect.gather [hbm4b:s5+s19], $0x80, s19, s19, $0xb8;
	[tilespmem:$0x1E800] =	vst v63  }
0x72: {  	_ =	swait.ge [sflag:s21], $0x4000  }
0x73: {  	[sflag:s21] =	ssyncset.done $0x0  }
0x74: {  	[sflag:s21] =	ssyncadd.s32 $0xFFFFC000  }
0x75: {  	[spmem:s2] =	stream.indirect.scatter.add.f32 [tilespmem:s16], [sflag:$0x3], $0x80, s18, s19, $0xb8;
	[tilespmem:$0x1E800] =	vst v63  }
0x76: {  	_ =	swait.ge [sflag:s22], $0x4000  }
0x77: {  	[sflag:s22] =	ssyncset.done $0x0  }
0x78: {  	s29 =	simm.s32 $0x100;
	[sflag:s22] =	ssyncadd.s32 $0xFFFFC000  }
0x79: {  	[tilespmem:s16], [sflag:$0x1] =	stream.indirect.gather [hbm4b:s5+s19], $0x80, s29, s19, $0xb8;
	[tilespmem:$0x1E800] =	vst v63  }
0x7a: {  	_ =	swait.ge [sflag:s23], $0x4000  }
0x7b: {  	[sflag:s23] =	ssyncset.done $0x0  }
0x7c: {  	s29 =	simm.s32 $0x1480;
	[sflag:s23] =	ssyncadd.s32 $0xFFFFC000  }
0x7d: {  	[spmem:s2] =	stream.indirect.scatter.add.f32 [tilespmem:s20], [sflag:$0x4], $0x80, s29, s19, $0xb8;
	[tilespmem:$0x1E800] =	vst v63  }
0x7e: {  	_ =	swait.ge [sflag:s25], $0x4000  }
0x7f: {  	[sflag:s25] =	ssyncset.done $0x0  }
0x80: {  	s29 =	simm.s32 $0x180;
	[sflag:s25] =	ssyncadd.s32 $0xFFFFC000  }
0x81: {  	[tilespmem:s20], [sflag:$0x2] =	stream.indirect.gather [hbm4b:s5+s19], $0x80, s29, s19, $0xb8;
	[tilespmem:$0x1E800] =	vst v63  }
0x82: {  	_ =	swait.ge [sflag:s21], $0x4000  }
0x83: {  	[sflag:s21] =	ssyncset.done $0x0  }
0x84: {  	s30 =	simm.s32 $0x1500;
	s29 =	simm.s32 $0xFFFFB800;
	[sflag:s21] =	ssyncadd.s32 $0xFFFFC000  }
.LBB2_4:
0x85: {  	[spmem:s2] =	stream.indirect.scatter.add.f32 [tilespmem:s16], [sflag:$0x3], $0x80, s30, s19, $0xb8;
	[tilespmem:$0x1E800] =	vst v63  }
0x86: {  	s30 =	smov.u32 s29  }
0x87: {  	p0 =	sne.s32 s29, $0xFFFFFC00;
	s29 =	sadd.s32 $0x400, s29;
	_ =	swait.ge [sflag:s22], $0x4000  }
0x88: {  	s30 =	sshra.s32 s30, $0x2;
	[sflag:s22] =	ssyncset.done $0x0  }
0x89: {  	s31 =	sadd.s32 $0x1400, s30;
	[sflag:s22] =	ssyncadd.s32 $0xFFFFC000  }
0x8a: {  	[tilespmem:s16], [sflag:$0x1] =	stream.indirect.gather [hbm4b:s5+s19], $0x80, s31, s19, $0xb8;
	[tilespmem:$0x1E800] =	vst v63  }
0x8b: {  	_ =	swait.ge [sflag:s23], $0x4000  }
0x8c: {  	[sflag:s23] =	ssyncset.done $0x0  }
0x8d: {  	s31 =	sadd.s32 $0x2780, s30;
	[sflag:s23] =	ssyncadd.s32 $0xFFFFC000  }
0x8e: {  	[spmem:s2] =	stream.indirect.scatter.add.f32 [tilespmem:s20], [sflag:$0x4], $0x80, s31, s19, $0xb8;
	[tilespmem:$0x1E800] =	vst v63  }
0x8f: {  	_ =	swait.ge [sflag:s25], $0x4000  }
0x90: {  	[sflag:s25] =	ssyncset.done $0x0  }
.Ltmp1:
0x91: {  	s31 =	sadd.s32 $0x1480, s30;
	[sflag:s25] =	ssyncadd.s32 $0xFFFFC000;
	(pc) =	sbr.rel @p0 .LBB2_4-.Ltmp1, $4  }
0x92: {  	[tilespmem:s20], [sflag:$0x2] =	stream.indirect.gather [hbm4b:s5+s19], $0x80, s31, s19, $0xb8;
	[tilespmem:$0x1E800] =	vst v63  }
0x93: {  	_ =	swait.ge [sflag:s21], $0x4000  }
0x94: {  	[sflag:s21] =	ssyncset.done $0x0  }
0x95: {  	s30 =	sadd.s32 $0x2800, s30;
	[sflag:s21] =	ssyncadd.s32 $0xFFFFC000  }
0x96: {  	[spmem:s2] =	stream.indirect.scatter.add.f32 [tilespmem:s16], [sflag:$0x3], $0x80, s30, s19, $0xb8;
	[tilespmem:$0x1E800] =	vst v63  }
0x97: {  	_ =	swait.ge [sflag:s22], $0x4000  }
0x98: {  	[sflag:s22] =	ssyncset.done $0x0  }
0x99: {  	[sflag:s22] =	ssyncadd.s32 $0xFFFFC000  }
0x9a: {  	_ =	swait.ge [sflag:s23], $0x4000  }
0x9b: {  	[sflag:s23] =	ssyncset.done $0x0  }
0x9c: {  	[sflag:s23] =	ssyncadd.s32 $0xFFFFC000  }
0x9d: {  	[spmem:s2] =	stream.indirect.scatter.add.f32 [tilespmem:s20], [sflag:$0x4], $0x80, s26, s19, $0xb8;
	[tilespmem:$0x1E800] =	vst v63  }
0x9e: {  	_ =	swait.ge [sflag:s25], $0x4000  }
0x9f: {  	s29 =	sshll.u32 s4, $0x6;
	s28 =	sadd.s32 $0x1, s28;
	[sflag:s25] =	ssyncset.done $0x0  }
0xa0: {  	s31 =	sshrl.u32 s6, $0x3;
	p0 =	sne.s32 s28, s15;
	[sflag:s25] =	ssyncadd.s32 $0xFFFFC000  }
.Ltmp2:
0xa1: {  	s29 =	sor.u32 $0x1C05, s29;
	[bflag:$0x0] =	sbarrier.arrive $0xFFFF;
	(pc) =	sbr.rel @p0 .LBB2_1-.Ltmp2, $4  }
0xa2: {  	[hbm:s24], [sflag:s29] =	dma.local [spmem:s31], $0x2800  }
0xa3: {  	_ =	swait.ge [sflag:s17], $0x2800  }
0xa4: {  	[sflag:s17] =	ssyncset.done $0x0  }
0xa5: {  	[sflag:s17] =	ssyncadd.s32 $0xFFFFD800  }
0xa6: {  	_ =	sfence.sel $0x180000  }
0xa7: {  	[bflag:$0x0] =	sbarrier.arrive $0xFFFF  }
0xa8: {  	p0 =	sne.s32 s4, $0x0;
	_ =	strace $0x9000004A  }
0xa9: {  	s0 =	sadd.s32 @!p0 $0x100000, s0;
	[bflag:$0x2] =	sbarrier.arrive $0xFFFF  }
0xaa: {  	[sflag:s0] =	ssyncadd.tile.s32 @!p0 $0x1;
	_ =	shalt  }
.Lfunc_end2:
_tile_overlayer_lowered:
.L_overlay_start_2:
0xab: {  	(tag) =	ssettag $0x2  }
0xac: {  	s0 =	rddreg [dreg:$0x0];
	s2 =	stileid.u32  }
0xad: {  	s1 =	rddreg [dreg:$0x1];
	p0 =	sne.s32 s2, $0x0  }
0xae: {  	s3 =	rddreg [dreg:$0x2];
	[bflag:$0x3] =	sbarrier.arrive $0xFFFF;
	s2 =	simm.s32 @!p0 $0x1C05  }
0xaf: {  	[timem:s3], [sflag:s2] =	dma.local @!p0 [hbm:s0], s1  }
0xb0: {  	s0 =	simm.s32 @!p0 $0x5  }
0xb1: {  	_ =	swait.ge @!p0 [sflag:s0], s1  }
0xb2: {  	s1 =	ssub.s32 @!p0 $0x0, s1;
	[sflag:s0] =	ssyncset.done @!p0 $0x0  }
0xb3: {  	[sflag:s0] =	ssyncadd.s32 @!p0 s1  }
0xb4: {  	[bflag:$0x3] =	sbarrier.arrive $0xFFFF  }
0xb5: {  	_ =	shalt  }

// kernel: kernel.15.cloned.1.call-start
scs
__scs_entry_jumppad:
0x0: {  	(pc) =	sbr.rel $0x88, $3  }
0x1: {  	(tag) =	ssettag $0x0;
	lr =	simm.s32 $0x1  }
0x2: {  	[smem:$0x3F93] =	sst lr;
	_ =	strace $0xD0000000  }
0x3: {  	_ = 	snop  }
0x4: {  	_ = 	snop  }
0x5: {  	_ = 	snop  }
0x6: {  	_ = 	snop  }
0x7: {  	_ = 	snop  }
__scs_overlays_trampoline_lowered:
0x8: {  	[smem:$0x3FA2] =	sst s0  }
0x9: {  	[smem:$0x3FA3] =	sst s1  }
0xa: {  	[smem:$0x3FA4] =	sst s2  }
0xb: {  	[smem:$0x3FA5] =	sst s3  }
0xc: {  	[smem:$0x3FA6] =	sst s4  }
0xd: {  	[smem:$0x3FA7] =	sst s5  }
0xe: {  	[smem:$0x3FA8] =	sst s6  }
0xf: {  	[smem:$0x3FA9] =	sst s7  }
0x10: {  	[smem:$0x3FAA] =	sst s8  }
0x11: {  	[smem:$0x3FAB] =	sst s9;
	s0 =	simm.s32 @!p0 $0x0  }
0x12: {  	s1 =	sld [smem:$0x3F91];
	s0 =	simm.s32 @p0 $0x1  }
0x13: {  	[smem:$0x3FAC] =	sst s0;
	s0 =	simm.s32 @!p1 $0x0  }
0x14: {  	s2 =	sld [smem:$0x3F90];
	s0 =	simm.s32 @p1 $0x1  }
0x15: {  	[smem:$0x3FAD] =	sst s0;
	s0 =	simm.s32 @!p2 $0x0  }
0x16: {  	s3 =	sld [smem:$0x3FDB];
	s0 =	simm.s32 @p2 $0x1  }
0x17: {  	s4 =	simm.s32 $0x1BF5;
	[smem:$0x3FAF] =	sst s0  }
0x18: {  	s0 =	sld [smem:$0x3F92];
	_ =	swait.ge [sflag:s4], $0x0  }
0x19: {  	s7 =	sld [smem:$0x3F93]  }
0x1a: {  	s8 =	sadd.s32 $0xFFFFE003, lr  }
0x1b: {  	s9 =	sadd.s32 $0xFFFFFEF7, lr;
	s5 =	simm.s32 $0xFFFFFFFF;
	p2 =	slt.u32 s8, $0xFFFFF086  }
0x1c: {  	p1 =	slt.u32 s9, $0xF7A;
	s5 =	simm.s32 @!p2 $0x0  }
0x1d: {  	s5 =	simm.s32 @p1 $0x1;
	p0 =	seq.s32 s7, s2  }
0x1e: {  	s7 =	smul.u32 @!p0 $0xF7A, s2;
	p2 =	seq.s32 @!p0 s5, $0x0  }
0x1f: {  	s9 =	smul.u32 $0xF7A, s1;
	s8 =	simm.s32 @!p0 $0x1BF5;
	p2 =	por !p2, p0  }
0x20: {  	[sflag:s8] =	ssyncset.s32 @!p0 $0xFFFFF086;
	s6 =	sadd.s32 @!p0 s3, s7;
	s7 =	simm.s32 @!p0 $0x108  }
0x21: {  	s3 =	sadd.s32 s3, s9;
	s6 =	sadd.s32 @!p0 $0x88, s6;
	s7 =	simm.s32 @p2 $0x1082  }
0x22: {  	[simem:s7], [sflag:s8] =	dma.local @!p0 [hbm:s6], $0xF7A  }
0x23: {  	s9 =	sor.u32 $0xD0000000, s2;
	s6 =	simm.s32 $0x108;
	_ =	swait.ge @!p0 [sflag:s8], $0x0  }
0x24: {  	s3 =	sadd.s32 $0x88, s3;
	s6 =	simm.s32 @!p1 $0x1082;
	[sflag:s4] =	ssyncset.s32 $0xFFFFF086  }
0x25: {  	[simem:s6], [sflag:s4] =	dma.local [hbm:s3], $0xF7A  }
0x26: {  	[smem:$0x3F93] =	sst s1;
	(tag) =	ssettag s2;
	_ =	strace s9  }
0x27: {  	s1 =	sld [smem:$0x3FA3]  }
0x28: {  	s2 =	sld [smem:$0x3FA4]  }
0x29: {  	s4 =	sld [smem:$0x3FA6]  }
0x2a: {  	p0 =	seq.s32 s5, $0x0;
	s5 =	sld [smem:$0x3FA7]  }
0x2b: {  	s6 =	sld [smem:$0x3FA8]  }
0x2c: {  	s7 =	sld [smem:$0x3FA9]  }
0x2d: {  	s3 =	simm.s32 $0x108;
	s8 =	sld [smem:$0x3FAA]  }
0x2e: {  	s3 =	simm.s32 @!p0 $0x1082;
	s9 =	sld [smem:$0x3FAB]  }
0x2f: {  	lr =	sadd.s32 s0, s3;
	s0 =	sld [smem:$0x3FA2]  }
0x30: {  	s3 =	sld [smem:$0x3FA5]  }
0x31: {  	[smem:$0x3FAE] =	sst s10  }
0x32: {  	s10 =	sld [smem:$0x3FAC];
	_ =	sdelay $0x3  }
0x33: {  	p0 =	seq.s32 s10, $0x1;
	s10 =	sld [smem:$0x3FAE];
	_ =	sdelay $0x3  }
0x34: {  	[smem:$0x3FAE] =	sst s10  }
0x35: {  	s10 =	sld [smem:$0x3FAD];
	_ =	sdelay $0x3  }
0x36: {  	p1 =	seq.s32 s10, $0x1;
	s10 =	sld [smem:$0x3FAE];
	_ =	sdelay $0x3  }
0x37: {  	[smem:$0x3FAE] =	sst s10  }
0x38: {  	s10 =	sld [smem:$0x3FAF]  }
0x39: {  	_ = 	snop;
	(pc) =	sbr.ind lr, $3  }
0x3a: {  	_ = 	snop  }
0x3b: {  	_ = 	snop  }
0x3c: {  	p2 =	seq.s32 s10, $0x1;
	s10 =	sld [smem:$0x3FAE]  }
0x3d: {  	_ =	shalt  }
0x3e: {  	_ =	shalt  }
0x3f: {  	_ =	shalt  }
0x40: {  	_ =	shalt  }
0x41: {  	_ =	shalt  }
0x42: {  	_ =	shalt  }
0x43: {  	_ =	shalt  }
0x44: {  	_ =	shalt  }
0x45: {  	_ =	shalt  }
0x46: {  	_ =	shalt  }
0x47: {  	_ =	shalt  }
0x48: {  	_ =	shalt  }
0x49: {  	_ =	shalt  }
0x4a: {  	_ =	shalt  }
0x4b: {  	_ =	shalt  }
0x4c: {  	_ =	shalt  }
0x4d: {  	_ =	shalt  }
0x4e: {  	_ =	shalt  }
0x4f: {  	_ =	shalt  }
0x50: {  	_ =	shalt  }
0x51: {  	_ =	shalt  }
0x52: {  	_ =	shalt  }
0x53: {  	_ =	shalt  }
0x54: {  	_ =	shalt  }
0x55: {  	_ =	shalt  }
0x56: {  	_ =	shalt  }
0x57: {  	_ =	shalt  }
0x58: {  	_ =	shalt  }
0x59: {  	_ =	shalt  }
0x5a: {  	_ =	shalt  }
0x5b: {  	_ =	shalt  }
0x5c: {  	_ =	shalt  }
0x5d: {  	_ =	shalt  }
0x5e: {  	_ =	shalt  }
0x5f: {  	_ =	shalt  }
0x60: {  	_ =	shalt  }
0x61: {  	_ =	shalt  }
0x62: {  	_ =	shalt  }
0x63: {  	_ =	shalt  }
0x64: {  	_ =	shalt  }
0x65: {  	_ =	shalt  }
0x66: {  	_ =	shalt  }
0x67: {  	_ =	shalt  }
0x68: {  	_ =	shalt  }
0x69: {  	_ =	shalt  }
0x6a: {  	_ =	shalt  }
0x6b: {  	_ =	shalt  }
0x6c: {  	_ =	shalt  }
0x6d: {  	_ =	shalt  }
0x6e: {  	_ =	shalt  }
0x6f: {  	_ =	shalt  }
0x70: {  	_ =	shalt  }
0x71: {  	_ =	shalt  }
0x72: {  	_ =	shalt  }
0x73: {  	_ =	shalt  }
0x74: {  	_ =	shalt  }
0x75: {  	_ =	shalt  }
0x76: {  	_ =	shalt  }
0x77: {  	_ =	shalt  }
0x78: {  	_ =	shalt  }
0x79: {  	_ =	shalt  }
0x7a: {  	_ =	shalt  }
0x7b: {  	_ =	shalt  }
0x7c: {  	_ =	shalt  }
0x7d: {  	_ =	shalt  }
0x7e: {  	_ =	shalt  }
0x7f: {  	_ =	shalt  }
0x80: {  	_ =	shalt  }
0x81: {  	_ =	shalt  }
0x82: {  	_ =	shalt  }
0x83: {  	_ =	shalt  }
0x84: {  	_ =	shalt  }
0x85: {  	_ =	shalt  }
0x86: {  	_ =	shalt  }
0x87: {  	_ =	shalt  }
.Lfunc_end0:
.L_simem_size_0:
called_computation.2_lowered:
.L_overlay_start_0:
0x88: {  	s2 =	sld [smem:$0x3FD9]  }
0x89: {  	s3 =	sld [smem:$0x3FFE];
	_ =	sdelay $0x1  }
0x8a: {  	s1 =	srdreg.scid  }
0x8b: {  	s0 =	sand.u32 $0x1, s1  }
0x8c: {  	s17 =	sshll.u32 s0, $0xA;
	s2 =	sadd.s32 s3, s2  }
0x8d: {  	s2 =	sadd.s32 s2, s17  }
0x8e: {  	[smem:$0x3FBA] =	sst s2  }
0x8f: {  	_ = 	snop  }
0x90: {  	s2 =	sld [smem:$0x3FD0];
	(tm) =	ssettm $0x1  }
0x91: {  	s18 =	sld [smem:$0x3FFB];
	_ =	sdelay $0x3  }
0x92: {  	_ =	strace s18  }
0x93: {  	s3 =	sld [smem:$0x3FFC];
	_ =	sdelay $0x3  }
0x94: {  	_ =	strace s3  }
0x95: {  	s3 =	sld [smem:$0x3FFD];
	_ =	sdelay $0x3  }
0x96: {  	_ =	strace s3  }
0x97: {  	_ =	strace $0x8FFFFFFF  }
0x98: {  	s19 =	sld [smem:$0x3FDB];
	_ =	sdelay $0x1  }
0x99: {  	s4 =	simm.s32 $_scs_section_size  }
0x9a: {  	s5 =	simm.s32 $_size__tile_overlayer_lowered;
	s6 =	simm.s32 $_tile_overlayer_lowered  }
0x9b: {  	s22 =	simm.s32 $0x1BFF;
	s21 =	sshll.u32 s6, $0x1;
	s3 =	sadd.s32 s4, s19  }
0x9c: {  	s7 =	simm.s32 $0x0;
	s20 =	sshll.u32 s5, $0x1;
	s5 =	sadd.s32 s21, s3  }
0x9d: {  	[timem:s7], [sflag:s22] =	dma.local [hbm:s5], s20  }
0x9e: {  	_ =	swait.ge [sflag:s22], s20  }
0x9f: {  	s4 =	ssub.s32 $0x0, s20;
	[sflag:s22] =	ssyncset.done $0x0  }
0xa0: {  	[sflag:s22] =	ssyncadd.s32 s4;
	_ =	sdelay $0x1  }
0xa1: {  	s23 =	simm.s32 $0x1B8B  }
0xa2: {  	_ =	swait.ge [sflag:s23], $0x1  }
0xa3: {  	[sflag:s23] =	ssyncset.done $0x0  }
0xa4: {  	s25 =	simm.s32 $0x1B8E;
	s24 =	sld [smem:$0x3FFE];
	[sflag:s23] =	ssyncadd.s32 $0xFFFFFFFF  }
0xa5: {  	s26 =	simm.s32 $execute0_lowered;
	[smem:$0x3FD2] =	sst s25  }
0xa6: {  	s5 =	sshll.u32 s26, $0x1;
	_ =	strace $0x8000004C;
	[dreg:$0x1] =	wrdreg $0xFFFFFFFF  }
0xa7: {  	s28 =	simm.s32 $_size_execute0_lowered;
	s3 =	sadd.s32 s3, s5;
	[dreg:$0x0] =	wrdreg $0x0  }
0xa8: {  	s5 =	sshll.u32 s28, $0x1;
	[dreg:$0x2] =	wrdreg s3  }
0xa9: {  	[dreg:$0x3] =	wrdreg s5  }
0xaa: {  	[dreg:$0x4] =	wrdreg $0xC0  }
0xab: {  	_ =	task [dreg:s7], $0x5FFFF  }
0xac: {  	[dreg:$0x1] =	wrdreg $0xFFFFFFFF  }
0xad: {  	[dreg:$0x0] =	wrdreg $0x60  }
0xae: {  	[dreg:$0x2] =	wrdreg s24  }
0xaf: {  	[dreg:$0x3] =	wrdreg s2  }
0xb0: {  	[dreg:$0x4] =	wrdreg $0xA8000  }
0xb1: {  	[dreg:$0x5] =	wrdreg $0x9  }
0xb2: {  	_ =	task.clear_ibuf [dreg:s7], $0x6FFFF;
	_ =	strace $0x9000004C  }
0xb3: {  	s29 =	simm.s32 $0x9;
	_ =	strace $0x8000004E  }
0xb4: {  	_ =	swait.ge [sflag:s29], $0x1  }
0xb5: {  	[sflag:s29] =	ssyncadd.s32 $0xFFFFFFFF  }
0xb6: {  	_ =	strace $0x9000004E  }
0xb7: {  	_ =	sfence  }
0xb8: {  	s30 =	sld [smem:$0x0];
	_ =	sdelay $0x2  }
0xb9: {  	s31 =	sshll.u32 s1, $0xD;
	s1 =	sshrl.u32 s1, $0x2  }
0xba: {  	s3 =	sand.u32 $0x4000, s31;
	s1 =	sadd.s32 s1, s30  }
0xbb: {  	s0 =	sor.u32 s3, s0;
	s1 =	sshll.u32 s1, $0x11  }
0xbc: {  	s0 =	sor.u32 s1, s0  }
0xbd: {  	s0 =	sadd.s32 $0x8F2B, s0  }
0xbe: {  	[sflag:s0] =	ssyncadd.remote.s32 $0x1  }
0xbf: {  	_ =	sfence.sel $0xFFFF  }
0xc0: {  	[dreg:$0x0] =	wrdreg $0xFFFFFFFF;
	(pc) =	sbr.abs _section_cstart, $3  }
0xc1: {  	[dreg:$0x1] =	wrdreg $0xFFFFFFFF  }
0xc2: {  	_ =	task.clear_ibuf [dreg:s7], $0x2FFFF;
	_ =	strace $0x9FFFFFFF  }
0xc3: {  	(tm) =	ssettm $0x7FFFFFFF  }
tec
execute0_lowered:
.L_overlay_start_1:
0x0: {  	(tag) =	ssettag $0x1  }
0x1: {  	s6 =	rddreg [dreg:$0x0]  }
0x2: {  	s1 =	rddreg [dreg:$0x1]  }
0x3: {  	s2 =	rddreg [dreg:$0x2]  }
0x4: {  	s0 =	rddreg [dreg:$0x3];
	s3 =	simm.s32 $0x0  }
0x5: {  	s4 =	srdreg.scid;
	s18 =	simm.s32 $0x1400;
	s19 =	simm.s32 $0x80  }
0x6: {  	s20 =	simm.s32 $0x6800;
	s21 =	simm.s32 $0x1;
	s22 =	simm.s32 $0x3  }
0x7: {  	s23 =	simm.s32 $0x2;
	s26 =	simm.s32 $0x2780;
	s28 =	simm.s32 $0x0  }
0x8: {  	[smem:$0x7FF] =	sst s3;
	s7 =	sand.u32 $0x1, s4;
	s4 =	stileid.u32  }
0x9: {  	s5 =	sadd.s32 $0x18200, s6;
	s13 =	sadd.s32 $0xE200, s6;
	s8 =	smul.u32 $0x28000, s7  }
0xa: {  	s14 =	sadd.s32 $0x4200, s6;
	_ =	strace $0x8000004D;
	s9 =	smul.u32 $0x50000, s4  }
0xb: {  	s29 =	sshll.u32 s7, $0x4;
	s7 =	ssub.s32 $0x2, s7;
	s25 =	smul.u32 $0x2800, s4  }
0xc: {  	s31 =	sor.u32 s4, s29;
	s10 =	sshrl.u32 s7, $0x1;
	s15 =	sadd.s32 s8, s6  }
0xd: {  	s30 =	sshrl.u32 s9, $0x2;
	s11 =	smul.u32 $0x2800, s31;
	s16 =	ssub.s32 s7, s10  }
0xe: {  	s12 =	smul.u32 $0x500, s31;
	s6 =	sadd.s32 s30, s2;
	s24 =	sadd.s32 $0x40200, s15  }
0xf: {  	s15 =	smax.u32 s16, $0x1;
	s16 =	simm.s32 $0x2800;
	s7 =	sadd.s32 $0x4000, s6  }
0x10: {  	s8 =	sadd.s32 $0x8000, s6;
	s9 =	sadd.s32 $0xC000, s6;
	s17 =	sshrl.u32 s11, $0x3  }
0x11: {  	s10 =	sadd.s32 $0x10000, s6;
	s11 =	sadd.s32 s13, s12;
	s12 =	sadd.s32 s14, s12  }
0x12: {  	s24 =	sadd.s32 s25, s24;
	s25 =	simm.s32 $0x4;
	s17 =	sadd.s32 $0x280, s17  }
0x13: {  	s13 =	sadd.s32 s13, s17;
	s14 =	sadd.s32 s14, s17;
	s17 =	simm.s32 $0x5  }
.LBB2_1:
0x14: {  	[tilespmem:s16], [sflag:$0x5] =	stream.linear.gather [hbm4b:s1+s3], $0x4000, $0x38;
	[tilespmem:$0x1E800] =	vst v63  }
0x15: {  	_ =	swait.ge [sflag:s17], $0x4000  }
0x16: {  	[sflag:s17] =	ssyncset.done $0x0  }
0x17: {  	[sflag:s17] =	ssyncadd.s32 $0xFFFFC000  }
0x18: {  	[spmem:s6] =	stream.linear.scatter [tilespmem:s16], [sflag:$0x5], $0x4000, $0x38;
	[tilespmem:$0x1E800] =	vst v63  }
0x19: {  	_ =	swait.ge [sflag:s17], $0x4000  }
0x1a: {  	[sflag:s17] =	ssyncset.done $0x0  }
0x1b: {  	[sflag:s17] =	ssyncadd.s32 $0xFFFFC000  }
0x1c: {  	[spmem:s7] =	stream.linear.scatter [tilespmem:s16], [sflag:$0x5], $0x4000, $0x38;
	[tilespmem:$0x1E800] =	vst v63  }
0x1d: {  	_ =	swait.ge [sflag:s17], $0x4000  }
0x1e: {  	[sflag:s17] =	ssyncset.done $0x0  }
0x1f: {  	[sflag:s17] =	ssyncadd.s32 $0xFFFFC000  }
0x20: {  	[spmem:s8] =	stream.linear.scatter [tilespmem:s16], [sflag:$0x5], $0x4000, $0x38;
	[tilespmem:$0x1E800] =	vst v63  }
0x21: {  	_ =	swait.ge [sflag:s17], $0x4000  }
0x22: {  	[sflag:s17] =	ssyncset.done $0x0  }
0x23: {  	[sflag:s17] =	ssyncadd.s32 $0xFFFFC000  }
0x24: {  	[spmem:s9] =	stream.linear.scatter [tilespmem:s16], [sflag:$0x5], $0x4000, $0x38;
	[tilespmem:$0x1E800] =	vst v63  }
0x25: {  	_ =	swait.ge [sflag:s17], $0x4000  }
0x26: {  	[sflag:s17] =	ssyncset.done $0x0  }
0x27: {  	[sflag:s17] =	ssyncadd.s32 $0xFFFFC000  }
0x28: {  	[spmem:s10] =	stream.linear.scatter [tilespmem:s16], [sflag:$0x5], $0x4000, $0x38;
	[tilespmem:$0x1E800] =	vst v63  }
0x29: {  	_ =	swait.ge [sflag:s17], $0x4000  }
0x2a: {  	[sflag:s17] =	ssyncset.done $0x0  }
0x2b: {  	[sflag:s17] =	ssyncadd.s32 $0xFFFFC000  }
0x2c: {  	[bflag:$0x0] =	sbarrier.arrive $0xFFFF  }
0x2d: {  	[tilespmem:s3], [sflag:$0x5] =	stream.linear.gather [hbm4b:s11+s3], $0x1400, $0x38;
	[tilespmem:$0x1E800] =	vst v63  }
0x2e: {  	_ =	swait.ge [sflag:s17], $0x1400  }
0x2f: {  	[sflag:s17] =	ssyncset.done $0x0  }
0x30: {  	[sflag:s17] =	ssyncadd.s32 $0xFFFFEC00  }
0x31: {  	[tilespmem:s18], [sflag:$0x5] =	stream.linear.gather [hbm4b:s12+s3], $0x1400, $0x38;
	[tilespmem:$0x1E800] =	vst v63  }
0x32: {  	_ =	swait.ge [sflag:s17], $0x1400  }
0x33: {  	[sflag:s17] =	ssyncset.done $0x0  }
0x34: {  	[sflag:s17] =	ssyncadd.s32 $0xFFFFEC00  }
0x35: {  	[tilespmem:s16], [sflag:$0x1] =	stream.indirect.gather [hbm4b:s5+s19], $0x80, s3, s19, $0xb8;
	[tilespmem:$0x1E800] =	vst v63  }
0x36: {  	_ = 	snop  }
0x37: {  	[tilespmem:s20], [sflag:$0x2] =	stream.indirect.gather [hbm4b:s5+s19], $0x80, s19, s19, $0xb8;
	[tilespmem:$0x1E800] =	vst v63  }
0x38: {  	_ =	swait.ge [sflag:s21], $0x4000  }
0x39: {  	[sflag:s21] =	ssyncset.done $0x0  }
0x3a: {  	[sflag:s21] =	ssyncadd.s32 $0xFFFFC000  }
0x3b: {  	[spmem:s2] =	stream.indirect.scatter.add.f32 [tilespmem:s16], [sflag:$0x3], $0x80, s18, s19, $0xb8;
	[tilespmem:$0x1E800] =	vst v63  }
0x3c: {  	_ =	swait.ge [sflag:s22], $0x4000  }
0x3d: {  	[sflag:s22] =	ssyncset.done $0x0  }
0x3e: {  	s29 =	simm.s32 $0x100;
	[sflag:s22] =	ssyncadd.s32 $0xFFFFC000  }
0x3f: {  	[tilespmem:s16], [sflag:$0x1] =	stream.indirect.gather [hbm4b:s5+s19], $0x80, s29, s19, $0xb8;
	[tilespmem:$0x1E800] =	vst v63  }
0x40: {  	_ =	swait.ge [sflag:s23], $0x4000  }
0x41: {  	[sflag:s23] =	ssyncset.done $0x0  }
0x42: {  	s29 =	simm.s32 $0x1480;
	[sflag:s23] =	ssyncadd.s32 $0xFFFFC000  }
0x43: {  	[spmem:s2] =	stream.indirect.scatter.add.f32 [tilespmem:s20], [sflag:$0x4], $0x80, s29, s19, $0xb8;
	[tilespmem:$0x1E800] =	vst v63  }
0x44: {  	_ =	swait.ge [sflag:s25], $0x4000  }
0x45: {  	[sflag:s25] =	ssyncset.done $0x0  }
0x46: {  	s29 =	simm.s32 $0x180;
	[sflag:s25] =	ssyncadd.s32 $0xFFFFC000  }
0x47: {  	[tilespmem:s20], [sflag:$0x2] =	stream.indirect.gather [hbm4b:s5+s19], $0x80, s29, s19, $0xb8;
	[tilespmem:$0x1E800] =	vst v63  }
0x48: {  	_ =	swait.ge [sflag:s21], $0x4000  }
0x49: {  	[sflag:s21] =	ssyncset.done $0x0  }
0x4a: {  	s30 =	simm.s32 $0x1500;
	s29 =	simm.s32 $0xFFFFB800;
	[sflag:s21] =	ssyncadd.s32 $0xFFFFC000  }
.LBB2_2:
0x4b: {  	[spmem:s2] =	stream.indirect.scatter.add.f32 [tilespmem:s16], [sflag:$0x3], $0x80, s30, s19, $0xb8;
	[tilespmem:$0x1E800] =	vst v63  }
0x4c: {  	s30 =	smov.u32 s29  }
0x4d: {  	p0 =	sne.s32 s29, $0xFFFFFC00;
	s29 =	sadd.s32 $0x400, s29;
	_ =	swait.ge [sflag:s22], $0x4000  }
0x4e: {  	s30 =	sshra.s32 s30, $0x2;
	[sflag:s22] =	ssyncset.done $0x0  }
0x4f: {  	s31 =	sadd.s32 $0x1400, s30;
	[sflag:s22] =	ssyncadd.s32 $0xFFFFC000  }
0x50: {  	[tilespmem:s16], [sflag:$0x1] =	stream.indirect.gather [hbm4b:s5+s19], $0x80, s31, s19, $0xb8;
	[tilespmem:$0x1E800] =	vst v63  }
0x51: {  	_ =	swait.ge [sflag:s23], $0x4000  }
0x52: {  	[sflag:s23] =	ssyncset.done $0x0  }
0x53: {  	s31 =	sadd.s32 $0x2780, s30;
	[sflag:s23] =	ssyncadd.s32 $0xFFFFC000  }
0x54: {  	[spmem:s2] =	stream.indirect.scatter.add.f32 [tilespmem:s20], [sflag:$0x4], $0x80, s31, s19, $0xb8;
	[tilespmem:$0x1E800] =	vst v63  }
0x55: {  	_ =	swait.ge [sflag:s25], $0x4000  }
0x56: {  	[sflag:s25] =	ssyncset.done $0x0  }
.Ltmp0:
0x57: {  	s31 =	sadd.s32 $0x1480, s30;
	[sflag:s25] =	ssyncadd.s32 $0xFFFFC000;
	(pc) =	sbr.rel @p0 .LBB2_2-.Ltmp0, $4  }
0x58: {  	[tilespmem:s20], [sflag:$0x2] =	stream.indirect.gather [hbm4b:s5+s19], $0x80, s31, s19, $0xb8;
	[tilespmem:$0x1E800] =	vst v63  }
0x59: {  	_ =	swait.ge [sflag:s21], $0x4000  }
0x5a: {  	[sflag:s21] =	ssyncset.done $0x0  }
0x5b: {  	s30 =	sadd.s32 $0x2800, s30;
	[sflag:s21] =	ssyncadd.s32 $0xFFFFC000  }
0x5c: {  	[spmem:s2] =	stream.indirect.scatter.add.f32 [tilespmem:s16], [sflag:$0x3], $0x80, s30, s19, $0xb8;
	[tilespmem:$0x1E800] =	vst v63  }
0x5d: {  	_ =	swait.ge [sflag:s22], $0x4000  }
0x5e: {  	[sflag:s22] =	ssyncset.done $0x0  }
0x5f: {  	[sflag:s22] =	ssyncadd.s32 $0xFFFFC000  }
0x60: {  	_ =	swait.ge [sflag:s23], $0x4000  }
0x61: {  	[sflag:s23] =	ssyncset.done $0x0  }
0x62: {  	[sflag:s23] =	ssyncadd.s32 $0xFFFFC000  }
0x63: {  	[spmem:s2] =	stream.indirect.scatter.add.f32 [tilespmem:s20], [sflag:$0x4], $0x80, s26, s19, $0xb8;
	[tilespmem:$0x1E800] =	vst v63  }
0x64: {  	_ =	swait.ge [sflag:s25], $0x4000  }
0x65: {  	[sflag:s25] =	ssyncset.done $0x0  }
0x66: {  	[sflag:s25] =	ssyncadd.s32 $0xFFFFC000  }
0x67: {  	[tilespmem:s3], [sflag:$0x5] =	stream.linear.gather [hbm4b:s13+s3], $0x1400, $0x38;
	[tilespmem:$0x1E800] =	vst v63  }
0x68: {  	_ =	swait.ge [sflag:s17], $0x1400  }
0x69: {  	[sflag:s17] =	ssyncset.done $0x0  }
0x6a: {  	[sflag:s17] =	ssyncadd.s32 $0xFFFFEC00  }
0x6b: {  	[tilespmem:s18], [sflag:$0x5] =	stream.linear.gather [hbm4b:s14+s3], $0x1400, $0x38;
	[tilespmem:$0x1E800] =	vst v63  }
0x6c: {  	_ =	swait.ge [sflag:s17], $0x1400  }
0x6d: {  	[sflag:s17] =	ssyncset.done $0x0  }
0x6e: {  	[sflag:s17] =	ssyncadd.s32 $0xFFFFEC00  }
0x6f: {  	[tilespmem:s16], [sflag:$0x1] =	stream.indirect.gather [hbm4b:s5+s19], $0x80, s3, s19, $0xb8;
	[tilespmem:$0x1E800] =	vst v63  }
0x70: {  	_ = 	snop  }
0x71: {  	[tilespmem:s20], [sflag:$0x2] =	stream.indirect.gather [hbm4b:s5+s19], $0x80, s19, s19, $0xb8;
	[tilespmem:$0x1E800] =	vst v63  }
0x72: {  	_ =	swait.ge [sflag:s21], $0x4000  }
0x73: {  	[sflag:s21] =	ssyncset.done $0x0  }
0x74: {  	[sflag:s21] =	ssyncadd.s32 $0xFFFFC000  }
0x75: {  	[spmem:s2] =	stream.indirect.scatter.add.f32 [tilespmem:s16], [sflag:$0x3], $0x80, s18, s19, $0xb8;
	[tilespmem:$0x1E800] =	vst v63  }
0x76: {  	_ =	swait.ge [sflag:s22], $0x4000  }
0x77: {  	[sflag:s22] =	ssyncset.done $0x0  }
0x78: {  	s29 =	simm.s32 $0x100;
	[sflag:s22] =	ssyncadd.s32 $0xFFFFC000  }
0x79: {  	[tilespmem:s16], [sflag:$0x1] =	stream.indirect.gather [hbm4b:s5+s19], $0x80, s29, s19, $0xb8;
	[tilespmem:$0x1E800] =	vst v63  }
0x7a: {  	_ =	swait.ge [sflag:s23], $0x4000  }
0x7b: {  	[sflag:s23] =	ssyncset.done $0x0  }
0x7c: {  	s29 =	simm.s32 $0x1480;
	[sflag:s23] =	ssyncadd.s32 $0xFFFFC000  }
0x7d: {  	[spmem:s2] =	stream.indirect.scatter.add.f32 [tilespmem:s20], [sflag:$0x4], $0x80, s29, s19, $0xb8;
	[tilespmem:$0x1E800] =	vst v63  }
0x7e: {  	_ =	swait.ge [sflag:s25], $0x4000  }
0x7f: {  	[sflag:s25] =	ssyncset.done $0x0  }
0x80: {  	s29 =	simm.s32 $0x180;
	[sflag:s25] =	ssyncadd.s32 $0xFFFFC000  }
0x81: {  	[tilespmem:s20], [sflag:$0x2] =	stream.indirect.gather [hbm4b:s5+s19], $0x80, s29, s19, $0xb8;
	[tilespmem:$0x1E800] =	vst v63  }
0x82: {  	_ =	swait.ge [sflag:s21], $0x4000  }
0x83: {  	[sflag:s21] =	ssyncset.done $0x0  }
0x84: {  	s30 =	simm.s32 $0x1500;
	s29 =	simm.s32 $0xFFFFB800;
	[sflag:s21] =	ssyncadd.s32 $0xFFFFC000  }
.LBB2_4:
0x85: {  	[spmem:s2] =	stream.indirect.scatter.add.f32 [tilespmem:s16], [sflag:$0x3], $0x80, s30, s19, $0xb8;
	[tilespmem:$0x1E800] =	vst v63  }
0x86: {  	s30 =	smov.u32 s29  }
0x87: {  	p0 =	sne.s32 s29, $0xFFFFFC00;
	s29 =	sadd.s32 $0x400, s29;
	_ =	swait.ge [sflag:s22], $0x4000  }
0x88: {  	s30 =	sshra.s32 s30, $0x2;
	[sflag:s22] =	ssyncset.done $0x0  }
0x89: {  	s31 =	sadd.s32 $0x1400, s30;
	[sflag:s22] =	ssyncadd.s32 $0xFFFFC000  }
0x8a: {  	[tilespmem:s16], [sflag:$0x1] =	stream.indirect.gather [hbm4b:s5+s19], $0x80, s31, s19, $0xb8;
	[tilespmem:$0x1E800] =	vst v63  }
0x8b: {  	_ =	swait.ge [sflag:s23], $0x4000  }
0x8c: {  	[sflag:s23] =	ssyncset.done $0x0  }
0x8d: {  	s31 =	sadd.s32 $0x2780, s30;
	[sflag:s23] =	ssyncadd.s32 $0xFFFFC000  }
0x8e: {  	[spmem:s2] =	stream.indirect.scatter.add.f32 [tilespmem:s20], [sflag:$0x4], $0x80, s31, s19, $0xb8;
	[tilespmem:$0x1E800] =	vst v63  }
0x8f: {  	_ =	swait.ge [sflag:s25], $0x4000  }
0x90: {  	[sflag:s25] =	ssyncset.done $0x0  }
.Ltmp1:
0x91: {  	s31 =	sadd.s32 $0x1480, s30;
	[sflag:s25] =	ssyncadd.s32 $0xFFFFC000;
	(pc) =	sbr.rel @p0 .LBB2_4-.Ltmp1, $4  }
0x92: {  	[tilespmem:s20], [sflag:$0x2] =	stream.indirect.gather [hbm4b:s5+s19], $0x80, s31, s19, $0xb8;
	[tilespmem:$0x1E800] =	vst v63  }
0x93: {  	_ =	swait.ge [sflag:s21], $0x4000  }
0x94: {  	[sflag:s21] =	ssyncset.done $0x0  }
0x95: {  	s30 =	sadd.s32 $0x2800, s30;
	[sflag:s21] =	ssyncadd.s32 $0xFFFFC000  }
0x96: {  	[spmem:s2] =	stream.indirect.scatter.add.f32 [tilespmem:s16], [sflag:$0x3], $0x80, s30, s19, $0xb8;
	[tilespmem:$0x1E800] =	vst v63  }
0x97: {  	_ =	swait.ge [sflag:s22], $0x4000  }
0x98: {  	[sflag:s22] =	ssyncset.done $0x0  }
0x99: {  	[sflag:s22] =	ssyncadd.s32 $0xFFFFC000  }
0x9a: {  	_ =	swait.ge [sflag:s23], $0x4000  }
0x9b: {  	[sflag:s23] =	ssyncset.done $0x0  }
0x9c: {  	[sflag:s23] =	ssyncadd.s32 $0xFFFFC000  }
0x9d: {  	[spmem:s2] =	stream.indirect.scatter.add.f32 [tilespmem:s20], [sflag:$0x4], $0x80, s26, s19, $0xb8;
	[tilespmem:$0x1E800] =	vst v63  }
0x9e: {  	_ =	swait.ge [sflag:s25], $0x4000  }
0x9f: {  	s29 =	sshll.u32 s4, $0x6;
	s28 =	sadd.s32 $0x1, s28;
	[sflag:s25] =	ssyncset.done $0x0  }
0xa0: {  	s31 =	sshrl.u32 s6, $0x3;
	p0 =	sne.s32 s28, s15;
	[sflag:s25] =	ssyncadd.s32 $0xFFFFC000  }
.Ltmp2:
0xa1: {  	s29 =	sor.u32 $0x1C05, s29;
	[bflag:$0x0] =	sbarrier.arrive $0xFFFF;
	(pc) =	sbr.rel @p0 .LBB2_1-.Ltmp2, $4  }
0xa2: {  	[hbm:s24], [sflag:s29] =	dma.local [spmem:s31], $0x2800  }
0xa3: {  	_ =	swait.ge [sflag:s17], $0x2800  }
0xa4: {  	[sflag:s17] =	ssyncset.done $0x0  }
0xa5: {  	[sflag:s17] =	ssyncadd.s32 $0xFFFFD800  }
0xa6: {  	_ =	sfence.sel $0x180000  }
0xa7: {  	[bflag:$0x0] =	sbarrier.arrive $0xFFFF  }
0xa8: {  	p0 =	sne.s32 s4, $0x0;
	_ =	strace $0x9000004D  }
0xa9: {  	s0 =	sadd.s32 @!p0 $0x100000, s0;
	[bflag:$0x2] =	sbarrier.arrive $0xFFFF  }
0xaa: {  	[sflag:s0] =	ssyncadd.tile.s32 @!p0 $0x1;
	_ =	shalt  }
.Lfunc_end2:
_tile_overlayer_lowered:
.L_overlay_start_2:
0xab: {  	(tag) =	ssettag $0x2  }
0xac: {  	s0 =	rddreg [dreg:$0x0];
	s2 =	stileid.u32  }
0xad: {  	s1 =	rddreg [dreg:$0x1];
	p0 =	sne.s32 s2, $0x0  }
0xae: {  	s3 =	rddreg [dreg:$0x2];
	[bflag:$0x3] =	sbarrier.arrive $0xFFFF;
	s2 =	simm.s32 @!p0 $0x1C05  }
0xaf: {  	[timem:s3], [sflag:s2] =	dma.local @!p0 [hbm:s0], s1  }
0xb0: {  	s0 =	simm.s32 @!p0 $0x5  }
0xb1: {  	_ =	swait.ge @!p0 [sflag:s0], s1  }
0xb2: {  	s1 =	ssub.s32 @!p0 $0x0, s1;
	[sflag:s0] =	ssyncset.done @!p0 $0x0  }
0xb3: {  	[sflag:s0] =	ssyncadd.s32 @!p0 s1  }
0xb4: {  	[bflag:$0x3] =	sbarrier.arrive $0xFFFF  }
0xb5: {  	_ =	shalt  }

// kernel: kernel.9.cloned.1.call-start
scs
__scs_entry_jumppad:
0x0: {  	(pc) =	sbr.rel $0x88, $3  }
0x1: {  	(tag) =	ssettag $0x0;
	lr =	simm.s32 $0x1  }
0x2: {  	[smem:$0x3F93] =	sst lr;
	_ =	strace $0xD0000000  }
0x3: {  	_ = 	snop  }
0x4: {  	_ = 	snop  }
0x5: {  	_ = 	snop  }
0x6: {  	_ = 	snop  }
0x7: {  	_ = 	snop  }
__scs_overlays_trampoline_lowered:
0x8: {  	[smem:$0x3FA2] =	sst s0  }
0x9: {  	[smem:$0x3FA3] =	sst s1  }
0xa: {  	[smem:$0x3FA4] =	sst s2  }
0xb: {  	[smem:$0x3FA5] =	sst s3  }
0xc: {  	[smem:$0x3FA6] =	sst s4  }
0xd: {  	[smem:$0x3FA7] =	sst s5  }
0xe: {  	[smem:$0x3FA8] =	sst s6  }
0xf: {  	[smem:$0x3FA9] =	sst s7  }
0x10: {  	[smem:$0x3FAA] =	sst s8  }
0x11: {  	[smem:$0x3FAB] =	sst s9;
	s0 =	simm.s32 @!p0 $0x0  }
0x12: {  	s1 =	sld [smem:$0x3F91];
	s0 =	simm.s32 @p0 $0x1  }
0x13: {  	[smem:$0x3FAC] =	sst s0;
	s0 =	simm.s32 @!p1 $0x0  }
0x14: {  	s2 =	sld [smem:$0x3F90];
	s0 =	simm.s32 @p1 $0x1  }
0x15: {  	[smem:$0x3FAD] =	sst s0;
	s0 =	simm.s32 @!p2 $0x0  }
0x16: {  	s3 =	sld [smem:$0x3FDB];
	s0 =	simm.s32 @p2 $0x1  }
0x17: {  	s4 =	simm.s32 $0x1BF5;
	[smem:$0x3FAF] =	sst s0  }
0x18: {  	s0 =	sld [smem:$0x3F92];
	_ =	swait.ge [sflag:s4], $0x0  }
0x19: {  	s7 =	sld [smem:$0x3F93]  }
0x1a: {  	s8 =	sadd.s32 $0xFFFFE003, lr  }
0x1b: {  	s9 =	sadd.s32 $0xFFFFFEF7, lr;
	s5 =	simm.s32 $0xFFFFFFFF;
	p2 =	slt.u32 s8, $0xFFFFF086  }
0x1c: {  	p1 =	slt.u32 s9, $0xF7A;
	s5 =	simm.s32 @!p2 $0x0  }
0x1d: {  	s5 =	simm.s32 @p1 $0x1;
	p0 =	seq.s32 s7, s2  }
0x1e: {  	s7 =	smul.u32 @!p0 $0xF7A, s2;
	p2 =	seq.s32 @!p0 s5, $0x0  }
0x1f: {  	s9 =	smul.u32 $0xF7A, s1;
	s8 =	simm.s32 @!p0 $0x1BF5;
	p2 =	por !p2, p0  }
0x20: {  	[sflag:s8] =	ssyncset.s32 @!p0 $0xFFFFF086;
	s6 =	sadd.s32 @!p0 s3, s7;
	s7 =	simm.s32 @!p0 $0x108  }
0x21: {  	s3 =	sadd.s32 s3, s9;
	s6 =	sadd.s32 @!p0 $0x88, s6;
	s7 =	simm.s32 @p2 $0x1082  }
0x22: {  	[simem:s7], [sflag:s8] =	dma.local @!p0 [hbm:s6], $0xF7A  }
0x23: {  	s9 =	sor.u32 $0xD0000000, s2;
	s6 =	simm.s32 $0x108;
	_ =	swait.ge @!p0 [sflag:s8], $0x0  }
0x24: {  	s3 =	sadd.s32 $0x88, s3;
	s6 =	simm.s32 @!p1 $0x1082;
	[sflag:s4] =	ssyncset.s32 $0xFFFFF086  }
0x25: {  	[simem:s6], [sflag:s4] =	dma.local [hbm:s3], $0xF7A  }
0x26: {  	[smem:$0x3F93] =	sst s1;
	(tag) =	ssettag s2;
	_ =	strace s9  }
0x27: {  	s1 =	sld [smem:$0x3FA3]  }
0x28: {  	s2 =	sld [smem:$0x3FA4]  }
0x29: {  	s4 =	sld [smem:$0x3FA6]  }
0x2a: {  	p0 =	seq.s32 s5, $0x0;
	s5 =	sld [smem:$0x3FA7]  }
0x2b: {  	s6 =	sld [smem:$0x3FA8]  }
0x2c: {  	s7 =	sld [smem:$0x3FA9]  }
0x2d: {  	s3 =	simm.s32 $0x108;
	s8 =	sld [smem:$0x3FAA]  }
0x2e: {  	s3 =	simm.s32 @!p0 $0x1082;
	s9 =	sld [smem:$0x3FAB]  }
0x2f: {  	lr =	sadd.s32 s0, s3;
	s0 =	sld [smem:$0x3FA2]  }
0x30: {  	s3 =	sld [smem:$0x3FA5]  }
0x31: {  	[smem:$0x3FAE] =	sst s10  }
0x32: {  	s10 =	sld [smem:$0x3FAC];
	_ =	sdelay $0x3  }
0x33: {  	p0 =	seq.s32 s10, $0x1;
	s10 =	sld [smem:$0x3FAE];
	_ =	sdelay $0x3  }
0x34: {  	[smem:$0x3FAE] =	sst s10  }
0x35: {  	s10 =	sld [smem:$0x3FAD];
	_ =	sdelay $0x3  }
0x36: {  	p1 =	seq.s32 s10, $0x1;
	s10 =	sld [smem:$0x3FAE];
	_ =	sdelay $0x3  }
0x37: {  	[smem:$0x3FAE] =	sst s10  }
0x38: {  	s10 =	sld [smem:$0x3FAF]  }
0x39: {  	_ = 	snop;
	(pc) =	sbr.ind lr, $3  }
0x3a: {  	_ = 	snop  }
0x3b: {  	_ = 	snop  }
0x3c: {  	p2 =	seq.s32 s10, $0x1;
	s10 =	sld [smem:$0x3FAE]  }
0x3d: {  	_ =	shalt  }
0x3e: {  	_ =	shalt  }
0x3f: {  	_ =	shalt  }
0x40: {  	_ =	shalt  }
0x41: {  	_ =	shalt  }
0x42: {  	_ =	shalt  }
0x43: {  	_ =	shalt  }
0x44: {  	_ =	shalt  }
0x45: {  	_ =	shalt  }
0x46: {  	_ =	shalt  }
0x47: {  	_ =	shalt  }
0x48: {  	_ =	shalt  }
0x49: {  	_ =	shalt  }
0x4a: {  	_ =	shalt  }
0x4b: {  	_ =	shalt  }
0x4c: {  	_ =	shalt  }
0x4d: {  	_ =	shalt  }
0x4e: {  	_ =	shalt  }
0x4f: {  	_ =	shalt  }
0x50: {  	_ =	shalt  }
0x51: {  	_ =	shalt  }
0x52: {  	_ =	shalt  }
0x53: {  	_ =	shalt  }
0x54: {  	_ =	shalt  }
0x55: {  	_ =	shalt  }
0x56: {  	_ =	shalt  }
0x57: {  	_ =	shalt  }
0x58: {  	_ =	shalt  }
0x59: {  	_ =	shalt  }
0x5a: {  	_ =	shalt  }
0x5b: {  	_ =	shalt  }
0x5c: {  	_ =	shalt  }
0x5d: {  	_ =	shalt  }
0x5e: {  	_ =	shalt  }
0x5f: {  	_ =	shalt  }
0x60: {  	_ =	shalt  }
0x61: {  	_ =	shalt  }
0x62: {  	_ =	shalt  }
0x63: {  	_ =	shalt  }
0x64: {  	_ =	shalt  }
0x65: {  	_ =	shalt  }
0x66: {  	_ =	shalt  }
0x67: {  	_ =	shalt  }
0x68: {  	_ =	shalt  }
0x69: {  	_ =	shalt  }
0x6a: {  	_ =	shalt  }
0x6b: {  	_ =	shalt  }
0x6c: {  	_ =	shalt  }
0x6d: {  	_ =	shalt  }
0x6e: {  	_ =	shalt  }
0x6f: {  	_ =	shalt  }
0x70: {  	_ =	shalt  }
0x71: {  	_ =	shalt  }
0x72: {  	_ =	shalt  }
0x73: {  	_ =	shalt  }
0x74: {  	_ =	shalt  }
0x75: {  	_ =	shalt  }
0x76: {  	_ =	shalt  }
0x77: {  	_ =	shalt  }
0x78: {  	_ =	shalt  }
0x79: {  	_ =	shalt  }
0x7a: {  	_ =	shalt  }
0x7b: {  	_ =	shalt  }
0x7c: {  	_ =	shalt  }
0x7d: {  	_ =	shalt  }
0x7e: {  	_ =	shalt  }
0x7f: {  	_ =	shalt  }
0x80: {  	_ =	shalt  }
0x81: {  	_ =	shalt  }
0x82: {  	_ =	shalt  }
0x83: {  	_ =	shalt  }
0x84: {  	_ =	shalt  }
0x85: {  	_ =	shalt  }
0x86: {  	_ =	shalt  }
0x87: {  	_ =	shalt  }
.Lfunc_end0:
.L_simem_size_0:
called_computation_lowered:
.L_overlay_start_0:
0x88: {  	s2 =	sld [smem:$0x3FD9]  }
0x89: {  	s3 =	sld [smem:$0x3FFE];
	_ =	sdelay $0x1  }
0x8a: {  	s1 =	srdreg.scid  }
0x8b: {  	s0 =	sand.u32 $0x1, s1  }
0x8c: {  	s17 =	sshll.u32 s0, $0xA;
	s2 =	sadd.s32 s3, s2  }
0x8d: {  	s2 =	sadd.s32 s2, s17  }
0x8e: {  	[smem:$0x3FBA] =	sst s2  }
0x8f: {  	_ = 	snop  }
0x90: {  	s2 =	sld [smem:$0x3FD0];
	(tm) =	ssettm $0x1  }
0x91: {  	s18 =	sld [smem:$0x3FFB];
	_ =	sdelay $0x3  }
0x92: {  	_ =	strace s18  }
0x93: {  	s3 =	sld [smem:$0x3FFC];
	_ =	sdelay $0x3  }
0x94: {  	_ =	strace s3  }
0x95: {  	s3 =	sld [smem:$0x3FFD];
	_ =	sdelay $0x3  }
0x96: {  	_ =	strace s3  }
0x97: {  	_ =	strace $0x8FFFFFFF  }
0x98: {  	s19 =	sld [smem:$0x3FDB];
	_ =	sdelay $0x1  }
0x99: {  	s4 =	simm.s32 $_scs_section_size  }
0x9a: {  	s5 =	simm.s32 $_size__tile_overlayer_lowered;
	s6 =	simm.s32 $_tile_overlayer_lowered  }
0x9b: {  	s22 =	simm.s32 $0x1BFF;
	s21 =	sshll.u32 s6, $0x1;
	s3 =	sadd.s32 s4, s19  }
0x9c: {  	s7 =	simm.s32 $0x0;
	s20 =	sshll.u32 s5, $0x1;
	s5 =	sadd.s32 s21, s3  }
0x9d: {  	[timem:s7], [sflag:s22] =	dma.local [hbm:s5], s20  }
0x9e: {  	_ =	swait.ge [sflag:s22], s20  }
0x9f: {  	s4 =	ssub.s32 $0x0, s20;
	[sflag:s22] =	ssyncset.done $0x0  }
0xa0: {  	[sflag:s22] =	ssyncadd.s32 s4;
	_ =	sdelay $0x1  }
0xa1: {  	s23 =	simm.s32 $0x1B8B  }
0xa2: {  	_ =	swait.ge [sflag:s23], $0x1  }
0xa3: {  	[sflag:s23] =	ssyncset.done $0x0  }
0xa4: {  	s25 =	simm.s32 $0x1B8E;
	s24 =	sld [smem:$0x3FFE];
	[sflag:s23] =	ssyncadd.s32 $0xFFFFFFFF  }
0xa5: {  	s26 =	simm.s32 $execute0_lowered;
	[smem:$0x3FD2] =	sst s25  }
0xa6: {  	s5 =	sshll.u32 s26, $0x1;
	_ =	strace $0x80000046;
	[dreg:$0x1] =	wrdreg $0xFFFFFFFF  }
0xa7: {  	s28 =	simm.s32 $_size_execute0_lowered;
	s3 =	sadd.s32 s3, s5;
	[dreg:$0x0] =	wrdreg $0x0  }
0xa8: {  	s5 =	sshll.u32 s28, $0x1;
	[dreg:$0x2] =	wrdreg s3  }
0xa9: {  	[dreg:$0x3] =	wrdreg s5  }
0xaa: {  	[dreg:$0x4] =	wrdreg $0xC0  }
0xab: {  	_ =	task [dreg:s7], $0x5FFFF  }
0xac: {  	[dreg:$0x1] =	wrdreg $0xFFFFFFFF  }
0xad: {  	[dreg:$0x0] =	wrdreg $0x60  }
0xae: {  	[dreg:$0x2] =	wrdreg s24  }
0xaf: {  	[dreg:$0x3] =	wrdreg s2  }
0xb0: {  	[dreg:$0x4] =	wrdreg $0xA8000  }
0xb1: {  	[dreg:$0x5] =	wrdreg $0x9  }
0xb2: {  	_ =	task.clear_ibuf [dreg:s7], $0x6FFFF;
	_ =	strace $0x90000046  }
0xb3: {  	s29 =	simm.s32 $0x9;
	_ =	strace $0x80000048  }
0xb4: {  	_ =	swait.ge [sflag:s29], $0x1  }
0xb5: {  	[sflag:s29] =	ssyncadd.s32 $0xFFFFFFFF  }
0xb6: {  	_ =	strace $0x90000048  }
0xb7: {  	_ =	sfence  }
0xb8: {  	s30 =	sld [smem:$0x0];
	_ =	sdelay $0x2  }
0xb9: {  	s31 =	sshll.u32 s1, $0xD;
	s1 =	sshrl.u32 s1, $0x2  }
0xba: {  	s3 =	sand.u32 $0x4000, s31;
	s1 =	sadd.s32 s1, s30  }
0xbb: {  	s0 =	sor.u32 s3, s0;
	s1 =	sshll.u32 s1, $0x11  }
0xbc: {  	s0 =	sor.u32 s1, s0  }
0xbd: {  	s0 =	sadd.s32 $0x8F2B, s0  }
0xbe: {  	[sflag:s0] =	ssyncadd.remote.s32 $0x1  }
0xbf: {  	_ =	sfence.sel $0xFFFF  }
0xc0: {  	[dreg:$0x0] =	wrdreg $0xFFFFFFFF;
	(pc) =	sbr.abs _section_cstart, $3  }
0xc1: {  	[dreg:$0x1] =	wrdreg $0xFFFFFFFF  }
0xc2: {  	_ =	task.clear_ibuf [dreg:s7], $0x2FFFF;
	_ =	strace $0x9FFFFFFF  }
0xc3: {  	(tm) =	ssettm $0x7FFFFFFF  }
tec
execute0_lowered:
.L_overlay_start_1:
0x0: {  	(tag) =	ssettag $0x1  }
0x1: {  	s6 =	rddreg [dreg:$0x0]  }
0x2: {  	s1 =	rddreg [dreg:$0x1]  }
0x3: {  	s2 =	rddreg [dreg:$0x2]  }
0x4: {  	s0 =	rddreg [dreg:$0x3];
	s3 =	simm.s32 $0x0  }
0x5: {  	s4 =	srdreg.scid;
	s18 =	simm.s32 $0x1400;
	s19 =	simm.s32 $0x80  }
0x6: {  	s20 =	simm.s32 $0x6800;
	s21 =	simm.s32 $0x1;
	s22 =	simm.s32 $0x3  }
0x7: {  	s23 =	simm.s32 $0x2;
	s26 =	simm.s32 $0x2780;
	s28 =	simm.s32 $0x0  }
0x8: {  	[smem:$0x7FF] =	sst s3;
	s7 =	sand.u32 $0x1, s4;
	s4 =	stileid.u32  }
0x9: {  	s5 =	sadd.s32 $0x18200, s6;
	s13 =	sadd.s32 $0xE200, s6;
	s8 =	smul.u32 $0x28000, s7  }
0xa: {  	s14 =	sadd.s32 $0x4200, s6;
	_ =	strace $0x80000047;
	s9 =	smul.u32 $0x50000, s4  }
0xb: {  	s29 =	sshll.u32 s7, $0x4;
	s7 =	ssub.s32 $0x2, s7;
	s25 =	smul.u32 $0x2800, s4  }
0xc: {  	s31 =	sor.u32 s4, s29;
	s10 =	sshrl.u32 s7, $0x1;
	s15 =	sadd.s32 s8, s6  }
0xd: {  	s30 =	sshrl.u32 s9, $0x2;
	s11 =	smul.u32 $0x2800, s31;
	s16 =	ssub.s32 s7, s10  }
0xe: {  	s12 =	smul.u32 $0x500, s31;
	s6 =	sadd.s32 s30, s2;
	s24 =	sadd.s32 $0x40200, s15  }
0xf: {  	s15 =	smax.u32 s16, $0x1;
	s16 =	simm.s32 $0x2800;
	s7 =	sadd.s32 $0x4000, s6  }
0x10: {  	s8 =	sadd.s32 $0x8000, s6;
	s9 =	sadd.s32 $0xC000, s6;
	s17 =	sshrl.u32 s11, $0x3  }
0x11: {  	s10 =	sadd.s32 $0x10000, s6;
	s11 =	sadd.s32 s13, s12;
	s12 =	sadd.s32 s14, s12  }
0x12: {  	s24 =	sadd.s32 s25, s24;
	s25 =	simm.s32 $0x4;
	s17 =	sadd.s32 $0x280, s17  }
0x13: {  	s13 =	sadd.s32 s13, s17;
	s14 =	sadd.s32 s14, s17;
	s17 =	simm.s32 $0x5  }
.LBB2_1:
0x14: {  	[tilespmem:s16], [sflag:$0x5] =	stream.linear.gather [hbm4b:s1+s3], $0x4000, $0x38;
	[tilespmem:$0x1E800] =	vst v63  }
0x15: {  	_ =	swait.ge [sflag:s17], $0x4000  }
0x16: {  	[sflag:s17] =	ssyncset.done $0x0  }
0x17: {  	[sflag:s17] =	ssyncadd.s32 $0xFFFFC000  }
0x18: {  	[spmem:s6] =	stream.linear.scatter [tilespmem:s16], [sflag:$0x5], $0x4000, $0x38;
	[tilespmem:$0x1E800] =	vst v63  }
0x19: {  	_ =	swait.ge [sflag:s17], $0x4000  }
0x1a: {  	[sflag:s17] =	ssyncset.done $0x0  }
0x1b: {  	[sflag:s17] =	ssyncadd.s32 $0xFFFFC000  }
0x1c: {  	[spmem:s7] =	stream.linear.scatter [tilespmem:s16], [sflag:$0x5], $0x4000, $0x38;
	[tilespmem:$0x1E800] =	vst v63  }
0x1d: {  	_ =	swait.ge [sflag:s17], $0x4000  }
0x1e: {  	[sflag:s17] =	ssyncset.done $0x0  }
0x1f: {  	[sflag:s17] =	ssyncadd.s32 $0xFFFFC000  }
0x20: {  	[spmem:s8] =	stream.linear.scatter [tilespmem:s16], [sflag:$0x5], $0x4000, $0x38;
	[tilespmem:$0x1E800] =	vst v63  }
0x21: {  	_ =	swait.ge [sflag:s17], $0x4000  }
0x22: {  	[sflag:s17] =	ssyncset.done $0x0  }
0x23: {  	[sflag:s17] =	ssyncadd.s32 $0xFFFFC000  }
0x24: {  	[spmem:s9] =	stream.linear.scatter [tilespmem:s16], [sflag:$0x5], $0x4000, $0x38;
	[tilespmem:$0x1E800] =	vst v63  }
0x25: {  	_ =	swait.ge [sflag:s17], $0x4000  }
0x26: {  	[sflag:s17] =	ssyncset.done $0x0  }
0x27: {  	[sflag:s17] =	ssyncadd.s32 $0xFFFFC000  }
0x28: {  	[spmem:s10] =	stream.linear.scatter [tilespmem:s16], [sflag:$0x5], $0x4000, $0x38;
	[tilespmem:$0x1E800] =	vst v63  }
0x29: {  	_ =	swait.ge [sflag:s17], $0x4000  }
0x2a: {  	[sflag:s17] =	ssyncset.done $0x0  }
0x2b: {  	[sflag:s17] =	ssyncadd.s32 $0xFFFFC000  }
0x2c: {  	[bflag:$0x0] =	sbarrier.arrive $0xFFFF  }
0x2d: {  	[tilespmem:s3], [sflag:$0x5] =	stream.linear.gather [hbm4b:s11+s3], $0x1400, $0x38;
	[tilespmem:$0x1E800] =	vst v63  }
0x2e: {  	_ =	swait.ge [sflag:s17], $0x1400  }
0x2f: {  	[sflag:s17] =	ssyncset.done $0x0  }
0x30: {  	[sflag:s17] =	ssyncadd.s32 $0xFFFFEC00  }
0x31: {  	[tilespmem:s18], [sflag:$0x5] =	stream.linear.gather [hbm4b:s12+s3], $0x1400, $0x38;
	[tilespmem:$0x1E800] =	vst v63  }
0x32: {  	_ =	swait.ge [sflag:s17], $0x1400  }
0x33: {  	[sflag:s17] =	ssyncset.done $0x0  }
0x34: {  	[sflag:s17] =	ssyncadd.s32 $0xFFFFEC00  }
0x35: {  	[tilespmem:s16], [sflag:$0x1] =	stream.indirect.gather [hbm4b:s5+s19], $0x80, s3, s19, $0xb8;
	[tilespmem:$0x1E800] =	vst v63  }
0x36: {  	_ = 	snop  }
0x37: {  	[tilespmem:s20], [sflag:$0x2] =	stream.indirect.gather [hbm4b:s5+s19], $0x80, s19, s19, $0xb8;
	[tilespmem:$0x1E800] =	vst v63  }
0x38: {  	_ =	swait.ge [sflag:s21], $0x4000  }
0x39: {  	[sflag:s21] =	ssyncset.done $0x0  }
0x3a: {  	[sflag:s21] =	ssyncadd.s32 $0xFFFFC000  }
0x3b: {  	[spmem:s2] =	stream.indirect.scatter.add.f32 [tilespmem:s16], [sflag:$0x3], $0x80, s18, s19, $0xb8;
	[tilespmem:$0x1E800] =	vst v63  }
0x3c: {  	_ =	swait.ge [sflag:s22], $0x4000  }
0x3d: {  	[sflag:s22] =	ssyncset.done $0x0  }
0x3e: {  	s29 =	simm.s32 $0x100;
	[sflag:s22] =	ssyncadd.s32 $0xFFFFC000  }
0x3f: {  	[tilespmem:s16], [sflag:$0x1] =	stream.indirect.gather [hbm4b:s5+s19], $0x80, s29, s19, $0xb8;
	[tilespmem:$0x1E800] =	vst v63  }
0x40: {  	_ =	swait.ge [sflag:s23], $0x4000  }
0x41: {  	[sflag:s23] =	ssyncset.done $0x0  }
0x42: {  	s29 =	simm.s32 $0x1480;
	[sflag:s23] =	ssyncadd.s32 $0xFFFFC000  }
0x43: {  	[spmem:s2] =	stream.indirect.scatter.add.f32 [tilespmem:s20], [sflag:$0x4], $0x80, s29, s19, $0xb8;
	[tilespmem:$0x1E800] =	vst v63  }
0x44: {  	_ =	swait.ge [sflag:s25], $0x4000  }
0x45: {  	[sflag:s25] =	ssyncset.done $0x0  }
0x46: {  	s29 =	simm.s32 $0x180;
	[sflag:s25] =	ssyncadd.s32 $0xFFFFC000  }
0x47: {  	[tilespmem:s20], [sflag:$0x2] =	stream.indirect.gather [hbm4b:s5+s19], $0x80, s29, s19, $0xb8;
	[tilespmem:$0x1E800] =	vst v63  }
0x48: {  	_ =	swait.ge [sflag:s21], $0x4000  }
0x49: {  	[sflag:s21] =	ssyncset.done $0x0  }
0x4a: {  	s30 =	simm.s32 $0x1500;
	s29 =	simm.s32 $0xFFFFB800;
	[sflag:s21] =	ssyncadd.s32 $0xFFFFC000  }
.LBB2_2:
0x4b: {  	[spmem:s2] =	stream.indirect.scatter.add.f32 [tilespmem:s16], [sflag:$0x3], $0x80, s30, s19, $0xb8;
	[tilespmem:$0x1E800] =	vst v63  }
0x4c: {  	s30 =	smov.u32 s29  }
0x4d: {  	p0 =	sne.s32 s29, $0xFFFFFC00;
	s29 =	sadd.s32 $0x400, s29;
	_ =	swait.ge [sflag:s22], $0x4000  }
0x4e: {  	s30 =	sshra.s32 s30, $0x2;
	[sflag:s22] =	ssyncset.done $0x0  }
0x4f: {  	s31 =	sadd.s32 $0x1400, s30;
	[sflag:s22] =	ssyncadd.s32 $0xFFFFC000  }
0x50: {  	[tilespmem:s16], [sflag:$0x1] =	stream.indirect.gather [hbm4b:s5+s19], $0x80, s31, s19, $0xb8;
	[tilespmem:$0x1E800] =	vst v63  }
0x51: {  	_ =	swait.ge [sflag:s23], $0x4000  }
0x52: {  	[sflag:s23] =	ssyncset.done $0x0  }
0x53: {  	s31 =	sadd.s32 $0x2780, s30;
	[sflag:s23] =	ssyncadd.s32 $0xFFFFC000  }
0x54: {  	[spmem:s2] =	stream.indirect.scatter.add.f32 [tilespmem:s20], [sflag:$0x4], $0x80, s31, s19, $0xb8;
	[tilespmem:$0x1E800] =	vst v63  }
0x55: {  	_ =	swait.ge [sflag:s25], $0x4000  }
0x56: {  	[sflag:s25] =	ssyncset.done $0x0  }
.Ltmp0:
0x57: {  	s31 =	sadd.s32 $0x1480, s30;
	[sflag:s25] =	ssyncadd.s32 $0xFFFFC000;
	(pc) =	sbr.rel @p0 .LBB2_2-.Ltmp0, $4  }
0x58: {  	[tilespmem:s20], [sflag:$0x2] =	stream.indirect.gather [hbm4b:s5+s19], $0x80, s31, s19, $0xb8;
	[tilespmem:$0x1E800] =	vst v63  }
0x59: {  	_ =	swait.ge [sflag:s21], $0x4000  }
0x5a: {  	[sflag:s21] =	ssyncset.done $0x0  }
0x5b: {  	s30 =	sadd.s32 $0x2800, s30;
	[sflag:s21] =	ssyncadd.s32 $0xFFFFC000  }
0x5c: {  	[spmem:s2] =	stream.indirect.scatter.add.f32 [tilespmem:s16], [sflag:$0x3], $0x80, s30, s19, $0xb8;
	[tilespmem:$0x1E800] =	vst v63  }
0x5d: {  	_ =	swait.ge [sflag:s22], $0x4000  }
0x5e: {  	[sflag:s22] =	ssyncset.done $0x0  }
0x5f: {  	[sflag:s22] =	ssyncadd.s32 $0xFFFFC000  }
0x60: {  	_ =	swait.ge [sflag:s23], $0x4000  }
0x61: {  	[sflag:s23] =	ssyncset.done $0x0  }
0x62: {  	[sflag:s23] =	ssyncadd.s32 $0xFFFFC000  }
0x63: {  	[spmem:s2] =	stream.indirect.scatter.add.f32 [tilespmem:s20], [sflag:$0x4], $0x80, s26, s19, $0xb8;
	[tilespmem:$0x1E800] =	vst v63  }
0x64: {  	_ =	swait.ge [sflag:s25], $0x4000  }
0x65: {  	[sflag:s25] =	ssyncset.done $0x0  }
0x66: {  	[sflag:s25] =	ssyncadd.s32 $0xFFFFC000  }
0x67: {  	[tilespmem:s3], [sflag:$0x5] =	stream.linear.gather [hbm4b:s13+s3], $0x1400, $0x38;
	[tilespmem:$0x1E800] =	vst v63  }
0x68: {  	_ =	swait.ge [sflag:s17], $0x1400  }
0x69: {  	[sflag:s17] =	ssyncset.done $0x0  }
0x6a: {  	[sflag:s17] =	ssyncadd.s32 $0xFFFFEC00  }
0x6b: {  	[tilespmem:s18], [sflag:$0x5] =	stream.linear.gather [hbm4b:s14+s3], $0x1400, $0x38;
	[tilespmem:$0x1E800] =	vst v63  }
0x6c: {  	_ =	swait.ge [sflag:s17], $0x1400  }
0x6d: {  	[sflag:s17] =	ssyncset.done $0x0  }
0x6e: {  	[sflag:s17] =	ssyncadd.s32 $0xFFFFEC00  }
0x6f: {  	[tilespmem:s16], [sflag:$0x1] =	stream.indirect.gather [hbm4b:s5+s19], $0x80, s3, s19, $0xb8;
	[tilespmem:$0x1E800] =	vst v63  }
0x70: {  	_ = 	snop  }
0x71: {  	[tilespmem:s20], [sflag:$0x2] =	stream.indirect.gather [hbm4b:s5+s19], $0x80, s19, s19, $0xb8;
	[tilespmem:$0x1E800] =	vst v63  }
0x72: {  	_ =	swait.ge [sflag:s21], $0x4000  }
0x73: {  	[sflag:s21] =	ssyncset.done $0x0  }
0x74: {  	[sflag:s21] =	ssyncadd.s32 $0xFFFFC000  }
0x75: {  	[spmem:s2] =	stream.indirect.scatter.add.f32 [tilespmem:s16], [sflag:$0x3], $0x80, s18, s19, $0xb8;
	[tilespmem:$0x1E800] =	vst v63  }
0x76: {  	_ =	swait.ge [sflag:s22], $0x4000  }
0x77: {  	[sflag:s22] =	ssyncset.done $0x0  }
0x78: {  	s29 =	simm.s32 $0x100;
	[sflag:s22] =	ssyncadd.s32 $0xFFFFC000  }
0x79: {  	[tilespmem:s16], [sflag:$0x1] =	stream.indirect.gather [hbm4b:s5+s19], $0x80, s29, s19, $0xb8;
	[tilespmem:$0x1E800] =	vst v63  }
0x7a: {  	_ =	swait.ge [sflag:s23], $0x4000  }
0x7b: {  	[sflag:s23] =	ssyncset.done $0x0  }
0x7c: {  	s29 =	simm.s32 $0x1480;
	[sflag:s23] =	ssyncadd.s32 $0xFFFFC000  }
0x7d: {  	[spmem:s2] =	stream.indirect.scatter.add.f32 [tilespmem:s20], [sflag:$0x4], $0x80, s29, s19, $0xb8;
	[tilespmem:$0x1E800] =	vst v63  }
0x7e: {  	_ =	swait.ge [sflag:s25], $0x4000  }
0x7f: {  	[sflag:s25] =	ssyncset.done $0x0  }
0x80: {  	s29 =	simm.s32 $0x180;
	[sflag:s25] =	ssyncadd.s32 $0xFFFFC000  }
0x81: {  	[tilespmem:s20], [sflag:$0x2] =	stream.indirect.gather [hbm4b:s5+s19], $0x80, s29, s19, $0xb8;
	[tilespmem:$0x1E800] =	vst v63  }
0x82: {  	_ =	swait.ge [sflag:s21], $0x4000  }
0x83: {  	[sflag:s21] =	ssyncset.done $0x0  }
0x84: {  	s30 =	simm.s32 $0x1500;
	s29 =	simm.s32 $0xFFFFB800;
	[sflag:s21] =	ssyncadd.s32 $0xFFFFC000  }
.LBB2_4:
0x85: {  	[spmem:s2] =	stream.indirect.scatter.add.f32 [tilespmem:s16], [sflag:$0x3], $0x80, s30, s19, $0xb8;
	[tilespmem:$0x1E800] =	vst v63  }
0x86: {  	s30 =	smov.u32 s29  }
0x87: {  	p0 =	sne.s32 s29, $0xFFFFFC00;
	s29 =	sadd.s32 $0x400, s29;
	_ =	swait.ge [sflag:s22], $0x4000  }
0x88: {  	s30 =	sshra.s32 s30, $0x2;
	[sflag:s22] =	ssyncset.done $0x0  }
0x89: {  	s31 =	sadd.s32 $0x1400, s30;
	[sflag:s22] =	ssyncadd.s32 $0xFFFFC000  }
0x8a: {  	[tilespmem:s16], [sflag:$0x1] =	stream.indirect.gather [hbm4b:s5+s19], $0x80, s31, s19, $0xb8;
	[tilespmem:$0x1E800] =	vst v63  }
0x8b: {  	_ =	swait.ge [sflag:s23], $0x4000  }
0x8c: {  	[sflag:s23] =	ssyncset.done $0x0  }
0x8d: {  	s31 =	sadd.s32 $0x2780, s30;
	[sflag:s23] =	ssyncadd.s32 $0xFFFFC000  }
0x8e: {  	[spmem:s2] =	stream.indirect.scatter.add.f32 [tilespmem:s20], [sflag:$0x4], $0x80, s31, s19, $0xb8;
	[tilespmem:$0x1E800] =	vst v63  }
0x8f: {  	_ =	swait.ge [sflag:s25], $0x4000  }
0x90: {  	[sflag:s25] =	ssyncset.done $0x0  }
.Ltmp1:
0x91: {  	s31 =	sadd.s32 $0x1480, s30;
	[sflag:s25] =	ssyncadd.s32 $0xFFFFC000;
	(pc) =	sbr.rel @p0 .LBB2_4-.Ltmp1, $4  }
0x92: {  	[tilespmem:s20], [sflag:$0x2] =	stream.indirect.gather [hbm4b:s5+s19], $0x80, s31, s19, $0xb8;
	[tilespmem:$0x1E800] =	vst v63  }
0x93: {  	_ =	swait.ge [sflag:s21], $0x4000  }
0x94: {  	[sflag:s21] =	ssyncset.done $0x0  }
0x95: {  	s30 =	sadd.s32 $0x2800, s30;
	[sflag:s21] =	ssyncadd.s32 $0xFFFFC000  }
0x96: {  	[spmem:s2] =	stream.indirect.scatter.add.f32 [tilespmem:s16], [sflag:$0x3], $0x80, s30, s19, $0xb8;
	[tilespmem:$0x1E800] =	vst v63  }
0x97: {  	_ =	swait.ge [sflag:s22], $0x4000  }
0x98: {  	[sflag:s22] =	ssyncset.done $0x0  }
0x99: {  	[sflag:s22] =	ssyncadd.s32 $0xFFFFC000  }
0x9a: {  	_ =	swait.ge [sflag:s23], $0x4000  }
0x9b: {  	[sflag:s23] =	ssyncset.done $0x0  }
0x9c: {  	[sflag:s23] =	ssyncadd.s32 $0xFFFFC000  }
0x9d: {  	[spmem:s2] =	stream.indirect.scatter.add.f32 [tilespmem:s20], [sflag:$0x4], $0x80, s26, s19, $0xb8;
	[tilespmem:$0x1E800] =	vst v63  }
0x9e: {  	_ =	swait.ge [sflag:s25], $0x4000  }
0x9f: {  	s29 =	sshll.u32 s4, $0x6;
	s28 =	sadd.s32 $0x1, s28;
	[sflag:s25] =	ssyncset.done $0x0  }
0xa0: {  	s31 =	sshrl.u32 s6, $0x3;
	p0 =	sne.s32 s28, s15;
	[sflag:s25] =	ssyncadd.s32 $0xFFFFC000  }
.Ltmp2:
0xa1: {  	s29 =	sor.u32 $0x1C05, s29;
	[bflag:$0x0] =	sbarrier.arrive $0xFFFF;
	(pc) =	sbr.rel @p0 .LBB2_1-.Ltmp2, $4  }
0xa2: {  	[hbm:s24], [sflag:s29] =	dma.local [spmem:s31], $0x2800  }
0xa3: {  	_ =	swait.ge [sflag:s17], $0x2800  }
0xa4: {  	[sflag:s17] =	ssyncset.done $0x0  }
0xa5: {  	[sflag:s17] =	ssyncadd.s32 $0xFFFFD800  }
0xa6: {  	_ =	sfence.sel $0x180000  }
0xa7: {  	[bflag:$0x0] =	sbarrier.arrive $0xFFFF  }
0xa8: {  	p0 =	sne.s32 s4, $0x0;
	_ =	strace $0x90000047  }
0xa9: {  	s0 =	sadd.s32 @!p0 $0x100000, s0;
	[bflag:$0x2] =	sbarrier.arrive $0xFFFF  }
0xaa: {  	[sflag:s0] =	ssyncadd.tile.s32 @!p0 $0x1;
	_ =	shalt  }
.Lfunc_end2:
_tile_overlayer_lowered:
.L_overlay_start_2:
0xab: {  	(tag) =	ssettag $0x2  }
0xac: {  	s0 =	rddreg [dreg:$0x0];
	s2 =	stileid.u32  }
0xad: {  	s1 =	rddreg [dreg:$0x1];
	p0 =	sne.s32 s2, $0x0  }
0xae: {  	s3 =	rddreg [dreg:$0x2];
	[bflag:$0x3] =	sbarrier.arrive $0xFFFF;
	s2 =	simm.s32 @!p0 $0x1C05  }
0xaf: {  	[timem:s3], [sflag:s2] =	dma.local @!p0 [hbm:s0], s1  }
0xb0: {  	s0 =	simm.s32 @!p0 $0x5  }
0xb1: {  	_ =	swait.ge @!p0 [sflag:s0], s1  }
0xb2: {  	s1 =	ssub.s32 @!p0 $0x0, s1;
	[sflag:s0] =	ssyncset.done @!p0 $0x0  }
0xb3: {  	[sflag:s0] =	ssyncadd.s32 @!p0 s1  }
0xb4: {  	[bflag:$0x3] =	sbarrier.arrive $0xFFFF  }
0xb5: {  	_ =	shalt  }

</sc_bundles>
